<compile_context>
chip_gen: v7x
topology: tpu7x:2x2x1
jax: 0.10.2.dev20260603
libtpu: 0.0.44.dev20260713+nightly
codegen_flags: <defaults>
</compile_context>

<pallas_src>
import functools

import jax
import jax.numpy as jnp
from jax import lax
from jax.experimental import pallas as pl
from jax.experimental.pallas import tpu as pltpu
from jax.experimental.pallas import tpu_sc as plsc

B, N, D = 4096, 100, 128
_NC, _NS = 2, 16
_NW = _NC * _NS
_R = 2
_LANES = D // 16


_NBUF = 4


def _make_sc_add(rows_per_worker):
    nchunk = rows_per_worker // _R

    def _sc_add(x_hbm, emb_hbm, out_hbm, emb_v, xbuf,
                si0, si1, si2, si3, so0, so1, so2, so3):
        wid = lax.axis_index("s") * _NC + lax.axis_index("c")
        base = wid * rows_per_worker

        pltpu.sync_copy(emb_hbm, emb_v)

        sin = (si0, si1, si2, si3)
        sout = (so0, so1, so2, so3)

        def start_in(b, chunk, sem):
            pltpu.async_copy(
                x_hbm.at[pl.ds(base + chunk * _R, _R)], xbuf.at[b], sem
            )

        def wait_in(b, sem):
            pltpu.make_async_copy(x_hbm.at[pl.ds(0, _R)], xbuf.at[b], sem).wait()

        def start_out(b, chunk, sem):
            pltpu.async_copy(
                xbuf.at[b], out_hbm.at[pl.ds(base + chunk * _R, _R)], sem
            )

        def wait_out(b, sem):
            pltpu.make_async_copy(
                xbuf.at[b], out_hbm.at[pl.ds(0, _R)], sem
            ).wait()

        def compute(b):
            def nbody(n, carry):
                evec = [emb_v[n, pl.ds(j * 16, 16)] for j in range(_LANES)]
                for r in range(_R):
                    for j in range(_LANES):
                        sl = pl.ds(j * 16, 16)
                        xbuf[b, r, n, sl] = xbuf[b, r, n, sl] + evec[j]
                return carry

            lax.fori_loop(0, N, nbody, 0)

        for b in range(_NBUF):
            start_in(b, b, sin[b])

        def super_body(i2, carry):
            for b in range(_NBUF):
                chunk = i2 * _NBUF + b
                wait_in(b, sin[b])
                compute(b)
                start_out(b, chunk, sout[b])
                wait_out(b, sout[b])
                start_in(b, chunk + _NBUF, sin[b])
            return carry

        lax.fori_loop(0, nchunk // _NBUF - 1, super_body, 0)

        for b in range(_NBUF):
            chunk = nchunk - _NBUF + b
            wait_in(b, sin[b])
            compute(b)
            start_out(b, chunk, sout[b])
            wait_out(b, sout[b])

    return _sc_add


def _sc_part(x_part, embedding):
    rows = x_part.shape[0]
    mesh = plsc.VectorSubcoreMesh(core_axis_name="c", subcore_axis_name="s")
    f = pl.kernel(
        _make_sc_add(rows // _NW),
        mesh=mesh,
        out_type=jax.ShapeDtypeStruct((rows, N, D), jnp.float32),
        scratch_types=[
            pltpu.VMEM((N, D), jnp.float32),
            pltpu.VMEM((_NBUF, _R, N, D), jnp.float32),
            pltpu.SemaphoreType.DMA,
            pltpu.SemaphoreType.DMA,
            pltpu.SemaphoreType.DMA,
            pltpu.SemaphoreType.DMA,
            pltpu.SemaphoreType.DMA,
            pltpu.SemaphoreType.DMA,
            pltpu.SemaphoreType.DMA,
            pltpu.SemaphoreType.DMA,
        ],
    )
    return f(x_part, embedding)


_CHUNKS = 2


def _probe_in_body(x_ref, o_ref):
    o_ref[...] = x_ref[0] + 1.0


def _probe_in(x):
    bb = 256
    return pl.pallas_call(
        _probe_in_body,
        grid=(B // bb,),
        in_specs=[pl.BlockSpec((bb, N, D), lambda i: (i, 0, 0))],
        out_specs=pl.BlockSpec((N, D), lambda i: (0, 0)),
        out_shape=jax.ShapeDtypeStruct((N, D), x.dtype),
    )(x)


_DBB = 8


def _tc_direct_body(x_hbm, emb_v, o_hbm):
    i = pl.program_id(0)
    base = i * _DBB
    for nt in range(13):
        ns = 92 if nt == 12 else nt * 8
        blk = x_hbm[pl.ds(base, _DBB), pl.ds(ns, 8), :]
        o_hbm[pl.ds(base, _DBB), pl.ds(ns, 8), :] = (
            blk + emb_v[pl.ds(ns, 8), :][None]
        )


def _tc_direct(x, embedding):
    return pl.pallas_call(
        _tc_direct_body,
        grid=(B // _DBB,),
        in_specs=[
            pl.BlockSpec(memory_space=pl.ANY),
            pl.BlockSpec(memory_space=pltpu.VMEM),
        ],
        out_specs=pl.BlockSpec(memory_space=pl.ANY),
        out_shape=jax.ShapeDtypeStruct((B, N, D), x.dtype),
    )(x, embedding)


_K = 8
_BBM = 32
_NCH = B // _BBM


def _tc_ring_body(x_hbm, emb_v, o_hbm, xin, xout, sin, sout):
    def start_in(c, slot):
        pltpu.make_async_copy(
            x_hbm.at[pl.ds(c * _BBM, _BBM)], xin.at[slot], sin.at[slot]
        ).start()

    def wait_in(slot):
        pltpu.make_async_copy(
            x_hbm.at[pl.ds(0, _BBM)], xin.at[slot], sin.at[slot]
        ).wait()

    def start_out(c, slot):
        pltpu.make_async_copy(
            xout.at[slot], o_hbm.at[pl.ds(c * _BBM, _BBM)], sout.at[slot]
        ).start()

    def wait_out(slot):
        pltpu.make_async_copy(
            xout.at[slot], o_hbm.at[pl.ds(0, _BBM)], sout.at[slot]
        ).wait()

    for k in range(_K):
        start_in(k, k)

    def chunk_body(c, carry):
        slot = lax.rem(c, _K)
        wait_in(slot)

        @pl.when(c >= _K)
        def _():
            wait_out(slot)

        xout[slot] = xin[slot] + emb_v[...][None]

        start_out(c, slot)

        @pl.when(c + _K < _NCH)
        def _():
            start_in(c + _K, slot)

        return carry

    lax.fori_loop(0, _NCH, chunk_body, 0)
    for k in range(_K):
        wait_out((_NCH - _K + k) % _K)


def _tc_kernel(x, embedding):
    return pl.pallas_call(
        _tc_ring_body,
        in_specs=[
            pl.BlockSpec(memory_space=pl.ANY),
            pl.BlockSpec(memory_space=pltpu.VMEM),
        ],
        out_specs=pl.BlockSpec(memory_space=pl.ANY),
        out_shape=jax.ShapeDtypeStruct((B, N, D), x.dtype),
        scratch_shapes=[
            pltpu.VMEM((_K, _BBM, N, D), jnp.float32),
            pltpu.VMEM((_K, _BBM, N, D), jnp.float32),
            pltpu.SemaphoreType.DMA((_K,)),
            pltpu.SemaphoreType.DMA((_K,)),
        ],
        compiler_params=pltpu.CompilerParams(
            vmem_limit_bytes=110 * 1024 * 1024,
        ),
    )(x, embedding)


_RB = 32
_BB2 = _RB * N
_NCH2 = (B * N) // _BB2


def _tc_ring2d_body(x_hbm, emb_v, o_hbm, xin, xout, sin, sout):
    def start_in(c, slot):
        pltpu.make_async_copy(
            x_hbm.at[pl.ds(c * _BB2, _BB2)], xin.at[slot], sin.at[slot]
        ).start()

    def wait_in(slot):
        pltpu.make_async_copy(
            x_hbm.at[pl.ds(0, _BB2)], xin.at[slot], sin.at[slot]
        ).wait()

    def start_out(c, slot):
        pltpu.make_async_copy(
            xout.at[slot], o_hbm.at[pl.ds(c * _BB2, _BB2)], sout.at[slot]
        ).start()

    def wait_out(slot):
        pltpu.make_async_copy(
            xout.at[slot], o_hbm.at[pl.ds(0, _BB2)], sout.at[slot]
        ).wait()

    for k in range(_K):
        start_in(k, k)

    def chunk_body(c, carry):
        slot = lax.rem(c, _K)
        wait_in(slot)

        @pl.when(c >= _K)
        def _():
            wait_out(slot)

        for j in range(_RB):
            sl = pl.ds(j * N, N)
            xout[slot, sl, :] = xin[slot, sl, :] + emb_v[...]

        start_out(c, slot)

        @pl.when(c + _K < _NCH2)
        def _():
            start_in(c + _K, slot)

        return carry

    lax.fori_loop(0, _NCH2, chunk_body, 0)
    for k in range(_K):
        wait_out((_NCH2 - _K + k) % _K)


def _tc_kernel2d(x, embedding):
    x2 = x.reshape(B * N, D)
    out2 = pl.pallas_call(
        _tc_ring2d_body,
        in_specs=[
            pl.BlockSpec(memory_space=pl.ANY),
            pl.BlockSpec(memory_space=pltpu.VMEM),
        ],
        out_specs=pl.BlockSpec(memory_space=pl.ANY),
        out_shape=jax.ShapeDtypeStruct((B * N, D), x.dtype),
        scratch_shapes=[
            pltpu.VMEM((_K, _BB2, D), jnp.float32),
            pltpu.VMEM((_K, _BB2, D), jnp.float32),
            pltpu.SemaphoreType.DMA((_K,)),
            pltpu.SemaphoreType.DMA((_K,)),
        ],
        compiler_params=pltpu.CompilerParams(
            vmem_limit_bytes=110 * 1024 * 1024,
        ),
    )(x2, embedding)
    return out2.reshape(B, N, D)


_NP = 104
_BBP = 32
_NCHP = B // _BBP


def _tc_ringp_body(x_hbm, emb_v, o_hbm, xin, xout, sin, sout):
    def start_in(c, slot):
        pltpu.make_async_copy(
            x_hbm.at[pl.ds(c * _BBP, _BBP)], xin.at[slot], sin.at[slot]
        ).start()

    def wait_in(slot):
        pltpu.make_async_copy(
            x_hbm.at[pl.ds(0, _BBP)], xin.at[slot], sin.at[slot]
        ).wait()

    def start_out(c, slot):
        pltpu.make_async_copy(
            xout.at[slot], o_hbm.at[pl.ds(c * _BBP, _BBP)], sout.at[slot]
        ).start()

    def wait_out(slot):
        pltpu.make_async_copy(
            xout.at[slot], o_hbm.at[pl.ds(0, _BBP)], sout.at[slot]
        ).wait()

    for k in range(_K):
        start_in(k, k)

    def chunk_body(c, carry):
        slot = lax.rem(c, _K)
        wait_in(slot)

        @pl.when(c >= _K)
        def _():
            wait_out(slot)

        xout[slot, :, pl.ds(0, N), :] = xin[slot] + emb_v[...][None]

        start_out(c, slot)

        @pl.when(c + _K < _NCHP)
        def _():
            start_in(c + _K, slot)

        return carry

    lax.fori_loop(0, _NCHP, chunk_body, 0)
    for k in range(_K):
        wait_out((_NCHP - _K + k) % _K)


def _tc_kernelp(x, embedding):
    outp = pl.pallas_call(
        _tc_ringp_body,
        in_specs=[
            pl.BlockSpec(memory_space=pl.ANY),
            pl.BlockSpec(memory_space=pltpu.VMEM),
        ],
        out_specs=pl.BlockSpec(memory_space=pl.ANY),
        out_shape=jax.ShapeDtypeStruct((B, _NP, D), x.dtype),
        scratch_shapes=[
            pltpu.VMEM((_K, _BBP, N, D), jnp.float32),
            pltpu.VMEM((_K, _BBP, _NP, D), jnp.float32),
            pltpu.SemaphoreType.DMA((_K,)),
            pltpu.SemaphoreType.DMA((_K,)),
        ],
        compiler_params=pltpu.CompilerParams(
            vmem_limit_bytes=110 * 1024 * 1024,
        ),
    )(x, embedding)
    return lax.slice_in_dim(outp, 0, N, axis=1)


def _sc_kernel(x, embedding):
    cb = B // _CHUNKS
    parts = [
        _sc_part(lax.slice_in_dim(x, i * cb, (i + 1) * cb, axis=0), embedding)
        for i in range(_CHUNKS)
    ]
    return jnp.concatenate(parts, axis=0)


_SC_ROWS = 1024
_TBB = 64


def _tc_blocked_body(x_ref, emb_ref, o_ref):
    o_ref[...] = x_ref[...] + emb_ref[...][None]


def _tc_blocked(x, embedding):
    rows = x.shape[0]
    return pl.pallas_call(
        _tc_blocked_body,
        grid=(rows // _TBB,),
        in_specs=[
            pl.BlockSpec((_TBB, N, D), lambda i: (i, 0, 0)),
            pl.BlockSpec((N, D), lambda i: (0, 0)),
        ],
        out_specs=pl.BlockSpec((_TBB, N, D), lambda i: (i, 0, 0)),
        out_shape=jax.ShapeDtypeStruct((rows, N, D), x.dtype),
    )(x, embedding)


def kernel(x, embedding):
    xs = lax.slice_in_dim(x, 0, _SC_ROWS, axis=0)
    xt = lax.slice_in_dim(x, _SC_ROWS, B, axis=0)
    out_sc = _sc_part(xs, embedding)
    out_tc = _tc_blocked(xt, embedding)
    return jnp.concatenate([out_sc, out_tc], axis=0)

# --- scband reference (transcript-rebuilt; emitter-appended) ---
"""Pipeline reference for scband-channel-embedding-42528766165278 (READ-ONLY COPY).

The authoritative reference and input builder live on the scoring server;
editing this copy changes nothing except your own understanding.
"""

import jax, jax.numpy as jnp
import numpy as np


def setup_inputs(seed: int = 0) -> dict:
    key = jax.random.key(seed)
    k1, k2 = jax.random.split(key)
    x = jax.random.normal(k1, (4096, 100, 128), dtype=jnp.float32)
    # learned parameter: nn.Embedding(num_channels=100, d_model=128) weight
    embedding = jax.random.normal(k2, (100, 128), dtype=jnp.float32)
    return {"x": x, "embedding": embedding}


def reference(x, embedding):
    B, N, d_model = x.shape
    channel_ids = jnp.broadcast_to(jnp.arange(N, dtype=jnp.int32)[None, :], (B, N))
    channel_emb = jnp.take(embedding, channel_ids, axis=0)  # [B, N, d_model]
    return x + channel_emb

if __name__ == "__main__":
    import jax
    _d = setup_inputs()
    print(jax.jit(kernel)(*tuple(_d.values())))

</pallas_src>

<mosaic_0001>
#map = affine_map<(d0, d1) -> (0, 0, 0)>
#map1 = affine_map<(d0, d1) -> (0, 0)>
module attributes {stable_mosaic.version = 14 : i64} {
  func.func @_sc_add(%arg0: i32, %arg1: i32, %arg2: memref<1024x100x128xf32, #tpu.memory_space<hbm>>, %arg3: memref<100x128xf32, #tpu.memory_space<hbm>>, %arg4: memref<1024x100x128xf32, #tpu.memory_space<hbm>>, %arg5: memref<100x128xf32, #tpu.memory_space<vmem>>, %arg6: memref<4x2x100x128xf32, #tpu.memory_space<vmem>>, %arg7: memref<!tpu.dma_semaphore, #tpu.memory_space<semaphore_mem>>, %arg8: memref<!tpu.dma_semaphore, #tpu.memory_space<semaphore_mem>>, %arg9: memref<!tpu.dma_semaphore, #tpu.memory_space<semaphore_mem>>, %arg10: memref<!tpu.dma_semaphore, #tpu.memory_space<semaphore_mem>>, %arg11: memref<!tpu.dma_semaphore, #tpu.memory_space<semaphore_mem>>, %arg12: memref<!tpu.dma_semaphore, #tpu.memory_space<semaphore_mem>>, %arg13: memref<!tpu.dma_semaphore, #tpu.memory_space<semaphore_mem>>, %arg14: memref<!tpu.dma_semaphore, #tpu.memory_space<semaphore_mem>>) attributes {dimension_semantics = [#tpu.dimension_semantics<core_parallel>, #tpu.dimension_semantics<subcore_parallel>], iteration_bounds = array<i64: 2, 16>, scalar_prefetch = 0 : i64, scratch_operands = 10 : i64, tpu.core_type = #tpu.core_type<sc_vector_subcore>, window_params = [{transform_indices = #map}, {transform_indices = #map1}, {transform_indices = #map}]} {
    %mul3A = arith.constant 2 : i32
    %mul3A_0 = arith.muli %arg1, %mul3A : i32
    %add3A = arith.addi %mul3A_0, %arg0 : i32
    %mul3A_1 = arith.constant 32 : i32
    %mul3A_2 = arith.muli %add3A, %mul3A_1 : i32
    "tpu.region"() ({
      %run_scoped3A = tpu.sem_alloc : memref<!tpu.dma_semaphore, #tpu.memory_space<semaphore_mem>>
      tpu.enqueue_dma source(%arg3 : memref<100x128xf32, #tpu.memory_space<hbm>>) target(%arg5 : memref<100x128xf32, #tpu.memory_space<vmem>>) target_semaphore(%run_scoped3A : memref<!tpu.dma_semaphore, #tpu.memory_space<semaphore_mem>>)
      tpu.wait_dma2 semaphore(%run_scoped3A : memref<!tpu.dma_semaphore, #tpu.memory_space<semaphore_mem>>) src(%arg3 : memref<100x128xf32, #tpu.memory_space<hbm>>) dst(%arg5 : memref<100x128xf32, #tpu.memory_space<vmem>>)
      tpu.yield
    }) : () -> ()
    %add3A_3 = arith.constant 0 : i32
    %add3A_4 = arith.addi %mul3A_2, %add3A_3 : i32
    %dma_start3A = arith.constant 0 : i32
    %dma_start3A_5 = arith.constant 0 : i32
    %dma_start3A_6 = arith.constant 0 : i32
    %dma_start3A_7 = arith.constant 0 : i32
    %dma_start3A_8 = tpu.memref_slice %arg6[%dma_start3A, %dma_start3A_5, %dma_start3A_6, %dma_start3A_7] : memref<4x2x100x128xf32, #tpu.memory_space<vmem>> -> memref<1x2x100x128xf32, #tpu.memory_space<vmem>>
    %dma_start3A_9 = tpu.memref_squeeze %dma_start3A_8 : memref<1x2x100x128xf32, #tpu.memory_space<vmem>> -> memref<2x100x128xf32, #tpu.memory_space<vmem>>
    %dma_start3A_10 = arith.constant 0 : i32
    %dma_start3A_11 = arith.constant 0 : i32
    %dma_start3A_12 = tpu.memref_slice %arg2[%add3A_4, %dma_start3A_10, %dma_start3A_11] : memref<1024x100x128xf32, #tpu.memory_space<hbm>> -> memref<2x100x128xf32, #tpu.memory_space<hbm>>
    %dma_start3A_13 = arith.constant 0 : i32
    %dma_start3A_14 = arith.constant 0 : i32
    %dma_start3A_15 = arith.constant 0 : i32
    %dma_start3A_16 = tpu.memref_slice %arg6[%dma_start3A, %dma_start3A_13, %dma_start3A_14, %dma_start3A_15] : memref<4x2x100x128xf32, #tpu.memory_space<vmem>> -> memref<1x2x100x128xf32, #tpu.memory_space<vmem>>
    %dma_start3A_17 = tpu.memref_squeeze %dma_start3A_16 : memref<1x2x100x128xf32, #tpu.memory_space<vmem>> -> memref<2x100x128xf32, #tpu.memory_space<vmem>>
    %dma_start3A_18 = arith.constant 0 : i32
    %dma_start3A_19 = arith.constant 0 : i32
    %dma_start3A_20 = tpu.memref_slice %arg2[%add3A_4, %dma_start3A_18, %dma_start3A_19] : memref<1024x100x128xf32, #tpu.memory_space<hbm>> -> memref<2x100x128xf32, #tpu.memory_space<hbm>>
    tpu.enqueue_dma source(%dma_start3A_20 : memref<2x100x128xf32, #tpu.memory_space<hbm>>) target(%dma_start3A_17 : memref<2x100x128xf32, #tpu.memory_space<vmem>>) target_semaphore(%arg7 : memref<!tpu.dma_semaphore, #tpu.memory_space<semaphore_mem>>)
    %add3A_21 = arith.constant 2 : i32
    %add3A_22 = arith.addi %mul3A_2, %add3A_21 : i32
    %dma_start3A_23 = arith.constant 1 : i32
    %dma_start3A_24 = arith.constant 0 : i32
    %dma_start3A_25 = arith.constant 0 : i32
    %dma_start3A_26 = arith.constant 0 : i32
    %dma_start3A_27 = tpu.memref_slice %arg6[%dma_start3A_23, %dma_start3A_24, %dma_start3A_25, %dma_start3A_26] : memref<4x2x100x128xf32, #tpu.memory_space<vmem>> -> memref<1x2x100x128xf32, #tpu.memory_space<vmem>>
    %dma_start3A_28 = tpu.memref_squeeze %dma_start3A_27 : memref<1x2x100x128xf32, #tpu.memory_space<vmem>> -> memref<2x100x128xf32, #tpu.memory_space<vmem>>
    %dma_start3A_29 = arith.constant 0 : i32
    %dma_start3A_30 = arith.constant 0 : i32
    %dma_start3A_31 = tpu.memref_slice %arg2[%add3A_22, %dma_start3A_29, %dma_start3A_30] : memref<1024x100x128xf32, #tpu.memory_space<hbm>> -> memref<2x100x128xf32, #tpu.memory_space<hbm>>
    %dma_start3A_32 = arith.constant 0 : i32
    %dma_start3A_33 = arith.constant 0 : i32
    %dma_start3A_34 = arith.constant 0 : i32
    %dma_start3A_35 = tpu.memref_slice %arg6[%dma_start3A_23, %dma_start3A_32, %dma_start3A_33, %dma_start3A_34] : memref<4x2x100x128xf32, #tpu.memory_space<vmem>> -> memref<1x2x100x128xf32, #tpu.memory_space<vmem>>
    %dma_start3A_36 = tpu.memref_squeeze %dma_start3A_35 : memref<1x2x100x128xf32, #tpu.memory_space<vmem>> -> memref<2x100x128xf32, #tpu.memory_space<vmem>>
    %dma_start3A_37 = arith.constant 0 : i32
    %dma_start3A_38 = arith.constant 0 : i32
    %dma_start3A_39 = tpu.memref_slice %arg2[%add3A_22, %dma_start3A_37, %dma_start3A_38] : memref<1024x100x128xf32, #tpu.memory_space<hbm>> -> memref<2x100x128xf32, #tpu.memory_space<hbm>>
    tpu.enqueue_dma source(%dma_start3A_39 : memref<2x100x128xf32, #tpu.memory_space<hbm>>) target(%dma_start3A_36 : memref<2x100x128xf32, #tpu.memory_space<vmem>>) target_semaphore(%arg8 : memref<!tpu.dma_semaphore, #tpu.memory_space<semaphore_mem>>)
    %add3A_40 = arith.constant 4 : i32
    %add3A_41 = arith.addi %mul3A_2, %add3A_40 : i32
    %dma_start3A_42 = arith.constant 2 : i32
    %dma_start3A_43 = arith.constant 0 : i32
    %dma_start3A_44 = arith.constant 0 : i32
    %dma_start3A_45 = arith.constant 0 : i32
    %dma_start3A_46 = tpu.memref_slice %arg6[%dma_start3A_42, %dma_start3A_43, %dma_start3A_44, %dma_start3A_45] : memref<4x2x100x128xf32, #tpu.memory_space<vmem>> -> memref<1x2x100x128xf32, #tpu.memory_space<vmem>>
    %dma_start3A_47 = tpu.memref_squeeze %dma_start3A_46 : memref<1x2x100x128xf32, #tpu.memory_space<vmem>> -> memref<2x100x128xf32, #tpu.memory_space<vmem>>
    %dma_start3A_48 = arith.constant 0 : i32
    %dma_start3A_49 = arith.constant 0 : i32
    %dma_start3A_50 = tpu.memref_slice %arg2[%add3A_41, %dma_start3A_48, %dma_start3A_49] : memref<1024x100x128xf32, #tpu.memory_space<hbm>> -> memref<2x100x128xf32, #tpu.memory_space<hbm>>
    %dma_start3A_51 = arith.constant 0 : i32
    %dma_start3A_52 = arith.constant 0 : i32
    %dma_start3A_53 = arith.constant 0 : i32
    %dma_start3A_54 = tpu.memref_slice %arg6[%dma_start3A_42, %dma_start3A_51, %dma_start3A_52, %dma_start3A_53] : memref<4x2x100x128xf32, #tpu.memory_space<vmem>> -> memref<1x2x100x128xf32, #tpu.memory_space<vmem>>
    %dma_start3A_55 = tpu.memref_squeeze %dma_start3A_54 : memref<1x2x100x128xf32, #tpu.memory_space<vmem>> -> memref<2x100x128xf32, #tpu.memory_space<vmem>>
    %dma_start3A_56 = arith.constant 0 : i32
    %dma_start3A_57 = arith.constant 0 : i32
    %dma_start3A_58 = tpu.memref_slice %arg2[%add3A_41, %dma_start3A_56, %dma_start3A_57] : memref<1024x100x128xf32, #tpu.memory_space<hbm>> -> memref<2x100x128xf32, #tpu.memory_space<hbm>>
    tpu.enqueue_dma source(%dma_start3A_58 : memref<2x100x128xf32, #tpu.memory_space<hbm>>) target(%dma_start3A_55 : memref<2x100x128xf32, #tpu.memory_space<vmem>>) target_semaphore(%arg9 : memref<!tpu.dma_semaphore, #tpu.memory_space<semaphore_mem>>)
    %add3A_59 = arith.constant 6 : i32
    %add3A_60 = arith.addi %mul3A_2, %add3A_59 : i32
    %dma_start3A_61 = arith.constant 3 : i32
    %dma_start3A_62 = arith.constant 0 : i32
    %dma_start3A_63 = arith.constant 0 : i32
    %dma_start3A_64 = arith.constant 0 : i32
    %dma_start3A_65 = tpu.memref_slice %arg6[%dma_start3A_61, %dma_start3A_62, %dma_start3A_63, %dma_start3A_64] : memref<4x2x100x128xf32, #tpu.memory_space<vmem>> -> memref<1x2x100x128xf32, #tpu.memory_space<vmem>>
    %dma_start3A_66 = tpu.memref_squeeze %dma_start3A_65 : memref<1x2x100x128xf32, #tpu.memory_space<vmem>> -> memref<2x100x128xf32, #tpu.memory_space<vmem>>
    %dma_start3A_67 = arith.constant 0 : i32
    %dma_start3A_68 = arith.constant 0 : i32
    %dma_start3A_69 = tpu.memref_slice %arg2[%add3A_60, %dma_start3A_67, %dma_start3A_68] : memref<1024x100x128xf32, #tpu.memory_space<hbm>> -> memref<2x100x128xf32, #tpu.memory_space<hbm>>
    %dma_start3A_70 = arith.constant 0 : i32
    %dma_start3A_71 = arith.constant 0 : i32
    %dma_start3A_72 = arith.constant 0 : i32
    %dma_start3A_73 = tpu.memref_slice %arg6[%dma_start3A_61, %dma_start3A_70, %dma_start3A_71, %dma_start3A_72] : memref<4x2x100x128xf32, #tpu.memory_space<vmem>> -> memref<1x2x100x128xf32, #tpu.memory_space<vmem>>
    %dma_start3A_74 = tpu.memref_squeeze %dma_start3A_73 : memref<1x2x100x128xf32, #tpu.memory_space<vmem>> -> memref<2x100x128xf32, #tpu.memory_space<vmem>>
    %dma_start3A_75 = arith.constant 0 : i32
    %dma_start3A_76 = arith.constant 0 : i32
    %dma_start3A_77 = tpu.memref_slice %arg2[%add3A_60, %dma_start3A_75, %dma_start3A_76] : memref<1024x100x128xf32, #tpu.memory_space<hbm>> -> memref<2x100x128xf32, #tpu.memory_space<hbm>>
    tpu.enqueue_dma source(%dma_start3A_77 : memref<2x100x128xf32, #tpu.memory_space<hbm>>) target(%dma_start3A_74 : memref<2x100x128xf32, #tpu.memory_space<vmem>>) target_semaphore(%arg10 : memref<!tpu.dma_semaphore, #tpu.memory_space<semaphore_mem>>)
    %scan3A = arith.constant 0 : i32
    %scan3A_78 = arith.constant 0 : i32
    %scan3A_79 = arith.constant 3 : i32
    %scan3A_80 = arith.addi %scan3A_78, %scan3A_79 : i32
    %scan3A_81 = arith.constant 1 : i32
    scf.for %scan3A_334 = %scan3A_78 to %scan3A_80 step %scan3A_81  : i32 {
      %mul3A_335 = arith.constant 4 : i32
      %mul3A_336 = arith.muli %scan3A_334, %mul3A_335 : i32
      %add3A_337 = arith.constant 0 : i32
      %add3A_338 = arith.addi %mul3A_336, %add3A_337 : i32
      %dma_wait3A_339 = arith.constant 0 : i32
      %dma_wait3A_340 = arith.constant 0 : i32
      %dma_wait3A_341 = arith.constant 0 : i32
      %dma_wait3A_342 = arith.constant 0 : i32
      %dma_wait3A_343 = tpu.memref_slice %arg6[%dma_wait3A_339, %dma_wait3A_340, %dma_wait3A_341, %dma_wait3A_342] : memref<4x2x100x128xf32, #tpu.memory_space<vmem>> -> memref<1x2x100x128xf32, #tpu.memory_space<vmem>>
      %dma_wait3A_344 = tpu.memref_squeeze %dma_wait3A_343 : memref<1x2x100x128xf32, #tpu.memory_space<vmem>> -> memref<2x100x128xf32, #tpu.memory_space<vmem>>
      %dma_wait3A_345 = arith.constant 0 : i32
      %dma_wait3A_346 = arith.constant 0 : i32
      %dma_wait3A_347 = arith.constant 0 : i32
      %dma_wait3A_348 = tpu.memref_slice %arg2[%dma_wait3A_345, %dma_wait3A_346, %dma_wait3A_347] : memref<1024x100x128xf32, #tpu.memory_space<hbm>> -> memref<2x100x128xf32, #tpu.memory_space<hbm>>
      %dma_wait3A_349 = arith.constant 0 : i32
      %dma_wait3A_350 = arith.constant 0 : i32
      %dma_wait3A_351 = arith.constant 0 : i32
      %dma_wait3A_352 = tpu.memref_slice %arg6[%dma_wait3A_339, %dma_wait3A_349, %dma_wait3A_350, %dma_wait3A_351] : memref<4x2x100x128xf32, #tpu.memory_space<vmem>> -> memref<1x2x100x128xf32, #tpu.memory_space<vmem>>
      %dma_wait3A_353 = tpu.memref_squeeze %dma_wait3A_352 : memref<1x2x100x128xf32, #tpu.memory_space<vmem>> -> memref<2x100x128xf32, #tpu.memory_space<vmem>>
      %dma_wait3A_354 = arith.constant 0 : i32
      %dma_wait3A_355 = arith.constant 0 : i32
      %dma_wait3A_356 = arith.constant 0 : i32
      %dma_wait3A_357 = tpu.memref_slice %arg2[%dma_wait3A_354, %dma_wait3A_355, %dma_wait3A_356] : memref<1024x100x128xf32, #tpu.memory_space<hbm>> -> memref<2x100x128xf32, #tpu.memory_space<hbm>>
      tpu.wait_dma2 semaphore(%arg7 : memref<!tpu.dma_semaphore, #tpu.memory_space<semaphore_mem>>) src(%dma_wait3A_357 : memref<2x100x128xf32, #tpu.memory_space<hbm>>) dst(%dma_wait3A_353 : memref<2x100x128xf32, #tpu.memory_space<vmem>>)
      %scan3A_358 = arith.constant 0 : i32
      %scan3A_359 = arith.constant 0 : i32
      %scan3A_360 = arith.constant 100 : i32
      %scan3A_361 = arith.addi %scan3A_359, %scan3A_360 : i32
      %scan3A_362 = arith.constant 1 : i32
      scf.for %scan3A_695 = %scan3A_359 to %scan3A_361 step %scan3A_362  : i32 {
        %get3A = arith.index_cast %scan3A_695 : i32 to index
        %get3A_696 = arith.constant 0 : index
        %get3A_697 = tpu.vector_load %arg5[%get3A, %get3A_696] {strides = array<i32>} : memref<100x128xf32, #tpu.memory_space<vmem>>, vector<1x16xf32>,
        %get3A_698 = vector.shape_cast %get3A_697 : vector<1x16xf32> to vector<16xf32>
        %get3A_699 = arith.index_cast %scan3A_695 : i32 to index
        %get3A_700 = arith.constant 16 : index
        %get3A_701 = tpu.vector_load %arg5[%get3A_699, %get3A_700] {strides = array<i32>} : memref<100x128xf32, #tpu.memory_space<vmem>>, vector<1x16xf32>,
        %get3A_702 = vector.shape_cast %get3A_701 : vector<1x16xf32> to vector<16xf32>
        %get3A_703 = arith.index_cast %scan3A_695 : i32 to index
        %get3A_704 = arith.constant 32 : index
        %get3A_705 = tpu.vector_load %arg5[%get3A_703, %get3A_704] {strides = array<i32>} : memref<100x128xf32, #tpu.memory_space<vmem>>, vector<1x16xf32>,
        %get3A_706 = vector.shape_cast %get3A_705 : vector<1x16xf32> to vector<16xf32>
        %get3A_707 = arith.index_cast %scan3A_695 : i32 to index
        %get3A_708 = arith.constant 48 : index
        %get3A_709 = tpu.vector_load %arg5[%get3A_707, %get3A_708] {strides = array<i32>} : memref<100x128xf32, #tpu.memory_space<vmem>>, vector<1x16xf32>,
        %get3A_710 = vector.shape_cast %get3A_709 : vector<1x16xf32> to vector<16xf32>
        %get3A_711 = arith.index_cast %scan3A_695 : i32 to index
        %get3A_712 = arith.constant 64 : index
        %get3A_713 = tpu.vector_load %arg5[%get3A_711, %get3A_712] {strides = array<i32>} : memref<100x128xf32, #tpu.memory_space<vmem>>, vector<1x16xf32>,
        %get3A_714 = vector.shape_cast %get3A_713 : vector<1x16xf32> to vector<16xf32>
        %get3A_715 = arith.index_cast %scan3A_695 : i32 to index
        %get3A_716 = arith.constant 80 : index
        %get3A_717 = tpu.vector_load %arg5[%get3A_715, %get3A_716] {strides = array<i32>} : memref<100x128xf32, #tpu.memory_space<vmem>>, vector<1x16xf32>,
        %get3A_718 = vector.shape_cast %get3A_717 : vector<1x16xf32> to vector<16xf32>
        %get3A_719 = arith.index_cast %scan3A_695 : i32 to index
        %get3A_720 = arith.constant 96 : index
        %get3A_721 = tpu.vector_load %arg5[%get3A_719, %get3A_720] {strides = array<i32>} : memref<100x128xf32, #tpu.memory_space<vmem>>, vector<1x16xf32>,
        %get3A_722 = vector.shape_cast %get3A_721 : vector<1x16xf32> to vector<16xf32>
        %get3A_723 = arith.index_cast %scan3A_695 : i32 to index
        %get3A_724 = arith.constant 112 : index
        %get3A_725 = tpu.vector_load %arg5[%get3A_723, %get3A_724] {strides = array<i32>} : memref<100x128xf32, #tpu.memory_space<vmem>>, vector<1x16xf32>,
        %get3A_726 = vector.shape_cast %get3A_725 : vector<1x16xf32> to vector<16xf32>
        %get3A_727 = arith.constant 0 : i32
        %get3A_728 = arith.constant 0 : i32
        %get3A_729 = arith.index_cast %get3A_727 : i32 to index
        %get3A_730 = arith.index_cast %get3A_728 : i32 to index
        %get3A_731 = arith.index_cast %scan3A_695 : i32 to index
        %get3A_732 = arith.constant 0 : index
        %get3A_733 = tpu.vector_load %arg6[%get3A_729, %get3A_730, %get3A_731, %get3A_732] {strides = array<i32>} : memref<4x2x100x128xf32, #tpu.memory_space<vmem>>, vector<1x1x1x16xf32>,
        %get3A_734 = vector.shape_cast %get3A_733 : vector<1x1x1x16xf32> to vector<16xf32>
        %add3A_735 = arith.addf %get3A_734, %get3A_698 : vector<16xf32>
        %swap3A = arith.constant 0 : i32
        %swap3A_736 = arith.constant 0 : i32
        %swap3A_737 = arith.index_cast %swap3A : i32 to index
        %swap3A_738 = arith.index_cast %swap3A_736 : i32 to index
        %swap3A_739 = arith.index_cast %scan3A_695 : i32 to index
        %swap3A_740 = arith.constant 0 : index
        %swap3A_741 = tpu.vector_load %arg6[%swap3A_737, %swap3A_738, %swap3A_739, %swap3A_740] {strides = array<i32>} : memref<4x2x100x128xf32, #tpu.memory_space<vmem>>, vector<1x1x1x16xf32>,
        %swap3A_742 = vector.shape_cast %swap3A_741 : vector<1x1x1x16xf32> to vector<16xf32>
        %swap3A_743 = vector.shape_cast %add3A_735 : vector<16xf32> to vector<1x1x1x16xf32>
        tpu.vector_store %arg6[%swap3A_737, %swap3A_738, %swap3A_739, %swap3A_740], %swap3A_743 {strides = array<i32>} : memref<4x2x100x128xf32, #tpu.memory_space<vmem>>, vector<1x1x1x16xf32>,
        %get3A_744 = arith.constant 0 : i32
        %get3A_745 = arith.constant 0 : i32
        %get3A_746 = arith.index_cast %get3A_744 : i32 to index
        %get3A_747 = arith.index_cast %get3A_745 : i32 to index
        %get3A_748 = arith.index_cast %scan3A_695 : i32 to index
        %get3A_749 = arith.constant 16 : index
        %get3A_750 = tpu.vector_load %arg6[%get3A_746, %get3A_747, %get3A_748, %get3A_749] {strides = array<i32>} : memref<4x2x100x128xf32, #tpu.memory_space<vmem>>, vector<1x1x1x16xf32>,
        %get3A_751 = vector.shape_cast %get3A_750 : vector<1x1x1x16xf32> to vector<16xf32>
        %add3A_752 = arith.addf %get3A_751, %get3A_702 : vector<16xf32>
        %swap3A_753 = arith.constant 0 : i32
        %swap3A_754 = arith.constant 0 : i32
        %swap3A_755 = arith.index_cast %swap3A_753 : i32 to index
        %swap3A_756 = arith.index_cast %swap3A_754 : i32 to index
        %swap3A_757 = arith.index_cast %scan3A_695 : i32 to index
        %swap3A_758 = arith.constant 16 : index
        %swap3A_759 = tpu.vector_load %arg6[%swap3A_755, %swap3A_756, %swap3A_757, %swap3A_758] {strides = array<i32>} : memref<4x2x100x128xf32, #tpu.memory_space<vmem>>, vector<1x1x1x16xf32>,
        %swap3A_760 = vector.shape_cast %swap3A_759 : vector<1x1x1x16xf32> to vector<16xf32>
        %swap3A_761 = vector.shape_cast %add3A_752 : vector<16xf32> to vector<1x1x1x16xf32>
        tpu.vector_store %arg6[%swap3A_755, %swap3A_756, %swap3A_757, %swap3A_758], %swap3A_761 {strides = array<i32>} : memref<4x2x100x128xf32, #tpu.memory_space<vmem>>, vector<1x1x1x16xf32>,
        %get3A_762 = arith.constant 0 : i32
        %get3A_763 = arith.constant 0 : i32
        %get3A_764 = arith.index_cast %get3A_762 : i32 to index
        %get3A_765 = arith.index_cast %get3A_763 : i32 to index
        %get3A_766 = arith.index_cast %scan3A_695 : i32 to index
        %get3A_767 = arith.constant 32 : index
        %get3A_768 = tpu.vector_load %arg6[%get3A_764, %get3A_765, %get3A_766, %get3A_767] {strides = array<i32>} : memref<4x2x100x128xf32, #tpu.memory_space<vmem>>, vector<1x1x1x16xf32>,
        %get3A_769 = vector.shape_cast %get3A_768 : vector<1x1x1x16xf32> to vector<16xf32>
        %add3A_770 = arith.addf %get3A_769, %get3A_706 : vector<16xf32>
        %swap3A_771 = arith.constant 0 : i32
        %swap3A_772 = arith.constant 0 : i32
        %swap3A_773 = arith.index_cast %swap3A_771 : i32 to index
        %swap3A_774 = arith.index_cast %swap3A_772 : i32 to index
        %swap3A_775 = arith.index_cast %scan3A_695 : i32 to index
        %swap3A_776 = arith.constant 32 : index
        %swap3A_777 = tpu.vector_load %arg6[%swap3A_773, %swap3A_774, %swap3A_775, %swap3A_776] {strides = array<i32>} : memref<4x2x100x128xf32, #tpu.memory_space<vmem>>, vector<1x1x1x16xf32>,
        %swap3A_778 = vector.shape_cast %swap3A_777 : vector<1x1x1x16xf32> to vector<16xf32>
        %swap3A_779 = vector.shape_cast %add3A_770 : vector<16xf32> to vector<1x1x1x16xf32>
        tpu.vector_store %arg6[%swap3A_773, %swap3A_774, %swap3A_775, %swap3A_776], %swap3A_779 {strides = array<i32>} : memref<4x2x100x128xf32, #tpu.memory_space<vmem>>, vector<1x1x1x16xf32>,
        %get3A_780 = arith.constant 0 : i32
        %get3A_781 = arith.constant 0 : i32
        %get3A_782 = arith.index_cast %get3A_780 : i32 to index
        %get3A_783 = arith.index_cast %get3A_781 : i32 to index
        %get3A_784 = arith.index_cast %scan3A_695 : i32 to index
        %get3A_785 = arith.constant 48 : index
        %get3A_786 = tpu.vector_load %arg6[%get3A_782, %get3A_783, %get3A_784, %get3A_785] {strides = array<i32>} : memref<4x2x100x128xf32, #tpu.memory_space<vmem>>, vector<1x1x1x16xf32>,
        %get3A_787 = vector.shape_cast %get3A_786 : vector<1x1x1x16xf32> to vector<16xf32>
        %add3A_788 = arith.addf %get3A_787, %get3A_710 : vector<16xf32>
        %swap3A_789 = arith.constant 0 : i32
        %swap3A_790 = arith.constant 0 : i32
        %swap3A_791 = arith.index_cast %swap3A_789 : i32 to index
        %swap3A_792 = arith.index_cast %swap3A_790 : i32 to index
        %swap3A_793 = arith.index_cast %scan3A_695 : i32 to index
        %swap3A_794 = arith.constant 48 : index
        %swap3A_795 = tpu.vector_load %arg6[%swap3A_791, %swap3A_792, %swap3A_793, %swap3A_794] {strides = array<i32>} : memref<4x2x100x128xf32, #tpu.memory_space<vmem>>, vector<1x1x1x16xf32>,
        %swap3A_796 = vector.shape_cast %swap3A_795 : vector<1x1x1x16xf32> to vector<16xf32>
        %swap3A_797 = vector.shape_cast %add3A_788 : vector<16xf32> to vector<1x1x1x16xf32>
        tpu.vector_store %arg6[%swap3A_791, %swap3A_792, %swap3A_793, %swap3A_794], %swap3A_797 {strides = array<i32>} : memref<4x2x100x128xf32, #tpu.memory_space<vmem>>, vector<1x1x1x16xf32>,
        %get3A_798 = arith.constant 0 : i32
        %get3A_799 = arith.constant 0 : i32
        %get3A_800 = arith.index_cast %get3A_798 : i32 to index
        %get3A_801 = arith.index_cast %get3A_799 : i32 to index
        %get3A_802 = arith.index_cast %scan3A_695 : i32 to index
        %get3A_803 = arith.constant 64 : index
        %get3A_804 = tpu.vector_load %arg6[%get3A_800, %get3A_801, %get3A_802, %get3A_803] {strides = array<i32>} : memref<4x2x100x128xf32, #tpu.memory_space<vmem>>, vector<1x1x1x16xf32>,
        %get3A_805 = vector.shape_cast %get3A_804 : vector<1x1x1x16xf32> to vector<16xf32>
        %add3A_806 = arith.addf %get3A_805, %get3A_714 : vector<16xf32>
        %swap3A_807 = arith.constant 0 : i32
        %swap3A_808 = arith.constant 0 : i32
        %swap3A_809 = arith.index_cast %swap3A_807 : i32 to index
        %swap3A_810 = arith.index_cast %swap3A_808 : i32 to index
        %swap3A_811 = arith.index_cast %scan3A_695 : i32 to index
        %swap3A_812 = arith.constant 64 : index
        %swap3A_813 = tpu.vector_load %arg6[%swap3A_809, %swap3A_810, %swap3A_811, %swap3A_812] {strides = array<i32>} : memref<4x2x100x128xf32, #tpu.memory_space<vmem>>, vector<1x1x1x16xf32>,
        %swap3A_814 = vector.shape_cast %swap3A_813 : vector<1x1x1x16xf32> to vector<16xf32>
        %swap3A_815 = vector.shape_cast %add3A_806 : vector<16xf32> to vector<1x1x1x16xf32>
        tpu.vector_store %arg6[%swap3A_809, %swap3A_810, %swap3A_811, %swap3A_812], %swap3A_815 {strides = array<i32>} : memref<4x2x100x128xf32, #tpu.memory_space<vmem>>, vector<1x1x1x16xf32>,
        %get3A_816 = arith.constant 0 : i32
        %get3A_817 = arith.constant 0 : i32
        %get3A_818 = arith.index_cast %get3A_816 : i32 to index
        %get3A_819 = arith.index_cast %get3A_817 : i32 to index
        %get3A_820 = arith.index_cast %scan3A_695 : i32 to index
        %get3A_821 = arith.constant 80 : index
        %get3A_822 = tpu.vector_load %arg6[%get3A_818, %get3A_819, %get3A_820, %get3A_821] {strides = array<i32>} : memref<4x2x100x128xf32, #tpu.memory_space<vmem>>, vector<1x1x1x16xf32>,
        %get3A_823 = vector.shape_cast %get3A_822 : vector<1x1x1x16xf32> to vector<16xf32>
        %add3A_824 = arith.addf %get3A_823, %get3A_718 : vector<16xf32>
        %swap3A_825 = arith.constant 0 : i32
        %swap3A_826 = arith.constant 0 : i32
        %swap3A_827 = arith.index_cast %swap3A_825 : i32 to index
        %swap3A_828 = arith.index_cast %swap3A_826 : i32 to index
        %swap3A_829 = arith.index_cast %scan3A_695 : i32 to index
        %swap3A_830 = arith.constant 80 : index
        %swap3A_831 = tpu.vector_load %arg6[%swap3A_827, %swap3A_828, %swap3A_829, %swap3A_830] {strides = array<i32>} : memref<4x2x100x128xf32, #tpu.memory_space<vmem>>, vector<1x1x1x16xf32>,
        %swap3A_832 = vector.shape_cast %swap3A_831 : vector<1x1x1x16xf32> to vector<16xf32>
        %swap3A_833 = vector.shape_cast %add3A_824 : vector<16xf32> to vector<1x1x1x16xf32>
        tpu.vector_store %arg6[%swap3A_827, %swap3A_828, %swap3A_829, %swap3A_830], %swap3A_833 {strides = array<i32>} : memref<4x2x100x128xf32, #tpu.memory_space<vmem>>, vector<1x1x1x16xf32>,
        %get3A_834 = arith.constant 0 : i32
        %get3A_835 = arith.constant 0 : i32
        %get3A_836 = arith.index_cast %get3A_834 : i32 to index
        %get3A_837 = arith.index_cast %get3A_835 : i32 to index
        %get3A_838 = arith.index_cast %scan3A_695 : i32 to index
        %get3A_839 = arith.constant 96 : index
        %get3A_840 = tpu.vector_load %arg6[%get3A_836, %get3A_837, %get3A_838, %get3A_839] {strides = array<i32>} : memref<4x2x100x128xf32, #tpu.memory_space<vmem>>, vector<1x1x1x16xf32>,
        %get3A_841 = vector.shape_cast %get3A_840 : vector<1x1x1x16xf32> to vector<16xf32>
        %add3A_842 = arith.addf %get3A_841, %get3A_722 : vector<16xf32>
        %swap3A_843 = arith.constant 0 : i32
        %swap3A_844 = arith.constant 0 : i32
        %swap3A_845 = arith.index_cast %swap3A_843 : i32 to index
        %swap3A_846 = arith.index_cast %swap3A_844 : i32 to index
        %swap3A_847 = arith.index_cast %scan3A_695 : i32 to index
        %swap3A_848 = arith.constant 96 : index
        %swap3A_849 = tpu.vector_load %arg6[%swap3A_845, %swap3A_846, %swap3A_847, %swap3A_848] {strides = array<i32>} : memref<4x2x100x128xf32, #tpu.memory_space<vmem>>, vector<1x1x1x16xf32>,
        %swap3A_850 = vector.shape_cast %swap3A_849 : vector<1x1x1x16xf32> to vector<16xf32>
        %swap3A_851 = vector.shape_cast %add3A_842 : vector<16xf32> to vector<1x1x1x16xf32>
        tpu.vector_store %arg6[%swap3A_845, %swap3A_846, %swap3A_847, %swap3A_848], %swap3A_851 {strides = array<i32>} : memref<4x2x100x128xf32, #tpu.memory_space<vmem>>, vector<1x1x1x16xf32>,
        %get3A_852 = arith.constant 0 : i32
        %get3A_853 = arith.constant 0 : i32
        %get3A_854 = arith.index_cast %get3A_852 : i32 to index
        %get3A_855 = arith.index_cast %get3A_853 : i32 to index
        %get3A_856 = arith.index_cast %scan3A_695 : i32 to index
        %get3A_857 = arith.constant 112 : index
        %get3A_858 = tpu.vector_load %arg6[%get3A_854, %get3A_855, %get3A_856, %get3A_857] {strides = array<i32>} : memref<4x2x100x128xf32, #tpu.memory_space<vmem>>, vector<1x1x1x16xf32>,
        %get3A_859 = vector.shape_cast %get3A_858 : vector<1x1x1x16xf32> to vector<16xf32>
        %add3A_860 = arith.addf %get3A_859, %get3A_726 : vector<16xf32>
        %swap3A_861 = arith.constant 0 : i32
        %swap3A_862 = arith.constant 0 : i32
        %swap3A_863 = arith.index_cast %swap3A_861 : i32 to index
        %swap3A_864 = arith.index_cast %swap3A_862 : i32 to index
        %swap3A_865 = arith.index_cast %scan3A_695 : i32 to index
        %swap3A_866 = arith.constant 112 : index
        %swap3A_867 = tpu.vector_load %arg6[%swap3A_863, %swap3A_864, %swap3A_865, %swap3A_866] {strides = array<i32>} : memref<4x2x100x128xf32, #tpu.memory_space<vmem>>, vector<1x1x1x16xf32>,
        %swap3A_868 = vector.shape_cast %swap3A_867 : vector<1x1x1x16xf32> to vector<16xf32>
        %swap3A_869 = vector.shape_cast %add3A_860 : vector<16xf32> to vector<1x1x1x16xf32>
        tpu.vector_store %arg6[%swap3A_863, %swap3A_864, %swap3A_865, %swap3A_866], %swap3A_869 {strides = array<i32>} : memref<4x2x100x128xf32, #tpu.memory_space<vmem>>, vector<1x1x1x16xf32>,
        %get3A_870 = arith.constant 0 : i32
        %get3A_871 = arith.constant 1 : i32
        %get3A_872 = arith.index_cast %get3A_870 : i32 to index
        %get3A_873 = arith.index_cast %get3A_871 : i32 to index
        %get3A_874 = arith.index_cast %scan3A_695 : i32 to index
        %get3A_875 = arith.constant 0 : index
        %get3A_876 = tpu.vector_load %arg6[%get3A_872, %get3A_873, %get3A_874, %get3A_875] {strides = array<i32>} : memref<4x2x100x128xf32, #tpu.memory_space<vmem>>, vector<1x1x1x16xf32>,
        %get3A_877 = vector.shape_cast %get3A_876 : vector<1x1x1x16xf32> to vector<16xf32>
        %add3A_878 = arith.addf %get3A_877, %get3A_698 : vector<16xf32>
        %swap3A_879 = arith.constant 0 : i32
        %swap3A_880 = arith.constant 1 : i32
        %swap3A_881 = arith.index_cast %swap3A_879 : i32 to index
        %swap3A_882 = arith.index_cast %swap3A_880 : i32 to index
        %swap3A_883 = arith.index_cast %scan3A_695 : i32 to index
        %swap3A_884 = arith.constant 0 : index
        %swap3A_885 = tpu.vector_load %arg6[%swap3A_881, %swap3A_882, %swap3A_883, %swap3A_884] {strides = array<i32>} : memref<4x2x100x128xf32, #tpu.memory_space<vmem>>, vector<1x1x1x16xf32>,
        %swap3A_886 = vector.shape_cast %swap3A_885 : vector<1x1x1x16xf32> to vector<16xf32>
        %swap3A_887 = vector.shape_cast %add3A_878 : vector<16xf32> to vector<1x1x1x16xf32>
        tpu.vector_store %arg6[%swap3A_881, %swap3A_882, %swap3A_883, %swap3A_884], %swap3A_887 {strides = array<i32>} : memref<4x2x100x128xf32, #tpu.memory_space<vmem>>, vector<1x1x1x16xf32>,
        %get3A_888 = arith.constant 0 : i32
        %get3A_889 = arith.constant 1 : i32
        %get3A_890 = arith.index_cast %get3A_888 : i32 to index
        %get3A_891 = arith.index_cast %get3A_889 : i32 to index
        %get3A_892 = arith.index_cast %scan3A_695 : i32 to index
        %get3A_893 = arith.constant 16 : index
        %get3A_894 = tpu.vector_load %arg6[%get3A_890, %get3A_891, %get3A_892, %get3A_893] {strides = array<i32>} : memref<4x2x100x128xf32, #tpu.memory_space<vmem>>, vector<1x1x1x16xf32>,
        %get3A_895 = vector.shape_cast %get3A_894 : vector<1x1x1x16xf32> to vector<16xf32>
        %add3A_896 = arith.addf %get3A_895, %get3A_702 : vector<16xf32>
        %swap3A_897 = arith.constant 0 : i32
        %swap3A_898 = arith.constant 1 : i32
        %swap3A_899 = arith.index_cast %swap3A_897 : i32 to index
        %swap3A_900 = arith.index_cast %swap3A_898 : i32 to index
        %swap3A_901 = arith.index_cast %scan3A_695 : i32 to index
        %swap3A_902 = arith.constant 16 : index
        %swap3A_903 = tpu.vector_load %arg6[%swap3A_899, %swap3A_900, %swap3A_901, %swap3A_902] {strides = array<i32>} : memref<4x2x100x128xf32, #tpu.memory_space<vmem>>, vector<1x1x1x16xf32>,
        %swap3A_904 = vector.shape_cast %swap3A_903 : vector<1x1x1x16xf32> to vector<16xf32>
        %swap3A_905 = vector.shape_cast %add3A_896 : vector<16xf32> to vector<1x1x1x16xf32>
        tpu.vector_store %arg6[%swap3A_899, %swap3A_900, %swap3A_901, %swap3A_902], %swap3A_905 {strides = array<i32>} : memref<4x2x100x128xf32, #tpu.memory_space<vmem>>, vector<1x1x1x16xf32>,
        %get3A_906 = arith.constant 0 : i32
        %get3A_907 = arith.constant 1 : i32
        %get3A_908 = arith.index_cast %get3A_906 : i32 to index
        %get3A_909 = arith.index_cast %get3A_907 : i32 to index
        %get3A_910 = arith.index_cast %scan3A_695 : i32 to index
        %get3A_911 = arith.constant 32 : index
        %get3A_912 = tpu.vector_load %arg6[%get3A_908, %get3A_909, %get3A_910, %get3A_911] {strides = array<i32>} : memref<4x2x100x128xf32, #tpu.memory_space<vmem>>, vector<1x1x1x16xf32>,
        %get3A_913 = vector.shape_cast %get3A_912 : vector<1x1x1x16xf32> to vector<16xf32>
        %add3A_914 = arith.addf %get3A_913, %get3A_706 : vector<16xf32>
        %swap3A_915 = arith.constant 0 : i32
        %swap3A_916 = arith.constant 1 : i32
        %swap3A_917 = arith.index_cast %swap3A_915 : i32 to index
        %swap3A_918 = arith.index_cast %swap3A_916 : i32 to index
        %swap3A_919 = arith.index_cast %scan3A_695 : i32 to index
        %swap3A_920 = arith.constant 32 : index
        %swap3A_921 = tpu.vector_load %arg6[%swap3A_917, %swap3A_918, %swap3A_919, %swap3A_920] {strides = array<i32>} : memref<4x2x100x128xf32, #tpu.memory_space<vmem>>, vector<1x1x1x16xf32>,
        %swap3A_922 = vector.shape_cast %swap3A_921 : vector<1x1x1x16xf32> to vector<16xf32>
        %swap3A_923 = vector.shape_cast %add3A_914 : vector<16xf32> to vector<1x1x1x16xf32>
        tpu.vector_store %arg6[%swap3A_917, %swap3A_918, %swap3A_919, %swap3A_920], %swap3A_923 {strides = array<i32>} : memref<4x2x100x128xf32, #tpu.memory_space<vmem>>, vector<1x1x1x16xf32>,
        %get3A_924 = arith.constant 0 : i32
        %get3A_925 = arith.constant 1 : i32
        %get3A_926 = arith.index_cast %get3A_924 : i32 to index
        %get3A_927 = arith.index_cast %get3A_925 : i32 to index
        %get3A_928 = arith.index_cast %scan3A_695 : i32 to index
        %get3A_929 = arith.constant 48 : index
        %get3A_930 = tpu.vector_load %arg6[%get3A_926, %get3A_927, %get3A_928, %get3A_929] {strides = array<i32>} : memref<4x2x100x128xf32, #tpu.memory_space<vmem>>, vector<1x1x1x16xf32>,
        %get3A_931 = vector.shape_cast %get3A_930 : vector<1x1x1x16xf32> to vector<16xf32>
        %add3A_932 = arith.addf %get3A_931, %get3A_710 : vector<16xf32>
        %swap3A_933 = arith.constant 0 : i32
        %swap3A_934 = arith.constant 1 : i32
        %swap3A_935 = arith.index_cast %swap3A_933 : i32 to index
        %swap3A_936 = arith.index_cast %swap3A_934 : i32 to index
        %swap3A_937 = arith.index_cast %scan3A_695 : i32 to index
        %swap3A_938 = arith.constant 48 : index
        %swap3A_939 = tpu.vector_load %arg6[%swap3A_935, %swap3A_936, %swap3A_937, %swap3A_938] {strides = array<i32>} : memref<4x2x100x128xf32, #tpu.memory_space<vmem>>, vector<1x1x1x16xf32>,
        %swap3A_940 = vector.shape_cast %swap3A_939 : vector<1x1x1x16xf32> to vector<16xf32>
        %swap3A_941 = vector.shape_cast %add3A_932 : vector<16xf32> to vector<1x1x1x16xf32>
        tpu.vector_store %arg6[%swap3A_935, %swap3A_936, %swap3A_937, %swap3A_938], %swap3A_941 {strides = array<i32>} : memref<4x2x100x128xf32, #tpu.memory_space<vmem>>, vector<1x1x1x16xf32>,
        %get3A_942 = arith.constant 0 : i32
        %get3A_943 = arith.constant 1 : i32
        %get3A_944 = arith.index_cast %get3A_942 : i32 to index
        %get3A_945 = arith.index_cast %get3A_943 : i32 to index
        %get3A_946 = arith.index_cast %scan3A_695 : i32 to index
        %get3A_947 = arith.constant 64 : index
        %get3A_948 = tpu.vector_load %arg6[%get3A_944, %get3A_945, %get3A_946, %get3A_947] {strides = array<i32>} : memref<4x2x100x128xf32, #tpu.memory_space<vmem>>, vector<1x1x1x16xf32>,
        %get3A_949 = vector.shape_cast %get3A_948 : vector<1x1x1x16xf32> to vector<16xf32>
        %add3A_950 = arith.addf %get3A_949, %get3A_714 : vector<16xf32>
        %swap3A_951 = arith.constant 0 : i32
        %swap3A_952 = arith.constant 1 : i32
        %swap3A_953 = arith.index_cast %swap3A_951 : i32 to index
        %swap3A_954 = arith.index_cast %swap3A_952 : i32 to index
        %swap3A_955 = arith.index_cast %scan3A_695 : i32 to index
        %swap3A_956 = arith.constant 64 : index
        %swap3A_957 = tpu.vector_load %arg6[%swap3A_953, %swap3A_954, %swap3A_955, %swap3A_956] {strides = array<i32>} : memref<4x2x100x128xf32, #tpu.memory_space<vmem>>, vector<1x1x1x16xf32>,
        %swap3A_958 = vector.shape_cast %swap3A_957 : vector<1x1x1x16xf32> to vector<16xf32>
        %swap3A_959 = vector.shape_cast %add3A_950 : vector<16xf32> to vector<1x1x1x16xf32>
        tpu.vector_store %arg6[%swap3A_953, %swap3A_954, %swap3A_955, %swap3A_956], %swap3A_959 {strides = array<i32>} : memref<4x2x100x128xf32, #tpu.memory_space<vmem>>, vector<1x1x1x16xf32>,
        %get3A_960 = arith.constant 0 : i32
        %get3A_961 = arith.constant 1 : i32
        %get3A_962 = arith.index_cast %get3A_960 : i32 to index
        %get3A_963 = arith.index_cast %get3A_961 : i32 to index
        %get3A_964 = arith.index_cast %scan3A_695 : i32 to index
        %get3A_965 = arith.constant 80 : index
        %get3A_966 = tpu.vector_load %arg6[%get3A_962, %get3A_963, %get3A_964, %get3A_965] {strides = array<i32>} : memref<4x2x100x128xf32, #tpu.memory_space<vmem>>, vector<1x1x1x16xf32>,
        %get3A_967 = vector.shape_cast %get3A_966 : vector<1x1x1x16xf32> to vector<16xf32>
        %add3A_968 = arith.addf %get3A_967, %get3A_718 : vector<16xf32>
        %swap3A_969 = arith.constant 0 : i32
        %swap3A_970 = arith.constant 1 : i32
        %swap3A_971 = arith.index_cast %swap3A_969 : i32 to index
        %swap3A_972 = arith.index_cast %swap3A_970 : i32 to index
        %swap3A_973 = arith.index_cast %scan3A_695 : i32 to index
        %swap3A_974 = arith.constant 80 : index
        %swap3A_975 = tpu.vector_load %arg6[%swap3A_971, %swap3A_972, %swap3A_973, %swap3A_974] {strides = array<i32>} : memref<4x2x100x128xf32, #tpu.memory_space<vmem>>, vector<1x1x1x16xf32>,
        %swap3A_976 = vector.shape_cast %swap3A_975 : vector<1x1x1x16xf32> to vector<16xf32>
        %swap3A_977 = vector.shape_cast %add3A_968 : vector<16xf32> to vector<1x1x1x16xf32>
        tpu.vector_store %arg6[%swap3A_971, %swap3A_972, %swap3A_973, %swap3A_974], %swap3A_977 {strides = array<i32>} : memref<4x2x100x128xf32, #tpu.memory_space<vmem>>, vector<1x1x1x16xf32>,
        %get3A_978 = arith.constant 0 : i32
        %get3A_979 = arith.constant 1 : i32
        %get3A_980 = arith.index_cast %get3A_978 : i32 to index
        %get3A_981 = arith.index_cast %get3A_979 : i32 to index
        %get3A_982 = arith.index_cast %scan3A_695 : i32 to index
        %get3A_983 = arith.constant 96 : index
        %get3A_984 = tpu.vector_load %arg6[%get3A_980, %get3A_981, %get3A_982, %get3A_983] {strides = array<i32>} : memref<4x2x100x128xf32, #tpu.memory_space<vmem>>, vector<1x1x1x16xf32>,
        %get3A_985 = vector.shape_cast %get3A_984 : vector<1x1x1x16xf32> to vector<16xf32>
        %add3A_986 = arith.addf %get3A_985, %get3A_722 : vector<16xf32>
        %swap3A_987 = arith.constant 0 : i32
        %swap3A_988 = arith.constant 1 : i32
        %swap3A_989 = arith.index_cast %swap3A_987 : i32 to index
        %swap3A_990 = arith.index_cast %swap3A_988 : i32 to index
        %swap3A_991 = arith.index_cast %scan3A_695 : i32 to index
        %swap3A_992 = arith.constant 96 : index
        %swap3A_993 = tpu.vector_load %arg6[%swap3A_989, %swap3A_990, %swap3A_991, %swap3A_992] {strides = array<i32>} : memref<4x2x100x128xf32, #tpu.memory_space<vmem>>, vector<1x1x1x16xf32>,
        %swap3A_994 = vector.shape_cast %swap3A_993 : vector<1x1x1x16xf32> to vector<16xf32>
        %swap3A_995 = vector.shape_cast %add3A_986 : vector<16xf32> to vector<1x1x1x16xf32>
        tpu.vector_store %arg6[%swap3A_989, %swap3A_990, %swap3A_991, %swap3A_992], %swap3A_995 {strides = array<i32>} : memref<4x2x100x128xf32, #tpu.memory_space<vmem>>, vector<1x1x1x16xf32>,
        %get3A_996 = arith.constant 0 : i32
        %get3A_997 = arith.constant 1 : i32
        %get3A_998 = arith.index_cast %get3A_996 : i32 to index
        %get3A_999 = arith.index_cast %get3A_997 : i32 to index
        %get3A_1000 = arith.index_cast %scan3A_695 : i32 to index
        %get3A_1001 = arith.constant 112 : index
        %get3A_1002 = tpu.vector_load %arg6[%get3A_998, %get3A_999, %get3A_1000, %get3A_1001] {strides = array<i32>} : memref<4x2x100x128xf32, #tpu.memory_space<vmem>>, vector<1x1x1x16xf32>,
        %get3A_1003 = vector.shape_cast %get3A_1002 : vector<1x1x1x16xf32> to vector<16xf32>
        %add3A_1004 = arith.addf %get3A_1003, %get3A_726 : vector<16xf32>
        %swap3A_1005 = arith.constant 0 : i32
        %swap3A_1006 = arith.constant 1 : i32
        %swap3A_1007 = arith.index_cast %swap3A_1005 : i32 to index
        %swap3A_1008 = arith.index_cast %swap3A_1006 : i32 to index
        %swap3A_1009 = arith.index_cast %scan3A_695 : i32 to index
        %swap3A_1010 = arith.constant 112 : index
        %swap3A_1011 = tpu.vector_load %arg6[%swap3A_1007, %swap3A_1008, %swap3A_1009, %swap3A_1010] {strides = array<i32>} : memref<4x2x100x128xf32, #tpu.memory_space<vmem>>, vector<1x1x1x16xf32>,
        %swap3A_1012 = vector.shape_cast %swap3A_1011 : vector<1x1x1x16xf32> to vector<16xf32>
        %swap3A_1013 = vector.shape_cast %add3A_1004 : vector<16xf32> to vector<1x1x1x16xf32>
        tpu.vector_store %arg6[%swap3A_1007, %swap3A_1008, %swap3A_1009, %swap3A_1010], %swap3A_1013 {strides = array<i32>} : memref<4x2x100x128xf32, #tpu.memory_space<vmem>>, vector<1x1x1x16xf32>,
      }
      %scan3A_363 = arith.constant 100 : i32
      %mul3A_364 = arith.constant 2 : i32
      %mul3A_365 = arith.muli %add3A_338, %mul3A_364 : i32
      %add3A_366 = arith.addi %mul3A_2, %mul3A_365 : i32
      %dma_start3A_367 = arith.constant 0 : i32
      %dma_start3A_368 = arith.constant 0 : i32
      %dma_start3A_369 = arith.constant 0 : i32
      %dma_start3A_370 = arith.constant 0 : i32
      %dma_start3A_371 = tpu.memref_slice %arg6[%dma_start3A_367, %dma_start3A_368, %dma_start3A_369, %dma_start3A_370] : memref<4x2x100x128xf32, #tpu.memory_space<vmem>> -> memref<1x2x100x128xf32, #tpu.memory_space<vmem>>
      %dma_start3A_372 = tpu.memref_squeeze %dma_start3A_371 : memref<1x2x100x128xf32, #tpu.memory_space<vmem>> -> memref<2x100x128xf32, #tpu.memory_space<vmem>>
      %dma_start3A_373 = arith.constant 0 : i32
      %dma_start3A_374 = arith.constant 0 : i32
      %dma_start3A_375 = tpu.memref_slice %arg4[%add3A_366, %dma_start3A_373, %dma_start3A_374] : memref<1024x100x128xf32, #tpu.memory_space<hbm>> -> memref<2x100x128xf32, #tpu.memory_space<hbm>>
      %dma_start3A_376 = arith.constant 0 : i32
      %dma_start3A_377 = arith.constant 0 : i32
      %dma_start3A_378 = tpu.memref_slice %arg4[%add3A_366, %dma_start3A_376, %dma_start3A_377] : memref<1024x100x128xf32, #tpu.memory_space<hbm>> -> memref<2x100x128xf32, #tpu.memory_space<hbm>>
      %dma_start3A_379 = arith.constant 0 : i32
      %dma_start3A_380 = arith.constant 0 : i32
      %dma_start3A_381 = arith.constant 0 : i32
      %dma_start3A_382 = tpu.memref_slice %arg6[%dma_start3A_367, %dma_start3A_379, %dma_start3A_380, %dma_start3A_381] : memref<4x2x100x128xf32, #tpu.memory_space<vmem>> -> memref<1x2x100x128xf32, #tpu.memory_space<vmem>>
      %dma_start3A_383 = tpu.memref_squeeze %dma_start3A_382 : memref<1x2x100x128xf32, #tpu.memory_space<vmem>> -> memref<2x100x128xf32, #tpu.memory_space<vmem>>
      tpu.enqueue_dma source(%dma_start3A_383 : memref<2x100x128xf32, #tpu.memory_space<vmem>>) target(%dma_start3A_378 : memref<2x100x128xf32, #tpu.memory_space<hbm>>) target_semaphore(%arg11 : memref<!tpu.dma_semaphore, #tpu.memory_space<semaphore_mem>>)
      %dma_wait3A_384 = arith.constant 0 : i32
      %dma_wait3A_385 = arith.constant 0 : i32
      %dma_wait3A_386 = arith.constant 0 : i32
      %dma_wait3A_387 = arith.constant 0 : i32
      %dma_wait3A_388 = tpu.memref_slice %arg6[%dma_wait3A_384, %dma_wait3A_385, %dma_wait3A_386, %dma_wait3A_387] : memref<4x2x100x128xf32, #tpu.memory_space<vmem>> -> memref<1x2x100x128xf32, #tpu.memory_space<vmem>>
      %dma_wait3A_389 = tpu.memref_squeeze %dma_wait3A_388 : memref<1x2x100x128xf32, #tpu.memory_space<vmem>> -> memref<2x100x128xf32, #tpu.memory_space<vmem>>
      %dma_wait3A_390 = arith.constant 0 : i32
      %dma_wait3A_391 = arith.constant 0 : i32
      %dma_wait3A_392 = arith.constant 0 : i32
      %dma_wait3A_393 = tpu.memref_slice %arg4[%dma_wait3A_390, %dma_wait3A_391, %dma_wait3A_392] : memref<1024x100x128xf32, #tpu.memory_space<hbm>> -> memref<2x100x128xf32, #tpu.memory_space<hbm>>
      %dma_wait3A_394 = arith.constant 0 : i32
      %dma_wait3A_395 = arith.constant 0 : i32
      %dma_wait3A_396 = arith.constant 0 : i32
      %dma_wait3A_397 = tpu.memref_slice %arg4[%dma_wait3A_394, %dma_wait3A_395, %dma_wait3A_396] : memref<1024x100x128xf32, #tpu.memory_space<hbm>> -> memref<2x100x128xf32, #tpu.memory_space<hbm>>
      %dma_wait3A_398 = arith.constant 0 : i32
      %dma_wait3A_399 = arith.constant 0 : i32
      %dma_wait3A_400 = arith.constant 0 : i32
      %dma_wait3A_401 = tpu.memref_slice %arg6[%dma_wait3A_384, %dma_wait3A_398, %dma_wait3A_399, %dma_wait3A_400] : memref<4x2x100x128xf32, #tpu.memory_space<vmem>> -> memref<1x2x100x128xf32, #tpu.memory_space<vmem>>
      %dma_wait3A_402 = tpu.memref_squeeze %dma_wait3A_401 : memref<1x2x100x128xf32, #tpu.memory_space<vmem>> -> memref<2x100x128xf32, #tpu.memory_space<vmem>>
      tpu.wait_dma2 semaphore(%arg11 : memref<!tpu.dma_semaphore, #tpu.memory_space<semaphore_mem>>) src(%dma_wait3A_402 : memref<2x100x128xf32, #tpu.memory_space<vmem>>) dst(%dma_wait3A_397 : memref<2x100x128xf32, #tpu.memory_space<hbm>>)
      %add3A_403 = arith.constant 4 : i32
      %add3A_404 = arith.addi %add3A_338, %add3A_403 : i32
      %mul3A_405 = arith.constant 2 : i32
      %mul3A_406 = arith.muli %add3A_404, %mul3A_405 : i32
      %add3A_407 = arith.addi %mul3A_2, %mul3A_406 : i32
      %dma_start3A_408 = arith.constant 0 : i32
      %dma_start3A_409 = arith.constant 0 : i32
      %dma_start3A_410 = arith.constant 0 : i32
      %dma_start3A_411 = arith.constant 0 : i32
      %dma_start3A_412 = tpu.memref_slice %arg6[%dma_start3A_408, %dma_start3A_409, %dma_start3A_410, %dma_start3A_411] : memref<4x2x100x128xf32, #tpu.memory_space<vmem>> -> memref<1x2x100x128xf32, #tpu.memory_space<vmem>>
      %dma_start3A_413 = tpu.memref_squeeze %dma_start3A_412 : memref<1x2x100x128xf32, #tpu.memory_space<vmem>> -> memref<2x100x128xf32, #tpu.memory_space<vmem>>
      %dma_start3A_414 = arith.constant 0 : i32
      %dma_start3A_415 = arith.constant 0 : i32
      %dma_start3A_416 = tpu.memref_slice %arg2[%add3A_407, %dma_start3A_414, %dma_start3A_415] : memref<1024x100x128xf32, #tpu.memory_space<hbm>> -> memref<2x100x128xf32, #tpu.memory_space<hbm>>
      %dma_start3A_417 = arith.constant 0 : i32
      %dma_start3A_418 = arith.constant 0 : i32
      %dma_start3A_419 = arith.constant 0 : i32
      %dma_start3A_420 = tpu.memref_slice %arg6[%dma_start3A_408, %dma_start3A_417, %dma_start3A_418, %dma_start3A_419] : memref<4x2x100x128xf32, #tpu.memory_space<vmem>> -> memref<1x2x100x128xf32, #tpu.memory_space<vmem>>
      %dma_start3A_421 = tpu.memref_squeeze %dma_start3A_420 : memref<1x2x100x128xf32, #tpu.memory_space<vmem>> -> memref<2x100x128xf32, #tpu.memory_space<vmem>>
      %dma_start3A_422 = arith.constant 0 : i32
      %dma_start3A_423 = arith.constant 0 : i32
      %dma_start3A_424 = tpu.memref_slice %arg2[%add3A_407, %dma_start3A_422, %dma_start3A_423] : memref<1024x100x128xf32, #tpu.memory_space<hbm>> -> memref<2x100x128xf32, #tpu.memory_space<hbm>>
      tpu.enqueue_dma source(%dma_start3A_424 : memref<2x100x128xf32, #tpu.memory_space<hbm>>) target(%dma_start3A_421 : memref<2x100x128xf32, #tpu.memory_space<vmem>>) target_semaphore(%arg7 : memref<!tpu.dma_semaphore, #tpu.memory_space<semaphore_mem>>)
      %mul3A_425 = arith.constant 4 : i32
      %mul3A_426 = arith.muli %scan3A_334, %mul3A_425 : i32
      %add3A_427 = arith.constant 1 : i32
      %add3A_428 = arith.addi %mul3A_426, %add3A_427 : i32
      %dma_wait3A_429 = arith.constant 1 : i32
      %dma_wait3A_430 = arith.constant 0 : i32
      %dma_wait3A_431 = arith.constant 0 : i32
      %dma_wait3A_432 = arith.constant 0 : i32
      %dma_wait3A_433 = tpu.memref_slice %arg6[%dma_wait3A_429, %dma_wait3A_430, %dma_wait3A_431, %dma_wait3A_432] : memref<4x2x100x128xf32, #tpu.memory_space<vmem>> -> memref<1x2x100x128xf32, #tpu.memory_space<vmem>>
      %dma_wait3A_434 = tpu.memref_squeeze %dma_wait3A_433 : memref<1x2x100x128xf32, #tpu.memory_space<vmem>> -> memref<2x100x128xf32, #tpu.memory_space<vmem>>
      %dma_wait3A_435 = arith.constant 0 : i32
      %dma_wait3A_436 = arith.constant 0 : i32
      %dma_wait3A_437 = arith.constant 0 : i32
      %dma_wait3A_438 = tpu.memref_slice %arg2[%dma_wait3A_435, %dma_wait3A_436, %dma_wait3A_437] : memref<1024x100x128xf32, #tpu.memory_space<hbm>> -> memref<2x100x128xf32, #tpu.memory_space<hbm>>
      %dma_wait3A_439 = arith.constant 0 : i32
      %dma_wait3A_440 = arith.constant 0 : i32
      %dma_wait3A_441 = arith.constant 0 : i32
      %dma_wait3A_442 = tpu.memref_slice %arg6[%dma_wait3A_429, %dma_wait3A_439, %dma_wait3A_440, %dma_wait3A_441] : memref<4x2x100x128xf32, #tpu.memory_space<vmem>> -> memref<1x2x100x128xf32, #tpu.memory_space<vmem>>
      %dma_wait3A_443 = tpu.memref_squeeze %dma_wait3A_442 : memref<1x2x100x128xf32, #tpu.memory_space<vmem>> -> memref<2x100x128xf32, #tpu.memory_space<vmem>>
      %dma_wait3A_444 = arith.constant 0 : i32
      %dma_wait3A_445 = arith.constant 0 : i32
      %dma_wait3A_446 = arith.constant 0 : i32
      %dma_wait3A_447 = tpu.memref_slice %arg2[%dma_wait3A_444, %dma_wait3A_445, %dma_wait3A_446] : memref<1024x100x128xf32, #tpu.memory_space<hbm>> -> memref<2x100x128xf32, #tpu.memory_space<hbm>>
      tpu.wait_dma2 semaphore(%arg8 : memref<!tpu.dma_semaphore, #tpu.memory_space<semaphore_mem>>) src(%dma_wait3A_447 : memref<2x100x128xf32, #tpu.memory_space<hbm>>) dst(%dma_wait3A_443 : memref<2x100x128xf32, #tpu.memory_space<vmem>>)
      %scan3A_448 = arith.constant 0 : i32
      %scan3A_449 = arith.constant 0 : i32
      %scan3A_450 = arith.constant 100 : i32
      %scan3A_451 = arith.addi %scan3A_449, %scan3A_450 : i32
      %scan3A_452 = arith.constant 1 : i32
      scf.for %scan3A_695 = %scan3A_449 to %scan3A_451 step %scan3A_452  : i32 {
        %get3A = arith.index_cast %scan3A_695 : i32 to index
        %get3A_696 = arith.constant 0 : index
        %get3A_697 = tpu.vector_load %arg5[%get3A, %get3A_696] {strides = array<i32>} : memref<100x128xf32, #tpu.memory_space<vmem>>, vector<1x16xf32>,
        %get3A_698 = vector.shape_cast %get3A_697 : vector<1x16xf32> to vector<16xf32>
        %get3A_699 = arith.index_cast %scan3A_695 : i32 to index
        %get3A_700 = arith.constant 16 : index
        %get3A_701 = tpu.vector_load %arg5[%get3A_699, %get3A_700] {strides = array<i32>} : memref<100x128xf32, #tpu.memory_space<vmem>>, vector<1x16xf32>,
        %get3A_702 = vector.shape_cast %get3A_701 : vector<1x16xf32> to vector<16xf32>
        %get3A_703 = arith.index_cast %scan3A_695 : i32 to index
        %get3A_704 = arith.constant 32 : index
        %get3A_705 = tpu.vector_load %arg5[%get3A_703, %get3A_704] {strides = array<i32>} : memref<100x128xf32, #tpu.memory_space<vmem>>, vector<1x16xf32>,
        %get3A_706 = vector.shape_cast %get3A_705 : vector<1x16xf32> to vector<16xf32>
        %get3A_707 = arith.index_cast %scan3A_695 : i32 to index
        %get3A_708 = arith.constant 48 : index
        %get3A_709 = tpu.vector_load %arg5[%get3A_707, %get3A_708] {strides = array<i32>} : memref<100x128xf32, #tpu.memory_space<vmem>>, vector<1x16xf32>,
        %get3A_710 = vector.shape_cast %get3A_709 : vector<1x16xf32> to vector<16xf32>
        %get3A_711 = arith.index_cast %scan3A_695 : i32 to index
        %get3A_712 = arith.constant 64 : index
        %get3A_713 = tpu.vector_load %arg5[%get3A_711, %get3A_712] {strides = array<i32>} : memref<100x128xf32, #tpu.memory_space<vmem>>, vector<1x16xf32>,
        %get3A_714 = vector.shape_cast %get3A_713 : vector<1x16xf32> to vector<16xf32>
        %get3A_715 = arith.index_cast %scan3A_695 : i32 to index
        %get3A_716 = arith.constant 80 : index
        %get3A_717 = tpu.vector_load %arg5[%get3A_715, %get3A_716] {strides = array<i32>} : memref<100x128xf32, #tpu.memory_space<vmem>>, vector<1x16xf32>,
        %get3A_718 = vector.shape_cast %get3A_717 : vector<1x16xf32> to vector<16xf32>
        %get3A_719 = arith.index_cast %scan3A_695 : i32 to index
        %get3A_720 = arith.constant 96 : index
        %get3A_721 = tpu.vector_load %arg5[%get3A_719, %get3A_720] {strides = array<i32>} : memref<100x128xf32, #tpu.memory_space<vmem>>, vector<1x16xf32>,
        %get3A_722 = vector.shape_cast %get3A_721 : vector<1x16xf32> to vector<16xf32>
        %get3A_723 = arith.index_cast %scan3A_695 : i32 to index
        %get3A_724 = arith.constant 112 : index
        %get3A_725 = tpu.vector_load %arg5[%get3A_723, %get3A_724] {strides = array<i32>} : memref<100x128xf32, #tpu.memory_space<vmem>>, vector<1x16xf32>,
        %get3A_726 = vector.shape_cast %get3A_725 : vector<1x16xf32> to vector<16xf32>
        %get3A_727 = arith.constant 1 : i32
        %get3A_728 = arith.constant 0 : i32
        %get3A_729 = arith.index_cast %get3A_727 : i32 to index
        %get3A_730 = arith.index_cast %get3A_728 : i32 to index
        %get3A_731 = arith.index_cast %scan3A_695 : i32 to index
        %get3A_732 = arith.constant 0 : index
        %get3A_733 = tpu.vector_load %arg6[%get3A_729, %get3A_730, %get3A_731, %get3A_732] {strides = array<i32>} : memref<4x2x100x128xf32, #tpu.memory_space<vmem>>, vector<1x1x1x16xf32>,
        %get3A_734 = vector.shape_cast %get3A_733 : vector<1x1x1x16xf32> to vector<16xf32>
        %add3A_735 = arith.addf %get3A_734, %get3A_698 : vector<16xf32>
        %swap3A = arith.constant 1 : i32
        %swap3A_736 = arith.constant 0 : i32
        %swap3A_737 = arith.index_cast %swap3A : i32 to index
        %swap3A_738 = arith.index_cast %swap3A_736 : i32 to index
        %swap3A_739 = arith.index_cast %scan3A_695 : i32 to index
        %swap3A_740 = arith.constant 0 : index
        %swap3A_741 = tpu.vector_load %arg6[%swap3A_737, %swap3A_738, %swap3A_739, %swap3A_740] {strides = array<i32>} : memref<4x2x100x128xf32, #tpu.memory_space<vmem>>, vector<1x1x1x16xf32>,
        %swap3A_742 = vector.shape_cast %swap3A_741 : vector<1x1x1x16xf32> to vector<16xf32>
        %swap3A_743 = vector.shape_cast %add3A_735 : vector<16xf32> to vector<1x1x1x16xf32>
        tpu.vector_store %arg6[%swap3A_737, %swap3A_738, %swap3A_739, %swap3A_740], %swap3A_743 {strides = array<i32>} : memref<4x2x100x128xf32, #tpu.memory_space<vmem>>, vector<1x1x1x16xf32>,
        %get3A_744 = arith.constant 1 : i32
        %get3A_745 = arith.constant 0 : i32
        %get3A_746 = arith.index_cast %get3A_744 : i32 to index
        %get3A_747 = arith.index_cast %get3A_745 : i32 to index
        %get3A_748 = arith.index_cast %scan3A_695 : i32 to index
        %get3A_749 = arith.constant 16 : index
        %get3A_750 = tpu.vector_load %arg6[%get3A_746, %get3A_747, %get3A_748, %get3A_749] {strides = array<i32>} : memref<4x2x100x128xf32, #tpu.memory_space<vmem>>, vector<1x1x1x16xf32>,
        %get3A_751 = vector.shape_cast %get3A_750 : vector<1x1x1x16xf32> to vector<16xf32>
        %add3A_752 = arith.addf %get3A_751, %get3A_702 : vector<16xf32>
        %swap3A_753 = arith.constant 1 : i32
        %swap3A_754 = arith.constant 0 : i32
        %swap3A_755 = arith.index_cast %swap3A_753 : i32 to index
        %swap3A_756 = arith.index_cast %swap3A_754 : i32 to index
        %swap3A_757 = arith.index_cast %scan3A_695 : i32 to index
        %swap3A_758 = arith.constant 16 : index
        %swap3A_759 = tpu.vector_load %arg6[%swap3A_755, %swap3A_756, %swap3A_757, %swap3A_758] {strides = array<i32>} : memref<4x2x100x128xf32, #tpu.memory_space<vmem>>, vector<1x1x1x16xf32>,
        %swap3A_760 = vector.shape_cast %swap3A_759 : vector<1x1x1x16xf32> to vector<16xf32>
        %swap3A_761 = vector.shape_cast %add3A_752 : vector<16xf32> to vector<1x1x1x16xf32>
        tpu.vector_store %arg6[%swap3A_755, %swap3A_756, %swap3A_757, %swap3A_758], %swap3A_761 {strides = array<i32>} : memref<4x2x100x128xf32, #tpu.memory_space<vmem>>, vector<1x1x1x16xf32>,
        %get3A_762 = arith.constant 1 : i32
        %get3A_763 = arith.constant 0 : i32
        %get3A_764 = arith.index_cast %get3A_762 : i32 to index
        %get3A_765 = arith.index_cast %get3A_763 : i32 to index
        %get3A_766 = arith.index_cast %scan3A_695 : i32 to index
        %get3A_767 = arith.constant 32 : index
        %get3A_768 = tpu.vector_load %arg6[%get3A_764, %get3A_765, %get3A_766, %get3A_767] {strides = array<i32>} : memref<4x2x100x128xf32, #tpu.memory_space<vmem>>, vector<1x1x1x16xf32>,
        %get3A_769 = vector.shape_cast %get3A_768 : vector<1x1x1x16xf32> to vector<16xf32>
        %add3A_770 = arith.addf %get3A_769, %get3A_706 : vector<16xf32>
        %swap3A_771 = arith.constant 1 : i32
        %swap3A_772 = arith.constant 0 : i32
        %swap3A_773 = arith.index_cast %swap3A_771 : i32 to index
        %swap3A_774 = arith.index_cast %swap3A_772 : i32 to index
        %swap3A_775 = arith.index_cast %scan3A_695 : i32 to index
        %swap3A_776 = arith.constant 32 : index
        %swap3A_777 = tpu.vector_load %arg6[%swap3A_773, %swap3A_774, %swap3A_775, %swap3A_776] {strides = array<i32>} : memref<4x2x100x128xf32, #tpu.memory_space<vmem>>, vector<1x1x1x16xf32>,
        %swap3A_778 = vector.shape_cast %swap3A_777 : vector<1x1x1x16xf32> to vector<16xf32>
        %swap3A_779 = vector.shape_cast %add3A_770 : vector<16xf32> to vector<1x1x1x16xf32>
        tpu.vector_store %arg6[%swap3A_773, %swap3A_774, %swap3A_775, %swap3A_776], %swap3A_779 {strides = array<i32>} : memref<4x2x100x128xf32, #tpu.memory_space<vmem>>, vector<1x1x1x16xf32>,
        %get3A_780 = arith.constant 1 : i32
        %get3A_781 = arith.constant 0 : i32
        %get3A_782 = arith.index_cast %get3A_780 : i32 to index
        %get3A_783 = arith.index_cast %get3A_781 : i32 to index
        %get3A_784 = arith.index_cast %scan3A_695 : i32 to index
        %get3A_785 = arith.constant 48 : index
        %get3A_786 = tpu.vector_load %arg6[%get3A_782, %get3A_783, %get3A_784, %get3A_785] {strides = array<i32>} : memref<4x2x100x128xf32, #tpu.memory_space<vmem>>, vector<1x1x1x16xf32>,
        %get3A_787 = vector.shape_cast %get3A_786 : vector<1x1x1x16xf32> to vector<16xf32>
        %add3A_788 = arith.addf %get3A_787, %get3A_710 : vector<16xf32>
        %swap3A_789 = arith.constant 1 : i32
        %swap3A_790 = arith.constant 0 : i32
        %swap3A_791 = arith.index_cast %swap3A_789 : i32 to index
        %swap3A_792 = arith.index_cast %swap3A_790 : i32 to index
        %swap3A_793 = arith.index_cast %scan3A_695 : i32 to index
        %swap3A_794 = arith.constant 48 : index
        %swap3A_795 = tpu.vector_load %arg6[%swap3A_791, %swap3A_792, %swap3A_793, %swap3A_794] {strides = array<i32>} : memref<4x2x100x128xf32, #tpu.memory_space<vmem>>, vector<1x1x1x16xf32>,
        %swap3A_796 = vector.shape_cast %swap3A_795 : vector<1x1x1x16xf32> to vector<16xf32>
        %swap3A_797 = vector.shape_cast %add3A_788 : vector<16xf32> to vector<1x1x1x16xf32>
        tpu.vector_store %arg6[%swap3A_791, %swap3A_792, %swap3A_793, %swap3A_794], %swap3A_797 {strides = array<i32>} : memref<4x2x100x128xf32, #tpu.memory_space<vmem>>, vector<1x1x1x16xf32>,
        %get3A_798 = arith.constant 1 : i32
        %get3A_799 = arith.constant 0 : i32
        %get3A_800 = arith.index_cast %get3A_798 : i32 to index
        %get3A_801 = arith.index_cast %get3A_799 : i32 to index
        %get3A_802 = arith.index_cast %scan3A_695 : i32 to index
        %get3A_803 = arith.constant 64 : index
        %get3A_804 = tpu.vector_load %arg6[%get3A_800, %get3A_801, %get3A_802, %get3A_803] {strides = array<i32>} : memref<4x2x100x128xf32, #tpu.memory_space<vmem>>, vector<1x1x1x16xf32>,
        %get3A_805 = vector.shape_cast %get3A_804 : vector<1x1x1x16xf32> to vector<16xf32>
        %add3A_806 = arith.addf %get3A_805, %get3A_714 : vector<16xf32>
        %swap3A_807 = arith.constant 1 : i32
        %swap3A_808 = arith.constant 0 : i32
        %swap3A_809 = arith.index_cast %swap3A_807 : i32 to index
        %swap3A_810 = arith.index_cast %swap3A_808 : i32 to index
        %swap3A_811 = arith.index_cast %scan3A_695 : i32 to index
        %swap3A_812 = arith.constant 64 : index
        %swap3A_813 = tpu.vector_load %arg6[%swap3A_809, %swap3A_810, %swap3A_811, %swap3A_812] {strides = array<i32>} : memref<4x2x100x128xf32, #tpu.memory_space<vmem>>, vector<1x1x1x16xf32>,
        %swap3A_814 = vector.shape_cast %swap3A_813 : vector<1x1x1x16xf32> to vector<16xf32>
        %swap3A_815 = vector.shape_cast %add3A_806 : vector<16xf32> to vector<1x1x1x16xf32>
        tpu.vector_store %arg6[%swap3A_809, %swap3A_810, %swap3A_811, %swap3A_812], %swap3A_815 {strides = array<i32>} : memref<4x2x100x128xf32, #tpu.memory_space<vmem>>, vector<1x1x1x16xf32>,
        %get3A_816 = arith.constant 1 : i32
        %get3A_817 = arith.constant 0 : i32
        %get3A_818 = arith.index_cast %get3A_816 : i32 to index
        %get3A_819 = arith.index_cast %get3A_817 : i32 to index
        %get3A_820 = arith.index_cast %scan3A_695 : i32 to index
        %get3A_821 = arith.constant 80 : index
        %get3A_822 = tpu.vector_load %arg6[%get3A_818, %get3A_819, %get3A_820, %get3A_821] {strides = array<i32>} : memref<4x2x100x128xf32, #tpu.memory_space<vmem>>, vector<1x1x1x16xf32>,
        %get3A_823 = vector.shape_cast %get3A_822 : vector<1x1x1x16xf32> to vector<16xf32>
        %add3A_824 = arith.addf %get3A_823, %get3A_718 : vector<16xf32>
        %swap3A_825 = arith.constant 1 : i32
        %swap3A_826 = arith.constant 0 : i32
        %swap3A_827 = arith.index_cast %swap3A_825 : i32 to index
        %swap3A_828 = arith.index_cast %swap3A_826 : i32 to index
        %swap3A_829 = arith.index_cast %scan3A_695 : i32 to index
        %swap3A_830 = arith.constant 80 : index
        %swap3A_831 = tpu.vector_load %arg6[%swap3A_827, %swap3A_828, %swap3A_829, %swap3A_830] {strides = array<i32>} : memref<4x2x100x128xf32, #tpu.memory_space<vmem>>, vector<1x1x1x16xf32>,
        %swap3A_832 = vector.shape_cast %swap3A_831 : vector<1x1x1x16xf32> to vector<16xf32>
        %swap3A_833 = vector.shape_cast %add3A_824 : vector<16xf32> to vector<1x1x1x16xf32>
        tpu.vector_store %arg6[%swap3A_827, %swap3A_828, %swap3A_829, %swap3A_830], %swap3A_833 {strides = array<i32>} : memref<4x2x100x128xf32, #tpu.memory_space<vmem>>, vector<1x1x1x16xf32>,
        %get3A_834 = arith.constant 1 : i32
        %get3A_835 = arith.constant 0 : i32
        %get3A_836 = arith.index_cast %get3A_834 : i32 to index
        %get3A_837 = arith.index_cast %get3A_835 : i32 to index
        %get3A_838 = arith.index_cast %scan3A_695 : i32 to index
        %get3A_839 = arith.constant 96 : index
        %get3A_840 = tpu.vector_load %arg6[%get3A_836, %get3A_837, %get3A_838, %get3A_839] {strides = array<i32>} : memref<4x2x100x128xf32, #tpu.memory_space<vmem>>, vector<1x1x1x16xf32>,
        %get3A_841 = vector.shape_cast %get3A_840 : vector<1x1x1x16xf32> to vector<16xf32>
        %add3A_842 = arith.addf %get3A_841, %get3A_722 : vector<16xf32>
        %swap3A_843 = arith.constant 1 : i32
        %swap3A_844 = arith.constant 0 : i32
        %swap3A_845 = arith.index_cast %swap3A_843 : i32 to index
        %swap3A_846 = arith.index_cast %swap3A_844 : i32 to index
        %swap3A_847 = arith.index_cast %scan3A_695 : i32 to index
        %swap3A_848 = arith.constant 96 : index
        %swap3A_849 = tpu.vector_load %arg6[%swap3A_845, %swap3A_846, %swap3A_847, %swap3A_848] {strides = array<i32>} : memref<4x2x100x128xf32, #tpu.memory_space<vmem>>, vector<1x1x1x16xf32>,
        %swap3A_850 = vector.shape_cast %swap3A_849 : vector<1x1x1x16xf32> to vector<16xf32>
        %swap3A_851 = vector.shape_cast %add3A_842 : vector<16xf32> to vector<1x1x1x16xf32>
        tpu.vector_store %arg6[%swap3A_845, %swap3A_846, %swap3A_847, %swap3A_848], %swap3A_851 {strides = array<i32>} : memref<4x2x100x128xf32, #tpu.memory_space<vmem>>, vector<1x1x1x16xf32>,
        %get3A_852 = arith.constant 1 : i32
        %get3A_853 = arith.constant 0 : i32
        %get3A_854 = arith.index_cast %get3A_852 : i32 to index
        %get3A_855 = arith.index_cast %get3A_853 : i32 to index
        %get3A_856 = arith.index_cast %scan3A_695 : i32 to index
        %get3A_857 = arith.constant 112 : index
        %get3A_858 = tpu.vector_load %arg6[%get3A_854, %get3A_855, %get3A_856, %get3A_857] {strides = array<i32>} : memref<4x2x100x128xf32, #tpu.memory_space<vmem>>, vector<1x1x1x16xf32>,
        %get3A_859 = vector.shape_cast %get3A_858 : vector<1x1x1x16xf32> to vector<16xf32>
        %add3A_860 = arith.addf %get3A_859, %get3A_726 : vector<16xf32>
        %swap3A_861 = arith.constant 1 : i32
        %swap3A_862 = arith.constant 0 : i32
        %swap3A_863 = arith.index_cast %swap3A_861 : i32 to index
        %swap3A_864 = arith.index_cast %swap3A_862 : i32 to index
        %swap3A_865 = arith.index_cast %scan3A_695 : i32 to index
        %swap3A_866 = arith.constant 112 : index
        %swap3A_867 = tpu.vector_load %arg6[%swap3A_863, %swap3A_864, %swap3A_865, %swap3A_866] {strides = array<i32>} : memref<4x2x100x128xf32, #tpu.memory_space<vmem>>, vector<1x1x1x16xf32>,
        %swap3A_868 = vector.shape_cast %swap3A_867 : vector<1x1x1x16xf32> to vector<16xf32>
        %swap3A_869 = vector.shape_cast %add3A_860 : vector<16xf32> to vector<1x1x1x16xf32>
        tpu.vector_store %arg6[%swap3A_863, %swap3A_864, %swap3A_865, %swap3A_866], %swap3A_869 {strides = array<i32>} : memref<4x2x100x128xf32, #tpu.memory_space<vmem>>, vector<1x1x1x16xf32>,
        %get3A_870 = arith.constant 1 : i32
        %get3A_871 = arith.constant 1 : i32
        %get3A_872 = arith.index_cast %get3A_870 : i32 to index
        %get3A_873 = arith.index_cast %get3A_871 : i32 to index
        %get3A_874 = arith.index_cast %scan3A_695 : i32 to index
        %get3A_875 = arith.constant 0 : index
        %get3A_876 = tpu.vector_load %arg6[%get3A_872, %get3A_873, %get3A_874, %get3A_875] {strides = array<i32>} : memref<4x2x100x128xf32, #tpu.memory_space<vmem>>, vector<1x1x1x16xf32>,
        %get3A_877 = vector.shape_cast %get3A_876 : vector<1x1x1x16xf32> to vector<16xf32>
        %add3A_878 = arith.addf %get3A_877, %get3A_698 : vector<16xf32>
        %swap3A_879 = arith.constant 1 : i32
        %swap3A_880 = arith.constant 1 : i32
        %swap3A_881 = arith.index_cast %swap3A_879 : i32 to index
        %swap3A_882 = arith.index_cast %swap3A_880 : i32 to index
        %swap3A_883 = arith.index_cast %scan3A_695 : i32 to index
        %swap3A_884 = arith.constant 0 : index
        %swap3A_885 = tpu.vector_load %arg6[%swap3A_881, %swap3A_882, %swap3A_883, %swap3A_884] {strides = array<i32>} : memref<4x2x100x128xf32, #tpu.memory_space<vmem>>, vector<1x1x1x16xf32>,
        %swap3A_886 = vector.shape_cast %swap3A_885 : vector<1x1x1x16xf32> to vector<16xf32>
        %swap3A_887 = vector.shape_cast %add3A_878 : vector<16xf32> to vector<1x1x1x16xf32>
        tpu.vector_store %arg6[%swap3A_881, %swap3A_882, %swap3A_883, %swap3A_884], %swap3A_887 {strides = array<i32>} : memref<4x2x100x128xf32, #tpu.memory_space<vmem>>, vector<1x1x1x16xf32>,
        %get3A_888 = arith.constant 1 : i32
        %get3A_889 = arith.constant 1 : i32
        %get3A_890 = arith.index_cast %get3A_888 : i32 to index
        %get3A_891 = arith.index_cast %get3A_889 : i32 to index
        %get3A_892 = arith.index_cast %scan3A_695 : i32 to index
        %get3A_893 = arith.constant 16 : index
        %get3A_894 = tpu.vector_load %arg6[%get3A_890, %get3A_891, %get3A_892, %get3A_893] {strides = array<i32>} : memref<4x2x100x128xf32, #tpu.memory_space<vmem>>, vector<1x1x1x16xf32>,
        %get3A_895 = vector.shape_cast %get3A_894 : vector<1x1x1x16xf32> to vector<16xf32>
        %add3A_896 = arith.addf %get3A_895, %get3A_702 : vector<16xf32>
        %swap3A_897 = arith.constant 1 : i32
        %swap3A_898 = arith.constant 1 : i32
        %swap3A_899 = arith.index_cast %swap3A_897 : i32 to index
        %swap3A_900 = arith.index_cast %swap3A_898 : i32 to index
        %swap3A_901 = arith.index_cast %scan3A_695 : i32 to index
        %swap3A_902 = arith.constant 16 : index
        %swap3A_903 = tpu.vector_load %arg6[%swap3A_899, %swap3A_900, %swap3A_901, %swap3A_902] {strides = array<i32>} : memref<4x2x100x128xf32, #tpu.memory_space<vmem>>, vector<1x1x1x16xf32>,
        %swap3A_904 = vector.shape_cast %swap3A_903 : vector<1x1x1x16xf32> to vector<16xf32>
        %swap3A_905 = vector.shape_cast %add3A_896 : vector<16xf32> to vector<1x1x1x16xf32>
        tpu.vector_store %arg6[%swap3A_899, %swap3A_900, %swap3A_901, %swap3A_902], %swap3A_905 {strides = array<i32>} : memref<4x2x100x128xf32, #tpu.memory_space<vmem>>, vector<1x1x1x16xf32>,
        %get3A_906 = arith.constant 1 : i32
        %get3A_907 = arith.constant 1 : i32
        %get3A_908 = arith.index_cast %get3A_906 : i32 to index
        %get3A_909 = arith.index_cast %get3A_907 : i32 to index
        %get3A_910 = arith.index_cast %scan3A_695 : i32 to index
        %get3A_911 = arith.constant 32 : index
        %get3A_912 = tpu.vector_load %arg6[%get3A_908, %get3A_909, %get3A_910, %get3A_911] {strides = array<i32>} : memref<4x2x100x128xf32, #tpu.memory_space<vmem>>, vector<1x1x1x16xf32>,
        %get3A_913 = vector.shape_cast %get3A_912 : vector<1x1x1x16xf32> to vector<16xf32>
        %add3A_914 = arith.addf %get3A_913, %get3A_706 : vector<16xf32>
        %swap3A_915 = arith.constant 1 : i32
        %swap3A_916 = arith.constant 1 : i32
        %swap3A_917 = arith.index_cast %swap3A_915 : i32 to index
        %swap3A_918 = arith.index_cast %swap3A_916 : i32 to index
        %swap3A_919 = arith.index_cast %scan3A_695 : i32 to index
        %swap3A_920 = arith.constant 32 : index
        %swap3A_921 = tpu.vector_load %arg6[%swap3A_917, %swap3A_918, %swap3A_919, %swap3A_920] {strides = array<i32>} : memref<4x2x100x128xf32, #tpu.memory_space<vmem>>, vector<1x1x1x16xf32>,
        %swap3A_922 = vector.shape_cast %swap3A_921 : vector<1x1x1x16xf32> to vector<16xf32>
        %swap3A_923 = vector.shape_cast %add3A_914 : vector<16xf32> to vector<1x1x1x16xf32>
        tpu.vector_store %arg6[%swap3A_917, %swap3A_918, %swap3A_919, %swap3A_920], %swap3A_923 {strides = array<i32>} : memref<4x2x100x128xf32, #tpu.memory_space<vmem>>, vector<1x1x1x16xf32>,
        %get3A_924 = arith.constant 1 : i32
        %get3A_925 = arith.constant 1 : i32
        %get3A_926 = arith.index_cast %get3A_924 : i32 to index
        %get3A_927 = arith.index_cast %get3A_925 : i32 to index
        %get3A_928 = arith.index_cast %scan3A_695 : i32 to index
        %get3A_929 = arith.constant 48 : index
        %get3A_930 = tpu.vector_load %arg6[%get3A_926, %get3A_927, %get3A_928, %get3A_929] {strides = array<i32>} : memref<4x2x100x128xf32, #tpu.memory_space<vmem>>, vector<1x1x1x16xf32>,
        %get3A_931 = vector.shape_cast %get3A_930 : vector<1x1x1x16xf32> to vector<16xf32>
        %add3A_932 = arith.addf %get3A_931, %get3A_710 : vector<16xf32>
        %swap3A_933 = arith.constant 1 : i32
        %swap3A_934 = arith.constant 1 : i32
        %swap3A_935 = arith.index_cast %swap3A_933 : i32 to index
        %swap3A_936 = arith.index_cast %swap3A_934 : i32 to index
        %swap3A_937 = arith.index_cast %scan3A_695 : i32 to index
        %swap3A_938 = arith.constant 48 : index
        %swap3A_939 = tpu.vector_load %arg6[%swap3A_935, %swap3A_936, %swap3A_937, %swap3A_938] {strides = array<i32>} : memref<4x2x100x128xf32, #tpu.memory_space<vmem>>, vector<1x1x1x16xf32>,
        %swap3A_940 = vector.shape_cast %swap3A_939 : vector<1x1x1x16xf32> to vector<16xf32>
        %swap3A_941 = vector.shape_cast %add3A_932 : vector<16xf32> to vector<1x1x1x16xf32>
        tpu.vector_store %arg6[%swap3A_935, %swap3A_936, %swap3A_937, %swap3A_938], %swap3A_941 {strides = array<i32>} : memref<4x2x100x128xf32, #tpu.memory_space<vmem>>, vector<1x1x1x16xf32>,
        %get3A_942 = arith.constant 1 : i32
        %get3A_943 = arith.constant 1 : i32
        %get3A_944 = arith.index_cast %get3A_942 : i32 to index
        %get3A_945 = arith.index_cast %get3A_943 : i32 to index
        %get3A_946 = arith.index_cast %scan3A_695 : i32 to index
        %get3A_947 = arith.constant 64 : index
        %get3A_948 = tpu.vector_load %arg6[%get3A_944, %get3A_945, %get3A_946, %get3A_947] {strides = array<i32>} : memref<4x2x100x128xf32, #tpu.memory_space<vmem>>, vector<1x1x1x16xf32>,
        %get3A_949 = vector.shape_cast %get3A_948 : vector<1x1x1x16xf32> to vector<16xf32>
        %add3A_950 = arith.addf %get3A_949, %get3A_714 : vector<16xf32>
        %swap3A_951 = arith.constant 1 : i32
        %swap3A_952 = arith.constant 1 : i32
        %swap3A_953 = arith.index_cast %swap3A_951 : i32 to index
        %swap3A_954 = arith.index_cast %swap3A_952 : i32 to index
        %swap3A_955 = arith.index_cast %scan3A_695 : i32 to index
        %swap3A_956 = arith.constant 64 : index
        %swap3A_957 = tpu.vector_load %arg6[%swap3A_953, %swap3A_954, %swap3A_955, %swap3A_956] {strides = array<i32>} : memref<4x2x100x128xf32, #tpu.memory_space<vmem>>, vector<1x1x1x16xf32>,
        %swap3A_958 = vector.shape_cast %swap3A_957 : vector<1x1x1x16xf32> to vector<16xf32>
        %swap3A_959 = vector.shape_cast %add3A_950 : vector<16xf32> to vector<1x1x1x16xf32>
        tpu.vector_store %arg6[%swap3A_953, %swap3A_954, %swap3A_955, %swap3A_956], %swap3A_959 {strides = array<i32>} : memref<4x2x100x128xf32, #tpu.memory_space<vmem>>, vector<1x1x1x16xf32>,
        %get3A_960 = arith.constant 1 : i32
        %get3A_961 = arith.constant 1 : i32
        %get3A_962 = arith.index_cast %get3A_960 : i32 to index
        %get3A_963 = arith.index_cast %get3A_961 : i32 to index
        %get3A_964 = arith.index_cast %scan3A_695 : i32 to index
        %get3A_965 = arith.constant 80 : index
        %get3A_966 = tpu.vector_load %arg6[%get3A_962, %get3A_963, %get3A_964, %get3A_965] {strides = array<i32>} : memref<4x2x100x128xf32, #tpu.memory_space<vmem>>, vector<1x1x1x16xf32>,
        %get3A_967 = vector.shape_cast %get3A_966 : vector<1x1x1x16xf32> to vector<16xf32>
        %add3A_968 = arith.addf %get3A_967, %get3A_718 : vector<16xf32>
        %swap3A_969 = arith.constant 1 : i32
        %swap3A_970 = arith.constant 1 : i32
        %swap3A_971 = arith.index_cast %swap3A_969 : i32 to index
        %swap3A_972 = arith.index_cast %swap3A_970 : i32 to index
        %swap3A_973 = arith.index_cast %scan3A_695 : i32 to index
        %swap3A_974 = arith.constant 80 : index
        %swap3A_975 = tpu.vector_load %arg6[%swap3A_971, %swap3A_972, %swap3A_973, %swap3A_974] {strides = array<i32>} : memref<4x2x100x128xf32, #tpu.memory_space<vmem>>, vector<1x1x1x16xf32>,
        %swap3A_976 = vector.shape_cast %swap3A_975 : vector<1x1x1x16xf32> to vector<16xf32>
        %swap3A_977 = vector.shape_cast %add3A_968 : vector<16xf32> to vector<1x1x1x16xf32>
        tpu.vector_store %arg6[%swap3A_971, %swap3A_972, %swap3A_973, %swap3A_974], %swap3A_977 {strides = array<i32>} : memref<4x2x100x128xf32, #tpu.memory_space<vmem>>, vector<1x1x1x16xf32>,
        %get3A_978 = arith.constant 1 : i32
        %get3A_979 = arith.constant 1 : i32
        %get3A_980 = arith.index_cast %get3A_978 : i32 to index
        %get3A_981 = arith.index_cast %get3A_979 : i32 to index
        %get3A_982 = arith.index_cast %scan3A_695 : i32 to index
        %get3A_983 = arith.constant 96 : index
        %get3A_984 = tpu.vector_load %arg6[%get3A_980, %get3A_981, %get3A_982, %get3A_983] {strides = array<i32>} : memref<4x2x100x128xf32, #tpu.memory_space<vmem>>, vector<1x1x1x16xf32>,
        %get3A_985 = vector.shape_cast %get3A_984 : vector<1x1x1x16xf32> to vector<16xf32>
        %add3A_986 = arith.addf %get3A_985, %get3A_722 : vector<16xf32>
        %swap3A_987 = arith.constant 1 : i32
        %swap3A_988 = arith.constant 1 : i32
        %swap3A_989 = arith.index_cast %swap3A_987 : i32 to index
        %swap3A_990 = arith.index_cast %swap3A_988 : i32 to index
        %swap3A_991 = arith.index_cast %scan3A_695 : i32 to index
        %swap3A_992 = arith.constant 96 : index
        %swap3A_993 = tpu.vector_load %arg6[%swap3A_989, %swap3A_990, %swap3A_991, %swap3A_992] {strides = array<i32>} : memref<4x2x100x128xf32, #tpu.memory_space<vmem>>, vector<1x1x1x16xf32>,
        %swap3A_994 = vector.shape_cast %swap3A_993 : vector<1x1x1x16xf32> to vector<16xf32>
        %swap3A_995 = vector.shape_cast %add3A_986 : vector<16xf32> to vector<1x1x1x16xf32>
        tpu.vector_store %arg6[%swap3A_989, %swap3A_990, %swap3A_991, %swap3A_992], %swap3A_995 {strides = array<i32>} : memref<4x2x100x128xf32, #tpu.memory_space<vmem>>, vector<1x1x1x16xf32>,
        %get3A_996 = arith.constant 1 : i32
        %get3A_997 = arith.constant 1 : i32
        %get3A_998 = arith.index_cast %get3A_996 : i32 to index
        %get3A_999 = arith.index_cast %get3A_997 : i32 to index
        %get3A_1000 = arith.index_cast %scan3A_695 : i32 to index
        %get3A_1001 = arith.constant 112 : index
        %get3A_1002 = tpu.vector_load %arg6[%get3A_998, %get3A_999, %get3A_1000, %get3A_1001] {strides = array<i32>} : memref<4x2x100x128xf32, #tpu.memory_space<vmem>>, vector<1x1x1x16xf32>,
        %get3A_1003 = vector.shape_cast %get3A_1002 : vector<1x1x1x16xf32> to vector<16xf32>
        %add3A_1004 = arith.addf %get3A_1003, %get3A_726 : vector<16xf32>
        %swap3A_1005 = arith.constant 1 : i32
        %swap3A_1006 = arith.constant 1 : i32
        %swap3A_1007 = arith.index_cast %swap3A_1005 : i32 to index
        %swap3A_1008 = arith.index_cast %swap3A_1006 : i32 to index
        %swap3A_1009 = arith.index_cast %scan3A_695 : i32 to index
        %swap3A_1010 = arith.constant 112 : index
        %swap3A_1011 = tpu.vector_load %arg6[%swap3A_1007, %swap3A_1008, %swap3A_1009, %swap3A_1010] {strides = array<i32>} : memref<4x2x100x128xf32, #tpu.memory_space<vmem>>, vector<1x1x1x16xf32>,
        %swap3A_1012 = vector.shape_cast %swap3A_1011 : vector<1x1x1x16xf32> to vector<16xf32>
        %swap3A_1013 = vector.shape_cast %add3A_1004 : vector<16xf32> to vector<1x1x1x16xf32>
        tpu.vector_store %arg6[%swap3A_1007, %swap3A_1008, %swap3A_1009, %swap3A_1010], %swap3A_1013 {strides = array<i32>} : memref<4x2x100x128xf32, #tpu.memory_space<vmem>>, vector<1x1x1x16xf32>,
      }
      %scan3A_453 = arith.constant 100 : i32
      %mul3A_454 = arith.constant 2 : i32
      %mul3A_455 = arith.muli %add3A_428, %mul3A_454 : i32
      %add3A_456 = arith.addi %mul3A_2, %mul3A_455 : i32
      %dma_start3A_457 = arith.constant 1 : i32
      %dma_start3A_458 = arith.constant 0 : i32
      %dma_start3A_459 = arith.constant 0 : i32
      %dma_start3A_460 = arith.constant 0 : i32
      %dma_start3A_461 = tpu.memref_slice %arg6[%dma_start3A_457, %dma_start3A_458, %dma_start3A_459, %dma_start3A_460] : memref<4x2x100x128xf32, #tpu.memory_space<vmem>> -> memref<1x2x100x128xf32, #tpu.memory_space<vmem>>
      %dma_start3A_462 = tpu.memref_squeeze %dma_start3A_461 : memref<1x2x100x128xf32, #tpu.memory_space<vmem>> -> memref<2x100x128xf32, #tpu.memory_space<vmem>>
      %dma_start3A_463 = arith.constant 0 : i32
      %dma_start3A_464 = arith.constant 0 : i32
      %dma_start3A_465 = tpu.memref_slice %arg4[%add3A_456, %dma_start3A_463, %dma_start3A_464] : memref<1024x100x128xf32, #tpu.memory_space<hbm>> -> memref<2x100x128xf32, #tpu.memory_space<hbm>>
      %dma_start3A_466 = arith.constant 0 : i32
      %dma_start3A_467 = arith.constant 0 : i32
      %dma_start3A_468 = tpu.memref_slice %arg4[%add3A_456, %dma_start3A_466, %dma_start3A_467] : memref<1024x100x128xf32, #tpu.memory_space<hbm>> -> memref<2x100x128xf32, #tpu.memory_space<hbm>>
      %dma_start3A_469 = arith.constant 0 : i32
      %dma_start3A_470 = arith.constant 0 : i32
      %dma_start3A_471 = arith.constant 0 : i32
      %dma_start3A_472 = tpu.memref_slice %arg6[%dma_start3A_457, %dma_start3A_469, %dma_start3A_470, %dma_start3A_471] : memref<4x2x100x128xf32, #tpu.memory_space<vmem>> -> memref<1x2x100x128xf32, #tpu.memory_space<vmem>>
      %dma_start3A_473 = tpu.memref_squeeze %dma_start3A_472 : memref<1x2x100x128xf32, #tpu.memory_space<vmem>> -> memref<2x100x128xf32, #tpu.memory_space<vmem>>
      tpu.enqueue_dma source(%dma_start3A_473 : memref<2x100x128xf32, #tpu.memory_space<vmem>>) target(%dma_start3A_468 : memref<2x100x128xf32, #tpu.memory_space<hbm>>) target_semaphore(%arg12 : memref<!tpu.dma_semaphore, #tpu.memory_space<semaphore_mem>>)
      %dma_wait3A_474 = arith.constant 1 : i32
      %dma_wait3A_475 = arith.constant 0 : i32
      %dma_wait3A_476 = arith.constant 0 : i32
      %dma_wait3A_477 = arith.constant 0 : i32
      %dma_wait3A_478 = tpu.memref_slice %arg6[%dma_wait3A_474, %dma_wait3A_475, %dma_wait3A_476, %dma_wait3A_477] : memref<4x2x100x128xf32, #tpu.memory_space<vmem>> -> memref<1x2x100x128xf32, #tpu.memory_space<vmem>>
      %dma_wait3A_479 = tpu.memref_squeeze %dma_wait3A_478 : memref<1x2x100x128xf32, #tpu.memory_space<vmem>> -> memref<2x100x128xf32, #tpu.memory_space<vmem>>
      %dma_wait3A_480 = arith.constant 0 : i32
      %dma_wait3A_481 = arith.constant 0 : i32
      %dma_wait3A_482 = arith.constant 0 : i32
      %dma_wait3A_483 = tpu.memref_slice %arg4[%dma_wait3A_480, %dma_wait3A_481, %dma_wait3A_482] : memref<1024x100x128xf32, #tpu.memory_space<hbm>> -> memref<2x100x128xf32, #tpu.memory_space<hbm>>
      %dma_wait3A_484 = arith.constant 0 : i32
      %dma_wait3A_485 = arith.constant 0 : i32
      %dma_wait3A_486 = arith.constant 0 : i32
      %dma_wait3A_487 = tpu.memref_slice %arg4[%dma_wait3A_484, %dma_wait3A_485, %dma_wait3A_486] : memref<1024x100x128xf32, #tpu.memory_space<hbm>> -> memref<2x100x128xf32, #tpu.memory_space<hbm>>
      %dma_wait3A_488 = arith.constant 0 : i32
      %dma_wait3A_489 = arith.constant 0 : i32
      %dma_wait3A_490 = arith.constant 0 : i32
      %dma_wait3A_491 = tpu.memref_slice %arg6[%dma_wait3A_474, %dma_wait3A_488, %dma_wait3A_489, %dma_wait3A_490] : memref<4x2x100x128xf32, #tpu.memory_space<vmem>> -> memref<1x2x100x128xf32, #tpu.memory_space<vmem>>
      %dma_wait3A_492 = tpu.memref_squeeze %dma_wait3A_491 : memref<1x2x100x128xf32, #tpu.memory_space<vmem>> -> memref<2x100x128xf32, #tpu.memory_space<vmem>>
      tpu.wait_dma2 semaphore(%arg12 : memref<!tpu.dma_semaphore, #tpu.memory_space<semaphore_mem>>) src(%dma_wait3A_492 : memref<2x100x128xf32, #tpu.memory_space<vmem>>) dst(%dma_wait3A_487 : memref<2x100x128xf32, #tpu.memory_space<hbm>>)
      %add3A_493 = arith.constant 4 : i32
      %add3A_494 = arith.addi %add3A_428, %add3A_493 : i32
      %mul3A_495 = arith.constant 2 : i32
      %mul3A_496 = arith.muli %add3A_494, %mul3A_495 : i32
      %add3A_497 = arith.addi %mul3A_2, %mul3A_496 : i32
      %dma_start3A_498 = arith.constant 1 : i32
      %dma_start3A_499 = arith.constant 0 : i32
      %dma_start3A_500 = arith.constant 0 : i32
      %dma_start3A_501 = arith.constant 0 : i32
      %dma_start3A_502 = tpu.memref_slice %arg6[%dma_start3A_498, %dma_start3A_499, %dma_start3A_500, %dma_start3A_501] : memref<4x2x100x128xf32, #tpu.memory_space<vmem>> -> memref<1x2x100x128xf32, #tpu.memory_space<vmem>>
      %dma_start3A_503 = tpu.memref_squeeze %dma_start3A_502 : memref<1x2x100x128xf32, #tpu.memory_space<vmem>> -> memref<2x100x128xf32, #tpu.memory_space<vmem>>
      %dma_start3A_504 = arith.constant 0 : i32
      %dma_start3A_505 = arith.constant 0 : i32
      %dma_start3A_506 = tpu.memref_slice %arg2[%add3A_497, %dma_start3A_504, %dma_start3A_505] : memref<1024x100x128xf32, #tpu.memory_space<hbm>> -> memref<2x100x128xf32, #tpu.memory_space<hbm>>
      %dma_start3A_507 = arith.constant 0 : i32
      %dma_start3A_508 = arith.constant 0 : i32
      %dma_start3A_509 = arith.constant 0 : i32
      %dma_start3A_510 = tpu.memref_slice %arg6[%dma_start3A_498, %dma_start3A_507, %dma_start3A_508, %dma_start3A_509] : memref<4x2x100x128xf32, #tpu.memory_space<vmem>> -> memref<1x2x100x128xf32, #tpu.memory_space<vmem>>
      %dma_start3A_511 = tpu.memref_squeeze %dma_start3A_510 : memref<1x2x100x128xf32, #tpu.memory_space<vmem>> -> memref<2x100x128xf32, #tpu.memory_space<vmem>>
      %dma_start3A_512 = arith.constant 0 : i32
      %dma_start3A_513 = arith.constant 0 : i32
      %dma_start3A_514 = tpu.memref_slice %arg2[%add3A_497, %dma_start3A_512, %dma_start3A_513] : memref<1024x100x128xf32, #tpu.memory_space<hbm>> -> memref<2x100x128xf32, #tpu.memory_space<hbm>>
      tpu.enqueue_dma source(%dma_start3A_514 : memref<2x100x128xf32, #tpu.memory_space<hbm>>) target(%dma_start3A_511 : memref<2x100x128xf32, #tpu.memory_space<vmem>>) target_semaphore(%arg8 : memref<!tpu.dma_semaphore, #tpu.memory_space<semaphore_mem>>)
      %mul3A_515 = arith.constant 4 : i32
      %mul3A_516 = arith.muli %scan3A_334, %mul3A_515 : i32
      %add3A_517 = arith.constant 2 : i32
      %add3A_518 = arith.addi %mul3A_516, %add3A_517 : i32
      %dma_wait3A_519 = arith.constant 2 : i32
      %dma_wait3A_520 = arith.constant 0 : i32
      %dma_wait3A_521 = arith.constant 0 : i32
      %dma_wait3A_522 = arith.constant 0 : i32
      %dma_wait3A_523 = tpu.memref_slice %arg6[%dma_wait3A_519, %dma_wait3A_520, %dma_wait3A_521, %dma_wait3A_522] : memref<4x2x100x128xf32, #tpu.memory_space<vmem>> -> memref<1x2x100x128xf32, #tpu.memory_space<vmem>>
      %dma_wait3A_524 = tpu.memref_squeeze %dma_wait3A_523 : memref<1x2x100x128xf32, #tpu.memory_space<vmem>> -> memref<2x100x128xf32, #tpu.memory_space<vmem>>
      %dma_wait3A_525 = arith.constant 0 : i32
      %dma_wait3A_526 = arith.constant 0 : i32
      %dma_wait3A_527 = arith.constant 0 : i32
      %dma_wait3A_528 = tpu.memref_slice %arg2[%dma_wait3A_525, %dma_wait3A_526, %dma_wait3A_527] : memref<1024x100x128xf32, #tpu.memory_space<hbm>> -> memref<2x100x128xf32, #tpu.memory_space<hbm>>
      %dma_wait3A_529 = arith.constant 0 : i32
      %dma_wait3A_530 = arith.constant 0 : i32
      %dma_wait3A_531 = arith.constant 0 : i32
      %dma_wait3A_532 = tpu.memref_slice %arg6[%dma_wait3A_519, %dma_wait3A_529, %dma_wait3A_530, %dma_wait3A_531] : memref<4x2x100x128xf32, #tpu.memory_space<vmem>> -> memref<1x2x100x128xf32, #tpu.memory_space<vmem>>
      %dma_wait3A_533 = tpu.memref_squeeze %dma_wait3A_532 : memref<1x2x100x128xf32, #tpu.memory_space<vmem>> -> memref<2x100x128xf32, #tpu.memory_space<vmem>>
      %dma_wait3A_534 = arith.constant 0 : i32
      %dma_wait3A_535 = arith.constant 0 : i32
      %dma_wait3A_536 = arith.constant 0 : i32
      %dma_wait3A_537 = tpu.memref_slice %arg2[%dma_wait3A_534, %dma_wait3A_535, %dma_wait3A_536] : memref<1024x100x128xf32, #tpu.memory_space<hbm>> -> memref<2x100x128xf32, #tpu.memory_space<hbm>>
      tpu.wait_dma2 semaphore(%arg9 : memref<!tpu.dma_semaphore, #tpu.memory_space<semaphore_mem>>) src(%dma_wait3A_537 : memref<2x100x128xf32, #tpu.memory_space<hbm>>) dst(%dma_wait3A_533 : memref<2x100x128xf32, #tpu.memory_space<vmem>>)
      %scan3A_538 = arith.constant 0 : i32
      %scan3A_539 = arith.constant 0 : i32
      %scan3A_540 = arith.constant 100 : i32
      %scan3A_541 = arith.addi %scan3A_539, %scan3A_540 : i32
      %scan3A_542 = arith.constant 1 : i32
      scf.for %scan3A_695 = %scan3A_539 to %scan3A_541 step %scan3A_542  : i32 {
        %get3A = arith.index_cast %scan3A_695 : i32 to index
        %get3A_696 = arith.constant 0 : index
        %get3A_697 = tpu.vector_load %arg5[%get3A, %get3A_696] {strides = array<i32>} : memref<100x128xf32, #tpu.memory_space<vmem>>, vector<1x16xf32>,
        %get3A_698 = vector.shape_cast %get3A_697 : vector<1x16xf32> to vector<16xf32>
        %get3A_699 = arith.index_cast %scan3A_695 : i32 to index
        %get3A_700 = arith.constant 16 : index
        %get3A_701 = tpu.vector_load %arg5[%get3A_699, %get3A_700] {strides = array<i32>} : memref<100x128xf32, #tpu.memory_space<vmem>>, vector<1x16xf32>,
        %get3A_702 = vector.shape_cast %get3A_701 : vector<1x16xf32> to vector<16xf32>
        %get3A_703 = arith.index_cast %scan3A_695 : i32 to index
        %get3A_704 = arith.constant 32 : index
        %get3A_705 = tpu.vector_load %arg5[%get3A_703, %get3A_704] {strides = array<i32>} : memref<100x128xf32, #tpu.memory_space<vmem>>, vector<1x16xf32>,
        %get3A_706 = vector.shape_cast %get3A_705 : vector<1x16xf32> to vector<16xf32>
        %get3A_707 = arith.index_cast %scan3A_695 : i32 to index
        %get3A_708 = arith.constant 48 : index
        %get3A_709 = tpu.vector_load %arg5[%get3A_707, %get3A_708] {strides = array<i32>} : memref<100x128xf32, #tpu.memory_space<vmem>>, vector<1x16xf32>,
        %get3A_710 = vector.shape_cast %get3A_709 : vector<1x16xf32> to vector<16xf32>
        %get3A_711 = arith.index_cast %scan3A_695 : i32 to index
        %get3A_712 = arith.constant 64 : index
        %get3A_713 = tpu.vector_load %arg5[%get3A_711, %get3A_712] {strides = array<i32>} : memref<100x128xf32, #tpu.memory_space<vmem>>, vector<1x16xf32>,
        %get3A_714 = vector.shape_cast %get3A_713 : vector<1x16xf32> to vector<16xf32>
        %get3A_715 = arith.index_cast %scan3A_695 : i32 to index
        %get3A_716 = arith.constant 80 : index
        %get3A_717 = tpu.vector_load %arg5[%get3A_715, %get3A_716] {strides = array<i32>} : memref<100x128xf32, #tpu.memory_space<vmem>>, vector<1x16xf32>,
        %get3A_718 = vector.shape_cast %get3A_717 : vector<1x16xf32> to vector<16xf32>
        %get3A_719 = arith.index_cast %scan3A_695 : i32 to index
        %get3A_720 = arith.constant 96 : index
        %get3A_721 = tpu.vector_load %arg5[%get3A_719, %get3A_720] {strides = array<i32>} : memref<100x128xf32, #tpu.memory_space<vmem>>, vector<1x16xf32>,
        %get3A_722 = vector.shape_cast %get3A_721 : vector<1x16xf32> to vector<16xf32>
        %get3A_723 = arith.index_cast %scan3A_695 : i32 to index
        %get3A_724 = arith.constant 112 : index
        %get3A_725 = tpu.vector_load %arg5[%get3A_723, %get3A_724] {strides = array<i32>} : memref<100x128xf32, #tpu.memory_space<vmem>>, vector<1x16xf32>,
        %get3A_726 = vector.shape_cast %get3A_725 : vector<1x16xf32> to vector<16xf32>
        %get3A_727 = arith.constant 2 : i32
        %get3A_728 = arith.constant 0 : i32
        %get3A_729 = arith.index_cast %get3A_727 : i32 to index
        %get3A_730 = arith.index_cast %get3A_728 : i32 to index
        %get3A_731 = arith.index_cast %scan3A_695 : i32 to index
        %get3A_732 = arith.constant 0 : index
        %get3A_733 = tpu.vector_load %arg6[%get3A_729, %get3A_730, %get3A_731, %get3A_732] {strides = array<i32>} : memref<4x2x100x128xf32, #tpu.memory_space<vmem>>, vector<1x1x1x16xf32>,
        %get3A_734 = vector.shape_cast %get3A_733 : vector<1x1x1x16xf32> to vector<16xf32>
        %add3A_735 = arith.addf %get3A_734, %get3A_698 : vector<16xf32>
        %swap3A = arith.constant 2 : i32
        %swap3A_736 = arith.constant 0 : i32
        %swap3A_737 = arith.index_cast %swap3A : i32 to index
        %swap3A_738 = arith.index_cast %swap3A_736 : i32 to index
        %swap3A_739 = arith.index_cast %scan3A_695 : i32 to index
        %swap3A_740 = arith.constant 0 : index
        %swap3A_741 = tpu.vector_load %arg6[%swap3A_737, %swap3A_738, %swap3A_739, %swap3A_740] {strides = array<i32>} : memref<4x2x100x128xf32, #tpu.memory_space<vmem>>, vector<1x1x1x16xf32>,
        %swap3A_742 = vector.shape_cast %swap3A_741 : vector<1x1x1x16xf32> to vector<16xf32>
        %swap3A_743 = vector.shape_cast %add3A_735 : vector<16xf32> to vector<1x1x1x16xf32>
        tpu.vector_store %arg6[%swap3A_737, %swap3A_738, %swap3A_739, %swap3A_740], %swap3A_743 {strides = array<i32>} : memref<4x2x100x128xf32, #tpu.memory_space<vmem>>, vector<1x1x1x16xf32>,
        %get3A_744 = arith.constant 2 : i32
        %get3A_745 = arith.constant 0 : i32
        %get3A_746 = arith.index_cast %get3A_744 : i32 to index
        %get3A_747 = arith.index_cast %get3A_745 : i32 to index
        %get3A_748 = arith.index_cast %scan3A_695 : i32 to index
        %get3A_749 = arith.constant 16 : index
        %get3A_750 = tpu.vector_load %arg6[%get3A_746, %get3A_747, %get3A_748, %get3A_749] {strides = array<i32>} : memref<4x2x100x128xf32, #tpu.memory_space<vmem>>, vector<1x1x1x16xf32>,
        %get3A_751 = vector.shape_cast %get3A_750 : vector<1x1x1x16xf32> to vector<16xf32>
        %add3A_752 = arith.addf %get3A_751, %get3A_702 : vector<16xf32>
        %swap3A_753 = arith.constant 2 : i32
        %swap3A_754 = arith.constant 0 : i32
        %swap3A_755 = arith.index_cast %swap3A_753 : i32 to index
        %swap3A_756 = arith.index_cast %swap3A_754 : i32 to index
        %swap3A_757 = arith.index_cast %scan3A_695 : i32 to index
        %swap3A_758 = arith.constant 16 : index
        %swap3A_759 = tpu.vector_load %arg6[%swap3A_755, %swap3A_756, %swap3A_757, %swap3A_758] {strides = array<i32>} : memref<4x2x100x128xf32, #tpu.memory_space<vmem>>, vector<1x1x1x16xf32>,
        %swap3A_760 = vector.shape_cast %swap3A_759 : vector<1x1x1x16xf32> to vector<16xf32>
        %swap3A_761 = vector.shape_cast %add3A_752 : vector<16xf32> to vector<1x1x1x16xf32>
        tpu.vector_store %arg6[%swap3A_755, %swap3A_756, %swap3A_757, %swap3A_758], %swap3A_761 {strides = array<i32>} : memref<4x2x100x128xf32, #tpu.memory_space<vmem>>, vector<1x1x1x16xf32>,
        %get3A_762 = arith.constant 2 : i32
        %get3A_763 = arith.constant 0 : i32
        %get3A_764 = arith.index_cast %get3A_762 : i32 to index
        %get3A_765 = arith.index_cast %get3A_763 : i32 to index
        %get3A_766 = arith.index_cast %scan3A_695 : i32 to index
        %get3A_767 = arith.constant 32 : index
        %get3A_768 = tpu.vector_load %arg6[%get3A_764, %get3A_765, %get3A_766, %get3A_767] {strides = array<i32>} : memref<4x2x100x128xf32, #tpu.memory_space<vmem>>, vector<1x1x1x16xf32>,
        %get3A_769 = vector.shape_cast %get3A_768 : vector<1x1x1x16xf32> to vector<16xf32>
        %add3A_770 = arith.addf %get3A_769, %get3A_706 : vector<16xf32>
        %swap3A_771 = arith.constant 2 : i32
        %swap3A_772 = arith.constant 0 : i32
        %swap3A_773 = arith.index_cast %swap3A_771 : i32 to index
        %swap3A_774 = arith.index_cast %swap3A_772 : i32 to index
        %swap3A_775 = arith.index_cast %scan3A_695 : i32 to index
        %swap3A_776 = arith.constant 32 : index
        %swap3A_777 = tpu.vector_load %arg6[%swap3A_773, %swap3A_774, %swap3A_775, %swap3A_776] {strides = array<i32>} : memref<4x2x100x128xf32, #tpu.memory_space<vmem>>, vector<1x1x1x16xf32>,
        %swap3A_778 = vector.shape_cast %swap3A_777 : vector<1x1x1x16xf32> to vector<16xf32>
        %swap3A_779 = vector.shape_cast %add3A_770 : vector<16xf32> to vector<1x1x1x16xf32>
        tpu.vector_store %arg6[%swap3A_773, %swap3A_774, %swap3A_775, %swap3A_776], %swap3A_779 {strides = array<i32>} : memref<4x2x100x128xf32, #tpu.memory_space<vmem>>, vector<1x1x1x16xf32>,
        %get3A_780 = arith.constant 2 : i32
        %get3A_781 = arith.constant 0 : i32
        %get3A_782 = arith.index_cast %get3A_780 : i32 to index
        %get3A_783 = arith.index_cast %get3A_781 : i32 to index
        %get3A_784 = arith.index_cast %scan3A_695 : i32 to index
        %get3A_785 = arith.constant 48 : index
        %get3A_786 = tpu.vector_load %arg6[%get3A_782, %get3A_783, %get3A_784, %get3A_785] {strides = array<i32>} : memref<4x2x100x128xf32, #tpu.memory_space<vmem>>, vector<1x1x1x16xf32>,
        %get3A_787 = vector.shape_cast %get3A_786 : vector<1x1x1x16xf32> to vector<16xf32>
        %add3A_788 = arith.addf %get3A_787, %get3A_710 : vector<16xf32>
        %swap3A_789 = arith.constant 2 : i32
        %swap3A_790 = arith.constant 0 : i32
        %swap3A_791 = arith.index_cast %swap3A_789 : i32 to index
        %swap3A_792 = arith.index_cast %swap3A_790 : i32 to index
        %swap3A_793 = arith.index_cast %scan3A_695 : i32 to index
        %swap3A_794 = arith.constant 48 : index
        %swap3A_795 = tpu.vector_load %arg6[%swap3A_791, %swap3A_792, %swap3A_793, %swap3A_794] {strides = array<i32>} : memref<4x2x100x128xf32, #tpu.memory_space<vmem>>, vector<1x1x1x16xf32>,
        %swap3A_796 = vector.shape_cast %swap3A_795 : vector<1x1x1x16xf32> to vector<16xf32>
        %swap3A_797 = vector.shape_cast %add3A_788 : vector<16xf32> to vector<1x1x1x16xf32>
        tpu.vector_store %arg6[%swap3A_791, %swap3A_792, %swap3A_793, %swap3A_794], %swap3A_797 {strides = array<i32>} : memref<4x2x100x128xf32, #tpu.memory_space<vmem>>, vector<1x1x1x16xf32>,
        %get3A_798 = arith.constant 2 : i32
        %get3A_799 = arith.constant 0 : i32
        %get3A_800 = arith.index_cast %get3A_798 : i32 to index
        %get3A_801 = arith.index_cast %get3A_799 : i32 to index
        %get3A_802 = arith.index_cast %scan3A_695 : i32 to index
        %get3A_803 = arith.constant 64 : index
        %get3A_804 = tpu.vector_load %arg6[%get3A_800, %get3A_801, %get3A_802, %get3A_803] {strides = array<i32>} : memref<4x2x100x128xf32, #tpu.memory_space<vmem>>, vector<1x1x1x16xf32>,
        %get3A_805 = vector.shape_cast %get3A_804 : vector<1x1x1x16xf32> to vector<16xf32>
        %add3A_806 = arith.addf %get3A_805, %get3A_714 : vector<16xf32>
        %swap3A_807 = arith.constant 2 : i32
        %swap3A_808 = arith.constant 0 : i32
        %swap3A_809 = arith.index_cast %swap3A_807 : i32 to index
        %swap3A_810 = arith.index_cast %swap3A_808 : i32 to index
        %swap3A_811 = arith.index_cast %scan3A_695 : i32 to index
        %swap3A_812 = arith.constant 64 : index
        %swap3A_813 = tpu.vector_load %arg6[%swap3A_809, %swap3A_810, %swap3A_811, %swap3A_812] {strides = array<i32>} : memref<4x2x100x128xf32, #tpu.memory_space<vmem>>, vector<1x1x1x16xf32>,
        %swap3A_814 = vector.shape_cast %swap3A_813 : vector<1x1x1x16xf32> to vector<16xf32>
        %swap3A_815 = vector.shape_cast %add3A_806 : vector<16xf32> to vector<1x1x1x16xf32>
        tpu.vector_store %arg6[%swap3A_809, %swap3A_810, %swap3A_811, %swap3A_812], %swap3A_815 {strides = array<i32>} : memref<4x2x100x128xf32, #tpu.memory_space<vmem>>, vector<1x1x1x16xf32>,
        %get3A_816 = arith.constant 2 : i32
        %get3A_817 = arith.constant 0 : i32
        %get3A_818 = arith.index_cast %get3A_816 : i32 to index
        %get3A_819 = arith.index_cast %get3A_817 : i32 to index
        %get3A_820 = arith.index_cast %scan3A_695 : i32 to index
        %get3A_821 = arith.constant 80 : index
        %get3A_822 = tpu.vector_load %arg6[%get3A_818, %get3A_819, %get3A_820, %get3A_821] {strides = array<i32>} : memref<4x2x100x128xf32, #tpu.memory_space<vmem>>, vector<1x1x1x16xf32>,
        %get3A_823 = vector.shape_cast %get3A_822 : vector<1x1x1x16xf32> to vector<16xf32>
        %add3A_824 = arith.addf %get3A_823, %get3A_718 : vector<16xf32>
        %swap3A_825 = arith.constant 2 : i32
        %swap3A_826 = arith.constant 0 : i32
        %swap3A_827 = arith.index_cast %swap3A_825 : i32 to index
        %swap3A_828 = arith.index_cast %swap3A_826 : i32 to index
        %swap3A_829 = arith.index_cast %scan3A_695 : i32 to index
        %swap3A_830 = arith.constant 80 : index
        %swap3A_831 = tpu.vector_load %arg6[%swap3A_827, %swap3A_828, %swap3A_829, %swap3A_830] {strides = array<i32>} : memref<4x2x100x128xf32, #tpu.memory_space<vmem>>, vector<1x1x1x16xf32>,
        %swap3A_832 = vector.shape_cast %swap3A_831 : vector<1x1x1x16xf32> to vector<16xf32>
        %swap3A_833 = vector.shape_cast %add3A_824 : vector<16xf32> to vector<1x1x1x16xf32>
        tpu.vector_store %arg6[%swap3A_827, %swap3A_828, %swap3A_829, %swap3A_830], %swap3A_833 {strides = array<i32>} : memref<4x2x100x128xf32, #tpu.memory_space<vmem>>, vector<1x1x1x16xf32>,
        %get3A_834 = arith.constant 2 : i32
        %get3A_835 = arith.constant 0 : i32
        %get3A_836 = arith.index_cast %get3A_834 : i32 to index
        %get3A_837 = arith.index_cast %get3A_835 : i32 to index
        %get3A_838 = arith.index_cast %scan3A_695 : i32 to index
        %get3A_839 = arith.constant 96 : index
        %get3A_840 = tpu.vector_load %arg6[%get3A_836, %get3A_837, %get3A_838, %get3A_839] {strides = array<i32>} : memref<4x2x100x128xf32, #tpu.memory_space<vmem>>, vector<1x1x1x16xf32>,
        %get3A_841 = vector.shape_cast %get3A_840 : vector<1x1x1x16xf32> to vector<16xf32>
        %add3A_842 = arith.addf %get3A_841, %get3A_722 : vector<16xf32>
        %swap3A_843 = arith.constant 2 : i32
        %swap3A_844 = arith.constant 0 : i32
        %swap3A_845 = arith.index_cast %swap3A_843 : i32 to index
        %swap3A_846 = arith.index_cast %swap3A_844 : i32 to index
        %swap3A_847 = arith.index_cast %scan3A_695 : i32 to index
        %swap3A_848 = arith.constant 96 : index
        %swap3A_849 = tpu.vector_load %arg6[%swap3A_845, %swap3A_846, %swap3A_847, %swap3A_848] {strides = array<i32>} : memref<4x2x100x128xf32, #tpu.memory_space<vmem>>, vector<1x1x1x16xf32>,
        %swap3A_850 = vector.shape_cast %swap3A_849 : vector<1x1x1x16xf32> to vector<16xf32>
        %swap3A_851 = vector.shape_cast %add3A_842 : vector<16xf32> to vector<1x1x1x16xf32>
        tpu.vector_store %arg6[%swap3A_845, %swap3A_846, %swap3A_847, %swap3A_848], %swap3A_851 {strides = array<i32>} : memref<4x2x100x128xf32, #tpu.memory_space<vmem>>, vector<1x1x1x16xf32>,
        %get3A_852 = arith.constant 2 : i32
        %get3A_853 = arith.constant 0 : i32
        %get3A_854 = arith.index_cast %get3A_852 : i32 to index
        %get3A_855 = arith.index_cast %get3A_853 : i32 to index
        %get3A_856 = arith.index_cast %scan3A_695 : i32 to index
        %get3A_857 = arith.constant 112 : index
        %get3A_858 = tpu.vector_load %arg6[%get3A_854, %get3A_855, %get3A_856, %get3A_857] {strides = array<i32>} : memref<4x2x100x128xf32, #tpu.memory_space<vmem>>, vector<1x1x1x16xf32>,
        %get3A_859 = vector.shape_cast %get3A_858 : vector<1x1x1x16xf32> to vector<16xf32>
        %add3A_860 = arith.addf %get3A_859, %get3A_726 : vector<16xf32>
        %swap3A_861 = arith.constant 2 : i32
        %swap3A_862 = arith.constant 0 : i32
        %swap3A_863 = arith.index_cast %swap3A_861 : i32 to index
        %swap3A_864 = arith.index_cast %swap3A_862 : i32 to index
        %swap3A_865 = arith.index_cast %scan3A_695 : i32 to index
        %swap3A_866 = arith.constant 112 : index
        %swap3A_867 = tpu.vector_load %arg6[%swap3A_863, %swap3A_864, %swap3A_865, %swap3A_866] {strides = array<i32>} : memref<4x2x100x128xf32, #tpu.memory_space<vmem>>, vector<1x1x1x16xf32>,
        %swap3A_868 = vector.shape_cast %swap3A_867 : vector<1x1x1x16xf32> to vector<16xf32>
        %swap3A_869 = vector.shape_cast %add3A_860 : vector<16xf32> to vector<1x1x1x16xf32>
        tpu.vector_store %arg6[%swap3A_863, %swap3A_864, %swap3A_865, %swap3A_866], %swap3A_869 {strides = array<i32>} : memref<4x2x100x128xf32, #tpu.memory_space<vmem>>, vector<1x1x1x16xf32>,
        %get3A_870 = arith.constant 2 : i32
        %get3A_871 = arith.constant 1 : i32
        %get3A_872 = arith.index_cast %get3A_870 : i32 to index
        %get3A_873 = arith.index_cast %get3A_871 : i32 to index
        %get3A_874 = arith.index_cast %scan3A_695 : i32 to index
        %get3A_875 = arith.constant 0 : index
        %get3A_876 = tpu.vector_load %arg6[%get3A_872, %get3A_873, %get3A_874, %get3A_875] {strides = array<i32>} : memref<4x2x100x128xf32, #tpu.memory_space<vmem>>, vector<1x1x1x16xf32>,
        %get3A_877 = vector.shape_cast %get3A_876 : vector<1x1x1x16xf32> to vector<16xf32>
        %add3A_878 = arith.addf %get3A_877, %get3A_698 : vector<16xf32>
        %swap3A_879 = arith.constant 2 : i32
        %swap3A_880 = arith.constant 1 : i32
        %swap3A_881 = arith.index_cast %swap3A_879 : i32 to index
        %swap3A_882 = arith.index_cast %swap3A_880 : i32 to index
        %swap3A_883 = arith.index_cast %scan3A_695 : i32 to index
        %swap3A_884 = arith.constant 0 : index
        %swap3A_885 = tpu.vector_load %arg6[%swap3A_881, %swap3A_882, %swap3A_883, %swap3A_884] {strides = array<i32>} : memref<4x2x100x128xf32, #tpu.memory_space<vmem>>, vector<1x1x1x16xf32>,
        %swap3A_886 = vector.shape_cast %swap3A_885 : vector<1x1x1x16xf32> to vector<16xf32>
        %swap3A_887 = vector.shape_cast %add3A_878 : vector<16xf32> to vector<1x1x1x16xf32>
        tpu.vector_store %arg6[%swap3A_881, %swap3A_882, %swap3A_883, %swap3A_884], %swap3A_887 {strides = array<i32>} : memref<4x2x100x128xf32, #tpu.memory_space<vmem>>, vector<1x1x1x16xf32>,
        %get3A_888 = arith.constant 2 : i32
        %get3A_889 = arith.constant 1 : i32
        %get3A_890 = arith.index_cast %get3A_888 : i32 to index
        %get3A_891 = arith.index_cast %get3A_889 : i32 to index
        %get3A_892 = arith.index_cast %scan3A_695 : i32 to index
        %get3A_893 = arith.constant 16 : index
        %get3A_894 = tpu.vector_load %arg6[%get3A_890, %get3A_891, %get3A_892, %get3A_893] {strides = array<i32>} : memref<4x2x100x128xf32, #tpu.memory_space<vmem>>, vector<1x1x1x16xf32>,
        %get3A_895 = vector.shape_cast %get3A_894 : vector<1x1x1x16xf32> to vector<16xf32>
        %add3A_896 = arith.addf %get3A_895, %get3A_702 : vector<16xf32>
        %swap3A_897 = arith.constant 2 : i32
        %swap3A_898 = arith.constant 1 : i32
        %swap3A_899 = arith.index_cast %swap3A_897 : i32 to index
        %swap3A_900 = arith.index_cast %swap3A_898 : i32 to index
        %swap3A_901 = arith.index_cast %scan3A_695 : i32 to index
        %swap3A_902 = arith.constant 16 : index
        %swap3A_903 = tpu.vector_load %arg6[%swap3A_899, %swap3A_900, %swap3A_901, %swap3A_902] {strides = array<i32>} : memref<4x2x100x128xf32, #tpu.memory_space<vmem>>, vector<1x1x1x16xf32>,
        %swap3A_904 = vector.shape_cast %swap3A_903 : vector<1x1x1x16xf32> to vector<16xf32>
        %swap3A_905 = vector.shape_cast %add3A_896 : vector<16xf32> to vector<1x1x1x16xf32>
        tpu.vector_store %arg6[%swap3A_899, %swap3A_900, %swap3A_901, %swap3A_902], %swap3A_905 {strides = array<i32>} : memref<4x2x100x128xf32, #tpu.memory_space<vmem>>, vector<1x1x1x16xf32>,
        %get3A_906 = arith.constant 2 : i32
        %get3A_907 = arith.constant 1 : i32
        %get3A_908 = arith.index_cast %get3A_906 : i32 to index
        %get3A_909 = arith.index_cast %get3A_907 : i32 to index
        %get3A_910 = arith.index_cast %scan3A_695 : i32 to index
        %get3A_911 = arith.constant 32 : index
        %get3A_912 = tpu.vector_load %arg6[%get3A_908, %get3A_909, %get3A_910, %get3A_911] {strides = array<i32>} : memref<4x2x100x128xf32, #tpu.memory_space<vmem>>, vector<1x1x1x16xf32>,
        %get3A_913 = vector.shape_cast %get3A_912 : vector<1x1x1x16xf32> to vector<16xf32>
        %add3A_914 = arith.addf %get3A_913, %get3A_706 : vector<16xf32>
        %swap3A_915 = arith.constant 2 : i32
        %swap3A_916 = arith.constant 1 : i32
        %swap3A_917 = arith.index_cast %swap3A_915 : i32 to index
        %swap3A_918 = arith.index_cast %swap3A_916 : i32 to index
        %swap3A_919 = arith.index_cast %scan3A_695 : i32 to index
        %swap3A_920 = arith.constant 32 : index
        %swap3A_921 = tpu.vector_load %arg6[%swap3A_917, %swap3A_918, %swap3A_919, %swap3A_920] {strides = array<i32>} : memref<4x2x100x128xf32, #tpu.memory_space<vmem>>, vector<1x1x1x16xf32>,
        %swap3A_922 = vector.shape_cast %swap3A_921 : vector<1x1x1x16xf32> to vector<16xf32>
        %swap3A_923 = vector.shape_cast %add3A_914 : vector<16xf32> to vector<1x1x1x16xf32>
        tpu.vector_store %arg6[%swap3A_917, %swap3A_918, %swap3A_919, %swap3A_920], %swap3A_923 {strides = array<i32>} : memref<4x2x100x128xf32, #tpu.memory_space<vmem>>, vector<1x1x1x16xf32>,
        %get3A_924 = arith.constant 2 : i32
        %get3A_925 = arith.constant 1 : i32
        %get3A_926 = arith.index_cast %get3A_924 : i32 to index
        %get3A_927 = arith.index_cast %get3A_925 : i32 to index
        %get3A_928 = arith.index_cast %scan3A_695 : i32 to index
        %get3A_929 = arith.constant 48 : index
        %get3A_930 = tpu.vector_load %arg6[%get3A_926, %get3A_927, %get3A_928, %get3A_929] {strides = array<i32>} : memref<4x2x100x128xf32, #tpu.memory_space<vmem>>, vector<1x1x1x16xf32>,
        %get3A_931 = vector.shape_cast %get3A_930 : vector<1x1x1x16xf32> to vector<16xf32>
        %add3A_932 = arith.addf %get3A_931, %get3A_710 : vector<16xf32>
        %swap3A_933 = arith.constant 2 : i32
        %swap3A_934 = arith.constant 1 : i32
        %swap3A_935 = arith.index_cast %swap3A_933 : i32 to index
        %swap3A_936 = arith.index_cast %swap3A_934 : i32 to index
        %swap3A_937 = arith.index_cast %scan3A_695 : i32 to index
        %swap3A_938 = arith.constant 48 : index
        %swap3A_939 = tpu.vector_load %arg6[%swap3A_935, %swap3A_936, %swap3A_937, %swap3A_938] {strides = array<i32>} : memref<4x2x100x128xf32, #tpu.memory_space<vmem>>, vector<1x1x1x16xf32>,
        %swap3A_940 = vector.shape_cast %swap3A_939 : vector<1x1x1x16xf32> to vector<16xf32>
        %swap3A_941 = vector.shape_cast %add3A_932 : vector<16xf32> to vector<1x1x1x16xf32>
        tpu.vector_store %arg6[%swap3A_935, %swap3A_936, %swap3A_937, %swap3A_938], %swap3A_941 {strides = array<i32>} : memref<4x2x100x128xf32, #tpu.memory_space<vmem>>, vector<1x1x1x16xf32>,
        %get3A_942 = arith.constant 2 : i32
        %get3A_943 = arith.constant 1 : i32
        %get3A_944 = arith.index_cast %get3A_942 : i32 to index
        %get3A_945 = arith.index_cast %get3A_943 : i32 to index
        %get3A_946 = arith.index_cast %scan3A_695 : i32 to index
        %get3A_947 = arith.constant 64 : index
        %get3A_948 = tpu.vector_load %arg6[%get3A_944, %get3A_945, %get3A_946, %get3A_947] {strides = array<i32>} : memref<4x2x100x128xf32, #tpu.memory_space<vmem>>, vector<1x1x1x16xf32>,
        %get3A_949 = vector.shape_cast %get3A_948 : vector<1x1x1x16xf32> to vector<16xf32>
        %add3A_950 = arith.addf %get3A_949, %get3A_714 : vector<16xf32>
        %swap3A_951 = arith.constant 2 : i32
        %swap3A_952 = arith.constant 1 : i32
        %swap3A_953 = arith.index_cast %swap3A_951 : i32 to index
        %swap3A_954 = arith.index_cast %swap3A_952 : i32 to index
        %swap3A_955 = arith.index_cast %scan3A_695 : i32 to index
        %swap3A_956 = arith.constant 64 : index
        %swap3A_957 = tpu.vector_load %arg6[%swap3A_953, %swap3A_954, %swap3A_955, %swap3A_956] {strides = array<i32>} : memref<4x2x100x128xf32, #tpu.memory_space<vmem>>, vector<1x1x1x16xf32>,
        %swap3A_958 = vector.shape_cast %swap3A_957 : vector<1x1x1x16xf32> to vector<16xf32>
        %swap3A_959 = vector.shape_cast %add3A_950 : vector<16xf32> to vector<1x1x1x16xf32>
        tpu.vector_store %arg6[%swap3A_953, %swap3A_954, %swap3A_955, %swap3A_956], %swap3A_959 {strides = array<i32>} : memref<4x2x100x128xf32, #tpu.memory_space<vmem>>, vector<1x1x1x16xf32>,
        %get3A_960 = arith.constant 2 : i32
        %get3A_961 = arith.constant 1 : i32
        %get3A_962 = arith.index_cast %get3A_960 : i32 to index
        %get3A_963 = arith.index_cast %get3A_961 : i32 to index
        %get3A_964 = arith.index_cast %scan3A_695 : i32 to index
        %get3A_965 = arith.constant 80 : index
        %get3A_966 = tpu.vector_load %arg6[%get3A_962, %get3A_963, %get3A_964, %get3A_965] {strides = array<i32>} : memref<4x2x100x128xf32, #tpu.memory_space<vmem>>, vector<1x1x1x16xf32>,
        %get3A_967 = vector.shape_cast %get3A_966 : vector<1x1x1x16xf32> to vector<16xf32>
        %add3A_968 = arith.addf %get3A_967, %get3A_718 : vector<16xf32>
        %swap3A_969 = arith.constant 2 : i32
        %swap3A_970 = arith.constant 1 : i32
        %swap3A_971 = arith.index_cast %swap3A_969 : i32 to index
        %swap3A_972 = arith.index_cast %swap3A_970 : i32 to index
        %swap3A_973 = arith.index_cast %scan3A_695 : i32 to index
        %swap3A_974 = arith.constant 80 : index
        %swap3A_975 = tpu.vector_load %arg6[%swap3A_971, %swap3A_972, %swap3A_973, %swap3A_974] {strides = array<i32>} : memref<4x2x100x128xf32, #tpu.memory_space<vmem>>, vector<1x1x1x16xf32>,
        %swap3A_976 = vector.shape_cast %swap3A_975 : vector<1x1x1x16xf32> to vector<16xf32>
        %swap3A_977 = vector.shape_cast %add3A_968 : vector<16xf32> to vector<1x1x1x16xf32>
        tpu.vector_store %arg6[%swap3A_971, %swap3A_972, %swap3A_973, %swap3A_974], %swap3A_977 {strides = array<i32>} : memref<4x2x100x128xf32, #tpu.memory_space<vmem>>, vector<1x1x1x16xf32>,
        %get3A_978 = arith.constant 2 : i32
        %get3A_979 = arith.constant 1 : i32
        %get3A_980 = arith.index_cast %get3A_978 : i32 to index
        %get3A_981 = arith.index_cast %get3A_979 : i32 to index
        %get3A_982 = arith.index_cast %scan3A_695 : i32 to index
        %get3A_983 = arith.constant 96 : index
        %get3A_984 = tpu.vector_load %arg6[%get3A_980, %get3A_981, %get3A_982, %get3A_983] {strides = array<i32>} : memref<4x2x100x128xf32, #tpu.memory_space<vmem>>, vector<1x1x1x16xf32>,
        %get3A_985 = vector.shape_cast %get3A_984 : vector<1x1x1x16xf32> to vector<16xf32>
        %add3A_986 = arith.addf %get3A_985, %get3A_722 : vector<16xf32>
        %swap3A_987 = arith.constant 2 : i32
        %swap3A_988 = arith.constant 1 : i32
        %swap3A_989 = arith.index_cast %swap3A_987 : i32 to index
        %swap3A_990 = arith.index_cast %swap3A_988 : i32 to index
        %swap3A_991 = arith.index_cast %scan3A_695 : i32 to index
        %swap3A_992 = arith.constant 96 : index
        %swap3A_993 = tpu.vector_load %arg6[%swap3A_989, %swap3A_990, %swap3A_991, %swap3A_992] {strides = array<i32>} : memref<4x2x100x128xf32, #tpu.memory_space<vmem>>, vector<1x1x1x16xf32>,
        %swap3A_994 = vector.shape_cast %swap3A_993 : vector<1x1x1x16xf32> to vector<16xf32>
        %swap3A_995 = vector.shape_cast %add3A_986 : vector<16xf32> to vector<1x1x1x16xf32>
        tpu.vector_store %arg6[%swap3A_989, %swap3A_990, %swap3A_991, %swap3A_992], %swap3A_995 {strides = array<i32>} : memref<4x2x100x128xf32, #tpu.memory_space<vmem>>, vector<1x1x1x16xf32>,
        %get3A_996 = arith.constant 2 : i32
        %get3A_997 = arith.constant 1 : i32
        %get3A_998 = arith.index_cast %get3A_996 : i32 to index
        %get3A_999 = arith.index_cast %get3A_997 : i32 to index
        %get3A_1000 = arith.index_cast %scan3A_695 : i32 to index
        %get3A_1001 = arith.constant 112 : index
        %get3A_1002 = tpu.vector_load %arg6[%get3A_998, %get3A_999, %get3A_1000, %get3A_1001] {strides = array<i32>} : memref<4x2x100x128xf32, #tpu.memory_space<vmem>>, vector<1x1x1x16xf32>,
        %get3A_1003 = vector.shape_cast %get3A_1002 : vector<1x1x1x16xf32> to vector<16xf32>
        %add3A_1004 = arith.addf %get3A_1003, %get3A_726 : vector<16xf32>
        %swap3A_1005 = arith.constant 2 : i32
        %swap3A_1006 = arith.constant 1 : i32
        %swap3A_1007 = arith.index_cast %swap3A_1005 : i32 to index
        %swap3A_1008 = arith.index_cast %swap3A_1006 : i32 to index
        %swap3A_1009 = arith.index_cast %scan3A_695 : i32 to index
        %swap3A_1010 = arith.constant 112 : index
        %swap3A_1011 = tpu.vector_load %arg6[%swap3A_1007, %swap3A_1008, %swap3A_1009, %swap3A_1010] {strides = array<i32>} : memref<4x2x100x128xf32, #tpu.memory_space<vmem>>, vector<1x1x1x16xf32>,
        %swap3A_1012 = vector.shape_cast %swap3A_1011 : vector<1x1x1x16xf32> to vector<16xf32>
        %swap3A_1013 = vector.shape_cast %add3A_1004 : vector<16xf32> to vector<1x1x1x16xf32>
        tpu.vector_store %arg6[%swap3A_1007, %swap3A_1008, %swap3A_1009, %swap3A_1010], %swap3A_1013 {strides = array<i32>} : memref<4x2x100x128xf32, #tpu.memory_space<vmem>>, vector<1x1x1x16xf32>,
      }
      %scan3A_543 = arith.constant 100 : i32
      %mul3A_544 = arith.constant 2 : i32
      %mul3A_545 = arith.muli %add3A_518, %mul3A_544 : i32
      %add3A_546 = arith.addi %mul3A_2, %mul3A_545 : i32
      %dma_start3A_547 = arith.constant 2 : i32
      %dma_start3A_548 = arith.constant 0 : i32
      %dma_start3A_549 = arith.constant 0 : i32
      %dma_start3A_550 = arith.constant 0 : i32
      %dma_start3A_551 = tpu.memref_slice %arg6[%dma_start3A_547, %dma_start3A_548, %dma_start3A_549, %dma_start3A_550] : memref<4x2x100x128xf32, #tpu.memory_space<vmem>> -> memref<1x2x100x128xf32, #tpu.memory_space<vmem>>
      %dma_start3A_552 = tpu.memref_squeeze %dma_start3A_551 : memref<1x2x100x128xf32, #tpu.memory_space<vmem>> -> memref<2x100x128xf32, #tpu.memory_space<vmem>>
      %dma_start3A_553 = arith.constant 0 : i32
      %dma_start3A_554 = arith.constant 0 : i32
      %dma_start3A_555 = tpu.memref_slice %arg4[%add3A_546, %dma_start3A_553, %dma_start3A_554] : memref<1024x100x128xf32, #tpu.memory_space<hbm>> -> memref<2x100x128xf32, #tpu.memory_space<hbm>>
      %dma_start3A_556 = arith.constant 0 : i32
      %dma_start3A_557 = arith.constant 0 : i32
      %dma_start3A_558 = tpu.memref_slice %arg4[%add3A_546, %dma_start3A_556, %dma_start3A_557] : memref<1024x100x128xf32, #tpu.memory_space<hbm>> -> memref<2x100x128xf32, #tpu.memory_space<hbm>>
      %dma_start3A_559 = arith.constant 0 : i32
      %dma_start3A_560 = arith.constant 0 : i32
      %dma_start3A_561 = arith.constant 0 : i32
      %dma_start3A_562 = tpu.memref_slice %arg6[%dma_start3A_547, %dma_start3A_559, %dma_start3A_560, %dma_start3A_561] : memref<4x2x100x128xf32, #tpu.memory_space<vmem>> -> memref<1x2x100x128xf32, #tpu.memory_space<vmem>>
      %dma_start3A_563 = tpu.memref_squeeze %dma_start3A_562 : memref<1x2x100x128xf32, #tpu.memory_space<vmem>> -> memref<2x100x128xf32, #tpu.memory_space<vmem>>
      tpu.enqueue_dma source(%dma_start3A_563 : memref<2x100x128xf32, #tpu.memory_space<vmem>>) target(%dma_start3A_558 : memref<2x100x128xf32, #tpu.memory_space<hbm>>) target_semaphore(%arg13 : memref<!tpu.dma_semaphore, #tpu.memory_space<semaphore_mem>>)
      %dma_wait3A_564 = arith.constant 2 : i32
      %dma_wait3A_565 = arith.constant 0 : i32
      %dma_wait3A_566 = arith.constant 0 : i32
      %dma_wait3A_567 = arith.constant 0 : i32
      %dma_wait3A_568 = tpu.memref_slice %arg6[%dma_wait3A_564, %dma_wait3A_565, %dma_wait3A_566, %dma_wait3A_567] : memref<4x2x100x128xf32, #tpu.memory_space<vmem>> -> memref<1x2x100x128xf32, #tpu.memory_space<vmem>>
      %dma_wait3A_569 = tpu.memref_squeeze %dma_wait3A_568 : memref<1x2x100x128xf32, #tpu.memory_space<vmem>> -> memref<2x100x128xf32, #tpu.memory_space<vmem>>
      %dma_wait3A_570 = arith.constant 0 : i32
      %dma_wait3A_571 = arith.constant 0 : i32
      %dma_wait3A_572 = arith.constant 0 : i32
      %dma_wait3A_573 = tpu.memref_slice %arg4[%dma_wait3A_570, %dma_wait3A_571, %dma_wait3A_572] : memref<1024x100x128xf32, #tpu.memory_space<hbm>> -> memref<2x100x128xf32, #tpu.memory_space<hbm>>
      %dma_wait3A_574 = arith.constant 0 : i32
      %dma_wait3A_575 = arith.constant 0 : i32
      %dma_wait3A_576 = arith.constant 0 : i32
      %dma_wait3A_577 = tpu.memref_slice %arg4[%dma_wait3A_574, %dma_wait3A_575, %dma_wait3A_576] : memref<1024x100x128xf32, #tpu.memory_space<hbm>> -> memref<2x100x128xf32, #tpu.memory_space<hbm>>
      %dma_wait3A_578 = arith.constant 0 : i32
      %dma_wait3A_579 = arith.constant 0 : i32
      %dma_wait3A_580 = arith.constant 0 : i32
      %dma_wait3A_581 = tpu.memref_slice %arg6[%dma_wait3A_564, %dma_wait3A_578, %dma_wait3A_579, %dma_wait3A_580] : memref<4x2x100x128xf32, #tpu.memory_space<vmem>> -> memref<1x2x100x128xf32, #tpu.memory_space<vmem>>
      %dma_wait3A_582 = tpu.memref_squeeze %dma_wait3A_581 : memref<1x2x100x128xf32, #tpu.memory_space<vmem>> -> memref<2x100x128xf32, #tpu.memory_space<vmem>>
      tpu.wait_dma2 semaphore(%arg13 : memref<!tpu.dma_semaphore, #tpu.memory_space<semaphore_mem>>) src(%dma_wait3A_582 : memref<2x100x128xf32, #tpu.memory_space<vmem>>) dst(%dma_wait3A_577 : memref<2x100x128xf32, #tpu.memory_space<hbm>>)
      %add3A_583 = arith.constant 4 : i32
      %add3A_584 = arith.addi %add3A_518, %add3A_583 : i32
      %mul3A_585 = arith.constant 2 : i32
      %mul3A_586 = arith.muli %add3A_584, %mul3A_585 : i32
      %add3A_587 = arith.addi %mul3A_2, %mul3A_586 : i32
      %dma_start3A_588 = arith.constant 2 : i32
      %dma_start3A_589 = arith.constant 0 : i32
      %dma_start3A_590 = arith.constant 0 : i32
      %dma_start3A_591 = arith.constant 0 : i32
      %dma_start3A_592 = tpu.memref_slice %arg6[%dma_start3A_588, %dma_start3A_589, %dma_start3A_590, %dma_start3A_591] : memref<4x2x100x128xf32, #tpu.memory_space<vmem>> -> memref<1x2x100x128xf32, #tpu.memory_space<vmem>>
      %dma_start3A_593 = tpu.memref_squeeze %dma_start3A_592 : memref<1x2x100x128xf32, #tpu.memory_space<vmem>> -> memref<2x100x128xf32, #tpu.memory_space<vmem>>
      %dma_start3A_594 = arith.constant 0 : i32
      %dma_start3A_595 = arith.constant 0 : i32
      %dma_start3A_596 = tpu.memref_slice %arg2[%add3A_587, %dma_start3A_594, %dma_start3A_595] : memref<1024x100x128xf32, #tpu.memory_space<hbm>> -> memref<2x100x128xf32, #tpu.memory_space<hbm>>
      %dma_start3A_597 = arith.constant 0 : i32
      %dma_start3A_598 = arith.constant 0 : i32
      %dma_start3A_599 = arith.constant 0 : i32
      %dma_start3A_600 = tpu.memref_slice %arg6[%dma_start3A_588, %dma_start3A_597, %dma_start3A_598, %dma_start3A_599] : memref<4x2x100x128xf32, #tpu.memory_space<vmem>> -> memref<1x2x100x128xf32, #tpu.memory_space<vmem>>
      %dma_start3A_601 = tpu.memref_squeeze %dma_start3A_600 : memref<1x2x100x128xf32, #tpu.memory_space<vmem>> -> memref<2x100x128xf32, #tpu.memory_space<vmem>>
      %dma_start3A_602 = arith.constant 0 : i32
      %dma_start3A_603 = arith.constant 0 : i32
      %dma_start3A_604 = tpu.memref_slice %arg2[%add3A_587, %dma_start3A_602, %dma_start3A_603] : memref<1024x100x128xf32, #tpu.memory_space<hbm>> -> memref<2x100x128xf32, #tpu.memory_space<hbm>>
      tpu.enqueue_dma source(%dma_start3A_604 : memref<2x100x128xf32, #tpu.memory_space<hbm>>) target(%dma_start3A_601 : memref<2x100x128xf32, #tpu.memory_space<vmem>>) target_semaphore(%arg9 : memref<!tpu.dma_semaphore, #tpu.memory_space<semaphore_mem>>)
      %mul3A_605 = arith.constant 4 : i32
      %mul3A_606 = arith.muli %scan3A_334, %mul3A_605 : i32
      %add3A_607 = arith.constant 3 : i32
      %add3A_608 = arith.addi %mul3A_606, %add3A_607 : i32
      %dma_wait3A_609 = arith.constant 3 : i32
      %dma_wait3A_610 = arith.constant 0 : i32
      %dma_wait3A_611 = arith.constant 0 : i32
      %dma_wait3A_612 = arith.constant 0 : i32
      %dma_wait3A_613 = tpu.memref_slice %arg6[%dma_wait3A_609, %dma_wait3A_610, %dma_wait3A_611, %dma_wait3A_612] : memref<4x2x100x128xf32, #tpu.memory_space<vmem>> -> memref<1x2x100x128xf32, #tpu.memory_space<vmem>>
      %dma_wait3A_614 = tpu.memref_squeeze %dma_wait3A_613 : memref<1x2x100x128xf32, #tpu.memory_space<vmem>> -> memref<2x100x128xf32, #tpu.memory_space<vmem>>
      %dma_wait3A_615 = arith.constant 0 : i32
      %dma_wait3A_616 = arith.constant 0 : i32
      %dma_wait3A_617 = arith.constant 0 : i32
      %dma_wait3A_618 = tpu.memref_slice %arg2[%dma_wait3A_615, %dma_wait3A_616, %dma_wait3A_617] : memref<1024x100x128xf32, #tpu.memory_space<hbm>> -> memref<2x100x128xf32, #tpu.memory_space<hbm>>
      %dma_wait3A_619 = arith.constant 0 : i32
      %dma_wait3A_620 = arith.constant 0 : i32
      %dma_wait3A_621 = arith.constant 0 : i32
      %dma_wait3A_622 = tpu.memref_slice %arg6[%dma_wait3A_609, %dma_wait3A_619, %dma_wait3A_620, %dma_wait3A_621] : memref<4x2x100x128xf32, #tpu.memory_space<vmem>> -> memref<1x2x100x128xf32, #tpu.memory_space<vmem>>
      %dma_wait3A_623 = tpu.memref_squeeze %dma_wait3A_622 : memref<1x2x100x128xf32, #tpu.memory_space<vmem>> -> memref<2x100x128xf32, #tpu.memory_space<vmem>>
      %dma_wait3A_624 = arith.constant 0 : i32
      %dma_wait3A_625 = arith.constant 0 : i32
      %dma_wait3A_626 = arith.constant 0 : i32
      %dma_wait3A_627 = tpu.memref_slice %arg2[%dma_wait3A_624, %dma_wait3A_625, %dma_wait3A_626] : memref<1024x100x128xf32, #tpu.memory_space<hbm>> -> memref<2x100x128xf32, #tpu.memory_space<hbm>>
      tpu.wait_dma2 semaphore(%arg10 : memref<!tpu.dma_semaphore, #tpu.memory_space<semaphore_mem>>) src(%dma_wait3A_627 : memref<2x100x128xf32, #tpu.memory_space<hbm>>) dst(%dma_wait3A_623 : memref<2x100x128xf32, #tpu.memory_space<vmem>>)
      %scan3A_628 = arith.constant 0 : i32
      %scan3A_629 = arith.constant 0 : i32
      %scan3A_630 = arith.constant 100 : i32
      %scan3A_631 = arith.addi %scan3A_629, %scan3A_630 : i32
      %scan3A_632 = arith.constant 1 : i32
      scf.for %scan3A_695 = %scan3A_629 to %scan3A_631 step %scan3A_632  : i32 {
        %get3A = arith.index_cast %scan3A_695 : i32 to index
        %get3A_696 = arith.constant 0 : index
        %get3A_697 = tpu.vector_load %arg5[%get3A, %get3A_696] {strides = array<i32>} : memref<100x128xf32, #tpu.memory_space<vmem>>, vector<1x16xf32>,
        %get3A_698 = vector.shape_cast %get3A_697 : vector<1x16xf32> to vector<16xf32>
        %get3A_699 = arith.index_cast %scan3A_695 : i32 to index
        %get3A_700 = arith.constant 16 : index
        %get3A_701 = tpu.vector_load %arg5[%get3A_699, %get3A_700] {strides = array<i32>} : memref<100x128xf32, #tpu.memory_space<vmem>>, vector<1x16xf32>,
        %get3A_702 = vector.shape_cast %get3A_701 : vector<1x16xf32> to vector<16xf32>
        %get3A_703 = arith.index_cast %scan3A_695 : i32 to index
        %get3A_704 = arith.constant 32 : index
        %get3A_705 = tpu.vector_load %arg5[%get3A_703, %get3A_704] {strides = array<i32>} : memref<100x128xf32, #tpu.memory_space<vmem>>, vector<1x16xf32>,
        %get3A_706 = vector.shape_cast %get3A_705 : vector<1x16xf32> to vector<16xf32>
        %get3A_707 = arith.index_cast %scan3A_695 : i32 to index
        %get3A_708 = arith.constant 48 : index
        %get3A_709 = tpu.vector_load %arg5[%get3A_707, %get3A_708] {strides = array<i32>} : memref<100x128xf32, #tpu.memory_space<vmem>>, vector<1x16xf32>,
        %get3A_710 = vector.shape_cast %get3A_709 : vector<1x16xf32> to vector<16xf32>
        %get3A_711 = arith.index_cast %scan3A_695 : i32 to index
        %get3A_712 = arith.constant 64 : index
        %get3A_713 = tpu.vector_load %arg5[%get3A_711, %get3A_712] {strides = array<i32>} : memref<100x128xf32, #tpu.memory_space<vmem>>, vector<1x16xf32>,
        %get3A_714 = vector.shape_cast %get3A_713 : vector<1x16xf32> to vector<16xf32>
        %get3A_715 = arith.index_cast %scan3A_695 : i32 to index
        %get3A_716 = arith.constant 80 : index
        %get3A_717 = tpu.vector_load %arg5[%get3A_715, %get3A_716] {strides = array<i32>} : memref<100x128xf32, #tpu.memory_space<vmem>>, vector<1x16xf32>,
        %get3A_718 = vector.shape_cast %get3A_717 : vector<1x16xf32> to vector<16xf32>
        %get3A_719 = arith.index_cast %scan3A_695 : i32 to index
        %get3A_720 = arith.constant 96 : index
        %get3A_721 = tpu.vector_load %arg5[%get3A_719, %get3A_720] {strides = array<i32>} : memref<100x128xf32, #tpu.memory_space<vmem>>, vector<1x16xf32>,
        %get3A_722 = vector.shape_cast %get3A_721 : vector<1x16xf32> to vector<16xf32>
        %get3A_723 = arith.index_cast %scan3A_695 : i32 to index
        %get3A_724 = arith.constant 112 : index
        %get3A_725 = tpu.vector_load %arg5[%get3A_723, %get3A_724] {strides = array<i32>} : memref<100x128xf32, #tpu.memory_space<vmem>>, vector<1x16xf32>,
        %get3A_726 = vector.shape_cast %get3A_725 : vector<1x16xf32> to vector<16xf32>
        %get3A_727 = arith.constant 3 : i32
        %get3A_728 = arith.constant 0 : i32
        %get3A_729 = arith.index_cast %get3A_727 : i32 to index
        %get3A_730 = arith.index_cast %get3A_728 : i32 to index
        %get3A_731 = arith.index_cast %scan3A_695 : i32 to index
        %get3A_732 = arith.constant 0 : index
        %get3A_733 = tpu.vector_load %arg6[%get3A_729, %get3A_730, %get3A_731, %get3A_732] {strides = array<i32>} : memref<4x2x100x128xf32, #tpu.memory_space<vmem>>, vector<1x1x1x16xf32>,
        %get3A_734 = vector.shape_cast %get3A_733 : vector<1x1x1x16xf32> to vector<16xf32>
        %add3A_735 = arith.addf %get3A_734, %get3A_698 : vector<16xf32>
        %swap3A = arith.constant 3 : i32
        %swap3A_736 = arith.constant 0 : i32
        %swap3A_737 = arith.index_cast %swap3A : i32 to index
        %swap3A_738 = arith.index_cast %swap3A_736 : i32 to index
        %swap3A_739 = arith.index_cast %scan3A_695 : i32 to index
        %swap3A_740 = arith.constant 0 : index
        %swap3A_741 = tpu.vector_load %arg6[%swap3A_737, %swap3A_738, %swap3A_739, %swap3A_740] {strides = array<i32>} : memref<4x2x100x128xf32, #tpu.memory_space<vmem>>, vector<1x1x1x16xf32>,
        %swap3A_742 = vector.shape_cast %swap3A_741 : vector<1x1x1x16xf32> to vector<16xf32>
        %swap3A_743 = vector.shape_cast %add3A_735 : vector<16xf32> to vector<1x1x1x16xf32>
        tpu.vector_store %arg6[%swap3A_737, %swap3A_738, %swap3A_739, %swap3A_740], %swap3A_743 {strides = array<i32>} : memref<4x2x100x128xf32, #tpu.memory_space<vmem>>, vector<1x1x1x16xf32>,
        %get3A_744 = arith.constant 3 : i32
        %get3A_745 = arith.constant 0 : i32
        %get3A_746 = arith.index_cast %get3A_744 : i32 to index
        %get3A_747 = arith.index_cast %get3A_745 : i32 to index
        %get3A_748 = arith.index_cast %scan3A_695 : i32 to index
        %get3A_749 = arith.constant 16 : index
        %get3A_750 = tpu.vector_load %arg6[%get3A_746, %get3A_747, %get3A_748, %get3A_749] {strides = array<i32>} : memref<4x2x100x128xf32, #tpu.memory_space<vmem>>, vector<1x1x1x16xf32>,
        %get3A_751 = vector.shape_cast %get3A_750 : vector<1x1x1x16xf32> to vector<16xf32>
        %add3A_752 = arith.addf %get3A_751, %get3A_702 : vector<16xf32>
        %swap3A_753 = arith.constant 3 : i32
        %swap3A_754 = arith.constant 0 : i32
        %swap3A_755 = arith.index_cast %swap3A_753 : i32 to index
        %swap3A_756 = arith.index_cast %swap3A_754 : i32 to index
        %swap3A_757 = arith.index_cast %scan3A_695 : i32 to index
        %swap3A_758 = arith.constant 16 : index
        %swap3A_759 = tpu.vector_load %arg6[%swap3A_755, %swap3A_756, %swap3A_757, %swap3A_758] {strides = array<i32>} : memref<4x2x100x128xf32, #tpu.memory_space<vmem>>, vector<1x1x1x16xf32>,
        %swap3A_760 = vector.shape_cast %swap3A_759 : vector<1x1x1x16xf32> to vector<16xf32>
        %swap3A_761 = vector.shape_cast %add3A_752 : vector<16xf32> to vector<1x1x1x16xf32>
        tpu.vector_store %arg6[%swap3A_755, %swap3A_756, %swap3A_757, %swap3A_758], %swap3A_761 {strides = array<i32>} : memref<4x2x100x128xf32, #tpu.memory_space<vmem>>, vector<1x1x1x16xf32>,
        %get3A_762 = arith.constant 3 : i32
        %get3A_763 = arith.constant 0 : i32
        %get3A_764 = arith.index_cast %get3A_762 : i32 to index
        %get3A_765 = arith.index_cast %get3A_763 : i32 to index
        %get3A_766 = arith.index_cast %scan3A_695 : i32 to index
        %get3A_767 = arith.constant 32 : index
        %get3A_768 = tpu.vector_load %arg6[%get3A_764, %get3A_765, %get3A_766, %get3A_767] {strides = array<i32>} : memref<4x2x100x128xf32, #tpu.memory_space<vmem>>, vector<1x1x1x16xf32>,
        %get3A_769 = vector.shape_cast %get3A_768 : vector<1x1x1x16xf32> to vector<16xf32>
        %add3A_770 = arith.addf %get3A_769, %get3A_706 : vector<16xf32>
        %swap3A_771 = arith.constant 3 : i32
        %swap3A_772 = arith.constant 0 : i32
        %swap3A_773 = arith.index_cast %swap3A_771 : i32 to index
        %swap3A_774 = arith.index_cast %swap3A_772 : i32 to index
        %swap3A_775 = arith.index_cast %scan3A_695 : i32 to index
        %swap3A_776 = arith.constant 32 : index
        %swap3A_777 = tpu.vector_load %arg6[%swap3A_773, %swap3A_774, %swap3A_775, %swap3A_776] {strides = array<i32>} : memref<4x2x100x128xf32, #tpu.memory_space<vmem>>, vector<1x1x1x16xf32>,
        %swap3A_778 = vector.shape_cast %swap3A_777 : vector<1x1x1x16xf32> to vector<16xf32>
        %swap3A_779 = vector.shape_cast %add3A_770 : vector<16xf32> to vector<1x1x1x16xf32>
        tpu.vector_store %arg6[%swap3A_773, %swap3A_774, %swap3A_775, %swap3A_776], %swap3A_779 {strides = array<i32>} : memref<4x2x100x128xf32, #tpu.memory_space<vmem>>, vector<1x1x1x16xf32>,
        %get3A_780 = arith.constant 3 : i32
        %get3A_781 = arith.constant 0 : i32
        %get3A_782 = arith.index_cast %get3A_780 : i32 to index
        %get3A_783 = arith.index_cast %get3A_781 : i32 to index
        %get3A_784 = arith.index_cast %scan3A_695 : i32 to index
        %get3A_785 = arith.constant 48 : index
        %get3A_786 = tpu.vector_load %arg6[%get3A_782, %get3A_783, %get3A_784, %get3A_785] {strides = array<i32>} : memref<4x2x100x128xf32, #tpu.memory_space<vmem>>, vector<1x1x1x16xf32>,
        %get3A_787 = vector.shape_cast %get3A_786 : vector<1x1x1x16xf32> to vector<16xf32>
        %add3A_788 = arith.addf %get3A_787, %get3A_710 : vector<16xf32>
        %swap3A_789 = arith.constant 3 : i32
        %swap3A_790 = arith.constant 0 : i32
        %swap3A_791 = arith.index_cast %swap3A_789 : i32 to index
        %swap3A_792 = arith.index_cast %swap3A_790 : i32 to index
        %swap3A_793 = arith.index_cast %scan3A_695 : i32 to index
        %swap3A_794 = arith.constant 48 : index
        %swap3A_795 = tpu.vector_load %arg6[%swap3A_791, %swap3A_792, %swap3A_793, %swap3A_794] {strides = array<i32>} : memref<4x2x100x128xf32, #tpu.memory_space<vmem>>, vector<1x1x1x16xf32>,
        %swap3A_796 = vector.shape_cast %swap3A_795 : vector<1x1x1x16xf32> to vector<16xf32>
        %swap3A_797 = vector.shape_cast %add3A_788 : vector<16xf32> to vector<1x1x1x16xf32>
        tpu.vector_store %arg6[%swap3A_791, %swap3A_792, %swap3A_793, %swap3A_794], %swap3A_797 {strides = array<i32>} : memref<4x2x100x128xf32, #tpu.memory_space<vmem>>, vector<1x1x1x16xf32>,
        %get3A_798 = arith.constant 3 : i32
        %get3A_799 = arith.constant 0 : i32
        %get3A_800 = arith.index_cast %get3A_798 : i32 to index
        %get3A_801 = arith.index_cast %get3A_799 : i32 to index
        %get3A_802 = arith.index_cast %scan3A_695 : i32 to index
        %get3A_803 = arith.constant 64 : index
        %get3A_804 = tpu.vector_load %arg6[%get3A_800, %get3A_801, %get3A_802, %get3A_803] {strides = array<i32>} : memref<4x2x100x128xf32, #tpu.memory_space<vmem>>, vector<1x1x1x16xf32>,
        %get3A_805 = vector.shape_cast %get3A_804 : vector<1x1x1x16xf32> to vector<16xf32>
        %add3A_806 = arith.addf %get3A_805, %get3A_714 : vector<16xf32>
        %swap3A_807 = arith.constant 3 : i32
        %swap3A_808 = arith.constant 0 : i32
        %swap3A_809 = arith.index_cast %swap3A_807 : i32 to index
        %swap3A_810 = arith.index_cast %swap3A_808 : i32 to index
        %swap3A_811 = arith.index_cast %scan3A_695 : i32 to index
        %swap3A_812 = arith.constant 64 : index
        %swap3A_813 = tpu.vector_load %arg6[%swap3A_809, %swap3A_810, %swap3A_811, %swap3A_812] {strides = array<i32>} : memref<4x2x100x128xf32, #tpu.memory_space<vmem>>, vector<1x1x1x16xf32>,
        %swap3A_814 = vector.shape_cast %swap3A_813 : vector<1x1x1x16xf32> to vector<16xf32>
        %swap3A_815 = vector.shape_cast %add3A_806 : vector<16xf32> to vector<1x1x1x16xf32>
        tpu.vector_store %arg6[%swap3A_809, %swap3A_810, %swap3A_811, %swap3A_812], %swap3A_815 {strides = array<i32>} : memref<4x2x100x128xf32, #tpu.memory_space<vmem>>, vector<1x1x1x16xf32>,
        %get3A_816 = arith.constant 3 : i32
        %get3A_817 = arith.constant 0 : i32
        %get3A_818 = arith.index_cast %get3A_816 : i32 to index
        %get3A_819 = arith.index_cast %get3A_817 : i32 to index
        %get3A_820 = arith.index_cast %scan3A_695 : i32 to index
        %get3A_821 = arith.constant 80 : index
        %get3A_822 = tpu.vector_load %arg6[%get3A_818, %get3A_819, %get3A_820, %get3A_821] {strides = array<i32>} : memref<4x2x100x128xf32, #tpu.memory_space<vmem>>, vector<1x1x1x16xf32>,
        %get3A_823 = vector.shape_cast %get3A_822 : vector<1x1x1x16xf32> to vector<16xf32>
        %add3A_824 = arith.addf %get3A_823, %get3A_718 : vector<16xf32>
        %swap3A_825 = arith.constant 3 : i32
        %swap3A_826 = arith.constant 0 : i32
        %swap3A_827 = arith.index_cast %swap3A_825 : i32 to index
        %swap3A_828 = arith.index_cast %swap3A_826 : i32 to index
        %swap3A_829 = arith.index_cast %scan3A_695 : i32 to index
        %swap3A_830 = arith.constant 80 : index
        %swap3A_831 = tpu.vector_load %arg6[%swap3A_827, %swap3A_828, %swap3A_829, %swap3A_830] {strides = array<i32>} : memref<4x2x100x128xf32, #tpu.memory_space<vmem>>, vector<1x1x1x16xf32>,
        %swap3A_832 = vector.shape_cast %swap3A_831 : vector<1x1x1x16xf32> to vector<16xf32>
        %swap3A_833 = vector.shape_cast %add3A_824 : vector<16xf32> to vector<1x1x1x16xf32>
        tpu.vector_store %arg6[%swap3A_827, %swap3A_828, %swap3A_829, %swap3A_830], %swap3A_833 {strides = array<i32>} : memref<4x2x100x128xf32, #tpu.memory_space<vmem>>, vector<1x1x1x16xf32>,
        %get3A_834 = arith.constant 3 : i32
        %get3A_835 = arith.constant 0 : i32
        %get3A_836 = arith.index_cast %get3A_834 : i32 to index
        %get3A_837 = arith.index_cast %get3A_835 : i32 to index
        %get3A_838 = arith.index_cast %scan3A_695 : i32 to index
        %get3A_839 = arith.constant 96 : index
        %get3A_840 = tpu.vector_load %arg6[%get3A_836, %get3A_837, %get3A_838, %get3A_839] {strides = array<i32>} : memref<4x2x100x128xf32, #tpu.memory_space<vmem>>, vector<1x1x1x16xf32>,
        %get3A_841 = vector.shape_cast %get3A_840 : vector<1x1x1x16xf32> to vector<16xf32>
        %add3A_842 = arith.addf %get3A_841, %get3A_722 : vector<16xf32>
        %swap3A_843 = arith.constant 3 : i32
        %swap3A_844 = arith.constant 0 : i32
        %swap3A_845 = arith.index_cast %swap3A_843 : i32 to index
        %swap3A_846 = arith.index_cast %swap3A_844 : i32 to index
        %swap3A_847 = arith.index_cast %scan3A_695 : i32 to index
        %swap3A_848 = arith.constant 96 : index
        %swap3A_849 = tpu.vector_load %arg6[%swap3A_845, %swap3A_846, %swap3A_847, %swap3A_848] {strides = array<i32>} : memref<4x2x100x128xf32, #tpu.memory_space<vmem>>, vector<1x1x1x16xf32>,
        %swap3A_850 = vector.shape_cast %swap3A_849 : vector<1x1x1x16xf32> to vector<16xf32>
        %swap3A_851 = vector.shape_cast %add3A_842 : vector<16xf32> to vector<1x1x1x16xf32>
        tpu.vector_store %arg6[%swap3A_845, %swap3A_846, %swap3A_847, %swap3A_848], %swap3A_851 {strides = array<i32>} : memref<4x2x100x128xf32, #tpu.memory_space<vmem>>, vector<1x1x1x16xf32>,
        %get3A_852 = arith.constant 3 : i32
        %get3A_853 = arith.constant 0 : i32
        %get3A_854 = arith.index_cast %get3A_852 : i32 to index
        %get3A_855 = arith.index_cast %get3A_853 : i32 to index
        %get3A_856 = arith.index_cast %scan3A_695 : i32 to index
        %get3A_857 = arith.constant 112 : index
        %get3A_858 = tpu.vector_load %arg6[%get3A_854, %get3A_855, %get3A_856, %get3A_857] {strides = array<i32>} : memref<4x2x100x128xf32, #tpu.memory_space<vmem>>, vector<1x1x1x16xf32>,
        %get3A_859 = vector.shape_cast %get3A_858 : vector<1x1x1x16xf32> to vector<16xf32>
        %add3A_860 = arith.addf %get3A_859, %get3A_726 : vector<16xf32>
        %swap3A_861 = arith.constant 3 : i32
        %swap3A_862 = arith.constant 0 : i32
        %swap3A_863 = arith.index_cast %swap3A_861 : i32 to index
        %swap3A_864 = arith.index_cast %swap3A_862 : i32 to index
        %swap3A_865 = arith.index_cast %scan3A_695 : i32 to index
        %swap3A_866 = arith.constant 112 : index
        %swap3A_867 = tpu.vector_load %arg6[%swap3A_863, %swap3A_864, %swap3A_865, %swap3A_866] {strides = array<i32>} : memref<4x2x100x128xf32, #tpu.memory_space<vmem>>, vector<1x1x1x16xf32>,
        %swap3A_868 = vector.shape_cast %swap3A_867 : vector<1x1x1x16xf32> to vector<16xf32>
        %swap3A_869 = vector.shape_cast %add3A_860 : vector<16xf32> to vector<1x1x1x16xf32>
        tpu.vector_store %arg6[%swap3A_863, %swap3A_864, %swap3A_865, %swap3A_866], %swap3A_869 {strides = array<i32>} : memref<4x2x100x128xf32, #tpu.memory_space<vmem>>, vector<1x1x1x16xf32>,
        %get3A_870 = arith.constant 3 : i32
        %get3A_871 = arith.constant 1 : i32
        %get3A_872 = arith.index_cast %get3A_870 : i32 to index
        %get3A_873 = arith.index_cast %get3A_871 : i32 to index
        %get3A_874 = arith.index_cast %scan3A_695 : i32 to index
        %get3A_875 = arith.constant 0 : index
        %get3A_876 = tpu.vector_load %arg6[%get3A_872, %get3A_873, %get3A_874, %get3A_875] {strides = array<i32>} : memref<4x2x100x128xf32, #tpu.memory_space<vmem>>, vector<1x1x1x16xf32>,
        %get3A_877 = vector.shape_cast %get3A_876 : vector<1x1x1x16xf32> to vector<16xf32>
        %add3A_878 = arith.addf %get3A_877, %get3A_698 : vector<16xf32>
        %swap3A_879 = arith.constant 3 : i32
        %swap3A_880 = arith.constant 1 : i32
        %swap3A_881 = arith.index_cast %swap3A_879 : i32 to index
        %swap3A_882 = arith.index_cast %swap3A_880 : i32 to index
        %swap3A_883 = arith.index_cast %scan3A_695 : i32 to index
        %swap3A_884 = arith.constant 0 : index
        %swap3A_885 = tpu.vector_load %arg6[%swap3A_881, %swap3A_882, %swap3A_883, %swap3A_884] {strides = array<i32>} : memref<4x2x100x128xf32, #tpu.memory_space<vmem>>, vector<1x1x1x16xf32>,
        %swap3A_886 = vector.shape_cast %swap3A_885 : vector<1x1x1x16xf32> to vector<16xf32>
        %swap3A_887 = vector.shape_cast %add3A_878 : vector<16xf32> to vector<1x1x1x16xf32>
        tpu.vector_store %arg6[%swap3A_881, %swap3A_882, %swap3A_883, %swap3A_884], %swap3A_887 {strides = array<i32>} : memref<4x2x100x128xf32, #tpu.memory_space<vmem>>, vector<1x1x1x16xf32>,
        %get3A_888 = arith.constant 3 : i32
        %get3A_889 = arith.constant 1 : i32
        %get3A_890 = arith.index_cast %get3A_888 : i32 to index
        %get3A_891 = arith.index_cast %get3A_889 : i32 to index
        %get3A_892 = arith.index_cast %scan3A_695 : i32 to index
        %get3A_893 = arith.constant 16 : index
        %get3A_894 = tpu.vector_load %arg6[%get3A_890, %get3A_891, %get3A_892, %get3A_893] {strides = array<i32>} : memref<4x2x100x128xf32, #tpu.memory_space<vmem>>, vector<1x1x1x16xf32>,
        %get3A_895 = vector.shape_cast %get3A_894 : vector<1x1x1x16xf32> to vector<16xf32>
        %add3A_896 = arith.addf %get3A_895, %get3A_702 : vector<16xf32>
        %swap3A_897 = arith.constant 3 : i32
        %swap3A_898 = arith.constant 1 : i32
        %swap3A_899 = arith.index_cast %swap3A_897 : i32 to index
        %swap3A_900 = arith.index_cast %swap3A_898 : i32 to index
        %swap3A_901 = arith.index_cast %scan3A_695 : i32 to index
        %swap3A_902 = arith.constant 16 : index
        %swap3A_903 = tpu.vector_load %arg6[%swap3A_899, %swap3A_900, %swap3A_901, %swap3A_902] {strides = array<i32>} : memref<4x2x100x128xf32, #tpu.memory_space<vmem>>, vector<1x1x1x16xf32>,
        %swap3A_904 = vector.shape_cast %swap3A_903 : vector<1x1x1x16xf32> to vector<16xf32>
        %swap3A_905 = vector.shape_cast %add3A_896 : vector<16xf32> to vector<1x1x1x16xf32>
        tpu.vector_store %arg6[%swap3A_899, %swap3A_900, %swap3A_901, %swap3A_902], %swap3A_905 {strides = array<i32>} : memref<4x2x100x128xf32, #tpu.memory_space<vmem>>, vector<1x1x1x16xf32>,
        %get3A_906 = arith.constant 3 : i32
        %get3A_907 = arith.constant 1 : i32
        %get3A_908 = arith.index_cast %get3A_906 : i32 to index
        %get3A_909 = arith.index_cast %get3A_907 : i32 to index
        %get3A_910 = arith.index_cast %scan3A_695 : i32 to index
        %get3A_911 = arith.constant 32 : index
        %get3A_912 = tpu.vector_load %arg6[%get3A_908, %get3A_909, %get3A_910, %get3A_911] {strides = array<i32>} : memref<4x2x100x128xf32, #tpu.memory_space<vmem>>, vector<1x1x1x16xf32>,
        %get3A_913 = vector.shape_cast %get3A_912 : vector<1x1x1x16xf32> to vector<16xf32>
        %add3A_914 = arith.addf %get3A_913, %get3A_706 : vector<16xf32>
        %swap3A_915 = arith.constant 3 : i32
        %swap3A_916 = arith.constant 1 : i32
        %swap3A_917 = arith.index_cast %swap3A_915 : i32 to index
        %swap3A_918 = arith.index_cast %swap3A_916 : i32 to index
        %swap3A_919 = arith.index_cast %scan3A_695 : i32 to index
        %swap3A_920 = arith.constant 32 : index
        %swap3A_921 = tpu.vector_load %arg6[%swap3A_917, %swap3A_918, %swap3A_919, %swap3A_920] {strides = array<i32>} : memref<4x2x100x128xf32, #tpu.memory_space<vmem>>, vector<1x1x1x16xf32>,
        %swap3A_922 = vector.shape_cast %swap3A_921 : vector<1x1x1x16xf32> to vector<16xf32>
        %swap3A_923 = vector.shape_cast %add3A_914 : vector<16xf32> to vector<1x1x1x16xf32>
        tpu.vector_store %arg6[%swap3A_917, %swap3A_918, %swap3A_919, %swap3A_920], %swap3A_923 {strides = array<i32>} : memref<4x2x100x128xf32, #tpu.memory_space<vmem>>, vector<1x1x1x16xf32>,
        %get3A_924 = arith.constant 3 : i32
        %get3A_925 = arith.constant 1 : i32
        %get3A_926 = arith.index_cast %get3A_924 : i32 to index
        %get3A_927 = arith.index_cast %get3A_925 : i32 to index
        %get3A_928 = arith.index_cast %scan3A_695 : i32 to index
        %get3A_929 = arith.constant 48 : index
        %get3A_930 = tpu.vector_load %arg6[%get3A_926, %get3A_927, %get3A_928, %get3A_929] {strides = array<i32>} : memref<4x2x100x128xf32, #tpu.memory_space<vmem>>, vector<1x1x1x16xf32>,
        %get3A_931 = vector.shape_cast %get3A_930 : vector<1x1x1x16xf32> to vector<16xf32>
        %add3A_932 = arith.addf %get3A_931, %get3A_710 : vector<16xf32>
        %swap3A_933 = arith.constant 3 : i32
        %swap3A_934 = arith.constant 1 : i32
        %swap3A_935 = arith.index_cast %swap3A_933 : i32 to index
        %swap3A_936 = arith.index_cast %swap3A_934 : i32 to index
        %swap3A_937 = arith.index_cast %scan3A_695 : i32 to index
        %swap3A_938 = arith.constant 48 : index
        %swap3A_939 = tpu.vector_load %arg6[%swap3A_935, %swap3A_936, %swap3A_937, %swap3A_938] {strides = array<i32>} : memref<4x2x100x128xf32, #tpu.memory_space<vmem>>, vector<1x1x1x16xf32>,
        %swap3A_940 = vector.shape_cast %swap3A_939 : vector<1x1x1x16xf32> to vector<16xf32>
        %swap3A_941 = vector.shape_cast %add3A_932 : vector<16xf32> to vector<1x1x1x16xf32>
        tpu.vector_store %arg6[%swap3A_935, %swap3A_936, %swap3A_937, %swap3A_938], %swap3A_941 {strides = array<i32>} : memref<4x2x100x128xf32, #tpu.memory_space<vmem>>, vector<1x1x1x16xf32>,
        %get3A_942 = arith.constant 3 : i32
        %get3A_943 = arith.constant 1 : i32
        %get3A_944 = arith.index_cast %get3A_942 : i32 to index
        %get3A_945 = arith.index_cast %get3A_943 : i32 to index
        %get3A_946 = arith.index_cast %scan3A_695 : i32 to index
        %get3A_947 = arith.constant 64 : index
        %get3A_948 = tpu.vector_load %arg6[%get3A_944, %get3A_945, %get3A_946, %get3A_947] {strides = array<i32>} : memref<4x2x100x128xf32, #tpu.memory_space<vmem>>, vector<1x1x1x16xf32>,
        %get3A_949 = vector.shape_cast %get3A_948 : vector<1x1x1x16xf32> to vector<16xf32>
        %add3A_950 = arith.addf %get3A_949, %get3A_714 : vector<16xf32>
        %swap3A_951 = arith.constant 3 : i32
        %swap3A_952 = arith.constant 1 : i32
        %swap3A_953 = arith.index_cast %swap3A_951 : i32 to index
        %swap3A_954 = arith.index_cast %swap3A_952 : i32 to index
        %swap3A_955 = arith.index_cast %scan3A_695 : i32 to index
        %swap3A_956 = arith.constant 64 : index
        %swap3A_957 = tpu.vector_load %arg6[%swap3A_953, %swap3A_954, %swap3A_955, %swap3A_956] {strides = array<i32>} : memref<4x2x100x128xf32, #tpu.memory_space<vmem>>, vector<1x1x1x16xf32>,
        %swap3A_958 = vector.shape_cast %swap3A_957 : vector<1x1x1x16xf32> to vector<16xf32>
        %swap3A_959 = vector.shape_cast %add3A_950 : vector<16xf32> to vector<1x1x1x16xf32>
        tpu.vector_store %arg6[%swap3A_953, %swap3A_954, %swap3A_955, %swap3A_956], %swap3A_959 {strides = array<i32>} : memref<4x2x100x128xf32, #tpu.memory_space<vmem>>, vector<1x1x1x16xf32>,
        %get3A_960 = arith.constant 3 : i32
        %get3A_961 = arith.constant 1 : i32
        %get3A_962 = arith.index_cast %get3A_960 : i32 to index
        %get3A_963 = arith.index_cast %get3A_961 : i32 to index
        %get3A_964 = arith.index_cast %scan3A_695 : i32 to index
        %get3A_965 = arith.constant 80 : index
        %get3A_966 = tpu.vector_load %arg6[%get3A_962, %get3A_963, %get3A_964, %get3A_965] {strides = array<i32>} : memref<4x2x100x128xf32, #tpu.memory_space<vmem>>, vector<1x1x1x16xf32>,
        %get3A_967 = vector.shape_cast %get3A_966 : vector<1x1x1x16xf32> to vector<16xf32>
        %add3A_968 = arith.addf %get3A_967, %get3A_718 : vector<16xf32>
        %swap3A_969 = arith.constant 3 : i32
        %swap3A_970 = arith.constant 1 : i32
        %swap3A_971 = arith.index_cast %swap3A_969 : i32 to index
        %swap3A_972 = arith.index_cast %swap3A_970 : i32 to index
        %swap3A_973 = arith.index_cast %scan3A_695 : i32 to index
        %swap3A_974 = arith.constant 80 : index
        %swap3A_975 = tpu.vector_load %arg6[%swap3A_971, %swap3A_972, %swap3A_973, %swap3A_974] {strides = array<i32>} : memref<4x2x100x128xf32, #tpu.memory_space<vmem>>, vector<1x1x1x16xf32>,
        %swap3A_976 = vector.shape_cast %swap3A_975 : vector<1x1x1x16xf32> to vector<16xf32>
        %swap3A_977 = vector.shape_cast %add3A_968 : vector<16xf32> to vector<1x1x1x16xf32>
        tpu.vector_store %arg6[%swap3A_971, %swap3A_972, %swap3A_973, %swap3A_974], %swap3A_977 {strides = array<i32>} : memref<4x2x100x128xf32, #tpu.memory_space<vmem>>, vector<1x1x1x16xf32>,
        %get3A_978 = arith.constant 3 : i32
        %get3A_979 = arith.constant 1 : i32
        %get3A_980 = arith.index_cast %get3A_978 : i32 to index
        %get3A_981 = arith.index_cast %get3A_979 : i32 to index
        %get3A_982 = arith.index_cast %scan3A_695 : i32 to index
        %get3A_983 = arith.constant 96 : index
        %get3A_984 = tpu.vector_load %arg6[%get3A_980, %get3A_981, %get3A_982, %get3A_983] {strides = array<i32>} : memref<4x2x100x128xf32, #tpu.memory_space<vmem>>, vector<1x1x1x16xf32>,
        %get3A_985 = vector.shape_cast %get3A_984 : vector<1x1x1x16xf32> to vector<16xf32>
        %add3A_986 = arith.addf %get3A_985, %get3A_722 : vector<16xf32>
        %swap3A_987 = arith.constant 3 : i32
        %swap3A_988 = arith.constant 1 : i32
        %swap3A_989 = arith.index_cast %swap3A_987 : i32 to index
        %swap3A_990 = arith.index_cast %swap3A_988 : i32 to index
        %swap3A_991 = arith.index_cast %scan3A_695 : i32 to index
        %swap3A_992 = arith.constant 96 : index
        %swap3A_993 = tpu.vector_load %arg6[%swap3A_989, %swap3A_990, %swap3A_991, %swap3A_992] {strides = array<i32>} : memref<4x2x100x128xf32, #tpu.memory_space<vmem>>, vector<1x1x1x16xf32>,
        %swap3A_994 = vector.shape_cast %swap3A_993 : vector<1x1x1x16xf32> to vector<16xf32>
        %swap3A_995 = vector.shape_cast %add3A_986 : vector<16xf32> to vector<1x1x1x16xf32>
        tpu.vector_store %arg6[%swap3A_989, %swap3A_990, %swap3A_991, %swap3A_992], %swap3A_995 {strides = array<i32>} : memref<4x2x100x128xf32, #tpu.memory_space<vmem>>, vector<1x1x1x16xf32>,
        %get3A_996 = arith.constant 3 : i32
        %get3A_997 = arith.constant 1 : i32
        %get3A_998 = arith.index_cast %get3A_996 : i32 to index
        %get3A_999 = arith.index_cast %get3A_997 : i32 to index
        %get3A_1000 = arith.index_cast %scan3A_695 : i32 to index
        %get3A_1001 = arith.constant 112 : index
        %get3A_1002 = tpu.vector_load %arg6[%get3A_998, %get3A_999, %get3A_1000, %get3A_1001] {strides = array<i32>} : memref<4x2x100x128xf32, #tpu.memory_space<vmem>>, vector<1x1x1x16xf32>,
        %get3A_1003 = vector.shape_cast %get3A_1002 : vector<1x1x1x16xf32> to vector<16xf32>
        %add3A_1004 = arith.addf %get3A_1003, %get3A_726 : vector<16xf32>
        %swap3A_1005 = arith.constant 3 : i32
        %swap3A_1006 = arith.constant 1 : i32
        %swap3A_1007 = arith.index_cast %swap3A_1005 : i32 to index
        %swap3A_1008 = arith.index_cast %swap3A_1006 : i32 to index
        %swap3A_1009 = arith.index_cast %scan3A_695 : i32 to index
        %swap3A_1010 = arith.constant 112 : index
        %swap3A_1011 = tpu.vector_load %arg6[%swap3A_1007, %swap3A_1008, %swap3A_1009, %swap3A_1010] {strides = array<i32>} : memref<4x2x100x128xf32, #tpu.memory_space<vmem>>, vector<1x1x1x16xf32>,
        %swap3A_1012 = vector.shape_cast %swap3A_1011 : vector<1x1x1x16xf32> to vector<16xf32>
        %swap3A_1013 = vector.shape_cast %add3A_1004 : vector<16xf32> to vector<1x1x1x16xf32>
        tpu.vector_store %arg6[%swap3A_1007, %swap3A_1008, %swap3A_1009, %swap3A_1010], %swap3A_1013 {strides = array<i32>} : memref<4x2x100x128xf32, #tpu.memory_space<vmem>>, vector<1x1x1x16xf32>,
      }
      %scan3A_633 = arith.constant 100 : i32
      %mul3A_634 = arith.constant 2 : i32
      %mul3A_635 = arith.muli %add3A_608, %mul3A_634 : i32
      %add3A_636 = arith.addi %mul3A_2, %mul3A_635 : i32
      %dma_start3A_637 = arith.constant 3 : i32
      %dma_start3A_638 = arith.constant 0 : i32
      %dma_start3A_639 = arith.constant 0 : i32
      %dma_start3A_640 = arith.constant 0 : i32
      %dma_start3A_641 = tpu.memref_slice %arg6[%dma_start3A_637, %dma_start3A_638, %dma_start3A_639, %dma_start3A_640] : memref<4x2x100x128xf32, #tpu.memory_space<vmem>> -> memref<1x2x100x128xf32, #tpu.memory_space<vmem>>
      %dma_start3A_642 = tpu.memref_squeeze %dma_start3A_641 : memref<1x2x100x128xf32, #tpu.memory_space<vmem>> -> memref<2x100x128xf32, #tpu.memory_space<vmem>>
      %dma_start3A_643 = arith.constant 0 : i32
      %dma_start3A_644 = arith.constant 0 : i32
      %dma_start3A_645 = tpu.memref_slice %arg4[%add3A_636, %dma_start3A_643, %dma_start3A_644] : memref<1024x100x128xf32, #tpu.memory_space<hbm>> -> memref<2x100x128xf32, #tpu.memory_space<hbm>>
      %dma_start3A_646 = arith.constant 0 : i32
      %dma_start3A_647 = arith.constant 0 : i32
      %dma_start3A_648 = tpu.memref_slice %arg4[%add3A_636, %dma_start3A_646, %dma_start3A_647] : memref<1024x100x128xf32, #tpu.memory_space<hbm>> -> memref<2x100x128xf32, #tpu.memory_space<hbm>>
      %dma_start3A_649 = arith.constant 0 : i32
      %dma_start3A_650 = arith.constant 0 : i32
      %dma_start3A_651 = arith.constant 0 : i32
      %dma_start3A_652 = tpu.memref_slice %arg6[%dma_start3A_637, %dma_start3A_649, %dma_start3A_650, %dma_start3A_651] : memref<4x2x100x128xf32, #tpu.memory_space<vmem>> -> memref<1x2x100x128xf32, #tpu.memory_space<vmem>>
      %dma_start3A_653 = tpu.memref_squeeze %dma_start3A_652 : memref<1x2x100x128xf32, #tpu.memory_space<vmem>> -> memref<2x100x128xf32, #tpu.memory_space<vmem>>
      tpu.enqueue_dma source(%dma_start3A_653 : memref<2x100x128xf32, #tpu.memory_space<vmem>>) target(%dma_start3A_648 : memref<2x100x128xf32, #tpu.memory_space<hbm>>) target_semaphore(%arg14 : memref<!tpu.dma_semaphore, #tpu.memory_space<semaphore_mem>>)
      %dma_wait3A_654 = arith.constant 3 : i32
      %dma_wait3A_655 = arith.constant 0 : i32
      %dma_wait3A_656 = arith.constant 0 : i32
      %dma_wait3A_657 = arith.constant 0 : i32
      %dma_wait3A_658 = tpu.memref_slice %arg6[%dma_wait3A_654, %dma_wait3A_655, %dma_wait3A_656, %dma_wait3A_657] : memref<4x2x100x128xf32, #tpu.memory_space<vmem>> -> memref<1x2x100x128xf32, #tpu.memory_space<vmem>>
      %dma_wait3A_659 = tpu.memref_squeeze %dma_wait3A_658 : memref<1x2x100x128xf32, #tpu.memory_space<vmem>> -> memref<2x100x128xf32, #tpu.memory_space<vmem>>
      %dma_wait3A_660 = arith.constant 0 : i32
      %dma_wait3A_661 = arith.constant 0 : i32
      %dma_wait3A_662 = arith.constant 0 : i32
      %dma_wait3A_663 = tpu.memref_slice %arg4[%dma_wait3A_660, %dma_wait3A_661, %dma_wait3A_662] : memref<1024x100x128xf32, #tpu.memory_space<hbm>> -> memref<2x100x128xf32, #tpu.memory_space<hbm>>
      %dma_wait3A_664 = arith.constant 0 : i32
      %dma_wait3A_665 = arith.constant 0 : i32
      %dma_wait3A_666 = arith.constant 0 : i32
      %dma_wait3A_667 = tpu.memref_slice %arg4[%dma_wait3A_664, %dma_wait3A_665, %dma_wait3A_666] : memref<1024x100x128xf32, #tpu.memory_space<hbm>> -> memref<2x100x128xf32, #tpu.memory_space<hbm>>
      %dma_wait3A_668 = arith.constant 0 : i32
      %dma_wait3A_669 = arith.constant 0 : i32
      %dma_wait3A_670 = arith.constant 0 : i32
      %dma_wait3A_671 = tpu.memref_slice %arg6[%dma_wait3A_654, %dma_wait3A_668, %dma_wait3A_669, %dma_wait3A_670] : memref<4x2x100x128xf32, #tpu.memory_space<vmem>> -> memref<1x2x100x128xf32, #tpu.memory_space<vmem>>
      %dma_wait3A_672 = tpu.memref_squeeze %dma_wait3A_671 : memref<1x2x100x128xf32, #tpu.memory_space<vmem>> -> memref<2x100x128xf32, #tpu.memory_space<vmem>>
      tpu.wait_dma2 semaphore(%arg14 : memref<!tpu.dma_semaphore, #tpu.memory_space<semaphore_mem>>) src(%dma_wait3A_672 : memref<2x100x128xf32, #tpu.memory_space<vmem>>) dst(%dma_wait3A_667 : memref<2x100x128xf32, #tpu.memory_space<hbm>>)
      %add3A_673 = arith.constant 4 : i32
      %add3A_674 = arith.addi %add3A_608, %add3A_673 : i32
      %mul3A_675 = arith.constant 2 : i32
      %mul3A_676 = arith.muli %add3A_674, %mul3A_675 : i32
      %add3A_677 = arith.addi %mul3A_2, %mul3A_676 : i32
      %dma_start3A_678 = arith.constant 3 : i32
      %dma_start3A_679 = arith.constant 0 : i32
      %dma_start3A_680 = arith.constant 0 : i32
      %dma_start3A_681 = arith.constant 0 : i32
      %dma_start3A_682 = tpu.memref_slice %arg6[%dma_start3A_678, %dma_start3A_679, %dma_start3A_680, %dma_start3A_681] : memref<4x2x100x128xf32, #tpu.memory_space<vmem>> -> memref<1x2x100x128xf32, #tpu.memory_space<vmem>>
      %dma_start3A_683 = tpu.memref_squeeze %dma_start3A_682 : memref<1x2x100x128xf32, #tpu.memory_space<vmem>> -> memref<2x100x128xf32, #tpu.memory_space<vmem>>
      %dma_start3A_684 = arith.constant 0 : i32
      %dma_start3A_685 = arith.constant 0 : i32
      %dma_start3A_686 = tpu.memref_slice %arg2[%add3A_677, %dma_start3A_684, %dma_start3A_685] : memref<1024x100x128xf32, #tpu.memory_space<hbm>> -> memref<2x100x128xf32, #tpu.memory_space<hbm>>
      %dma_start3A_687 = arith.constant 0 : i32
      %dma_start3A_688 = arith.constant 0 : i32
      %dma_start3A_689 = arith.constant 0 : i32
      %dma_start3A_690 = tpu.memref_slice %arg6[%dma_start3A_678, %dma_start3A_687, %dma_start3A_688, %dma_start3A_689] : memref<4x2x100x128xf32, #tpu.memory_space<vmem>> -> memref<1x2x100x128xf32, #tpu.memory_space<vmem>>
      %dma_start3A_691 = tpu.memref_squeeze %dma_start3A_690 : memref<1x2x100x128xf32, #tpu.memory_space<vmem>> -> memref<2x100x128xf32, #tpu.memory_space<vmem>>
      %dma_start3A_692 = arith.constant 0 : i32
      %dma_start3A_693 = arith.constant 0 : i32
      %dma_start3A_694 = tpu.memref_slice %arg2[%add3A_677, %dma_start3A_692, %dma_start3A_693] : memref<1024x100x128xf32, #tpu.memory_space<hbm>> -> memref<2x100x128xf32, #tpu.memory_space<hbm>>
      tpu.enqueue_dma source(%dma_start3A_694 : memref<2x100x128xf32, #tpu.memory_space<hbm>>) target(%dma_start3A_691 : memref<2x100x128xf32, #tpu.memory_space<vmem>>) target_semaphore(%arg10 : memref<!tpu.dma_semaphore, #tpu.memory_space<semaphore_mem>>)
    }
    %scan3A_82 = arith.constant 3 : i32
    %dma_wait3A = arith.constant 0 : i32
    %dma_wait3A_83 = arith.constant 0 : i32
    %dma_wait3A_84 = arith.constant 0 : i32
    %dma_wait3A_85 = arith.constant 0 : i32
    %dma_wait3A_86 = tpu.memref_slice %arg6[%dma_wait3A, %dma_wait3A_83, %dma_wait3A_84, %dma_wait3A_85] : memref<4x2x100x128xf32, #tpu.memory_space<vmem>> -> memref<1x2x100x128xf32, #tpu.memory_space<vmem>>
    %dma_wait3A_87 = tpu.memref_squeeze %dma_wait3A_86 : memref<1x2x100x128xf32, #tpu.memory_space<vmem>> -> memref<2x100x128xf32, #tpu.memory_space<vmem>>
    %dma_wait3A_88 = arith.constant 0 : i32
    %dma_wait3A_89 = arith.constant 0 : i32
    %dma_wait3A_90 = arith.constant 0 : i32
    %dma_wait3A_91 = tpu.memref_slice %arg2[%dma_wait3A_88, %dma_wait3A_89, %dma_wait3A_90] : memref<1024x100x128xf32, #tpu.memory_space<hbm>> -> memref<2x100x128xf32, #tpu.memory_space<hbm>>
    %dma_wait3A_92 = arith.constant 0 : i32
    %dma_wait3A_93 = arith.constant 0 : i32
    %dma_wait3A_94 = arith.constant 0 : i32
    %dma_wait3A_95 = tpu.memref_slice %arg6[%dma_wait3A, %dma_wait3A_92, %dma_wait3A_93, %dma_wait3A_94] : memref<4x2x100x128xf32, #tpu.memory_space<vmem>> -> memref<1x2x100x128xf32, #tpu.memory_space<vmem>>
    %dma_wait3A_96 = tpu.memref_squeeze %dma_wait3A_95 : memref<1x2x100x128xf32, #tpu.memory_space<vmem>> -> memref<2x100x128xf32, #tpu.memory_space<vmem>>
    %dma_wait3A_97 = arith.constant 0 : i32
    %dma_wait3A_98 = arith.constant 0 : i32
    %dma_wait3A_99 = arith.constant 0 : i32
    %dma_wait3A_100 = tpu.memref_slice %arg2[%dma_wait3A_97, %dma_wait3A_98, %dma_wait3A_99] : memref<1024x100x128xf32, #tpu.memory_space<hbm>> -> memref<2x100x128xf32, #tpu.memory_space<hbm>>
    tpu.wait_dma2 semaphore(%arg7 : memref<!tpu.dma_semaphore, #tpu.memory_space<semaphore_mem>>) src(%dma_wait3A_100 : memref<2x100x128xf32, #tpu.memory_space<hbm>>) dst(%dma_wait3A_96 : memref<2x100x128xf32, #tpu.memory_space<vmem>>)
    %scan3A_101 = arith.constant 0 : i32
    %scan3A_102 = arith.constant 0 : i32
    %scan3A_103 = arith.constant 100 : i32
    %scan3A_104 = arith.addi %scan3A_102, %scan3A_103 : i32
    %scan3A_105 = arith.constant 1 : i32
    scf.for %scan3A_334 = %scan3A_102 to %scan3A_104 step %scan3A_105  : i32 {
      %get3A = arith.index_cast %scan3A_334 : i32 to index
      %get3A_335 = arith.constant 0 : index
      %get3A_336 = tpu.vector_load %arg5[%get3A, %get3A_335] {strides = array<i32>} : memref<100x128xf32, #tpu.memory_space<vmem>>, vector<1x16xf32>,
      %get3A_337 = vector.shape_cast %get3A_336 : vector<1x16xf32> to vector<16xf32>
      %get3A_338 = arith.index_cast %scan3A_334 : i32 to index
      %get3A_339 = arith.constant 16 : index
      %get3A_340 = tpu.vector_load %arg5[%get3A_338, %get3A_339] {strides = array<i32>} : memref<100x128xf32, #tpu.memory_space<vmem>>, vector<1x16xf32>,
      %get3A_341 = vector.shape_cast %get3A_340 : vector<1x16xf32> to vector<16xf32>
      %get3A_342 = arith.index_cast %scan3A_334 : i32 to index
      %get3A_343 = arith.constant 32 : index
      %get3A_344 = tpu.vector_load %arg5[%get3A_342, %get3A_343] {strides = array<i32>} : memref<100x128xf32, #tpu.memory_space<vmem>>, vector<1x16xf32>,
      %get3A_345 = vector.shape_cast %get3A_344 : vector<1x16xf32> to vector<16xf32>
      %get3A_346 = arith.index_cast %scan3A_334 : i32 to index
      %get3A_347 = arith.constant 48 : index
      %get3A_348 = tpu.vector_load %arg5[%get3A_346, %get3A_347] {strides = array<i32>} : memref<100x128xf32, #tpu.memory_space<vmem>>, vector<1x16xf32>,
      %get3A_349 = vector.shape_cast %get3A_348 : vector<1x16xf32> to vector<16xf32>
      %get3A_350 = arith.index_cast %scan3A_334 : i32 to index
      %get3A_351 = arith.constant 64 : index
      %get3A_352 = tpu.vector_load %arg5[%get3A_350, %get3A_351] {strides = array<i32>} : memref<100x128xf32, #tpu.memory_space<vmem>>, vector<1x16xf32>,
      %get3A_353 = vector.shape_cast %get3A_352 : vector<1x16xf32> to vector<16xf32>
      %get3A_354 = arith.index_cast %scan3A_334 : i32 to index
      %get3A_355 = arith.constant 80 : index
      %get3A_356 = tpu.vector_load %arg5[%get3A_354, %get3A_355] {strides = array<i32>} : memref<100x128xf32, #tpu.memory_space<vmem>>, vector<1x16xf32>,
      %get3A_357 = vector.shape_cast %get3A_356 : vector<1x16xf32> to vector<16xf32>
      %get3A_358 = arith.index_cast %scan3A_334 : i32 to index
      %get3A_359 = arith.constant 96 : index
      %get3A_360 = tpu.vector_load %arg5[%get3A_358, %get3A_359] {strides = array<i32>} : memref<100x128xf32, #tpu.memory_space<vmem>>, vector<1x16xf32>,
      %get3A_361 = vector.shape_cast %get3A_360 : vector<1x16xf32> to vector<16xf32>
      %get3A_362 = arith.index_cast %scan3A_334 : i32 to index
      %get3A_363 = arith.constant 112 : index
      %get3A_364 = tpu.vector_load %arg5[%get3A_362, %get3A_363] {strides = array<i32>} : memref<100x128xf32, #tpu.memory_space<vmem>>, vector<1x16xf32>,
      %get3A_365 = vector.shape_cast %get3A_364 : vector<1x16xf32> to vector<16xf32>
      %get3A_366 = arith.constant 0 : i32
      %get3A_367 = arith.constant 0 : i32
      %get3A_368 = arith.index_cast %get3A_366 : i32 to index
      %get3A_369 = arith.index_cast %get3A_367 : i32 to index
      %get3A_370 = arith.index_cast %scan3A_334 : i32 to index
      %get3A_371 = arith.constant 0 : index
      %get3A_372 = tpu.vector_load %arg6[%get3A_368, %get3A_369, %get3A_370, %get3A_371] {strides = array<i32>} : memref<4x2x100x128xf32, #tpu.memory_space<vmem>>, vector<1x1x1x16xf32>,
      %get3A_373 = vector.shape_cast %get3A_372 : vector<1x1x1x16xf32> to vector<16xf32>
      %add3A_374 = arith.addf %get3A_373, %get3A_337 : vector<16xf32>
      %swap3A = arith.constant 0 : i32
      %swap3A_375 = arith.constant 0 : i32
      %swap3A_376 = arith.index_cast %swap3A : i32 to index
      %swap3A_377 = arith.index_cast %swap3A_375 : i32 to index
      %swap3A_378 = arith.index_cast %scan3A_334 : i32 to index
      %swap3A_379 = arith.constant 0 : index
      %swap3A_380 = tpu.vector_load %arg6[%swap3A_376, %swap3A_377, %swap3A_378, %swap3A_379] {strides = array<i32>} : memref<4x2x100x128xf32, #tpu.memory_space<vmem>>, vector<1x1x1x16xf32>,
      %swap3A_381 = vector.shape_cast %swap3A_380 : vector<1x1x1x16xf32> to vector<16xf32>
      %swap3A_382 = vector.shape_cast %add3A_374 : vector<16xf32> to vector<1x1x1x16xf32>
      tpu.vector_store %arg6[%swap3A_376, %swap3A_377, %swap3A_378, %swap3A_379], %swap3A_382 {strides = array<i32>} : memref<4x2x100x128xf32, #tpu.memory_space<vmem>>, vector<1x1x1x16xf32>,
      %get3A_383 = arith.constant 0 : i32
      %get3A_384 = arith.constant 0 : i32
      %get3A_385 = arith.index_cast %get3A_383 : i32 to index
      %get3A_386 = arith.index_cast %get3A_384 : i32 to index
      %get3A_387 = arith.index_cast %scan3A_334 : i32 to index
      %get3A_388 = arith.constant 16 : index
      %get3A_389 = tpu.vector_load %arg6[%get3A_385, %get3A_386, %get3A_387, %get3A_388] {strides = array<i32>} : memref<4x2x100x128xf32, #tpu.memory_space<vmem>>, vector<1x1x1x16xf32>,
      %get3A_390 = vector.shape_cast %get3A_389 : vector<1x1x1x16xf32> to vector<16xf32>
      %add3A_391 = arith.addf %get3A_390, %get3A_341 : vector<16xf32>
      %swap3A_392 = arith.constant 0 : i32
      %swap3A_393 = arith.constant 0 : i32
      %swap3A_394 = arith.index_cast %swap3A_392 : i32 to index
      %swap3A_395 = arith.index_cast %swap3A_393 : i32 to index
      %swap3A_396 = arith.index_cast %scan3A_334 : i32 to index
      %swap3A_397 = arith.constant 16 : index
      %swap3A_398 = tpu.vector_load %arg6[%swap3A_394, %swap3A_395, %swap3A_396, %swap3A_397] {strides = array<i32>} : memref<4x2x100x128xf32, #tpu.memory_space<vmem>>, vector<1x1x1x16xf32>,
      %swap3A_399 = vector.shape_cast %swap3A_398 : vector<1x1x1x16xf32> to vector<16xf32>
      %swap3A_400 = vector.shape_cast %add3A_391 : vector<16xf32> to vector<1x1x1x16xf32>
      tpu.vector_store %arg6[%swap3A_394, %swap3A_395, %swap3A_396, %swap3A_397], %swap3A_400 {strides = array<i32>} : memref<4x2x100x128xf32, #tpu.memory_space<vmem>>, vector<1x1x1x16xf32>,
      %get3A_401 = arith.constant 0 : i32
      %get3A_402 = arith.constant 0 : i32
      %get3A_403 = arith.index_cast %get3A_401 : i32 to index
      %get3A_404 = arith.index_cast %get3A_402 : i32 to index
      %get3A_405 = arith.index_cast %scan3A_334 : i32 to index
      %get3A_406 = arith.constant 32 : index
      %get3A_407 = tpu.vector_load %arg6[%get3A_403, %get3A_404, %get3A_405, %get3A_406] {strides = array<i32>} : memref<4x2x100x128xf32, #tpu.memory_space<vmem>>, vector<1x1x1x16xf32>,
      %get3A_408 = vector.shape_cast %get3A_407 : vector<1x1x1x16xf32> to vector<16xf32>
      %add3A_409 = arith.addf %get3A_408, %get3A_345 : vector<16xf32>
      %swap3A_410 = arith.constant 0 : i32
      %swap3A_411 = arith.constant 0 : i32
      %swap3A_412 = arith.index_cast %swap3A_410 : i32 to index
      %swap3A_413 = arith.index_cast %swap3A_411 : i32 to index
      %swap3A_414 = arith.index_cast %scan3A_334 : i32 to index
      %swap3A_415 = arith.constant 32 : index
      %swap3A_416 = tpu.vector_load %arg6[%swap3A_412, %swap3A_413, %swap3A_414, %swap3A_415] {strides = array<i32>} : memref<4x2x100x128xf32, #tpu.memory_space<vmem>>, vector<1x1x1x16xf32>,
      %swap3A_417 = vector.shape_cast %swap3A_416 : vector<1x1x1x16xf32> to vector<16xf32>
      %swap3A_418 = vector.shape_cast %add3A_409 : vector<16xf32> to vector<1x1x1x16xf32>
      tpu.vector_store %arg6[%swap3A_412, %swap3A_413, %swap3A_414, %swap3A_415], %swap3A_418 {strides = array<i32>} : memref<4x2x100x128xf32, #tpu.memory_space<vmem>>, vector<1x1x1x16xf32>,
      %get3A_419 = arith.constant 0 : i32
      %get3A_420 = arith.constant 0 : i32
      %get3A_421 = arith.index_cast %get3A_419 : i32 to index
      %get3A_422 = arith.index_cast %get3A_420 : i32 to index
      %get3A_423 = arith.index_cast %scan3A_334 : i32 to index
      %get3A_424 = arith.constant 48 : index
      %get3A_425 = tpu.vector_load %arg6[%get3A_421, %get3A_422, %get3A_423, %get3A_424] {strides = array<i32>} : memref<4x2x100x128xf32, #tpu.memory_space<vmem>>, vector<1x1x1x16xf32>,
      %get3A_426 = vector.shape_cast %get3A_425 : vector<1x1x1x16xf32> to vector<16xf32>
      %add3A_427 = arith.addf %get3A_426, %get3A_349 : vector<16xf32>
      %swap3A_428 = arith.constant 0 : i32
      %swap3A_429 = arith.constant 0 : i32
      %swap3A_430 = arith.index_cast %swap3A_428 : i32 to index
      %swap3A_431 = arith.index_cast %swap3A_429 : i32 to index
      %swap3A_432 = arith.index_cast %scan3A_334 : i32 to index
      %swap3A_433 = arith.constant 48 : index
      %swap3A_434 = tpu.vector_load %arg6[%swap3A_430, %swap3A_431, %swap3A_432, %swap3A_433] {strides = array<i32>} : memref<4x2x100x128xf32, #tpu.memory_space<vmem>>, vector<1x1x1x16xf32>,
      %swap3A_435 = vector.shape_cast %swap3A_434 : vector<1x1x1x16xf32> to vector<16xf32>
      %swap3A_436 = vector.shape_cast %add3A_427 : vector<16xf32> to vector<1x1x1x16xf32>
      tpu.vector_store %arg6[%swap3A_430, %swap3A_431, %swap3A_432, %swap3A_433], %swap3A_436 {strides = array<i32>} : memref<4x2x100x128xf32, #tpu.memory_space<vmem>>, vector<1x1x1x16xf32>,
      %get3A_437 = arith.constant 0 : i32
      %get3A_438 = arith.constant 0 : i32
      %get3A_439 = arith.index_cast %get3A_437 : i32 to index
      %get3A_440 = arith.index_cast %get3A_438 : i32 to index
      %get3A_441 = arith.index_cast %scan3A_334 : i32 to index
      %get3A_442 = arith.constant 64 : index
      %get3A_443 = tpu.vector_load %arg6[%get3A_439, %get3A_440, %get3A_441, %get3A_442] {strides = array<i32>} : memref<4x2x100x128xf32, #tpu.memory_space<vmem>>, vector<1x1x1x16xf32>,
      %get3A_444 = vector.shape_cast %get3A_443 : vector<1x1x1x16xf32> to vector<16xf32>
      %add3A_445 = arith.addf %get3A_444, %get3A_353 : vector<16xf32>
      %swap3A_446 = arith.constant 0 : i32
      %swap3A_447 = arith.constant 0 : i32
      %swap3A_448 = arith.index_cast %swap3A_446 : i32 to index
      %swap3A_449 = arith.index_cast %swap3A_447 : i32 to index
      %swap3A_450 = arith.index_cast %scan3A_334 : i32 to index
      %swap3A_451 = arith.constant 64 : index
      %swap3A_452 = tpu.vector_load %arg6[%swap3A_448, %swap3A_449, %swap3A_450, %swap3A_451] {strides = array<i32>} : memref<4x2x100x128xf32, #tpu.memory_space<vmem>>, vector<1x1x1x16xf32>,
      %swap3A_453 = vector.shape_cast %swap3A_452 : vector<1x1x1x16xf32> to vector<16xf32>
      %swap3A_454 = vector.shape_cast %add3A_445 : vector<16xf32> to vector<1x1x1x16xf32>
      tpu.vector_store %arg6[%swap3A_448, %swap3A_449, %swap3A_450, %swap3A_451], %swap3A_454 {strides = array<i32>} : memref<4x2x100x128xf32, #tpu.memory_space<vmem>>, vector<1x1x1x16xf32>,
      %get3A_455 = arith.constant 0 : i32
      %get3A_456 = arith.constant 0 : i32
      %get3A_457 = arith.index_cast %get3A_455 : i32 to index
      %get3A_458 = arith.index_cast %get3A_456 : i32 to index
      %get3A_459 = arith.index_cast %scan3A_334 : i32 to index
      %get3A_460 = arith.constant 80 : index
      %get3A_461 = tpu.vector_load %arg6[%get3A_457, %get3A_458, %get3A_459, %get3A_460] {strides = array<i32>} : memref<4x2x100x128xf32, #tpu.memory_space<vmem>>, vector<1x1x1x16xf32>,
      %get3A_462 = vector.shape_cast %get3A_461 : vector<1x1x1x16xf32> to vector<16xf32>
      %add3A_463 = arith.addf %get3A_462, %get3A_357 : vector<16xf32>
      %swap3A_464 = arith.constant 0 : i32
      %swap3A_465 = arith.constant 0 : i32
      %swap3A_466 = arith.index_cast %swap3A_464 : i32 to index
      %swap3A_467 = arith.index_cast %swap3A_465 : i32 to index
      %swap3A_468 = arith.index_cast %scan3A_334 : i32 to index
      %swap3A_469 = arith.constant 80 : index
      %swap3A_470 = tpu.vector_load %arg6[%swap3A_466, %swap3A_467, %swap3A_468, %swap3A_469] {strides = array<i32>} : memref<4x2x100x128xf32, #tpu.memory_space<vmem>>, vector<1x1x1x16xf32>,
      %swap3A_471 = vector.shape_cast %swap3A_470 : vector<1x1x1x16xf32> to vector<16xf32>
      %swap3A_472 = vector.shape_cast %add3A_463 : vector<16xf32> to vector<1x1x1x16xf32>
      tpu.vector_store %arg6[%swap3A_466, %swap3A_467, %swap3A_468, %swap3A_469], %swap3A_472 {strides = array<i32>} : memref<4x2x100x128xf32, #tpu.memory_space<vmem>>, vector<1x1x1x16xf32>,
      %get3A_473 = arith.constant 0 : i32
      %get3A_474 = arith.constant 0 : i32
      %get3A_475 = arith.index_cast %get3A_473 : i32 to index
      %get3A_476 = arith.index_cast %get3A_474 : i32 to index
      %get3A_477 = arith.index_cast %scan3A_334 : i32 to index
      %get3A_478 = arith.constant 96 : index
      %get3A_479 = tpu.vector_load %arg6[%get3A_475, %get3A_476, %get3A_477, %get3A_478] {strides = array<i32>} : memref<4x2x100x128xf32, #tpu.memory_space<vmem>>, vector<1x1x1x16xf32>,
      %get3A_480 = vector.shape_cast %get3A_479 : vector<1x1x1x16xf32> to vector<16xf32>
      %add3A_481 = arith.addf %get3A_480, %get3A_361 : vector<16xf32>
      %swap3A_482 = arith.constant 0 : i32
      %swap3A_483 = arith.constant 0 : i32
      %swap3A_484 = arith.index_cast %swap3A_482 : i32 to index
      %swap3A_485 = arith.index_cast %swap3A_483 : i32 to index
      %swap3A_486 = arith.index_cast %scan3A_334 : i32 to index
      %swap3A_487 = arith.constant 96 : index
      %swap3A_488 = tpu.vector_load %arg6[%swap3A_484, %swap3A_485, %swap3A_486, %swap3A_487] {strides = array<i32>} : memref<4x2x100x128xf32, #tpu.memory_space<vmem>>, vector<1x1x1x16xf32>,
      %swap3A_489 = vector.shape_cast %swap3A_488 : vector<1x1x1x16xf32> to vector<16xf32>
      %swap3A_490 = vector.shape_cast %add3A_481 : vector<16xf32> to vector<1x1x1x16xf32>
      tpu.vector_store %arg6[%swap3A_484, %swap3A_485, %swap3A_486, %swap3A_487], %swap3A_490 {strides = array<i32>} : memref<4x2x100x128xf32, #tpu.memory_space<vmem>>, vector<1x1x1x16xf32>,
      %get3A_491 = arith.constant 0 : i32
      %get3A_492 = arith.constant 0 : i32
      %get3A_493 = arith.index_cast %get3A_491 : i32 to index
      %get3A_494 = arith.index_cast %get3A_492 : i32 to index
      %get3A_495 = arith.index_cast %scan3A_334 : i32 to index
      %get3A_496 = arith.constant 112 : index
      %get3A_497 = tpu.vector_load %arg6[%get3A_493, %get3A_494, %get3A_495, %get3A_496] {strides = array<i32>} : memref<4x2x100x128xf32, #tpu.memory_space<vmem>>, vector<1x1x1x16xf32>,
      %get3A_498 = vector.shape_cast %get3A_497 : vector<1x1x1x16xf32> to vector<16xf32>
      %add3A_499 = arith.addf %get3A_498, %get3A_365 : vector<16xf32>
      %swap3A_500 = arith.constant 0 : i32
      %swap3A_501 = arith.constant 0 : i32
      %swap3A_502 = arith.index_cast %swap3A_500 : i32 to index
      %swap3A_503 = arith.index_cast %swap3A_501 : i32 to index
      %swap3A_504 = arith.index_cast %scan3A_334 : i32 to index
      %swap3A_505 = arith.constant 112 : index
      %swap3A_506 = tpu.vector_load %arg6[%swap3A_502, %swap3A_503, %swap3A_504, %swap3A_505] {strides = array<i32>} : memref<4x2x100x128xf32, #tpu.memory_space<vmem>>, vector<1x1x1x16xf32>,
      %swap3A_507 = vector.shape_cast %swap3A_506 : vector<1x1x1x16xf32> to vector<16xf32>
      %swap3A_508 = vector.shape_cast %add3A_499 : vector<16xf32> to vector<1x1x1x16xf32>
      tpu.vector_store %arg6[%swap3A_502, %swap3A_503, %swap3A_504, %swap3A_505], %swap3A_508 {strides = array<i32>} : memref<4x2x100x128xf32, #tpu.memory_space<vmem>>, vector<1x1x1x16xf32>,
      %get3A_509 = arith.constant 0 : i32
      %get3A_510 = arith.constant 1 : i32
      %get3A_511 = arith.index_cast %get3A_509 : i32 to index
      %get3A_512 = arith.index_cast %get3A_510 : i32 to index
      %get3A_513 = arith.index_cast %scan3A_334 : i32 to index
      %get3A_514 = arith.constant 0 : index
      %get3A_515 = tpu.vector_load %arg6[%get3A_511, %get3A_512, %get3A_513, %get3A_514] {strides = array<i32>} : memref<4x2x100x128xf32, #tpu.memory_space<vmem>>, vector<1x1x1x16xf32>,
      %get3A_516 = vector.shape_cast %get3A_515 : vector<1x1x1x16xf32> to vector<16xf32>
      %add3A_517 = arith.addf %get3A_516, %get3A_337 : vector<16xf32>
      %swap3A_518 = arith.constant 0 : i32
      %swap3A_519 = arith.constant 1 : i32
      %swap3A_520 = arith.index_cast %swap3A_518 : i32 to index
      %swap3A_521 = arith.index_cast %swap3A_519 : i32 to index
      %swap3A_522 = arith.index_cast %scan3A_334 : i32 to index
      %swap3A_523 = arith.constant 0 : index
      %swap3A_524 = tpu.vector_load %arg6[%swap3A_520, %swap3A_521, %swap3A_522, %swap3A_523] {strides = array<i32>} : memref<4x2x100x128xf32, #tpu.memory_space<vmem>>, vector<1x1x1x16xf32>,
      %swap3A_525 = vector.shape_cast %swap3A_524 : vector<1x1x1x16xf32> to vector<16xf32>
      %swap3A_526 = vector.shape_cast %add3A_517 : vector<16xf32> to vector<1x1x1x16xf32>
      tpu.vector_store %arg6[%swap3A_520, %swap3A_521, %swap3A_522, %swap3A_523], %swap3A_526 {strides = array<i32>} : memref<4x2x100x128xf32, #tpu.memory_space<vmem>>, vector<1x1x1x16xf32>,
      %get3A_527 = arith.constant 0 : i32
      %get3A_528 = arith.constant 1 : i32
      %get3A_529 = arith.index_cast %get3A_527 : i32 to index
      %get3A_530 = arith.index_cast %get3A_528 : i32 to index
      %get3A_531 = arith.index_cast %scan3A_334 : i32 to index
      %get3A_532 = arith.constant 16 : index
      %get3A_533 = tpu.vector_load %arg6[%get3A_529, %get3A_530, %get3A_531, %get3A_532] {strides = array<i32>} : memref<4x2x100x128xf32, #tpu.memory_space<vmem>>, vector<1x1x1x16xf32>,
      %get3A_534 = vector.shape_cast %get3A_533 : vector<1x1x1x16xf32> to vector<16xf32>
      %add3A_535 = arith.addf %get3A_534, %get3A_341 : vector<16xf32>
      %swap3A_536 = arith.constant 0 : i32
      %swap3A_537 = arith.constant 1 : i32
      %swap3A_538 = arith.index_cast %swap3A_536 : i32 to index
      %swap3A_539 = arith.index_cast %swap3A_537 : i32 to index
      %swap3A_540 = arith.index_cast %scan3A_334 : i32 to index
      %swap3A_541 = arith.constant 16 : index
      %swap3A_542 = tpu.vector_load %arg6[%swap3A_538, %swap3A_539, %swap3A_540, %swap3A_541] {strides = array<i32>} : memref<4x2x100x128xf32, #tpu.memory_space<vmem>>, vector<1x1x1x16xf32>,
      %swap3A_543 = vector.shape_cast %swap3A_542 : vector<1x1x1x16xf32> to vector<16xf32>
      %swap3A_544 = vector.shape_cast %add3A_535 : vector<16xf32> to vector<1x1x1x16xf32>
      tpu.vector_store %arg6[%swap3A_538, %swap3A_539, %swap3A_540, %swap3A_541], %swap3A_544 {strides = array<i32>} : memref<4x2x100x128xf32, #tpu.memory_space<vmem>>, vector<1x1x1x16xf32>,
      %get3A_545 = arith.constant 0 : i32
      %get3A_546 = arith.constant 1 : i32
      %get3A_547 = arith.index_cast %get3A_545 : i32 to index
      %get3A_548 = arith.index_cast %get3A_546 : i32 to index
      %get3A_549 = arith.index_cast %scan3A_334 : i32 to index
      %get3A_550 = arith.constant 32 : index
      %get3A_551 = tpu.vector_load %arg6[%get3A_547, %get3A_548, %get3A_549, %get3A_550] {strides = array<i32>} : memref<4x2x100x128xf32, #tpu.memory_space<vmem>>, vector<1x1x1x16xf32>,
      %get3A_552 = vector.shape_cast %get3A_551 : vector<1x1x1x16xf32> to vector<16xf32>
      %add3A_553 = arith.addf %get3A_552, %get3A_345 : vector<16xf32>
      %swap3A_554 = arith.constant 0 : i32
      %swap3A_555 = arith.constant 1 : i32
      %swap3A_556 = arith.index_cast %swap3A_554 : i32 to index
      %swap3A_557 = arith.index_cast %swap3A_555 : i32 to index
      %swap3A_558 = arith.index_cast %scan3A_334 : i32 to index
      %swap3A_559 = arith.constant 32 : index
      %swap3A_560 = tpu.vector_load %arg6[%swap3A_556, %swap3A_557, %swap3A_558, %swap3A_559] {strides = array<i32>} : memref<4x2x100x128xf32, #tpu.memory_space<vmem>>, vector<1x1x1x16xf32>,
      %swap3A_561 = vector.shape_cast %swap3A_560 : vector<1x1x1x16xf32> to vector<16xf32>
      %swap3A_562 = vector.shape_cast %add3A_553 : vector<16xf32> to vector<1x1x1x16xf32>
      tpu.vector_store %arg6[%swap3A_556, %swap3A_557, %swap3A_558, %swap3A_559], %swap3A_562 {strides = array<i32>} : memref<4x2x100x128xf32, #tpu.memory_space<vmem>>, vector<1x1x1x16xf32>,
      %get3A_563 = arith.constant 0 : i32
      %get3A_564 = arith.constant 1 : i32
      %get3A_565 = arith.index_cast %get3A_563 : i32 to index
      %get3A_566 = arith.index_cast %get3A_564 : i32 to index
      %get3A_567 = arith.index_cast %scan3A_334 : i32 to index
      %get3A_568 = arith.constant 48 : index
      %get3A_569 = tpu.vector_load %arg6[%get3A_565, %get3A_566, %get3A_567, %get3A_568] {strides = array<i32>} : memref<4x2x100x128xf32, #tpu.memory_space<vmem>>, vector<1x1x1x16xf32>,
      %get3A_570 = vector.shape_cast %get3A_569 : vector<1x1x1x16xf32> to vector<16xf32>
      %add3A_571 = arith.addf %get3A_570, %get3A_349 : vector<16xf32>
      %swap3A_572 = arith.constant 0 : i32
      %swap3A_573 = arith.constant 1 : i32
      %swap3A_574 = arith.index_cast %swap3A_572 : i32 to index
      %swap3A_575 = arith.index_cast %swap3A_573 : i32 to index
      %swap3A_576 = arith.index_cast %scan3A_334 : i32 to index
      %swap3A_577 = arith.constant 48 : index
      %swap3A_578 = tpu.vector_load %arg6[%swap3A_574, %swap3A_575, %swap3A_576, %swap3A_577] {strides = array<i32>} : memref<4x2x100x128xf32, #tpu.memory_space<vmem>>, vector<1x1x1x16xf32>,
      %swap3A_579 = vector.shape_cast %swap3A_578 : vector<1x1x1x16xf32> to vector<16xf32>
      %swap3A_580 = vector.shape_cast %add3A_571 : vector<16xf32> to vector<1x1x1x16xf32>
      tpu.vector_store %arg6[%swap3A_574, %swap3A_575, %swap3A_576, %swap3A_577], %swap3A_580 {strides = array<i32>} : memref<4x2x100x128xf32, #tpu.memory_space<vmem>>, vector<1x1x1x16xf32>,
      %get3A_581 = arith.constant 0 : i32
      %get3A_582 = arith.constant 1 : i32
      %get3A_583 = arith.index_cast %get3A_581 : i32 to index
      %get3A_584 = arith.index_cast %get3A_582 : i32 to index
      %get3A_585 = arith.index_cast %scan3A_334 : i32 to index
      %get3A_586 = arith.constant 64 : index
      %get3A_587 = tpu.vector_load %arg6[%get3A_583, %get3A_584, %get3A_585, %get3A_586] {strides = array<i32>} : memref<4x2x100x128xf32, #tpu.memory_space<vmem>>, vector<1x1x1x16xf32>,
      %get3A_588 = vector.shape_cast %get3A_587 : vector<1x1x1x16xf32> to vector<16xf32>
      %add3A_589 = arith.addf %get3A_588, %get3A_353 : vector<16xf32>
      %swap3A_590 = arith.constant 0 : i32
      %swap3A_591 = arith.constant 1 : i32
      %swap3A_592 = arith.index_cast %swap3A_590 : i32 to index
      %swap3A_593 = arith.index_cast %swap3A_591 : i32 to index
      %swap3A_594 = arith.index_cast %scan3A_334 : i32 to index
      %swap3A_595 = arith.constant 64 : index
      %swap3A_596 = tpu.vector_load %arg6[%swap3A_592, %swap3A_593, %swap3A_594, %swap3A_595] {strides = array<i32>} : memref<4x2x100x128xf32, #tpu.memory_space<vmem>>, vector<1x1x1x16xf32>,
      %swap3A_597 = vector.shape_cast %swap3A_596 : vector<1x1x1x16xf32> to vector<16xf32>
      %swap3A_598 = vector.shape_cast %add3A_589 : vector<16xf32> to vector<1x1x1x16xf32>
      tpu.vector_store %arg6[%swap3A_592, %swap3A_593, %swap3A_594, %swap3A_595], %swap3A_598 {strides = array<i32>} : memref<4x2x100x128xf32, #tpu.memory_space<vmem>>, vector<1x1x1x16xf32>,
      %get3A_599 = arith.constant 0 : i32
      %get3A_600 = arith.constant 1 : i32
      %get3A_601 = arith.index_cast %get3A_599 : i32 to index
      %get3A_602 = arith.index_cast %get3A_600 : i32 to index
      %get3A_603 = arith.index_cast %scan3A_334 : i32 to index
      %get3A_604 = arith.constant 80 : index
      %get3A_605 = tpu.vector_load %arg6[%get3A_601, %get3A_602, %get3A_603, %get3A_604] {strides = array<i32>} : memref<4x2x100x128xf32, #tpu.memory_space<vmem>>, vector<1x1x1x16xf32>,
      %get3A_606 = vector.shape_cast %get3A_605 : vector<1x1x1x16xf32> to vector<16xf32>
      %add3A_607 = arith.addf %get3A_606, %get3A_357 : vector<16xf32>
      %swap3A_608 = arith.constant 0 : i32
      %swap3A_609 = arith.constant 1 : i32
      %swap3A_610 = arith.index_cast %swap3A_608 : i32 to index
      %swap3A_611 = arith.index_cast %swap3A_609 : i32 to index
      %swap3A_612 = arith.index_cast %scan3A_334 : i32 to index
      %swap3A_613 = arith.constant 80 : index
      %swap3A_614 = tpu.vector_load %arg6[%swap3A_610, %swap3A_611, %swap3A_612, %swap3A_613] {strides = array<i32>} : memref<4x2x100x128xf32, #tpu.memory_space<vmem>>, vector<1x1x1x16xf32>,
      %swap3A_615 = vector.shape_cast %swap3A_614 : vector<1x1x1x16xf32> to vector<16xf32>
      %swap3A_616 = vector.shape_cast %add3A_607 : vector<16xf32> to vector<1x1x1x16xf32>
      tpu.vector_store %arg6[%swap3A_610, %swap3A_611, %swap3A_612, %swap3A_613], %swap3A_616 {strides = array<i32>} : memref<4x2x100x128xf32, #tpu.memory_space<vmem>>, vector<1x1x1x16xf32>,
      %get3A_617 = arith.constant 0 : i32
      %get3A_618 = arith.constant 1 : i32
      %get3A_619 = arith.index_cast %get3A_617 : i32 to index
      %get3A_620 = arith.index_cast %get3A_618 : i32 to index
      %get3A_621 = arith.index_cast %scan3A_334 : i32 to index
      %get3A_622 = arith.constant 96 : index
      %get3A_623 = tpu.vector_load %arg6[%get3A_619, %get3A_620, %get3A_621, %get3A_622] {strides = array<i32>} : memref<4x2x100x128xf32, #tpu.memory_space<vmem>>, vector<1x1x1x16xf32>,
      %get3A_624 = vector.shape_cast %get3A_623 : vector<1x1x1x16xf32> to vector<16xf32>
      %add3A_625 = arith.addf %get3A_624, %get3A_361 : vector<16xf32>
      %swap3A_626 = arith.constant 0 : i32
      %swap3A_627 = arith.constant 1 : i32
      %swap3A_628 = arith.index_cast %swap3A_626 : i32 to index
      %swap3A_629 = arith.index_cast %swap3A_627 : i32 to index
      %swap3A_630 = arith.index_cast %scan3A_334 : i32 to index
      %swap3A_631 = arith.constant 96 : index
      %swap3A_632 = tpu.vector_load %arg6[%swap3A_628, %swap3A_629, %swap3A_630, %swap3A_631] {strides = array<i32>} : memref<4x2x100x128xf32, #tpu.memory_space<vmem>>, vector<1x1x1x16xf32>,
      %swap3A_633 = vector.shape_cast %swap3A_632 : vector<1x1x1x16xf32> to vector<16xf32>
      %swap3A_634 = vector.shape_cast %add3A_625 : vector<16xf32> to vector<1x1x1x16xf32>
      tpu.vector_store %arg6[%swap3A_628, %swap3A_629, %swap3A_630, %swap3A_631], %swap3A_634 {strides = array<i32>} : memref<4x2x100x128xf32, #tpu.memory_space<vmem>>, vector<1x1x1x16xf32>,
      %get3A_635 = arith.constant 0 : i32
      %get3A_636 = arith.constant 1 : i32
      %get3A_637 = arith.index_cast %get3A_635 : i32 to index
      %get3A_638 = arith.index_cast %get3A_636 : i32 to index
      %get3A_639 = arith.index_cast %scan3A_334 : i32 to index
      %get3A_640 = arith.constant 112 : index
      %get3A_641 = tpu.vector_load %arg6[%get3A_637, %get3A_638, %get3A_639, %get3A_640] {strides = array<i32>} : memref<4x2x100x128xf32, #tpu.memory_space<vmem>>, vector<1x1x1x16xf32>,
      %get3A_642 = vector.shape_cast %get3A_641 : vector<1x1x1x16xf32> to vector<16xf32>
      %add3A_643 = arith.addf %get3A_642, %get3A_365 : vector<16xf32>
      %swap3A_644 = arith.constant 0 : i32
      %swap3A_645 = arith.constant 1 : i32
      %swap3A_646 = arith.index_cast %swap3A_644 : i32 to index
      %swap3A_647 = arith.index_cast %swap3A_645 : i32 to index
      %swap3A_648 = arith.index_cast %scan3A_334 : i32 to index
      %swap3A_649 = arith.constant 112 : index
      %swap3A_650 = tpu.vector_load %arg6[%swap3A_646, %swap3A_647, %swap3A_648, %swap3A_649] {strides = array<i32>} : memref<4x2x100x128xf32, #tpu.memory_space<vmem>>, vector<1x1x1x16xf32>,
      %swap3A_651 = vector.shape_cast %swap3A_650 : vector<1x1x1x16xf32> to vector<16xf32>
      %swap3A_652 = vector.shape_cast %add3A_643 : vector<16xf32> to vector<1x1x1x16xf32>
      tpu.vector_store %arg6[%swap3A_646, %swap3A_647, %swap3A_648, %swap3A_649], %swap3A_652 {strides = array<i32>} : memref<4x2x100x128xf32, #tpu.memory_space<vmem>>, vector<1x1x1x16xf32>,
    }
    %scan3A_106 = arith.constant 100 : i32
    %add3A_107 = arith.constant 24 : i32
    %add3A_108 = arith.addi %mul3A_2, %add3A_107 : i32
    %dma_start3A_109 = arith.constant 0 : i32
    %dma_start3A_110 = arith.constant 0 : i32
    %dma_start3A_111 = arith.constant 0 : i32
    %dma_start3A_112 = arith.constant 0 : i32
    %dma_start3A_113 = tpu.memref_slice %arg6[%dma_start3A_109, %dma_start3A_110, %dma_start3A_111, %dma_start3A_112] : memref<4x2x100x128xf32, #tpu.memory_space<vmem>> -> memref<1x2x100x128xf32, #tpu.memory_space<vmem>>
    %dma_start3A_114 = tpu.memref_squeeze %dma_start3A_113 : memref<1x2x100x128xf32, #tpu.memory_space<vmem>> -> memref<2x100x128xf32, #tpu.memory_space<vmem>>
    %dma_start3A_115 = arith.constant 0 : i32
    %dma_start3A_116 = arith.constant 0 : i32
    %dma_start3A_117 = tpu.memref_slice %arg4[%add3A_108, %dma_start3A_115, %dma_start3A_116] : memref<1024x100x128xf32, #tpu.memory_space<hbm>> -> memref<2x100x128xf32, #tpu.memory_space<hbm>>
    %dma_start3A_118 = arith.constant 0 : i32
    %dma_start3A_119 = arith.constant 0 : i32
    %dma_start3A_120 = tpu.memref_slice %arg4[%add3A_108, %dma_start3A_118, %dma_start3A_119] : memref<1024x100x128xf32, #tpu.memory_space<hbm>> -> memref<2x100x128xf32, #tpu.memory_space<hbm>>
    %dma_start3A_121 = arith.constant 0 : i32
    %dma_start3A_122 = arith.constant 0 : i32
    %dma_start3A_123 = arith.constant 0 : i32
    %dma_start3A_124 = tpu.memref_slice %arg6[%dma_start3A_109, %dma_start3A_121, %dma_start3A_122, %dma_start3A_123] : memref<4x2x100x128xf32, #tpu.memory_space<vmem>> -> memref<1x2x100x128xf32, #tpu.memory_space<vmem>>
    %dma_start3A_125 = tpu.memref_squeeze %dma_start3A_124 : memref<1x2x100x128xf32, #tpu.memory_space<vmem>> -> memref<2x100x128xf32, #tpu.memory_space<vmem>>
    tpu.enqueue_dma source(%dma_start3A_125 : memref<2x100x128xf32, #tpu.memory_space<vmem>>) target(%dma_start3A_120 : memref<2x100x128xf32, #tpu.memory_space<hbm>>) target_semaphore(%arg11 : memref<!tpu.dma_semaphore, #tpu.memory_space<semaphore_mem>>)
    %dma_wait3A_126 = arith.constant 0 : i32
    %dma_wait3A_127 = arith.constant 0 : i32
    %dma_wait3A_128 = arith.constant 0 : i32
    %dma_wait3A_129 = arith.constant 0 : i32
    %dma_wait3A_130 = tpu.memref_slice %arg6[%dma_wait3A_126, %dma_wait3A_127, %dma_wait3A_128, %dma_wait3A_129] : memref<4x2x100x128xf32, #tpu.memory_space<vmem>> -> memref<1x2x100x128xf32, #tpu.memory_space<vmem>>
    %dma_wait3A_131 = tpu.memref_squeeze %dma_wait3A_130 : memref<1x2x100x128xf32, #tpu.memory_space<vmem>> -> memref<2x100x128xf32, #tpu.memory_space<vmem>>
    %dma_wait3A_132 = arith.constant 0 : i32
    %dma_wait3A_133 = arith.constant 0 : i32
    %dma_wait3A_134 = arith.constant 0 : i32
    %dma_wait3A_135 = tpu.memref_slice %arg4[%dma_wait3A_132, %dma_wait3A_133, %dma_wait3A_134] : memref<1024x100x128xf32, #tpu.memory_space<hbm>> -> memref<2x100x128xf32, #tpu.memory_space<hbm>>
    %dma_wait3A_136 = arith.constant 0 : i32
    %dma_wait3A_137 = arith.constant 0 : i32
    %dma_wait3A_138 = arith.constant 0 : i32
    %dma_wait3A_139 = tpu.memref_slice %arg4[%dma_wait3A_136, %dma_wait3A_137, %dma_wait3A_138] : memref<1024x100x128xf32, #tpu.memory_space<hbm>> -> memref<2x100x128xf32, #tpu.memory_space<hbm>>
    %dma_wait3A_140 = arith.constant 0 : i32
    %dma_wait3A_141 = arith.constant 0 : i32
    %dma_wait3A_142 = arith.constant 0 : i32
    %dma_wait3A_143 = tpu.memref_slice %arg6[%dma_wait3A_126, %dma_wait3A_140, %dma_wait3A_141, %dma_wait3A_142] : memref<4x2x100x128xf32, #tpu.memory_space<vmem>> -> memref<1x2x100x128xf32, #tpu.memory_space<vmem>>
    %dma_wait3A_144 = tpu.memref_squeeze %dma_wait3A_143 : memref<1x2x100x128xf32, #tpu.memory_space<vmem>> -> memref<2x100x128xf32, #tpu.memory_space<vmem>>
    tpu.wait_dma2 semaphore(%arg11 : memref<!tpu.dma_semaphore, #tpu.memory_space<semaphore_mem>>) src(%dma_wait3A_144 : memref<2x100x128xf32, #tpu.memory_space<vmem>>) dst(%dma_wait3A_139 : memref<2x100x128xf32, #tpu.memory_space<hbm>>)
    %dma_wait3A_145 = arith.constant 1 : i32
    %dma_wait3A_146 = arith.constant 0 : i32
    %dma_wait3A_147 = arith.constant 0 : i32
    %dma_wait3A_148 = arith.constant 0 : i32
    %dma_wait3A_149 = tpu.memref_slice %arg6[%dma_wait3A_145, %dma_wait3A_146, %dma_wait3A_147, %dma_wait3A_148] : memref<4x2x100x128xf32, #tpu.memory_space<vmem>> -> memref<1x2x100x128xf32, #tpu.memory_space<vmem>>
    %dma_wait3A_150 = tpu.memref_squeeze %dma_wait3A_149 : memref<1x2x100x128xf32, #tpu.memory_space<vmem>> -> memref<2x100x128xf32, #tpu.memory_space<vmem>>
    %dma_wait3A_151 = arith.constant 0 : i32
    %dma_wait3A_152 = arith.constant 0 : i32
    %dma_wait3A_153 = arith.constant 0 : i32
    %dma_wait3A_154 = tpu.memref_slice %arg2[%dma_wait3A_151, %dma_wait3A_152, %dma_wait3A_153] : memref<1024x100x128xf32, #tpu.memory_space<hbm>> -> memref<2x100x128xf32, #tpu.memory_space<hbm>>
    %dma_wait3A_155 = arith.constant 0 : i32
    %dma_wait3A_156 = arith.constant 0 : i32
    %dma_wait3A_157 = arith.constant 0 : i32
    %dma_wait3A_158 = tpu.memref_slice %arg6[%dma_wait3A_145, %dma_wait3A_155, %dma_wait3A_156, %dma_wait3A_157] : memref<4x2x100x128xf32, #tpu.memory_space<vmem>> -> memref<1x2x100x128xf32, #tpu.memory_space<vmem>>
    %dma_wait3A_159 = tpu.memref_squeeze %dma_wait3A_158 : memref<1x2x100x128xf32, #tpu.memory_space<vmem>> -> memref<2x100x128xf32, #tpu.memory_space<vmem>>
    %dma_wait3A_160 = arith.constant 0 : i32
    %dma_wait3A_161 = arith.constant 0 : i32
    %dma_wait3A_162 = arith.constant 0 : i32
    %dma_wait3A_163 = tpu.memref_slice %arg2[%dma_wait3A_160, %dma_wait3A_161, %dma_wait3A_162] : memref<1024x100x128xf32, #tpu.memory_space<hbm>> -> memref<2x100x128xf32, #tpu.memory_space<hbm>>
    tpu.wait_dma2 semaphore(%arg8 : memref<!tpu.dma_semaphore, #tpu.memory_space<semaphore_mem>>) src(%dma_wait3A_163 : memref<2x100x128xf32, #tpu.memory_space<hbm>>) dst(%dma_wait3A_159 : memref<2x100x128xf32, #tpu.memory_space<vmem>>)
    %scan3A_164 = arith.constant 0 : i32
    %scan3A_165 = arith.constant 0 : i32
    %scan3A_166 = arith.constant 100 : i32
    %scan3A_167 = arith.addi %scan3A_165, %scan3A_166 : i32
    %scan3A_168 = arith.constant 1 : i32
    scf.for %scan3A_334 = %scan3A_165 to %scan3A_167 step %scan3A_168  : i32 {
      %get3A = arith.index_cast %scan3A_334 : i32 to index
      %get3A_335 = arith.constant 0 : index
      %get3A_336 = tpu.vector_load %arg5[%get3A, %get3A_335] {strides = array<i32>} : memref<100x128xf32, #tpu.memory_space<vmem>>, vector<1x16xf32>,
      %get3A_337 = vector.shape_cast %get3A_336 : vector<1x16xf32> to vector<16xf32>
      %get3A_338 = arith.index_cast %scan3A_334 : i32 to index
      %get3A_339 = arith.constant 16 : index
      %get3A_340 = tpu.vector_load %arg5[%get3A_338, %get3A_339] {strides = array<i32>} : memref<100x128xf32, #tpu.memory_space<vmem>>, vector<1x16xf32>,
      %get3A_341 = vector.shape_cast %get3A_340 : vector<1x16xf32> to vector<16xf32>
      %get3A_342 = arith.index_cast %scan3A_334 : i32 to index
      %get3A_343 = arith.constant 32 : index
      %get3A_344 = tpu.vector_load %arg5[%get3A_342, %get3A_343] {strides = array<i32>} : memref<100x128xf32, #tpu.memory_space<vmem>>, vector<1x16xf32>,
      %get3A_345 = vector.shape_cast %get3A_344 : vector<1x16xf32> to vector<16xf32>
      %get3A_346 = arith.index_cast %scan3A_334 : i32 to index
      %get3A_347 = arith.constant 48 : index
      %get3A_348 = tpu.vector_load %arg5[%get3A_346, %get3A_347] {strides = array<i32>} : memref<100x128xf32, #tpu.memory_space<vmem>>, vector<1x16xf32>,
      %get3A_349 = vector.shape_cast %get3A_348 : vector<1x16xf32> to vector<16xf32>
      %get3A_350 = arith.index_cast %scan3A_334 : i32 to index
      %get3A_351 = arith.constant 64 : index
      %get3A_352 = tpu.vector_load %arg5[%get3A_350, %get3A_351] {strides = array<i32>} : memref<100x128xf32, #tpu.memory_space<vmem>>, vector<1x16xf32>,
      %get3A_353 = vector.shape_cast %get3A_352 : vector<1x16xf32> to vector<16xf32>
      %get3A_354 = arith.index_cast %scan3A_334 : i32 to index
      %get3A_355 = arith.constant 80 : index
      %get3A_356 = tpu.vector_load %arg5[%get3A_354, %get3A_355] {strides = array<i32>} : memref<100x128xf32, #tpu.memory_space<vmem>>, vector<1x16xf32>,
      %get3A_357 = vector.shape_cast %get3A_356 : vector<1x16xf32> to vector<16xf32>
      %get3A_358 = arith.index_cast %scan3A_334 : i32 to index
      %get3A_359 = arith.constant 96 : index
      %get3A_360 = tpu.vector_load %arg5[%get3A_358, %get3A_359] {strides = array<i32>} : memref<100x128xf32, #tpu.memory_space<vmem>>, vector<1x16xf32>,
      %get3A_361 = vector.shape_cast %get3A_360 : vector<1x16xf32> to vector<16xf32>
      %get3A_362 = arith.index_cast %scan3A_334 : i32 to index
      %get3A_363 = arith.constant 112 : index
      %get3A_364 = tpu.vector_load %arg5[%get3A_362, %get3A_363] {strides = array<i32>} : memref<100x128xf32, #tpu.memory_space<vmem>>, vector<1x16xf32>,
      %get3A_365 = vector.shape_cast %get3A_364 : vector<1x16xf32> to vector<16xf32>
      %get3A_366 = arith.constant 1 : i32
      %get3A_367 = arith.constant 0 : i32
      %get3A_368 = arith.index_cast %get3A_366 : i32 to index
      %get3A_369 = arith.index_cast %get3A_367 : i32 to index
      %get3A_370 = arith.index_cast %scan3A_334 : i32 to index
      %get3A_371 = arith.constant 0 : index
      %get3A_372 = tpu.vector_load %arg6[%get3A_368, %get3A_369, %get3A_370, %get3A_371] {strides = array<i32>} : memref<4x2x100x128xf32, #tpu.memory_space<vmem>>, vector<1x1x1x16xf32>,
      %get3A_373 = vector.shape_cast %get3A_372 : vector<1x1x1x16xf32> to vector<16xf32>
      %add3A_374 = arith.addf %get3A_373, %get3A_337 : vector<16xf32>
      %swap3A = arith.constant 1 : i32
      %swap3A_375 = arith.constant 0 : i32
      %swap3A_376 = arith.index_cast %swap3A : i32 to index
      %swap3A_377 = arith.index_cast %swap3A_375 : i32 to index
      %swap3A_378 = arith.index_cast %scan3A_334 : i32 to index
      %swap3A_379 = arith.constant 0 : index
      %swap3A_380 = tpu.vector_load %arg6[%swap3A_376, %swap3A_377, %swap3A_378, %swap3A_379] {strides = array<i32>} : memref<4x2x100x128xf32, #tpu.memory_space<vmem>>, vector<1x1x1x16xf32>,
      %swap3A_381 = vector.shape_cast %swap3A_380 : vector<1x1x1x16xf32> to vector<16xf32>
      %swap3A_382 = vector.shape_cast %add3A_374 : vector<16xf32> to vector<1x1x1x16xf32>
      tpu.vector_store %arg6[%swap3A_376, %swap3A_377, %swap3A_378, %swap3A_379], %swap3A_382 {strides = array<i32>} : memref<4x2x100x128xf32, #tpu.memory_space<vmem>>, vector<1x1x1x16xf32>,
      %get3A_383 = arith.constant 1 : i32
      %get3A_384 = arith.constant 0 : i32
      %get3A_385 = arith.index_cast %get3A_383 : i32 to index
      %get3A_386 = arith.index_cast %get3A_384 : i32 to index
      %get3A_387 = arith.index_cast %scan3A_334 : i32 to index
      %get3A_388 = arith.constant 16 : index
      %get3A_389 = tpu.vector_load %arg6[%get3A_385, %get3A_386, %get3A_387, %get3A_388] {strides = array<i32>} : memref<4x2x100x128xf32, #tpu.memory_space<vmem>>, vector<1x1x1x16xf32>,
      %get3A_390 = vector.shape_cast %get3A_389 : vector<1x1x1x16xf32> to vector<16xf32>
      %add3A_391 = arith.addf %get3A_390, %get3A_341 : vector<16xf32>
      %swap3A_392 = arith.constant 1 : i32
      %swap3A_393 = arith.constant 0 : i32
      %swap3A_394 = arith.index_cast %swap3A_392 : i32 to index
      %swap3A_395 = arith.index_cast %swap3A_393 : i32 to index
      %swap3A_396 = arith.index_cast %scan3A_334 : i32 to index
      %swap3A_397 = arith.constant 16 : index
      %swap3A_398 = tpu.vector_load %arg6[%swap3A_394, %swap3A_395, %swap3A_396, %swap3A_397] {strides = array<i32>} : memref<4x2x100x128xf32, #tpu.memory_space<vmem>>, vector<1x1x1x16xf32>,
      %swap3A_399 = vector.shape_cast %swap3A_398 : vector<1x1x1x16xf32> to vector<16xf32>
      %swap3A_400 = vector.shape_cast %add3A_391 : vector<16xf32> to vector<1x1x1x16xf32>
      tpu.vector_store %arg6[%swap3A_394, %swap3A_395, %swap3A_396, %swap3A_397], %swap3A_400 {strides = array<i32>} : memref<4x2x100x128xf32, #tpu.memory_space<vmem>>, vector<1x1x1x16xf32>,
      %get3A_401 = arith.constant 1 : i32
      %get3A_402 = arith.constant 0 : i32
      %get3A_403 = arith.index_cast %get3A_401 : i32 to index
      %get3A_404 = arith.index_cast %get3A_402 : i32 to index
      %get3A_405 = arith.index_cast %scan3A_334 : i32 to index
      %get3A_406 = arith.constant 32 : index
      %get3A_407 = tpu.vector_load %arg6[%get3A_403, %get3A_404, %get3A_405, %get3A_406] {strides = array<i32>} : memref<4x2x100x128xf32, #tpu.memory_space<vmem>>, vector<1x1x1x16xf32>,
      %get3A_408 = vector.shape_cast %get3A_407 : vector<1x1x1x16xf32> to vector<16xf32>
      %add3A_409 = arith.addf %get3A_408, %get3A_345 : vector<16xf32>
      %swap3A_410 = arith.constant 1 : i32
      %swap3A_411 = arith.constant 0 : i32
      %swap3A_412 = arith.index_cast %swap3A_410 : i32 to index
      %swap3A_413 = arith.index_cast %swap3A_411 : i32 to index
      %swap3A_414 = arith.index_cast %scan3A_334 : i32 to index
      %swap3A_415 = arith.constant 32 : index
      %swap3A_416 = tpu.vector_load %arg6[%swap3A_412, %swap3A_413, %swap3A_414, %swap3A_415] {strides = array<i32>} : memref<4x2x100x128xf32, #tpu.memory_space<vmem>>, vector<1x1x1x16xf32>,
      %swap3A_417 = vector.shape_cast %swap3A_416 : vector<1x1x1x16xf32> to vector<16xf32>
      %swap3A_418 = vector.shape_cast %add3A_409 : vector<16xf32> to vector<1x1x1x16xf32>
      tpu.vector_store %arg6[%swap3A_412, %swap3A_413, %swap3A_414, %swap3A_415], %swap3A_418 {strides = array<i32>} : memref<4x2x100x128xf32, #tpu.memory_space<vmem>>, vector<1x1x1x16xf32>,
      %get3A_419 = arith.constant 1 : i32
      %get3A_420 = arith.constant 0 : i32
      %get3A_421 = arith.index_cast %get3A_419 : i32 to index
      %get3A_422 = arith.index_cast %get3A_420 : i32 to index
      %get3A_423 = arith.index_cast %scan3A_334 : i32 to index
      %get3A_424 = arith.constant 48 : index
      %get3A_425 = tpu.vector_load %arg6[%get3A_421, %get3A_422, %get3A_423, %get3A_424] {strides = array<i32>} : memref<4x2x100x128xf32, #tpu.memory_space<vmem>>, vector<1x1x1x16xf32>,
      %get3A_426 = vector.shape_cast %get3A_425 : vector<1x1x1x16xf32> to vector<16xf32>
      %add3A_427 = arith.addf %get3A_426, %get3A_349 : vector<16xf32>
      %swap3A_428 = arith.constant 1 : i32
      %swap3A_429 = arith.constant 0 : i32
      %swap3A_430 = arith.index_cast %swap3A_428 : i32 to index
      %swap3A_431 = arith.index_cast %swap3A_429 : i32 to index
      %swap3A_432 = arith.index_cast %scan3A_334 : i32 to index
      %swap3A_433 = arith.constant 48 : index
      %swap3A_434 = tpu.vector_load %arg6[%swap3A_430, %swap3A_431, %swap3A_432, %swap3A_433] {strides = array<i32>} : memref<4x2x100x128xf32, #tpu.memory_space<vmem>>, vector<1x1x1x16xf32>,
      %swap3A_435 = vector.shape_cast %swap3A_434 : vector<1x1x1x16xf32> to vector<16xf32>
      %swap3A_436 = vector.shape_cast %add3A_427 : vector<16xf32> to vector<1x1x1x16xf32>
      tpu.vector_store %arg6[%swap3A_430, %swap3A_431, %swap3A_432, %swap3A_433], %swap3A_436 {strides = array<i32>} : memref<4x2x100x128xf32, #tpu.memory_space<vmem>>, vector<1x1x1x16xf32>,
      %get3A_437 = arith.constant 1 : i32
      %get3A_438 = arith.constant 0 : i32
      %get3A_439 = arith.index_cast %get3A_437 : i32 to index
      %get3A_440 = arith.index_cast %get3A_438 : i32 to index
      %get3A_441 = arith.index_cast %scan3A_334 : i32 to index
      %get3A_442 = arith.constant 64 : index
      %get3A_443 = tpu.vector_load %arg6[%get3A_439, %get3A_440, %get3A_441, %get3A_442] {strides = array<i32>} : memref<4x2x100x128xf32, #tpu.memory_space<vmem>>, vector<1x1x1x16xf32>,
      %get3A_444 = vector.shape_cast %get3A_443 : vector<1x1x1x16xf32> to vector<16xf32>
      %add3A_445 = arith.addf %get3A_444, %get3A_353 : vector<16xf32>
      %swap3A_446 = arith.constant 1 : i32
      %swap3A_447 = arith.constant 0 : i32
      %swap3A_448 = arith.index_cast %swap3A_446 : i32 to index
      %swap3A_449 = arith.index_cast %swap3A_447 : i32 to index
      %swap3A_450 = arith.index_cast %scan3A_334 : i32 to index
      %swap3A_451 = arith.constant 64 : index
      %swap3A_452 = tpu.vector_load %arg6[%swap3A_448, %swap3A_449, %swap3A_450, %swap3A_451] {strides = array<i32>} : memref<4x2x100x128xf32, #tpu.memory_space<vmem>>, vector<1x1x1x16xf32>,
      %swap3A_453 = vector.shape_cast %swap3A_452 : vector<1x1x1x16xf32> to vector<16xf32>
      %swap3A_454 = vector.shape_cast %add3A_445 : vector<16xf32> to vector<1x1x1x16xf32>
      tpu.vector_store %arg6[%swap3A_448, %swap3A_449, %swap3A_450, %swap3A_451], %swap3A_454 {strides = array<i32>} : memref<4x2x100x128xf32, #tpu.memory_space<vmem>>, vector<1x1x1x16xf32>,
      %get3A_455 = arith.constant 1 : i32
      %get3A_456 = arith.constant 0 : i32
      %get3A_457 = arith.index_cast %get3A_455 : i32 to index
      %get3A_458 = arith.index_cast %get3A_456 : i32 to index
      %get3A_459 = arith.index_cast %scan3A_334 : i32 to index
      %get3A_460 = arith.constant 80 : index
      %get3A_461 = tpu.vector_load %arg6[%get3A_457, %get3A_458, %get3A_459, %get3A_460] {strides = array<i32>} : memref<4x2x100x128xf32, #tpu.memory_space<vmem>>, vector<1x1x1x16xf32>,
      %get3A_462 = vector.shape_cast %get3A_461 : vector<1x1x1x16xf32> to vector<16xf32>
      %add3A_463 = arith.addf %get3A_462, %get3A_357 : vector<16xf32>
      %swap3A_464 = arith.constant 1 : i32
      %swap3A_465 = arith.constant 0 : i32
      %swap3A_466 = arith.index_cast %swap3A_464 : i32 to index
      %swap3A_467 = arith.index_cast %swap3A_465 : i32 to index
      %swap3A_468 = arith.index_cast %scan3A_334 : i32 to index
      %swap3A_469 = arith.constant 80 : index
      %swap3A_470 = tpu.vector_load %arg6[%swap3A_466, %swap3A_467, %swap3A_468, %swap3A_469] {strides = array<i32>} : memref<4x2x100x128xf32, #tpu.memory_space<vmem>>, vector<1x1x1x16xf32>,
      %swap3A_471 = vector.shape_cast %swap3A_470 : vector<1x1x1x16xf32> to vector<16xf32>
      %swap3A_472 = vector.shape_cast %add3A_463 : vector<16xf32> to vector<1x1x1x16xf32>
      tpu.vector_store %arg6[%swap3A_466, %swap3A_467, %swap3A_468, %swap3A_469], %swap3A_472 {strides = array<i32>} : memref<4x2x100x128xf32, #tpu.memory_space<vmem>>, vector<1x1x1x16xf32>,
      %get3A_473 = arith.constant 1 : i32
      %get3A_474 = arith.constant 0 : i32
      %get3A_475 = arith.index_cast %get3A_473 : i32 to index
      %get3A_476 = arith.index_cast %get3A_474 : i32 to index
      %get3A_477 = arith.index_cast %scan3A_334 : i32 to index
      %get3A_478 = arith.constant 96 : index
      %get3A_479 = tpu.vector_load %arg6[%get3A_475, %get3A_476, %get3A_477, %get3A_478] {strides = array<i32>} : memref<4x2x100x128xf32, #tpu.memory_space<vmem>>, vector<1x1x1x16xf32>,
      %get3A_480 = vector.shape_cast %get3A_479 : vector<1x1x1x16xf32> to vector<16xf32>
      %add3A_481 = arith.addf %get3A_480, %get3A_361 : vector<16xf32>
      %swap3A_482 = arith.constant 1 : i32
      %swap3A_483 = arith.constant 0 : i32
      %swap3A_484 = arith.index_cast %swap3A_482 : i32 to index
      %swap3A_485 = arith.index_cast %swap3A_483 : i32 to index
      %swap3A_486 = arith.index_cast %scan3A_334 : i32 to index
      %swap3A_487 = arith.constant 96 : index
      %swap3A_488 = tpu.vector_load %arg6[%swap3A_484, %swap3A_485, %swap3A_486, %swap3A_487] {strides = array<i32>} : memref<4x2x100x128xf32, #tpu.memory_space<vmem>>, vector<1x1x1x16xf32>,
      %swap3A_489 = vector.shape_cast %swap3A_488 : vector<1x1x1x16xf32> to vector<16xf32>
      %swap3A_490 = vector.shape_cast %add3A_481 : vector<16xf32> to vector<1x1x1x16xf32>
      tpu.vector_store %arg6[%swap3A_484, %swap3A_485, %swap3A_486, %swap3A_487], %swap3A_490 {strides = array<i32>} : memref<4x2x100x128xf32, #tpu.memory_space<vmem>>, vector<1x1x1x16xf32>,
      %get3A_491 = arith.constant 1 : i32
      %get3A_492 = arith.constant 0 : i32
      %get3A_493 = arith.index_cast %get3A_491 : i32 to index
      %get3A_494 = arith.index_cast %get3A_492 : i32 to index
      %get3A_495 = arith.index_cast %scan3A_334 : i32 to index
      %get3A_496 = arith.constant 112 : index
      %get3A_497 = tpu.vector_load %arg6[%get3A_493, %get3A_494, %get3A_495, %get3A_496] {strides = array<i32>} : memref<4x2x100x128xf32, #tpu.memory_space<vmem>>, vector<1x1x1x16xf32>,
      %get3A_498 = vector.shape_cast %get3A_497 : vector<1x1x1x16xf32> to vector<16xf32>
      %add3A_499 = arith.addf %get3A_498, %get3A_365 : vector<16xf32>
      %swap3A_500 = arith.constant 1 : i32
      %swap3A_501 = arith.constant 0 : i32
      %swap3A_502 = arith.index_cast %swap3A_500 : i32 to index
      %swap3A_503 = arith.index_cast %swap3A_501 : i32 to index
      %swap3A_504 = arith.index_cast %scan3A_334 : i32 to index
      %swap3A_505 = arith.constant 112 : index
      %swap3A_506 = tpu.vector_load %arg6[%swap3A_502, %swap3A_503, %swap3A_504, %swap3A_505] {strides = array<i32>} : memref<4x2x100x128xf32, #tpu.memory_space<vmem>>, vector<1x1x1x16xf32>,
      %swap3A_507 = vector.shape_cast %swap3A_506 : vector<1x1x1x16xf32> to vector<16xf32>
      %swap3A_508 = vector.shape_cast %add3A_499 : vector<16xf32> to vector<1x1x1x16xf32>
      tpu.vector_store %arg6[%swap3A_502, %swap3A_503, %swap3A_504, %swap3A_505], %swap3A_508 {strides = array<i32>} : memref<4x2x100x128xf32, #tpu.memory_space<vmem>>, vector<1x1x1x16xf32>,
      %get3A_509 = arith.constant 1 : i32
      %get3A_510 = arith.constant 1 : i32
      %get3A_511 = arith.index_cast %get3A_509 : i32 to index
      %get3A_512 = arith.index_cast %get3A_510 : i32 to index
      %get3A_513 = arith.index_cast %scan3A_334 : i32 to index
      %get3A_514 = arith.constant 0 : index
      %get3A_515 = tpu.vector_load %arg6[%get3A_511, %get3A_512, %get3A_513, %get3A_514] {strides = array<i32>} : memref<4x2x100x128xf32, #tpu.memory_space<vmem>>, vector<1x1x1x16xf32>,
      %get3A_516 = vector.shape_cast %get3A_515 : vector<1x1x1x16xf32> to vector<16xf32>
      %add3A_517 = arith.addf %get3A_516, %get3A_337 : vector<16xf32>
      %swap3A_518 = arith.constant 1 : i32
      %swap3A_519 = arith.constant 1 : i32
      %swap3A_520 = arith.index_cast %swap3A_518 : i32 to index
      %swap3A_521 = arith.index_cast %swap3A_519 : i32 to index
      %swap3A_522 = arith.index_cast %scan3A_334 : i32 to index
      %swap3A_523 = arith.constant 0 : index
      %swap3A_524 = tpu.vector_load %arg6[%swap3A_520, %swap3A_521, %swap3A_522, %swap3A_523] {strides = array<i32>} : memref<4x2x100x128xf32, #tpu.memory_space<vmem>>, vector<1x1x1x16xf32>,
      %swap3A_525 = vector.shape_cast %swap3A_524 : vector<1x1x1x16xf32> to vector<16xf32>
      %swap3A_526 = vector.shape_cast %add3A_517 : vector<16xf32> to vector<1x1x1x16xf32>
      tpu.vector_store %arg6[%swap3A_520, %swap3A_521, %swap3A_522, %swap3A_523], %swap3A_526 {strides = array<i32>} : memref<4x2x100x128xf32, #tpu.memory_space<vmem>>, vector<1x1x1x16xf32>,
      %get3A_527 = arith.constant 1 : i32
      %get3A_528 = arith.constant 1 : i32
      %get3A_529 = arith.index_cast %get3A_527 : i32 to index
      %get3A_530 = arith.index_cast %get3A_528 : i32 to index
      %get3A_531 = arith.index_cast %scan3A_334 : i32 to index
      %get3A_532 = arith.constant 16 : index
      %get3A_533 = tpu.vector_load %arg6[%get3A_529, %get3A_530, %get3A_531, %get3A_532] {strides = array<i32>} : memref<4x2x100x128xf32, #tpu.memory_space<vmem>>, vector<1x1x1x16xf32>,
      %get3A_534 = vector.shape_cast %get3A_533 : vector<1x1x1x16xf32> to vector<16xf32>
      %add3A_535 = arith.addf %get3A_534, %get3A_341 : vector<16xf32>
      %swap3A_536 = arith.constant 1 : i32
      %swap3A_537 = arith.constant 1 : i32
      %swap3A_538 = arith.index_cast %swap3A_536 : i32 to index
      %swap3A_539 = arith.index_cast %swap3A_537 : i32 to index
      %swap3A_540 = arith.index_cast %scan3A_334 : i32 to index
      %swap3A_541 = arith.constant 16 : index
      %swap3A_542 = tpu.vector_load %arg6[%swap3A_538, %swap3A_539, %swap3A_540, %swap3A_541] {strides = array<i32>} : memref<4x2x100x128xf32, #tpu.memory_space<vmem>>, vector<1x1x1x16xf32>,
      %swap3A_543 = vector.shape_cast %swap3A_542 : vector<1x1x1x16xf32> to vector<16xf32>
      %swap3A_544 = vector.shape_cast %add3A_535 : vector<16xf32> to vector<1x1x1x16xf32>
      tpu.vector_store %arg6[%swap3A_538, %swap3A_539, %swap3A_540, %swap3A_541], %swap3A_544 {strides = array<i32>} : memref<4x2x100x128xf32, #tpu.memory_space<vmem>>, vector<1x1x1x16xf32>,
      %get3A_545 = arith.constant 1 : i32
      %get3A_546 = arith.constant 1 : i32
      %get3A_547 = arith.index_cast %get3A_545 : i32 to index
      %get3A_548 = arith.index_cast %get3A_546 : i32 to index
      %get3A_549 = arith.index_cast %scan3A_334 : i32 to index
      %get3A_550 = arith.constant 32 : index
      %get3A_551 = tpu.vector_load %arg6[%get3A_547, %get3A_548, %get3A_549, %get3A_550] {strides = array<i32>} : memref<4x2x100x128xf32, #tpu.memory_space<vmem>>, vector<1x1x1x16xf32>,
      %get3A_552 = vector.shape_cast %get3A_551 : vector<1x1x1x16xf32> to vector<16xf32>
      %add3A_553 = arith.addf %get3A_552, %get3A_345 : vector<16xf32>
      %swap3A_554 = arith.constant 1 : i32
      %swap3A_555 = arith.constant 1 : i32
      %swap3A_556 = arith.index_cast %swap3A_554 : i32 to index
      %swap3A_557 = arith.index_cast %swap3A_555 : i32 to index
      %swap3A_558 = arith.index_cast %scan3A_334 : i32 to index
      %swap3A_559 = arith.constant 32 : index
      %swap3A_560 = tpu.vector_load %arg6[%swap3A_556, %swap3A_557, %swap3A_558, %swap3A_559] {strides = array<i32>} : memref<4x2x100x128xf32, #tpu.memory_space<vmem>>, vector<1x1x1x16xf32>,
      %swap3A_561 = vector.shape_cast %swap3A_560 : vector<1x1x1x16xf32> to vector<16xf32>
      %swap3A_562 = vector.shape_cast %add3A_553 : vector<16xf32> to vector<1x1x1x16xf32>
      tpu.vector_store %arg6[%swap3A_556, %swap3A_557, %swap3A_558, %swap3A_559], %swap3A_562 {strides = array<i32>} : memref<4x2x100x128xf32, #tpu.memory_space<vmem>>, vector<1x1x1x16xf32>,
      %get3A_563 = arith.constant 1 : i32
      %get3A_564 = arith.constant 1 : i32
      %get3A_565 = arith.index_cast %get3A_563 : i32 to index
      %get3A_566 = arith.index_cast %get3A_564 : i32 to index
      %get3A_567 = arith.index_cast %scan3A_334 : i32 to index
      %get3A_568 = arith.constant 48 : index
      %get3A_569 = tpu.vector_load %arg6[%get3A_565, %get3A_566, %get3A_567, %get3A_568] {strides = array<i32>} : memref<4x2x100x128xf32, #tpu.memory_space<vmem>>, vector<1x1x1x16xf32>,
      %get3A_570 = vector.shape_cast %get3A_569 : vector<1x1x1x16xf32> to vector<16xf32>
      %add3A_571 = arith.addf %get3A_570, %get3A_349 : vector<16xf32>
      %swap3A_572 = arith.constant 1 : i32
      %swap3A_573 = arith.constant 1 : i32
      %swap3A_574 = arith.index_cast %swap3A_572 : i32 to index
      %swap3A_575 = arith.index_cast %swap3A_573 : i32 to index
      %swap3A_576 = arith.index_cast %scan3A_334 : i32 to index
      %swap3A_577 = arith.constant 48 : index
      %swap3A_578 = tpu.vector_load %arg6[%swap3A_574, %swap3A_575, %swap3A_576, %swap3A_577] {strides = array<i32>} : memref<4x2x100x128xf32, #tpu.memory_space<vmem>>, vector<1x1x1x16xf32>,
      %swap3A_579 = vector.shape_cast %swap3A_578 : vector<1x1x1x16xf32> to vector<16xf32>
      %swap3A_580 = vector.shape_cast %add3A_571 : vector<16xf32> to vector<1x1x1x16xf32>
      tpu.vector_store %arg6[%swap3A_574, %swap3A_575, %swap3A_576, %swap3A_577], %swap3A_580 {strides = array<i32>} : memref<4x2x100x128xf32, #tpu.memory_space<vmem>>, vector<1x1x1x16xf32>,
      %get3A_581 = arith.constant 1 : i32
      %get3A_582 = arith.constant 1 : i32
      %get3A_583 = arith.index_cast %get3A_581 : i32 to index
      %get3A_584 = arith.index_cast %get3A_582 : i32 to index
      %get3A_585 = arith.index_cast %scan3A_334 : i32 to index
      %get3A_586 = arith.constant 64 : index
      %get3A_587 = tpu.vector_load %arg6[%get3A_583, %get3A_584, %get3A_585, %get3A_586] {strides = array<i32>} : memref<4x2x100x128xf32, #tpu.memory_space<vmem>>, vector<1x1x1x16xf32>,
      %get3A_588 = vector.shape_cast %get3A_587 : vector<1x1x1x16xf32> to vector<16xf32>
      %add3A_589 = arith.addf %get3A_588, %get3A_353 : vector<16xf32>
      %swap3A_590 = arith.constant 1 : i32
      %swap3A_591 = arith.constant 1 : i32
      %swap3A_592 = arith.index_cast %swap3A_590 : i32 to index
      %swap3A_593 = arith.index_cast %swap3A_591 : i32 to index
      %swap3A_594 = arith.index_cast %scan3A_334 : i32 to index
      %swap3A_595 = arith.constant 64 : index
      %swap3A_596 = tpu.vector_load %arg6[%swap3A_592, %swap3A_593, %swap3A_594, %swap3A_595] {strides = array<i32>} : memref<4x2x100x128xf32, #tpu.memory_space<vmem>>, vector<1x1x1x16xf32>,
      %swap3A_597 = vector.shape_cast %swap3A_596 : vector<1x1x1x16xf32> to vector<16xf32>
      %swap3A_598 = vector.shape_cast %add3A_589 : vector<16xf32> to vector<1x1x1x16xf32>
      tpu.vector_store %arg6[%swap3A_592, %swap3A_593, %swap3A_594, %swap3A_595], %swap3A_598 {strides = array<i32>} : memref<4x2x100x128xf32, #tpu.memory_space<vmem>>, vector<1x1x1x16xf32>,
      %get3A_599 = arith.constant 1 : i32
      %get3A_600 = arith.constant 1 : i32
      %get3A_601 = arith.index_cast %get3A_599 : i32 to index
      %get3A_602 = arith.index_cast %get3A_600 : i32 to index
      %get3A_603 = arith.index_cast %scan3A_334 : i32 to index
      %get3A_604 = arith.constant 80 : index
      %get3A_605 = tpu.vector_load %arg6[%get3A_601, %get3A_602, %get3A_603, %get3A_604] {strides = array<i32>} : memref<4x2x100x128xf32, #tpu.memory_space<vmem>>, vector<1x1x1x16xf32>,
      %get3A_606 = vector.shape_cast %get3A_605 : vector<1x1x1x16xf32> to vector<16xf32>
      %add3A_607 = arith.addf %get3A_606, %get3A_357 : vector<16xf32>
      %swap3A_608 = arith.constant 1 : i32
      %swap3A_609 = arith.constant 1 : i32
      %swap3A_610 = arith.index_cast %swap3A_608 : i32 to index
      %swap3A_611 = arith.index_cast %swap3A_609 : i32 to index
      %swap3A_612 = arith.index_cast %scan3A_334 : i32 to index
      %swap3A_613 = arith.constant 80 : index
      %swap3A_614 = tpu.vector_load %arg6[%swap3A_610, %swap3A_611, %swap3A_612, %swap3A_613] {strides = array<i32>} : memref<4x2x100x128xf32, #tpu.memory_space<vmem>>, vector<1x1x1x16xf32>,
      %swap3A_615 = vector.shape_cast %swap3A_614 : vector<1x1x1x16xf32> to vector<16xf32>
      %swap3A_616 = vector.shape_cast %add3A_607 : vector<16xf32> to vector<1x1x1x16xf32>
      tpu.vector_store %arg6[%swap3A_610, %swap3A_611, %swap3A_612, %swap3A_613], %swap3A_616 {strides = array<i32>} : memref<4x2x100x128xf32, #tpu.memory_space<vmem>>, vector<1x1x1x16xf32>,
      %get3A_617 = arith.constant 1 : i32
      %get3A_618 = arith.constant 1 : i32
      %get3A_619 = arith.index_cast %get3A_617 : i32 to index
      %get3A_620 = arith.index_cast %get3A_618 : i32 to index
      %get3A_621 = arith.index_cast %scan3A_334 : i32 to index
      %get3A_622 = arith.constant 96 : index
      %get3A_623 = tpu.vector_load %arg6[%get3A_619, %get3A_620, %get3A_621, %get3A_622] {strides = array<i32>} : memref<4x2x100x128xf32, #tpu.memory_space<vmem>>, vector<1x1x1x16xf32>,
      %get3A_624 = vector.shape_cast %get3A_623 : vector<1x1x1x16xf32> to vector<16xf32>
      %add3A_625 = arith.addf %get3A_624, %get3A_361 : vector<16xf32>
      %swap3A_626 = arith.constant 1 : i32
      %swap3A_627 = arith.constant 1 : i32
      %swap3A_628 = arith.index_cast %swap3A_626 : i32 to index
      %swap3A_629 = arith.index_cast %swap3A_627 : i32 to index
      %swap3A_630 = arith.index_cast %scan3A_334 : i32 to index
      %swap3A_631 = arith.constant 96 : index
      %swap3A_632 = tpu.vector_load %arg6[%swap3A_628, %swap3A_629, %swap3A_630, %swap3A_631] {strides = array<i32>} : memref<4x2x100x128xf32, #tpu.memory_space<vmem>>, vector<1x1x1x16xf32>,
      %swap3A_633 = vector.shape_cast %swap3A_632 : vector<1x1x1x16xf32> to vector<16xf32>
      %swap3A_634 = vector.shape_cast %add3A_625 : vector<16xf32> to vector<1x1x1x16xf32>
      tpu.vector_store %arg6[%swap3A_628, %swap3A_629, %swap3A_630, %swap3A_631], %swap3A_634 {strides = array<i32>} : memref<4x2x100x128xf32, #tpu.memory_space<vmem>>, vector<1x1x1x16xf32>,
      %get3A_635 = arith.constant 1 : i32
      %get3A_636 = arith.constant 1 : i32
      %get3A_637 = arith.index_cast %get3A_635 : i32 to index
      %get3A_638 = arith.index_cast %get3A_636 : i32 to index
      %get3A_639 = arith.index_cast %scan3A_334 : i32 to index
      %get3A_640 = arith.constant 112 : index
      %get3A_641 = tpu.vector_load %arg6[%get3A_637, %get3A_638, %get3A_639, %get3A_640] {strides = array<i32>} : memref<4x2x100x128xf32, #tpu.memory_space<vmem>>, vector<1x1x1x16xf32>,
      %get3A_642 = vector.shape_cast %get3A_641 : vector<1x1x1x16xf32> to vector<16xf32>
      %add3A_643 = arith.addf %get3A_642, %get3A_365 : vector<16xf32>
      %swap3A_644 = arith.constant 1 : i32
      %swap3A_645 = arith.constant 1 : i32
      %swap3A_646 = arith.index_cast %swap3A_644 : i32 to index
      %swap3A_647 = arith.index_cast %swap3A_645 : i32 to index
      %swap3A_648 = arith.index_cast %scan3A_334 : i32 to index
      %swap3A_649 = arith.constant 112 : index
      %swap3A_650 = tpu.vector_load %arg6[%swap3A_646, %swap3A_647, %swap3A_648, %swap3A_649] {strides = array<i32>} : memref<4x2x100x128xf32, #tpu.memory_space<vmem>>, vector<1x1x1x16xf32>,
      %swap3A_651 = vector.shape_cast %swap3A_650 : vector<1x1x1x16xf32> to vector<16xf32>
      %swap3A_652 = vector.shape_cast %add3A_643 : vector<16xf32> to vector<1x1x1x16xf32>
      tpu.vector_store %arg6[%swap3A_646, %swap3A_647, %swap3A_648, %swap3A_649], %swap3A_652 {strides = array<i32>} : memref<4x2x100x128xf32, #tpu.memory_space<vmem>>, vector<1x1x1x16xf32>,
    }
    %scan3A_169 = arith.constant 100 : i32
    %add3A_170 = arith.constant 26 : i32
    %add3A_171 = arith.addi %mul3A_2, %add3A_170 : i32
    %dma_start3A_172 = arith.constant 1 : i32
    %dma_start3A_173 = arith.constant 0 : i32
    %dma_start3A_174 = arith.constant 0 : i32
    %dma_start3A_175 = arith.constant 0 : i32
    %dma_start3A_176 = tpu.memref_slice %arg6[%dma_start3A_172, %dma_start3A_173, %dma_start3A_174, %dma_start3A_175] : memref<4x2x100x128xf32, #tpu.memory_space<vmem>> -> memref<1x2x100x128xf32, #tpu.memory_space<vmem>>
    %dma_start3A_177 = tpu.memref_squeeze %dma_start3A_176 : memref<1x2x100x128xf32, #tpu.memory_space<vmem>> -> memref<2x100x128xf32, #tpu.memory_space<vmem>>
    %dma_start3A_178 = arith.constant 0 : i32
    %dma_start3A_179 = arith.constant 0 : i32
    %dma_start3A_180 = tpu.memref_slice %arg4[%add3A_171, %dma_start3A_178, %dma_start3A_179] : memref<1024x100x128xf32, #tpu.memory_space<hbm>> -> memref<2x100x128xf32, #tpu.memory_space<hbm>>
    %dma_start3A_181 = arith.constant 0 : i32
    %dma_start3A_182 = arith.constant 0 : i32
    %dma_start3A_183 = tpu.memref_slice %arg4[%add3A_171, %dma_start3A_181, %dma_start3A_182] : memref<1024x100x128xf32, #tpu.memory_space<hbm>> -> memref<2x100x128xf32, #tpu.memory_space<hbm>>
    %dma_start3A_184 = arith.constant 0 : i32
    %dma_start3A_185 = arith.constant 0 : i32
    %dma_start3A_186 = arith.constant 0 : i32
    %dma_start3A_187 = tpu.memref_slice %arg6[%dma_start3A_172, %dma_start3A_184, %dma_start3A_185, %dma_start3A_186] : memref<4x2x100x128xf32, #tpu.memory_space<vmem>> -> memref<1x2x100x128xf32, #tpu.memory_space<vmem>>
    %dma_start3A_188 = tpu.memref_squeeze %dma_start3A_187 : memref<1x2x100x128xf32, #tpu.memory_space<vmem>> -> memref<2x100x128xf32, #tpu.memory_space<vmem>>
    tpu.enqueue_dma source(%dma_start3A_188 : memref<2x100x128xf32, #tpu.memory_space<vmem>>) target(%dma_start3A_183 : memref<2x100x128xf32, #tpu.memory_space<hbm>>) target_semaphore(%arg12 : memref<!tpu.dma_semaphore, #tpu.memory_space<semaphore_mem>>)
    %dma_wait3A_189 = arith.constant 1 : i32
    %dma_wait3A_190 = arith.constant 0 : i32
    %dma_wait3A_191 = arith.constant 0 : i32
    %dma_wait3A_192 = arith.constant 0 : i32
    %dma_wait3A_193 = tpu.memref_slice %arg6[%dma_wait3A_189, %dma_wait3A_190, %dma_wait3A_191, %dma_wait3A_192] : memref<4x2x100x128xf32, #tpu.memory_space<vmem>> -> memref<1x2x100x128xf32, #tpu.memory_space<vmem>>
    %dma_wait3A_194 = tpu.memref_squeeze %dma_wait3A_193 : memref<1x2x100x128xf32, #tpu.memory_space<vmem>> -> memref<2x100x128xf32, #tpu.memory_space<vmem>>
    %dma_wait3A_195 = arith.constant 0 : i32
    %dma_wait3A_196 = arith.constant 0 : i32
    %dma_wait3A_197 = arith.constant 0 : i32
    %dma_wait3A_198 = tpu.memref_slice %arg4[%dma_wait3A_195, %dma_wait3A_196, %dma_wait3A_197] : memref<1024x100x128xf32, #tpu.memory_space<hbm>> -> memref<2x100x128xf32, #tpu.memory_space<hbm>>
    %dma_wait3A_199 = arith.constant 0 : i32
    %dma_wait3A_200 = arith.constant 0 : i32
    %dma_wait3A_201 = arith.constant 0 : i32
    %dma_wait3A_202 = tpu.memref_slice %arg4[%dma_wait3A_199, %dma_wait3A_200, %dma_wait3A_201] : memref<1024x100x128xf32, #tpu.memory_space<hbm>> -> memref<2x100x128xf32, #tpu.memory_space<hbm>>
    %dma_wait3A_203 = arith.constant 0 : i32
    %dma_wait3A_204 = arith.constant 0 : i32
    %dma_wait3A_205 = arith.constant 0 : i32
    %dma_wait3A_206 = tpu.memref_slice %arg6[%dma_wait3A_189, %dma_wait3A_203, %dma_wait3A_204, %dma_wait3A_205] : memref<4x2x100x128xf32, #tpu.memory_space<vmem>> -> memref<1x2x100x128xf32, #tpu.memory_space<vmem>>
    %dma_wait3A_207 = tpu.memref_squeeze %dma_wait3A_206 : memref<1x2x100x128xf32, #tpu.memory_space<vmem>> -> memref<2x100x128xf32, #tpu.memory_space<vmem>>
    tpu.wait_dma2 semaphore(%arg12 : memref<!tpu.dma_semaphore, #tpu.memory_space<semaphore_mem>>) src(%dma_wait3A_207 : memref<2x100x128xf32, #tpu.memory_space<vmem>>) dst(%dma_wait3A_202 : memref<2x100x128xf32, #tpu.memory_space<hbm>>)
    %dma_wait3A_208 = arith.constant 2 : i32
    %dma_wait3A_209 = arith.constant 0 : i32
    %dma_wait3A_210 = arith.constant 0 : i32
    %dma_wait3A_211 = arith.constant 0 : i32
    %dma_wait3A_212 = tpu.memref_slice %arg6[%dma_wait3A_208, %dma_wait3A_209, %dma_wait3A_210, %dma_wait3A_211] : memref<4x2x100x128xf32, #tpu.memory_space<vmem>> -> memref<1x2x100x128xf32, #tpu.memory_space<vmem>>
    %dma_wait3A_213 = tpu.memref_squeeze %dma_wait3A_212 : memref<1x2x100x128xf32, #tpu.memory_space<vmem>> -> memref<2x100x128xf32, #tpu.memory_space<vmem>>
    %dma_wait3A_214 = arith.constant 0 : i32
    %dma_wait3A_215 = arith.constant 0 : i32
    %dma_wait3A_216 = arith.constant 0 : i32
    %dma_wait3A_217 = tpu.memref_slice %arg2[%dma_wait3A_214, %dma_wait3A_215, %dma_wait3A_216] : memref<1024x100x128xf32, #tpu.memory_space<hbm>> -> memref<2x100x128xf32, #tpu.memory_space<hbm>>
    %dma_wait3A_218 = arith.constant 0 : i32
    %dma_wait3A_219 = arith.constant 0 : i32
    %dma_wait3A_220 = arith.constant 0 : i32
    %dma_wait3A_221 = tpu.memref_slice %arg6[%dma_wait3A_208, %dma_wait3A_218, %dma_wait3A_219, %dma_wait3A_220] : memref<4x2x100x128xf32, #tpu.memory_space<vmem>> -> memref<1x2x100x128xf32, #tpu.memory_space<vmem>>
    %dma_wait3A_222 = tpu.memref_squeeze %dma_wait3A_221 : memref<1x2x100x128xf32, #tpu.memory_space<vmem>> -> memref<2x100x128xf32, #tpu.memory_space<vmem>>
    %dma_wait3A_223 = arith.constant 0 : i32
    %dma_wait3A_224 = arith.constant 0 : i32
    %dma_wait3A_225 = arith.constant 0 : i32
    %dma_wait3A_226 = tpu.memref_slice %arg2[%dma_wait3A_223, %dma_wait3A_224, %dma_wait3A_225] : memref<1024x100x128xf32, #tpu.memory_space<hbm>> -> memref<2x100x128xf32, #tpu.memory_space<hbm>>
    tpu.wait_dma2 semaphore(%arg9 : memref<!tpu.dma_semaphore, #tpu.memory_space<semaphore_mem>>) src(%dma_wait3A_226 : memref<2x100x128xf32, #tpu.memory_space<hbm>>) dst(%dma_wait3A_222 : memref<2x100x128xf32, #tpu.memory_space<vmem>>)
    %scan3A_227 = arith.constant 0 : i32
    %scan3A_228 = arith.constant 0 : i32
    %scan3A_229 = arith.constant 100 : i32
    %scan3A_230 = arith.addi %scan3A_228, %scan3A_229 : i32
    %scan3A_231 = arith.constant 1 : i32
    scf.for %scan3A_334 = %scan3A_228 to %scan3A_230 step %scan3A_231  : i32 {
      %get3A = arith.index_cast %scan3A_334 : i32 to index
      %get3A_335 = arith.constant 0 : index
      %get3A_336 = tpu.vector_load %arg5[%get3A, %get3A_335] {strides = array<i32>} : memref<100x128xf32, #tpu.memory_space<vmem>>, vector<1x16xf32>,
      %get3A_337 = vector.shape_cast %get3A_336 : vector<1x16xf32> to vector<16xf32>
      %get3A_338 = arith.index_cast %scan3A_334 : i32 to index
      %get3A_339 = arith.constant 16 : index
      %get3A_340 = tpu.vector_load %arg5[%get3A_338, %get3A_339] {strides = array<i32>} : memref<100x128xf32, #tpu.memory_space<vmem>>, vector<1x16xf32>,
      %get3A_341 = vector.shape_cast %get3A_340 : vector<1x16xf32> to vector<16xf32>
      %get3A_342 = arith.index_cast %scan3A_334 : i32 to index
      %get3A_343 = arith.constant 32 : index
      %get3A_344 = tpu.vector_load %arg5[%get3A_342, %get3A_343] {strides = array<i32>} : memref<100x128xf32, #tpu.memory_space<vmem>>, vector<1x16xf32>,
      %get3A_345 = vector.shape_cast %get3A_344 : vector<1x16xf32> to vector<16xf32>
      %get3A_346 = arith.index_cast %scan3A_334 : i32 to index
      %get3A_347 = arith.constant 48 : index
      %get3A_348 = tpu.vector_load %arg5[%get3A_346, %get3A_347] {strides = array<i32>} : memref<100x128xf32, #tpu.memory_space<vmem>>, vector<1x16xf32>,
      %get3A_349 = vector.shape_cast %get3A_348 : vector<1x16xf32> to vector<16xf32>
      %get3A_350 = arith.index_cast %scan3A_334 : i32 to index
      %get3A_351 = arith.constant 64 : index
      %get3A_352 = tpu.vector_load %arg5[%get3A_350, %get3A_351] {strides = array<i32>} : memref<100x128xf32, #tpu.memory_space<vmem>>, vector<1x16xf32>,
      %get3A_353 = vector.shape_cast %get3A_352 : vector<1x16xf32> to vector<16xf32>
      %get3A_354 = arith.index_cast %scan3A_334 : i32 to index
      %get3A_355 = arith.constant 80 : index
      %get3A_356 = tpu.vector_load %arg5[%get3A_354, %get3A_355] {strides = array<i32>} : memref<100x128xf32, #tpu.memory_space<vmem>>, vector<1x16xf32>,
      %get3A_357 = vector.shape_cast %get3A_356 : vector<1x16xf32> to vector<16xf32>
      %get3A_358 = arith.index_cast %scan3A_334 : i32 to index
      %get3A_359 = arith.constant 96 : index
      %get3A_360 = tpu.vector_load %arg5[%get3A_358, %get3A_359] {strides = array<i32>} : memref<100x128xf32, #tpu.memory_space<vmem>>, vector<1x16xf32>,
      %get3A_361 = vector.shape_cast %get3A_360 : vector<1x16xf32> to vector<16xf32>
      %get3A_362 = arith.index_cast %scan3A_334 : i32 to index
      %get3A_363 = arith.constant 112 : index
      %get3A_364 = tpu.vector_load %arg5[%get3A_362, %get3A_363] {strides = array<i32>} : memref<100x128xf32, #tpu.memory_space<vmem>>, vector<1x16xf32>,
      %get3A_365 = vector.shape_cast %get3A_364 : vector<1x16xf32> to vector<16xf32>
      %get3A_366 = arith.constant 2 : i32
      %get3A_367 = arith.constant 0 : i32
      %get3A_368 = arith.index_cast %get3A_366 : i32 to index
      %get3A_369 = arith.index_cast %get3A_367 : i32 to index
      %get3A_370 = arith.index_cast %scan3A_334 : i32 to index
      %get3A_371 = arith.constant 0 : index
      %get3A_372 = tpu.vector_load %arg6[%get3A_368, %get3A_369, %get3A_370, %get3A_371] {strides = array<i32>} : memref<4x2x100x128xf32, #tpu.memory_space<vmem>>, vector<1x1x1x16xf32>,
      %get3A_373 = vector.shape_cast %get3A_372 : vector<1x1x1x16xf32> to vector<16xf32>
      %add3A_374 = arith.addf %get3A_373, %get3A_337 : vector<16xf32>
      %swap3A = arith.constant 2 : i32
      %swap3A_375 = arith.constant 0 : i32
      %swap3A_376 = arith.index_cast %swap3A : i32 to index
      %swap3A_377 = arith.index_cast %swap3A_375 : i32 to index
      %swap3A_378 = arith.index_cast %scan3A_334 : i32 to index
      %swap3A_379 = arith.constant 0 : index
      %swap3A_380 = tpu.vector_load %arg6[%swap3A_376, %swap3A_377, %swap3A_378, %swap3A_379] {strides = array<i32>} : memref<4x2x100x128xf32, #tpu.memory_space<vmem>>, vector<1x1x1x16xf32>,
      %swap3A_381 = vector.shape_cast %swap3A_380 : vector<1x1x1x16xf32> to vector<16xf32>
      %swap3A_382 = vector.shape_cast %add3A_374 : vector<16xf32> to vector<1x1x1x16xf32>
      tpu.vector_store %arg6[%swap3A_376, %swap3A_377, %swap3A_378, %swap3A_379], %swap3A_382 {strides = array<i32>} : memref<4x2x100x128xf32, #tpu.memory_space<vmem>>, vector<1x1x1x16xf32>,
      %get3A_383 = arith.constant 2 : i32
      %get3A_384 = arith.constant 0 : i32
      %get3A_385 = arith.index_cast %get3A_383 : i32 to index
      %get3A_386 = arith.index_cast %get3A_384 : i32 to index
      %get3A_387 = arith.index_cast %scan3A_334 : i32 to index
      %get3A_388 = arith.constant 16 : index
      %get3A_389 = tpu.vector_load %arg6[%get3A_385, %get3A_386, %get3A_387, %get3A_388] {strides = array<i32>} : memref<4x2x100x128xf32, #tpu.memory_space<vmem>>, vector<1x1x1x16xf32>,
      %get3A_390 = vector.shape_cast %get3A_389 : vector<1x1x1x16xf32> to vector<16xf32>
      %add3A_391 = arith.addf %get3A_390, %get3A_341 : vector<16xf32>
      %swap3A_392 = arith.constant 2 : i32
      %swap3A_393 = arith.constant 0 : i32
      %swap3A_394 = arith.index_cast %swap3A_392 : i32 to index
      %swap3A_395 = arith.index_cast %swap3A_393 : i32 to index
      %swap3A_396 = arith.index_cast %scan3A_334 : i32 to index
      %swap3A_397 = arith.constant 16 : index
      %swap3A_398 = tpu.vector_load %arg6[%swap3A_394, %swap3A_395, %swap3A_396, %swap3A_397] {strides = array<i32>} : memref<4x2x100x128xf32, #tpu.memory_space<vmem>>, vector<1x1x1x16xf32>,
      %swap3A_399 = vector.shape_cast %swap3A_398 : vector<1x1x1x16xf32> to vector<16xf32>
      %swap3A_400 = vector.shape_cast %add3A_391 : vector<16xf32> to vector<1x1x1x16xf32>
      tpu.vector_store %arg6[%swap3A_394, %swap3A_395, %swap3A_396, %swap3A_397], %swap3A_400 {strides = array<i32>} : memref<4x2x100x128xf32, #tpu.memory_space<vmem>>, vector<1x1x1x16xf32>,
      %get3A_401 = arith.constant 2 : i32
      %get3A_402 = arith.constant 0 : i32
      %get3A_403 = arith.index_cast %get3A_401 : i32 to index
      %get3A_404 = arith.index_cast %get3A_402 : i32 to index
      %get3A_405 = arith.index_cast %scan3A_334 : i32 to index
      %get3A_406 = arith.constant 32 : index
      %get3A_407 = tpu.vector_load %arg6[%get3A_403, %get3A_404, %get3A_405, %get3A_406] {strides = array<i32>} : memref<4x2x100x128xf32, #tpu.memory_space<vmem>>, vector<1x1x1x16xf32>,
      %get3A_408 = vector.shape_cast %get3A_407 : vector<1x1x1x16xf32> to vector<16xf32>
      %add3A_409 = arith.addf %get3A_408, %get3A_345 : vector<16xf32>
      %swap3A_410 = arith.constant 2 : i32
      %swap3A_411 = arith.constant 0 : i32
      %swap3A_412 = arith.index_cast %swap3A_410 : i32 to index
      %swap3A_413 = arith.index_cast %swap3A_411 : i32 to index
      %swap3A_414 = arith.index_cast %scan3A_334 : i32 to index
      %swap3A_415 = arith.constant 32 : index
      %swap3A_416 = tpu.vector_load %arg6[%swap3A_412, %swap3A_413, %swap3A_414, %swap3A_415] {strides = array<i32>} : memref<4x2x100x128xf32, #tpu.memory_space<vmem>>, vector<1x1x1x16xf32>,
      %swap3A_417 = vector.shape_cast %swap3A_416 : vector<1x1x1x16xf32> to vector<16xf32>
      %swap3A_418 = vector.shape_cast %add3A_409 : vector<16xf32> to vector<1x1x1x16xf32>
      tpu.vector_store %arg6[%swap3A_412, %swap3A_413, %swap3A_414, %swap3A_415], %swap3A_418 {strides = array<i32>} : memref<4x2x100x128xf32, #tpu.memory_space<vmem>>, vector<1x1x1x16xf32>,
      %get3A_419 = arith.constant 2 : i32
      %get3A_420 = arith.constant 0 : i32
      %get3A_421 = arith.index_cast %get3A_419 : i32 to index
      %get3A_422 = arith.index_cast %get3A_420 : i32 to index
      %get3A_423 = arith.index_cast %scan3A_334 : i32 to index
      %get3A_424 = arith.constant 48 : index
      %get3A_425 = tpu.vector_load %arg6[%get3A_421, %get3A_422, %get3A_423, %get3A_424] {strides = array<i32>} : memref<4x2x100x128xf32, #tpu.memory_space<vmem>>, vector<1x1x1x16xf32>,
      %get3A_426 = vector.shape_cast %get3A_425 : vector<1x1x1x16xf32> to vector<16xf32>
      %add3A_427 = arith.addf %get3A_426, %get3A_349 : vector<16xf32>
      %swap3A_428 = arith.constant 2 : i32
      %swap3A_429 = arith.constant 0 : i32
      %swap3A_430 = arith.index_cast %swap3A_428 : i32 to index
      %swap3A_431 = arith.index_cast %swap3A_429 : i32 to index
      %swap3A_432 = arith.index_cast %scan3A_334 : i32 to index
      %swap3A_433 = arith.constant 48 : index
      %swap3A_434 = tpu.vector_load %arg6[%swap3A_430, %swap3A_431, %swap3A_432, %swap3A_433] {strides = array<i32>} : memref<4x2x100x128xf32, #tpu.memory_space<vmem>>, vector<1x1x1x16xf32>,
      %swap3A_435 = vector.shape_cast %swap3A_434 : vector<1x1x1x16xf32> to vector<16xf32>
      %swap3A_436 = vector.shape_cast %add3A_427 : vector<16xf32> to vector<1x1x1x16xf32>
      tpu.vector_store %arg6[%swap3A_430, %swap3A_431, %swap3A_432, %swap3A_433], %swap3A_436 {strides = array<i32>} : memref<4x2x100x128xf32, #tpu.memory_space<vmem>>, vector<1x1x1x16xf32>,
      %get3A_437 = arith.constant 2 : i32
      %get3A_438 = arith.constant 0 : i32
      %get3A_439 = arith.index_cast %get3A_437 : i32 to index
      %get3A_440 = arith.index_cast %get3A_438 : i32 to index
      %get3A_441 = arith.index_cast %scan3A_334 : i32 to index
      %get3A_442 = arith.constant 64 : index
      %get3A_443 = tpu.vector_load %arg6[%get3A_439, %get3A_440, %get3A_441, %get3A_442] {strides = array<i32>} : memref<4x2x100x128xf32, #tpu.memory_space<vmem>>, vector<1x1x1x16xf32>,
      %get3A_444 = vector.shape_cast %get3A_443 : vector<1x1x1x16xf32> to vector<16xf32>
      %add3A_445 = arith.addf %get3A_444, %get3A_353 : vector<16xf32>
      %swap3A_446 = arith.constant 2 : i32
      %swap3A_447 = arith.constant 0 : i32
      %swap3A_448 = arith.index_cast %swap3A_446 : i32 to index
      %swap3A_449 = arith.index_cast %swap3A_447 : i32 to index
      %swap3A_450 = arith.index_cast %scan3A_334 : i32 to index
      %swap3A_451 = arith.constant 64 : index
      %swap3A_452 = tpu.vector_load %arg6[%swap3A_448, %swap3A_449, %swap3A_450, %swap3A_451] {strides = array<i32>} : memref<4x2x100x128xf32, #tpu.memory_space<vmem>>, vector<1x1x1x16xf32>,
      %swap3A_453 = vector.shape_cast %swap3A_452 : vector<1x1x1x16xf32> to vector<16xf32>
      %swap3A_454 = vector.shape_cast %add3A_445 : vector<16xf32> to vector<1x1x1x16xf32>
      tpu.vector_store %arg6[%swap3A_448, %swap3A_449, %swap3A_450, %swap3A_451], %swap3A_454 {strides = array<i32>} : memref<4x2x100x128xf32, #tpu.memory_space<vmem>>, vector<1x1x1x16xf32>,
      %get3A_455 = arith.constant 2 : i32
      %get3A_456 = arith.constant 0 : i32
      %get3A_457 = arith.index_cast %get3A_455 : i32 to index
      %get3A_458 = arith.index_cast %get3A_456 : i32 to index
      %get3A_459 = arith.index_cast %scan3A_334 : i32 to index
      %get3A_460 = arith.constant 80 : index
      %get3A_461 = tpu.vector_load %arg6[%get3A_457, %get3A_458, %get3A_459, %get3A_460] {strides = array<i32>} : memref<4x2x100x128xf32, #tpu.memory_space<vmem>>, vector<1x1x1x16xf32>,
      %get3A_462 = vector.shape_cast %get3A_461 : vector<1x1x1x16xf32> to vector<16xf32>
      %add3A_463 = arith.addf %get3A_462, %get3A_357 : vector<16xf32>
      %swap3A_464 = arith.constant 2 : i32
      %swap3A_465 = arith.constant 0 : i32
      %swap3A_466 = arith.index_cast %swap3A_464 : i32 to index
      %swap3A_467 = arith.index_cast %swap3A_465 : i32 to index
      %swap3A_468 = arith.index_cast %scan3A_334 : i32 to index
      %swap3A_469 = arith.constant 80 : index
      %swap3A_470 = tpu.vector_load %arg6[%swap3A_466, %swap3A_467, %swap3A_468, %swap3A_469] {strides = array<i32>} : memref<4x2x100x128xf32, #tpu.memory_space<vmem>>, vector<1x1x1x16xf32>,
      %swap3A_471 = vector.shape_cast %swap3A_470 : vector<1x1x1x16xf32> to vector<16xf32>
      %swap3A_472 = vector.shape_cast %add3A_463 : vector<16xf32> to vector<1x1x1x16xf32>
      tpu.vector_store %arg6[%swap3A_466, %swap3A_467, %swap3A_468, %swap3A_469], %swap3A_472 {strides = array<i32>} : memref<4x2x100x128xf32, #tpu.memory_space<vmem>>, vector<1x1x1x16xf32>,
      %get3A_473 = arith.constant 2 : i32
      %get3A_474 = arith.constant 0 : i32
      %get3A_475 = arith.index_cast %get3A_473 : i32 to index
      %get3A_476 = arith.index_cast %get3A_474 : i32 to index
      %get3A_477 = arith.index_cast %scan3A_334 : i32 to index
      %get3A_478 = arith.constant 96 : index
      %get3A_479 = tpu.vector_load %arg6[%get3A_475, %get3A_476, %get3A_477, %get3A_478] {strides = array<i32>} : memref<4x2x100x128xf32, #tpu.memory_space<vmem>>, vector<1x1x1x16xf32>,
      %get3A_480 = vector.shape_cast %get3A_479 : vector<1x1x1x16xf32> to vector<16xf32>
      %add3A_481 = arith.addf %get3A_480, %get3A_361 : vector<16xf32>
      %swap3A_482 = arith.constant 2 : i32
      %swap3A_483 = arith.constant 0 : i32
      %swap3A_484 = arith.index_cast %swap3A_482 : i32 to index
      %swap3A_485 = arith.index_cast %swap3A_483 : i32 to index
      %swap3A_486 = arith.index_cast %scan3A_334 : i32 to index
      %swap3A_487 = arith.constant 96 : index
      %swap3A_488 = tpu.vector_load %arg6[%swap3A_484, %swap3A_485, %swap3A_486, %swap3A_487] {strides = array<i32>} : memref<4x2x100x128xf32, #tpu.memory_space<vmem>>, vector<1x1x1x16xf32>,
      %swap3A_489 = vector.shape_cast %swap3A_488 : vector<1x1x1x16xf32> to vector<16xf32>
      %swap3A_490 = vector.shape_cast %add3A_481 : vector<16xf32> to vector<1x1x1x16xf32>
      tpu.vector_store %arg6[%swap3A_484, %swap3A_485, %swap3A_486, %swap3A_487], %swap3A_490 {strides = array<i32>} : memref<4x2x100x128xf32, #tpu.memory_space<vmem>>, vector<1x1x1x16xf32>,
      %get3A_491 = arith.constant 2 : i32
      %get3A_492 = arith.constant 0 : i32
      %get3A_493 = arith.index_cast %get3A_491 : i32 to index
      %get3A_494 = arith.index_cast %get3A_492 : i32 to index
      %get3A_495 = arith.index_cast %scan3A_334 : i32 to index
      %get3A_496 = arith.constant 112 : index
      %get3A_497 = tpu.vector_load %arg6[%get3A_493, %get3A_494, %get3A_495, %get3A_496] {strides = array<i32>} : memref<4x2x100x128xf32, #tpu.memory_space<vmem>>, vector<1x1x1x16xf32>,
      %get3A_498 = vector.shape_cast %get3A_497 : vector<1x1x1x16xf32> to vector<16xf32>
      %add3A_499 = arith.addf %get3A_498, %get3A_365 : vector<16xf32>
      %swap3A_500 = arith.constant 2 : i32
      %swap3A_501 = arith.constant 0 : i32
      %swap3A_502 = arith.index_cast %swap3A_500 : i32 to index
      %swap3A_503 = arith.index_cast %swap3A_501 : i32 to index
      %swap3A_504 = arith.index_cast %scan3A_334 : i32 to index
      %swap3A_505 = arith.constant 112 : index
      %swap3A_506 = tpu.vector_load %arg6[%swap3A_502, %swap3A_503, %swap3A_504, %swap3A_505] {strides = array<i32>} : memref<4x2x100x128xf32, #tpu.memory_space<vmem>>, vector<1x1x1x16xf32>,
      %swap3A_507 = vector.shape_cast %swap3A_506 : vector<1x1x1x16xf32> to vector<16xf32>
      %swap3A_508 = vector.shape_cast %add3A_499 : vector<16xf32> to vector<1x1x1x16xf32>
      tpu.vector_store %arg6[%swap3A_502, %swap3A_503, %swap3A_504, %swap3A_505], %swap3A_508 {strides = array<i32>} : memref<4x2x100x128xf32, #tpu.memory_space<vmem>>, vector<1x1x1x16xf32>,
      %get3A_509 = arith.constant 2 : i32
      %get3A_510 = arith.constant 1 : i32
      %get3A_511 = arith.index_cast %get3A_509 : i32 to index
      %get3A_512 = arith.index_cast %get3A_510 : i32 to index
      %get3A_513 = arith.index_cast %scan3A_334 : i32 to index
      %get3A_514 = arith.constant 0 : index
      %get3A_515 = tpu.vector_load %arg6[%get3A_511, %get3A_512, %get3A_513, %get3A_514] {strides = array<i32>} : memref<4x2x100x128xf32, #tpu.memory_space<vmem>>, vector<1x1x1x16xf32>,
      %get3A_516 = vector.shape_cast %get3A_515 : vector<1x1x1x16xf32> to vector<16xf32>
      %add3A_517 = arith.addf %get3A_516, %get3A_337 : vector<16xf32>
      %swap3A_518 = arith.constant 2 : i32
      %swap3A_519 = arith.constant 1 : i32
      %swap3A_520 = arith.index_cast %swap3A_518 : i32 to index
      %swap3A_521 = arith.index_cast %swap3A_519 : i32 to index
      %swap3A_522 = arith.index_cast %scan3A_334 : i32 to index
      %swap3A_523 = arith.constant 0 : index
      %swap3A_524 = tpu.vector_load %arg6[%swap3A_520, %swap3A_521, %swap3A_522, %swap3A_523] {strides = array<i32>} : memref<4x2x100x128xf32, #tpu.memory_space<vmem>>, vector<1x1x1x16xf32>,
      %swap3A_525 = vector.shape_cast %swap3A_524 : vector<1x1x1x16xf32> to vector<16xf32>
      %swap3A_526 = vector.shape_cast %add3A_517 : vector<16xf32> to vector<1x1x1x16xf32>
      tpu.vector_store %arg6[%swap3A_520, %swap3A_521, %swap3A_522, %swap3A_523], %swap3A_526 {strides = array<i32>} : memref<4x2x100x128xf32, #tpu.memory_space<vmem>>, vector<1x1x1x16xf32>,
      %get3A_527 = arith.constant 2 : i32
      %get3A_528 = arith.constant 1 : i32
      %get3A_529 = arith.index_cast %get3A_527 : i32 to index
      %get3A_530 = arith.index_cast %get3A_528 : i32 to index
      %get3A_531 = arith.index_cast %scan3A_334 : i32 to index
      %get3A_532 = arith.constant 16 : index
      %get3A_533 = tpu.vector_load %arg6[%get3A_529, %get3A_530, %get3A_531, %get3A_532] {strides = array<i32>} : memref<4x2x100x128xf32, #tpu.memory_space<vmem>>, vector<1x1x1x16xf32>,
      %get3A_534 = vector.shape_cast %get3A_533 : vector<1x1x1x16xf32> to vector<16xf32>
      %add3A_535 = arith.addf %get3A_534, %get3A_341 : vector<16xf32>
      %swap3A_536 = arith.constant 2 : i32
      %swap3A_537 = arith.constant 1 : i32
      %swap3A_538 = arith.index_cast %swap3A_536 : i32 to index
      %swap3A_539 = arith.index_cast %swap3A_537 : i32 to index
      %swap3A_540 = arith.index_cast %scan3A_334 : i32 to index
      %swap3A_541 = arith.constant 16 : index
      %swap3A_542 = tpu.vector_load %arg6[%swap3A_538, %swap3A_539, %swap3A_540, %swap3A_541] {strides = array<i32>} : memref<4x2x100x128xf32, #tpu.memory_space<vmem>>, vector<1x1x1x16xf32>,
      %swap3A_543 = vector.shape_cast %swap3A_542 : vector<1x1x1x16xf32> to vector<16xf32>
      %swap3A_544 = vector.shape_cast %add3A_535 : vector<16xf32> to vector<1x1x1x16xf32>
      tpu.vector_store %arg6[%swap3A_538, %swap3A_539, %swap3A_540, %swap3A_541], %swap3A_544 {strides = array<i32>} : memref<4x2x100x128xf32, #tpu.memory_space<vmem>>, vector<1x1x1x16xf32>,
      %get3A_545 = arith.constant 2 : i32
      %get3A_546 = arith.constant 1 : i32
      %get3A_547 = arith.index_cast %get3A_545 : i32 to index
      %get3A_548 = arith.index_cast %get3A_546 : i32 to index
      %get3A_549 = arith.index_cast %scan3A_334 : i32 to index
      %get3A_550 = arith.constant 32 : index
      %get3A_551 = tpu.vector_load %arg6[%get3A_547, %get3A_548, %get3A_549, %get3A_550] {strides = array<i32>} : memref<4x2x100x128xf32, #tpu.memory_space<vmem>>, vector<1x1x1x16xf32>,
      %get3A_552 = vector.shape_cast %get3A_551 : vector<1x1x1x16xf32> to vector<16xf32>
      %add3A_553 = arith.addf %get3A_552, %get3A_345 : vector<16xf32>
      %swap3A_554 = arith.constant 2 : i32
      %swap3A_555 = arith.constant 1 : i32
      %swap3A_556 = arith.index_cast %swap3A_554 : i32 to index
      %swap3A_557 = arith.index_cast %swap3A_555 : i32 to index
      %swap3A_558 = arith.index_cast %scan3A_334 : i32 to index
      %swap3A_559 = arith.constant 32 : index
      %swap3A_560 = tpu.vector_load %arg6[%swap3A_556, %swap3A_557, %swap3A_558, %swap3A_559] {strides = array<i32>} : memref<4x2x100x128xf32, #tpu.memory_space<vmem>>, vector<1x1x1x16xf32>,
      %swap3A_561 = vector.shape_cast %swap3A_560 : vector<1x1x1x16xf32> to vector<16xf32>
      %swap3A_562 = vector.shape_cast %add3A_553 : vector<16xf32> to vector<1x1x1x16xf32>
      tpu.vector_store %arg6[%swap3A_556, %swap3A_557, %swap3A_558, %swap3A_559], %swap3A_562 {strides = array<i32>} : memref<4x2x100x128xf32, #tpu.memory_space<vmem>>, vector<1x1x1x16xf32>,
      %get3A_563 = arith.constant 2 : i32
      %get3A_564 = arith.constant 1 : i32
      %get3A_565 = arith.index_cast %get3A_563 : i32 to index
      %get3A_566 = arith.index_cast %get3A_564 : i32 to index
      %get3A_567 = arith.index_cast %scan3A_334 : i32 to index
      %get3A_568 = arith.constant 48 : index
      %get3A_569 = tpu.vector_load %arg6[%get3A_565, %get3A_566, %get3A_567, %get3A_568] {strides = array<i32>} : memref<4x2x100x128xf32, #tpu.memory_space<vmem>>, vector<1x1x1x16xf32>,
      %get3A_570 = vector.shape_cast %get3A_569 : vector<1x1x1x16xf32> to vector<16xf32>
      %add3A_571 = arith.addf %get3A_570, %get3A_349 : vector<16xf32>
      %swap3A_572 = arith.constant 2 : i32
      %swap3A_573 = arith.constant 1 : i32
      %swap3A_574 = arith.index_cast %swap3A_572 : i32 to index
      %swap3A_575 = arith.index_cast %swap3A_573 : i32 to index
      %swap3A_576 = arith.index_cast %scan3A_334 : i32 to index
      %swap3A_577 = arith.constant 48 : index
      %swap3A_578 = tpu.vector_load %arg6[%swap3A_574, %swap3A_575, %swap3A_576, %swap3A_577] {strides = array<i32>} : memref<4x2x100x128xf32, #tpu.memory_space<vmem>>, vector<1x1x1x16xf32>,
      %swap3A_579 = vector.shape_cast %swap3A_578 : vector<1x1x1x16xf32> to vector<16xf32>
      %swap3A_580 = vector.shape_cast %add3A_571 : vector<16xf32> to vector<1x1x1x16xf32>
      tpu.vector_store %arg6[%swap3A_574, %swap3A_575, %swap3A_576, %swap3A_577], %swap3A_580 {strides = array<i32>} : memref<4x2x100x128xf32, #tpu.memory_space<vmem>>, vector<1x1x1x16xf32>,
      %get3A_581 = arith.constant 2 : i32
      %get3A_582 = arith.constant 1 : i32
      %get3A_583 = arith.index_cast %get3A_581 : i32 to index
      %get3A_584 = arith.index_cast %get3A_582 : i32 to index
      %get3A_585 = arith.index_cast %scan3A_334 : i32 to index
      %get3A_586 = arith.constant 64 : index
      %get3A_587 = tpu.vector_load %arg6[%get3A_583, %get3A_584, %get3A_585, %get3A_586] {strides = array<i32>} : memref<4x2x100x128xf32, #tpu.memory_space<vmem>>, vector<1x1x1x16xf32>,
      %get3A_588 = vector.shape_cast %get3A_587 : vector<1x1x1x16xf32> to vector<16xf32>
      %add3A_589 = arith.addf %get3A_588, %get3A_353 : vector<16xf32>
      %swap3A_590 = arith.constant 2 : i32
      %swap3A_591 = arith.constant 1 : i32
      %swap3A_592 = arith.index_cast %swap3A_590 : i32 to index
      %swap3A_593 = arith.index_cast %swap3A_591 : i32 to index
      %swap3A_594 = arith.index_cast %scan3A_334 : i32 to index
      %swap3A_595 = arith.constant 64 : index
      %swap3A_596 = tpu.vector_load %arg6[%swap3A_592, %swap3A_593, %swap3A_594, %swap3A_595] {strides = array<i32>} : memref<4x2x100x128xf32, #tpu.memory_space<vmem>>, vector<1x1x1x16xf32>,
      %swap3A_597 = vector.shape_cast %swap3A_596 : vector<1x1x1x16xf32> to vector<16xf32>
      %swap3A_598 = vector.shape_cast %add3A_589 : vector<16xf32> to vector<1x1x1x16xf32>
      tpu.vector_store %arg6[%swap3A_592, %swap3A_593, %swap3A_594, %swap3A_595], %swap3A_598 {strides = array<i32>} : memref<4x2x100x128xf32, #tpu.memory_space<vmem>>, vector<1x1x1x16xf32>,
      %get3A_599 = arith.constant 2 : i32
      %get3A_600 = arith.constant 1 : i32
      %get3A_601 = arith.index_cast %get3A_599 : i32 to index
      %get3A_602 = arith.index_cast %get3A_600 : i32 to index
      %get3A_603 = arith.index_cast %scan3A_334 : i32 to index
      %get3A_604 = arith.constant 80 : index
      %get3A_605 = tpu.vector_load %arg6[%get3A_601, %get3A_602, %get3A_603, %get3A_604] {strides = array<i32>} : memref<4x2x100x128xf32, #tpu.memory_space<vmem>>, vector<1x1x1x16xf32>,
      %get3A_606 = vector.shape_cast %get3A_605 : vector<1x1x1x16xf32> to vector<16xf32>
      %add3A_607 = arith.addf %get3A_606, %get3A_357 : vector<16xf32>
      %swap3A_608 = arith.constant 2 : i32
      %swap3A_609 = arith.constant 1 : i32
      %swap3A_610 = arith.index_cast %swap3A_608 : i32 to index
      %swap3A_611 = arith.index_cast %swap3A_609 : i32 to index
      %swap3A_612 = arith.index_cast %scan3A_334 : i32 to index
      %swap3A_613 = arith.constant 80 : index
      %swap3A_614 = tpu.vector_load %arg6[%swap3A_610, %swap3A_611, %swap3A_612, %swap3A_613] {strides = array<i32>} : memref<4x2x100x128xf32, #tpu.memory_space<vmem>>, vector<1x1x1x16xf32>,
      %swap3A_615 = vector.shape_cast %swap3A_614 : vector<1x1x1x16xf32> to vector<16xf32>
      %swap3A_616 = vector.shape_cast %add3A_607 : vector<16xf32> to vector<1x1x1x16xf32>
      tpu.vector_store %arg6[%swap3A_610, %swap3A_611, %swap3A_612, %swap3A_613], %swap3A_616 {strides = array<i32>} : memref<4x2x100x128xf32, #tpu.memory_space<vmem>>, vector<1x1x1x16xf32>,
      %get3A_617 = arith.constant 2 : i32
      %get3A_618 = arith.constant 1 : i32
      %get3A_619 = arith.index_cast %get3A_617 : i32 to index
      %get3A_620 = arith.index_cast %get3A_618 : i32 to index
      %get3A_621 = arith.index_cast %scan3A_334 : i32 to index
      %get3A_622 = arith.constant 96 : index
      %get3A_623 = tpu.vector_load %arg6[%get3A_619, %get3A_620, %get3A_621, %get3A_622] {strides = array<i32>} : memref<4x2x100x128xf32, #tpu.memory_space<vmem>>, vector<1x1x1x16xf32>,
      %get3A_624 = vector.shape_cast %get3A_623 : vector<1x1x1x16xf32> to vector<16xf32>
      %add3A_625 = arith.addf %get3A_624, %get3A_361 : vector<16xf32>
      %swap3A_626 = arith.constant 2 : i32
      %swap3A_627 = arith.constant 1 : i32
      %swap3A_628 = arith.index_cast %swap3A_626 : i32 to index
      %swap3A_629 = arith.index_cast %swap3A_627 : i32 to index
      %swap3A_630 = arith.index_cast %scan3A_334 : i32 to index
      %swap3A_631 = arith.constant 96 : index
      %swap3A_632 = tpu.vector_load %arg6[%swap3A_628, %swap3A_629, %swap3A_630, %swap3A_631] {strides = array<i32>} : memref<4x2x100x128xf32, #tpu.memory_space<vmem>>, vector<1x1x1x16xf32>,
      %swap3A_633 = vector.shape_cast %swap3A_632 : vector<1x1x1x16xf32> to vector<16xf32>
      %swap3A_634 = vector.shape_cast %add3A_625 : vector<16xf32> to vector<1x1x1x16xf32>
      tpu.vector_store %arg6[%swap3A_628, %swap3A_629, %swap3A_630, %swap3A_631], %swap3A_634 {strides = array<i32>} : memref<4x2x100x128xf32, #tpu.memory_space<vmem>>, vector<1x1x1x16xf32>,
      %get3A_635 = arith.constant 2 : i32
      %get3A_636 = arith.constant 1 : i32
      %get3A_637 = arith.index_cast %get3A_635 : i32 to index
      %get3A_638 = arith.index_cast %get3A_636 : i32 to index
      %get3A_639 = arith.index_cast %scan3A_334 : i32 to index
      %get3A_640 = arith.constant 112 : index
      %get3A_641 = tpu.vector_load %arg6[%get3A_637, %get3A_638, %get3A_639, %get3A_640] {strides = array<i32>} : memref<4x2x100x128xf32, #tpu.memory_space<vmem>>, vector<1x1x1x16xf32>,
      %get3A_642 = vector.shape_cast %get3A_641 : vector<1x1x1x16xf32> to vector<16xf32>
      %add3A_643 = arith.addf %get3A_642, %get3A_365 : vector<16xf32>
      %swap3A_644 = arith.constant 2 : i32
      %swap3A_645 = arith.constant 1 : i32
      %swap3A_646 = arith.index_cast %swap3A_644 : i32 to index
      %swap3A_647 = arith.index_cast %swap3A_645 : i32 to index
      %swap3A_648 = arith.index_cast %scan3A_334 : i32 to index
      %swap3A_649 = arith.constant 112 : index
      %swap3A_650 = tpu.vector_load %arg6[%swap3A_646, %swap3A_647, %swap3A_648, %swap3A_649] {strides = array<i32>} : memref<4x2x100x128xf32, #tpu.memory_space<vmem>>, vector<1x1x1x16xf32>,
      %swap3A_651 = vector.shape_cast %swap3A_650 : vector<1x1x1x16xf32> to vector<16xf32>
      %swap3A_652 = vector.shape_cast %add3A_643 : vector<16xf32> to vector<1x1x1x16xf32>
      tpu.vector_store %arg6[%swap3A_646, %swap3A_647, %swap3A_648, %swap3A_649], %swap3A_652 {strides = array<i32>} : memref<4x2x100x128xf32, #tpu.memory_space<vmem>>, vector<1x1x1x16xf32>,
    }
    %scan3A_232 = arith.constant 100 : i32
    %add3A_233 = arith.constant 28 : i32
    %add3A_234 = arith.addi %mul3A_2, %add3A_233 : i32
    %dma_start3A_235 = arith.constant 2 : i32
    %dma_start3A_236 = arith.constant 0 : i32
    %dma_start3A_237 = arith.constant 0 : i32
    %dma_start3A_238 = arith.constant 0 : i32
    %dma_start3A_239 = tpu.memref_slice %arg6[%dma_start3A_235, %dma_start3A_236, %dma_start3A_237, %dma_start3A_238] : memref<4x2x100x128xf32, #tpu.memory_space<vmem>> -> memref<1x2x100x128xf32, #tpu.memory_space<vmem>>
    %dma_start3A_240 = tpu.memref_squeeze %dma_start3A_239 : memref<1x2x100x128xf32, #tpu.memory_space<vmem>> -> memref<2x100x128xf32, #tpu.memory_space<vmem>>
    %dma_start3A_241 = arith.constant 0 : i32
    %dma_start3A_242 = arith.constant 0 : i32
    %dma_start3A_243 = tpu.memref_slice %arg4[%add3A_234, %dma_start3A_241, %dma_start3A_242] : memref<1024x100x128xf32, #tpu.memory_space<hbm>> -> memref<2x100x128xf32, #tpu.memory_space<hbm>>
    %dma_start3A_244 = arith.constant 0 : i32
    %dma_start3A_245 = arith.constant 0 : i32
    %dma_start3A_246 = tpu.memref_slice %arg4[%add3A_234, %dma_start3A_244, %dma_start3A_245] : memref<1024x100x128xf32, #tpu.memory_space<hbm>> -> memref<2x100x128xf32, #tpu.memory_space<hbm>>
    %dma_start3A_247 = arith.constant 0 : i32
    %dma_start3A_248 = arith.constant 0 : i32
    %dma_start3A_249 = arith.constant 0 : i32
    %dma_start3A_250 = tpu.memref_slice %arg6[%dma_start3A_235, %dma_start3A_247, %dma_start3A_248, %dma_start3A_249] : memref<4x2x100x128xf32, #tpu.memory_space<vmem>> -> memref<1x2x100x128xf32, #tpu.memory_space<vmem>>
    %dma_start3A_251 = tpu.memref_squeeze %dma_start3A_250 : memref<1x2x100x128xf32, #tpu.memory_space<vmem>> -> memref<2x100x128xf32, #tpu.memory_space<vmem>>
    tpu.enqueue_dma source(%dma_start3A_251 : memref<2x100x128xf32, #tpu.memory_space<vmem>>) target(%dma_start3A_246 : memref<2x100x128xf32, #tpu.memory_space<hbm>>) target_semaphore(%arg13 : memref<!tpu.dma_semaphore, #tpu.memory_space<semaphore_mem>>)
    %dma_wait3A_252 = arith.constant 2 : i32
    %dma_wait3A_253 = arith.constant 0 : i32
    %dma_wait3A_254 = arith.constant 0 : i32
    %dma_wait3A_255 = arith.constant 0 : i32
    %dma_wait3A_256 = tpu.memref_slice %arg6[%dma_wait3A_252, %dma_wait3A_253, %dma_wait3A_254, %dma_wait3A_255] : memref<4x2x100x128xf32, #tpu.memory_space<vmem>> -> memref<1x2x100x128xf32, #tpu.memory_space<vmem>>
    %dma_wait3A_257 = tpu.memref_squeeze %dma_wait3A_256 : memref<1x2x100x128xf32, #tpu.memory_space<vmem>> -> memref<2x100x128xf32, #tpu.memory_space<vmem>>
    %dma_wait3A_258 = arith.constant 0 : i32
    %dma_wait3A_259 = arith.constant 0 : i32
    %dma_wait3A_260 = arith.constant 0 : i32
    %dma_wait3A_261 = tpu.memref_slice %arg4[%dma_wait3A_258, %dma_wait3A_259, %dma_wait3A_260] : memref<1024x100x128xf32, #tpu.memory_space<hbm>> -> memref<2x100x128xf32, #tpu.memory_space<hbm>>
    %dma_wait3A_262 = arith.constant 0 : i32
    %dma_wait3A_263 = arith.constant 0 : i32
    %dma_wait3A_264 = arith.constant 0 : i32
    %dma_wait3A_265 = tpu.memref_slice %arg4[%dma_wait3A_262, %dma_wait3A_263, %dma_wait3A_264] : memref<1024x100x128xf32, #tpu.memory_space<hbm>> -> memref<2x100x128xf32, #tpu.memory_space<hbm>>
    %dma_wait3A_266 = arith.constant 0 : i32
    %dma_wait3A_267 = arith.constant 0 : i32
    %dma_wait3A_268 = arith.constant 0 : i32
    %dma_wait3A_269 = tpu.memref_slice %arg6[%dma_wait3A_252, %dma_wait3A_266, %dma_wait3A_267, %dma_wait3A_268] : memref<4x2x100x128xf32, #tpu.memory_space<vmem>> -> memref<1x2x100x128xf32, #tpu.memory_space<vmem>>
    %dma_wait3A_270 = tpu.memref_squeeze %dma_wait3A_269 : memref<1x2x100x128xf32, #tpu.memory_space<vmem>> -> memref<2x100x128xf32, #tpu.memory_space<vmem>>
    tpu.wait_dma2 semaphore(%arg13 : memref<!tpu.dma_semaphore, #tpu.memory_space<semaphore_mem>>) src(%dma_wait3A_270 : memref<2x100x128xf32, #tpu.memory_space<vmem>>) dst(%dma_wait3A_265 : memref<2x100x128xf32, #tpu.memory_space<hbm>>)
    %dma_wait3A_271 = arith.constant 3 : i32
    %dma_wait3A_272 = arith.constant 0 : i32
    %dma_wait3A_273 = arith.constant 0 : i32
    %dma_wait3A_274 = arith.constant 0 : i32
    %dma_wait3A_275 = tpu.memref_slice %arg6[%dma_wait3A_271, %dma_wait3A_272, %dma_wait3A_273, %dma_wait3A_274] : memref<4x2x100x128xf32, #tpu.memory_space<vmem>> -> memref<1x2x100x128xf32, #tpu.memory_space<vmem>>
    %dma_wait3A_276 = tpu.memref_squeeze %dma_wait3A_275 : memref<1x2x100x128xf32, #tpu.memory_space<vmem>> -> memref<2x100x128xf32, #tpu.memory_space<vmem>>
    %dma_wait3A_277 = arith.constant 0 : i32
    %dma_wait3A_278 = arith.constant 0 : i32
    %dma_wait3A_279 = arith.constant 0 : i32
    %dma_wait3A_280 = tpu.memref_slice %arg2[%dma_wait3A_277, %dma_wait3A_278, %dma_wait3A_279] : memref<1024x100x128xf32, #tpu.memory_space<hbm>> -> memref<2x100x128xf32, #tpu.memory_space<hbm>>
    %dma_wait3A_281 = arith.constant 0 : i32
    %dma_wait3A_282 = arith.constant 0 : i32
    %dma_wait3A_283 = arith.constant 0 : i32
    %dma_wait3A_284 = tpu.memref_slice %arg6[%dma_wait3A_271, %dma_wait3A_281, %dma_wait3A_282, %dma_wait3A_283] : memref<4x2x100x128xf32, #tpu.memory_space<vmem>> -> memref<1x2x100x128xf32, #tpu.memory_space<vmem>>
    %dma_wait3A_285 = tpu.memref_squeeze %dma_wait3A_284 : memref<1x2x100x128xf32, #tpu.memory_space<vmem>> -> memref<2x100x128xf32, #tpu.memory_space<vmem>>
    %dma_wait3A_286 = arith.constant 0 : i32
    %dma_wait3A_287 = arith.constant 0 : i32
    %dma_wait3A_288 = arith.constant 0 : i32
    %dma_wait3A_289 = tpu.memref_slice %arg2[%dma_wait3A_286, %dma_wait3A_287, %dma_wait3A_288] : memref<1024x100x128xf32, #tpu.memory_space<hbm>> -> memref<2x100x128xf32, #tpu.memory_space<hbm>>
    tpu.wait_dma2 semaphore(%arg10 : memref<!tpu.dma_semaphore, #tpu.memory_space<semaphore_mem>>) src(%dma_wait3A_289 : memref<2x100x128xf32, #tpu.memory_space<hbm>>) dst(%dma_wait3A_285 : memref<2x100x128xf32, #tpu.memory_space<vmem>>)
    %scan3A_290 = arith.constant 0 : i32
    %scan3A_291 = arith.constant 0 : i32
    %scan3A_292 = arith.constant 100 : i32
    %scan3A_293 = arith.addi %scan3A_291, %scan3A_292 : i32
    %scan3A_294 = arith.constant 1 : i32
    scf.for %scan3A_334 = %scan3A_291 to %scan3A_293 step %scan3A_294  : i32 {
      %get3A = arith.index_cast %scan3A_334 : i32 to index
      %get3A_335 = arith.constant 0 : index
      %get3A_336 = tpu.vector_load %arg5[%get3A, %get3A_335] {strides = array<i32>} : memref<100x128xf32, #tpu.memory_space<vmem>>, vector<1x16xf32>,
      %get3A_337 = vector.shape_cast %get3A_336 : vector<1x16xf32> to vector<16xf32>
      %get3A_338 = arith.index_cast %scan3A_334 : i32 to index
      %get3A_339 = arith.constant 16 : index
      %get3A_340 = tpu.vector_load %arg5[%get3A_338, %get3A_339] {strides = array<i32>} : memref<100x128xf32, #tpu.memory_space<vmem>>, vector<1x16xf32>,
      %get3A_341 = vector.shape_cast %get3A_340 : vector<1x16xf32> to vector<16xf32>
      %get3A_342 = arith.index_cast %scan3A_334 : i32 to index
      %get3A_343 = arith.constant 32 : index
      %get3A_344 = tpu.vector_load %arg5[%get3A_342, %get3A_343] {strides = array<i32>} : memref<100x128xf32, #tpu.memory_space<vmem>>, vector<1x16xf32>,
      %get3A_345 = vector.shape_cast %get3A_344 : vector<1x16xf32> to vector<16xf32>
      %get3A_346 = arith.index_cast %scan3A_334 : i32 to index
      %get3A_347 = arith.constant 48 : index
      %get3A_348 = tpu.vector_load %arg5[%get3A_346, %get3A_347] {strides = array<i32>} : memref<100x128xf32, #tpu.memory_space<vmem>>, vector<1x16xf32>,
      %get3A_349 = vector.shape_cast %get3A_348 : vector<1x16xf32> to vector<16xf32>
      %get3A_350 = arith.index_cast %scan3A_334 : i32 to index
      %get3A_351 = arith.constant 64 : index
      %get3A_352 = tpu.vector_load %arg5[%get3A_350, %get3A_351] {strides = array<i32>} : memref<100x128xf32, #tpu.memory_space<vmem>>, vector<1x16xf32>,
      %get3A_353 = vector.shape_cast %get3A_352 : vector<1x16xf32> to vector<16xf32>
      %get3A_354 = arith.index_cast %scan3A_334 : i32 to index
      %get3A_355 = arith.constant 80 : index
      %get3A_356 = tpu.vector_load %arg5[%get3A_354, %get3A_355] {strides = array<i32>} : memref<100x128xf32, #tpu.memory_space<vmem>>, vector<1x16xf32>,
      %get3A_357 = vector.shape_cast %get3A_356 : vector<1x16xf32> to vector<16xf32>
      %get3A_358 = arith.index_cast %scan3A_334 : i32 to index
      %get3A_359 = arith.constant 96 : index
      %get3A_360 = tpu.vector_load %arg5[%get3A_358, %get3A_359] {strides = array<i32>} : memref<100x128xf32, #tpu.memory_space<vmem>>, vector<1x16xf32>,
      %get3A_361 = vector.shape_cast %get3A_360 : vector<1x16xf32> to vector<16xf32>
      %get3A_362 = arith.index_cast %scan3A_334 : i32 to index
      %get3A_363 = arith.constant 112 : index
      %get3A_364 = tpu.vector_load %arg5[%get3A_362, %get3A_363] {strides = array<i32>} : memref<100x128xf32, #tpu.memory_space<vmem>>, vector<1x16xf32>,
      %get3A_365 = vector.shape_cast %get3A_364 : vector<1x16xf32> to vector<16xf32>
      %get3A_366 = arith.constant 3 : i32
      %get3A_367 = arith.constant 0 : i32
      %get3A_368 = arith.index_cast %get3A_366 : i32 to index
      %get3A_369 = arith.index_cast %get3A_367 : i32 to index
      %get3A_370 = arith.index_cast %scan3A_334 : i32 to index
      %get3A_371 = arith.constant 0 : index
      %get3A_372 = tpu.vector_load %arg6[%get3A_368, %get3A_369, %get3A_370, %get3A_371] {strides = array<i32>} : memref<4x2x100x128xf32, #tpu.memory_space<vmem>>, vector<1x1x1x16xf32>,
      %get3A_373 = vector.shape_cast %get3A_372 : vector<1x1x1x16xf32> to vector<16xf32>
      %add3A_374 = arith.addf %get3A_373, %get3A_337 : vector<16xf32>
      %swap3A = arith.constant 3 : i32
      %swap3A_375 = arith.constant 0 : i32
      %swap3A_376 = arith.index_cast %swap3A : i32 to index
      %swap3A_377 = arith.index_cast %swap3A_375 : i32 to index
      %swap3A_378 = arith.index_cast %scan3A_334 : i32 to index
      %swap3A_379 = arith.constant 0 : index
      %swap3A_380 = tpu.vector_load %arg6[%swap3A_376, %swap3A_377, %swap3A_378, %swap3A_379] {strides = array<i32>} : memref<4x2x100x128xf32, #tpu.memory_space<vmem>>, vector<1x1x1x16xf32>,
      %swap3A_381 = vector.shape_cast %swap3A_380 : vector<1x1x1x16xf32> to vector<16xf32>
      %swap3A_382 = vector.shape_cast %add3A_374 : vector<16xf32> to vector<1x1x1x16xf32>
      tpu.vector_store %arg6[%swap3A_376, %swap3A_377, %swap3A_378, %swap3A_379], %swap3A_382 {strides = array<i32>} : memref<4x2x100x128xf32, #tpu.memory_space<vmem>>, vector<1x1x1x16xf32>,
      %get3A_383 = arith.constant 3 : i32
      %get3A_384 = arith.constant 0 : i32
      %get3A_385 = arith.index_cast %get3A_383 : i32 to index
      %get3A_386 = arith.index_cast %get3A_384 : i32 to index
      %get3A_387 = arith.index_cast %scan3A_334 : i32 to index
      %get3A_388 = arith.constant 16 : index
      %get3A_389 = tpu.vector_load %arg6[%get3A_385, %get3A_386, %get3A_387, %get3A_388] {strides = array<i32>} : memref<4x2x100x128xf32, #tpu.memory_space<vmem>>, vector<1x1x1x16xf32>,
      %get3A_390 = vector.shape_cast %get3A_389 : vector<1x1x1x16xf32> to vector<16xf32>
      %add3A_391 = arith.addf %get3A_390, %get3A_341 : vector<16xf32>
      %swap3A_392 = arith.constant 3 : i32
      %swap3A_393 = arith.constant 0 : i32
      %swap3A_394 = arith.index_cast %swap3A_392 : i32 to index
      %swap3A_395 = arith.index_cast %swap3A_393 : i32 to index
      %swap3A_396 = arith.index_cast %scan3A_334 : i32 to index
      %swap3A_397 = arith.constant 16 : index
      %swap3A_398 = tpu.vector_load %arg6[%swap3A_394, %swap3A_395, %swap3A_396, %swap3A_397] {strides = array<i32>} : memref<4x2x100x128xf32, #tpu.memory_space<vmem>>, vector<1x1x1x16xf32>,
      %swap3A_399 = vector.shape_cast %swap3A_398 : vector<1x1x1x16xf32> to vector<16xf32>
      %swap3A_400 = vector.shape_cast %add3A_391 : vector<16xf32> to vector<1x1x1x16xf32>
      tpu.vector_store %arg6[%swap3A_394, %swap3A_395, %swap3A_396, %swap3A_397], %swap3A_400 {strides = array<i32>} : memref<4x2x100x128xf32, #tpu.memory_space<vmem>>, vector<1x1x1x16xf32>,
      %get3A_401 = arith.constant 3 : i32
      %get3A_402 = arith.constant 0 : i32
      %get3A_403 = arith.index_cast %get3A_401 : i32 to index
      %get3A_404 = arith.index_cast %get3A_402 : i32 to index
      %get3A_405 = arith.index_cast %scan3A_334 : i32 to index
      %get3A_406 = arith.constant 32 : index
      %get3A_407 = tpu.vector_load %arg6[%get3A_403, %get3A_404, %get3A_405, %get3A_406] {strides = array<i32>} : memref<4x2x100x128xf32, #tpu.memory_space<vmem>>, vector<1x1x1x16xf32>,
      %get3A_408 = vector.shape_cast %get3A_407 : vector<1x1x1x16xf32> to vector<16xf32>
      %add3A_409 = arith.addf %get3A_408, %get3A_345 : vector<16xf32>
      %swap3A_410 = arith.constant 3 : i32
      %swap3A_411 = arith.constant 0 : i32
      %swap3A_412 = arith.index_cast %swap3A_410 : i32 to index
      %swap3A_413 = arith.index_cast %swap3A_411 : i32 to index
      %swap3A_414 = arith.index_cast %scan3A_334 : i32 to index
      %swap3A_415 = arith.constant 32 : index
      %swap3A_416 = tpu.vector_load %arg6[%swap3A_412, %swap3A_413, %swap3A_414, %swap3A_415] {strides = array<i32>} : memref<4x2x100x128xf32, #tpu.memory_space<vmem>>, vector<1x1x1x16xf32>,
      %swap3A_417 = vector.shape_cast %swap3A_416 : vector<1x1x1x16xf32> to vector<16xf32>
      %swap3A_418 = vector.shape_cast %add3A_409 : vector<16xf32> to vector<1x1x1x16xf32>
      tpu.vector_store %arg6[%swap3A_412, %swap3A_413, %swap3A_414, %swap3A_415], %swap3A_418 {strides = array<i32>} : memref<4x2x100x128xf32, #tpu.memory_space<vmem>>, vector<1x1x1x16xf32>,
      %get3A_419 = arith.constant 3 : i32
      %get3A_420 = arith.constant 0 : i32
      %get3A_421 = arith.index_cast %get3A_419 : i32 to index
      %get3A_422 = arith.index_cast %get3A_420 : i32 to index
      %get3A_423 = arith.index_cast %scan3A_334 : i32 to index
      %get3A_424 = arith.constant 48 : index
      %get3A_425 = tpu.vector_load %arg6[%get3A_421, %get3A_422, %get3A_423, %get3A_424] {strides = array<i32>} : memref<4x2x100x128xf32, #tpu.memory_space<vmem>>, vector<1x1x1x16xf32>,
      %get3A_426 = vector.shape_cast %get3A_425 : vector<1x1x1x16xf32> to vector<16xf32>
      %add3A_427 = arith.addf %get3A_426, %get3A_349 : vector<16xf32>
      %swap3A_428 = arith.constant 3 : i32
      %swap3A_429 = arith.constant 0 : i32
      %swap3A_430 = arith.index_cast %swap3A_428 : i32 to index
      %swap3A_431 = arith.index_cast %swap3A_429 : i32 to index
      %swap3A_432 = arith.index_cast %scan3A_334 : i32 to index
      %swap3A_433 = arith.constant 48 : index
      %swap3A_434 = tpu.vector_load %arg6[%swap3A_430, %swap3A_431, %swap3A_432, %swap3A_433] {strides = array<i32>} : memref<4x2x100x128xf32, #tpu.memory_space<vmem>>, vector<1x1x1x16xf32>,
      %swap3A_435 = vector.shape_cast %swap3A_434 : vector<1x1x1x16xf32> to vector<16xf32>
      %swap3A_436 = vector.shape_cast %add3A_427 : vector<16xf32> to vector<1x1x1x16xf32>
      tpu.vector_store %arg6[%swap3A_430, %swap3A_431, %swap3A_432, %swap3A_433], %swap3A_436 {strides = array<i32>} : memref<4x2x100x128xf32, #tpu.memory_space<vmem>>, vector<1x1x1x16xf32>,
      %get3A_437 = arith.constant 3 : i32
      %get3A_438 = arith.constant 0 : i32
      %get3A_439 = arith.index_cast %get3A_437 : i32 to index
      %get3A_440 = arith.index_cast %get3A_438 : i32 to index
      %get3A_441 = arith.index_cast %scan3A_334 : i32 to index
      %get3A_442 = arith.constant 64 : index
      %get3A_443 = tpu.vector_load %arg6[%get3A_439, %get3A_440, %get3A_441, %get3A_442] {strides = array<i32>} : memref<4x2x100x128xf32, #tpu.memory_space<vmem>>, vector<1x1x1x16xf32>,
      %get3A_444 = vector.shape_cast %get3A_443 : vector<1x1x1x16xf32> to vector<16xf32>
      %add3A_445 = arith.addf %get3A_444, %get3A_353 : vector<16xf32>
      %swap3A_446 = arith.constant 3 : i32
      %swap3A_447 = arith.constant 0 : i32
      %swap3A_448 = arith.index_cast %swap3A_446 : i32 to index
      %swap3A_449 = arith.index_cast %swap3A_447 : i32 to index
      %swap3A_450 = arith.index_cast %scan3A_334 : i32 to index
      %swap3A_451 = arith.constant 64 : index
      %swap3A_452 = tpu.vector_load %arg6[%swap3A_448, %swap3A_449, %swap3A_450, %swap3A_451] {strides = array<i32>} : memref<4x2x100x128xf32, #tpu.memory_space<vmem>>, vector<1x1x1x16xf32>,
      %swap3A_453 = vector.shape_cast %swap3A_452 : vector<1x1x1x16xf32> to vector<16xf32>
      %swap3A_454 = vector.shape_cast %add3A_445 : vector<16xf32> to vector<1x1x1x16xf32>
      tpu.vector_store %arg6[%swap3A_448, %swap3A_449, %swap3A_450, %swap3A_451], %swap3A_454 {strides = array<i32>} : memref<4x2x100x128xf32, #tpu.memory_space<vmem>>, vector<1x1x1x16xf32>,
      %get3A_455 = arith.constant 3 : i32
      %get3A_456 = arith.constant 0 : i32
      %get3A_457 = arith.index_cast %get3A_455 : i32 to index
      %get3A_458 = arith.index_cast %get3A_456 : i32 to index
      %get3A_459 = arith.index_cast %scan3A_334 : i32 to index
      %get3A_460 = arith.constant 80 : index
      %get3A_461 = tpu.vector_load %arg6[%get3A_457, %get3A_458, %get3A_459, %get3A_460] {strides = array<i32>} : memref<4x2x100x128xf32, #tpu.memory_space<vmem>>, vector<1x1x1x16xf32>,
      %get3A_462 = vector.shape_cast %get3A_461 : vector<1x1x1x16xf32> to vector<16xf32>
      %add3A_463 = arith.addf %get3A_462, %get3A_357 : vector<16xf32>
      %swap3A_464 = arith.constant 3 : i32
      %swap3A_465 = arith.constant 0 : i32
      %swap3A_466 = arith.index_cast %swap3A_464 : i32 to index
      %swap3A_467 = arith.index_cast %swap3A_465 : i32 to index
      %swap3A_468 = arith.index_cast %scan3A_334 : i32 to index
      %swap3A_469 = arith.constant 80 : index
      %swap3A_470 = tpu.vector_load %arg6[%swap3A_466, %swap3A_467, %swap3A_468, %swap3A_469] {strides = array<i32>} : memref<4x2x100x128xf32, #tpu.memory_space<vmem>>, vector<1x1x1x16xf32>,
      %swap3A_471 = vector.shape_cast %swap3A_470 : vector<1x1x1x16xf32> to vector<16xf32>
      %swap3A_472 = vector.shape_cast %add3A_463 : vector<16xf32> to vector<1x1x1x16xf32>
      tpu.vector_store %arg6[%swap3A_466, %swap3A_467, %swap3A_468, %swap3A_469], %swap3A_472 {strides = array<i32>} : memref<4x2x100x128xf32, #tpu.memory_space<vmem>>, vector<1x1x1x16xf32>,
      %get3A_473 = arith.constant 3 : i32
      %get3A_474 = arith.constant 0 : i32
      %get3A_475 = arith.index_cast %get3A_473 : i32 to index
      %get3A_476 = arith.index_cast %get3A_474 : i32 to index
      %get3A_477 = arith.index_cast %scan3A_334 : i32 to index
      %get3A_478 = arith.constant 96 : index
      %get3A_479 = tpu.vector_load %arg6[%get3A_475, %get3A_476, %get3A_477, %get3A_478] {strides = array<i32>} : memref<4x2x100x128xf32, #tpu.memory_space<vmem>>, vector<1x1x1x16xf32>,
      %get3A_480 = vector.shape_cast %get3A_479 : vector<1x1x1x16xf32> to vector<16xf32>
      %add3A_481 = arith.addf %get3A_480, %get3A_361 : vector<16xf32>
      %swap3A_482 = arith.constant 3 : i32
      %swap3A_483 = arith.constant 0 : i32
      %swap3A_484 = arith.index_cast %swap3A_482 : i32 to index
      %swap3A_485 = arith.index_cast %swap3A_483 : i32 to index
      %swap3A_486 = arith.index_cast %scan3A_334 : i32 to index
      %swap3A_487 = arith.constant 96 : index
      %swap3A_488 = tpu.vector_load %arg6[%swap3A_484, %swap3A_485, %swap3A_486, %swap3A_487] {strides = array<i32>} : memref<4x2x100x128xf32, #tpu.memory_space<vmem>>, vector<1x1x1x16xf32>,
      %swap3A_489 = vector.shape_cast %swap3A_488 : vector<1x1x1x16xf32> to vector<16xf32>
      %swap3A_490 = vector.shape_cast %add3A_481 : vector<16xf32> to vector<1x1x1x16xf32>
      tpu.vector_store %arg6[%swap3A_484, %swap3A_485, %swap3A_486, %swap3A_487], %swap3A_490 {strides = array<i32>} : memref<4x2x100x128xf32, #tpu.memory_space<vmem>>, vector<1x1x1x16xf32>,
      %get3A_491 = arith.constant 3 : i32
      %get3A_492 = arith.constant 0 : i32
      %get3A_493 = arith.index_cast %get3A_491 : i32 to index
      %get3A_494 = arith.index_cast %get3A_492 : i32 to index
      %get3A_495 = arith.index_cast %scan3A_334 : i32 to index
      %get3A_496 = arith.constant 112 : index
      %get3A_497 = tpu.vector_load %arg6[%get3A_493, %get3A_494, %get3A_495, %get3A_496] {strides = array<i32>} : memref<4x2x100x128xf32, #tpu.memory_space<vmem>>, vector<1x1x1x16xf32>,
      %get3A_498 = vector.shape_cast %get3A_497 : vector<1x1x1x16xf32> to vector<16xf32>
      %add3A_499 = arith.addf %get3A_498, %get3A_365 : vector<16xf32>
      %swap3A_500 = arith.constant 3 : i32
      %swap3A_501 = arith.constant 0 : i32
      %swap3A_502 = arith.index_cast %swap3A_500 : i32 to index
      %swap3A_503 = arith.index_cast %swap3A_501 : i32 to index
      %swap3A_504 = arith.index_cast %scan3A_334 : i32 to index
      %swap3A_505 = arith.constant 112 : index
      %swap3A_506 = tpu.vector_load %arg6[%swap3A_502, %swap3A_503, %swap3A_504, %swap3A_505] {strides = array<i32>} : memref<4x2x100x128xf32, #tpu.memory_space<vmem>>, vector<1x1x1x16xf32>,
      %swap3A_507 = vector.shape_cast %swap3A_506 : vector<1x1x1x16xf32> to vector<16xf32>
      %swap3A_508 = vector.shape_cast %add3A_499 : vector<16xf32> to vector<1x1x1x16xf32>
      tpu.vector_store %arg6[%swap3A_502, %swap3A_503, %swap3A_504, %swap3A_505], %swap3A_508 {strides = array<i32>} : memref<4x2x100x128xf32, #tpu.memory_space<vmem>>, vector<1x1x1x16xf32>,
      %get3A_509 = arith.constant 3 : i32
      %get3A_510 = arith.constant 1 : i32
      %get3A_511 = arith.index_cast %get3A_509 : i32 to index
      %get3A_512 = arith.index_cast %get3A_510 : i32 to index
      %get3A_513 = arith.index_cast %scan3A_334 : i32 to index
      %get3A_514 = arith.constant 0 : index
      %get3A_515 = tpu.vector_load %arg6[%get3A_511, %get3A_512, %get3A_513, %get3A_514] {strides = array<i32>} : memref<4x2x100x128xf32, #tpu.memory_space<vmem>>, vector<1x1x1x16xf32>,
      %get3A_516 = vector.shape_cast %get3A_515 : vector<1x1x1x16xf32> to vector<16xf32>
      %add3A_517 = arith.addf %get3A_516, %get3A_337 : vector<16xf32>
      %swap3A_518 = arith.constant 3 : i32
      %swap3A_519 = arith.constant 1 : i32
      %swap3A_520 = arith.index_cast %swap3A_518 : i32 to index
      %swap3A_521 = arith.index_cast %swap3A_519 : i32 to index
      %swap3A_522 = arith.index_cast %scan3A_334 : i32 to index
      %swap3A_523 = arith.constant 0 : index
      %swap3A_524 = tpu.vector_load %arg6[%swap3A_520, %swap3A_521, %swap3A_522, %swap3A_523] {strides = array<i32>} : memref<4x2x100x128xf32, #tpu.memory_space<vmem>>, vector<1x1x1x16xf32>,
      %swap3A_525 = vector.shape_cast %swap3A_524 : vector<1x1x1x16xf32> to vector<16xf32>
      %swap3A_526 = vector.shape_cast %add3A_517 : vector<16xf32> to vector<1x1x1x16xf32>
      tpu.vector_store %arg6[%swap3A_520, %swap3A_521, %swap3A_522, %swap3A_523], %swap3A_526 {strides = array<i32>} : memref<4x2x100x128xf32, #tpu.memory_space<vmem>>, vector<1x1x1x16xf32>,
      %get3A_527 = arith.constant 3 : i32
      %get3A_528 = arith.constant 1 : i32
      %get3A_529 = arith.index_cast %get3A_527 : i32 to index
      %get3A_530 = arith.index_cast %get3A_528 : i32 to index
      %get3A_531 = arith.index_cast %scan3A_334 : i32 to index
      %get3A_532 = arith.constant 16 : index
      %get3A_533 = tpu.vector_load %arg6[%get3A_529, %get3A_530, %get3A_531, %get3A_532] {strides = array<i32>} : memref<4x2x100x128xf32, #tpu.memory_space<vmem>>, vector<1x1x1x16xf32>,
      %get3A_534 = vector.shape_cast %get3A_533 : vector<1x1x1x16xf32> to vector<16xf32>
      %add3A_535 = arith.addf %get3A_534, %get3A_341 : vector<16xf32>
      %swap3A_536 = arith.constant 3 : i32
      %swap3A_537 = arith.constant 1 : i32
      %swap3A_538 = arith.index_cast %swap3A_536 : i32 to index
      %swap3A_539 = arith.index_cast %swap3A_537 : i32 to index
      %swap3A_540 = arith.index_cast %scan3A_334 : i32 to index
      %swap3A_541 = arith.constant 16 : index
      %swap3A_542 = tpu.vector_load %arg6[%swap3A_538, %swap3A_539, %swap3A_540, %swap3A_541] {strides = array<i32>} : memref<4x2x100x128xf32, #tpu.memory_space<vmem>>, vector<1x1x1x16xf32>,
      %swap3A_543 = vector.shape_cast %swap3A_542 : vector<1x1x1x16xf32> to vector<16xf32>
      %swap3A_544 = vector.shape_cast %add3A_535 : vector<16xf32> to vector<1x1x1x16xf32>
      tpu.vector_store %arg6[%swap3A_538, %swap3A_539, %swap3A_540, %swap3A_541], %swap3A_544 {strides = array<i32>} : memref<4x2x100x128xf32, #tpu.memory_space<vmem>>, vector<1x1x1x16xf32>,
      %get3A_545 = arith.constant 3 : i32
      %get3A_546 = arith.constant 1 : i32
      %get3A_547 = arith.index_cast %get3A_545 : i32 to index
      %get3A_548 = arith.index_cast %get3A_546 : i32 to index
      %get3A_549 = arith.index_cast %scan3A_334 : i32 to index
      %get3A_550 = arith.constant 32 : index
      %get3A_551 = tpu.vector_load %arg6[%get3A_547, %get3A_548, %get3A_549, %get3A_550] {strides = array<i32>} : memref<4x2x100x128xf32, #tpu.memory_space<vmem>>, vector<1x1x1x16xf32>,
      %get3A_552 = vector.shape_cast %get3A_551 : vector<1x1x1x16xf32> to vector<16xf32>
      %add3A_553 = arith.addf %get3A_552, %get3A_345 : vector<16xf32>
      %swap3A_554 = arith.constant 3 : i32
      %swap3A_555 = arith.constant 1 : i32
      %swap3A_556 = arith.index_cast %swap3A_554 : i32 to index
      %swap3A_557 = arith.index_cast %swap3A_555 : i32 to index
      %swap3A_558 = arith.index_cast %scan3A_334 : i32 to index
      %swap3A_559 = arith.constant 32 : index
      %swap3A_560 = tpu.vector_load %arg6[%swap3A_556, %swap3A_557, %swap3A_558, %swap3A_559] {strides = array<i32>} : memref<4x2x100x128xf32, #tpu.memory_space<vmem>>, vector<1x1x1x16xf32>,
      %swap3A_561 = vector.shape_cast %swap3A_560 : vector<1x1x1x16xf32> to vector<16xf32>
      %swap3A_562 = vector.shape_cast %add3A_553 : vector<16xf32> to vector<1x1x1x16xf32>
      tpu.vector_store %arg6[%swap3A_556, %swap3A_557, %swap3A_558, %swap3A_559], %swap3A_562 {strides = array<i32>} : memref<4x2x100x128xf32, #tpu.memory_space<vmem>>, vector<1x1x1x16xf32>,
      %get3A_563 = arith.constant 3 : i32
      %get3A_564 = arith.constant 1 : i32
      %get3A_565 = arith.index_cast %get3A_563 : i32 to index
      %get3A_566 = arith.index_cast %get3A_564 : i32 to index
      %get3A_567 = arith.index_cast %scan3A_334 : i32 to index
      %get3A_568 = arith.constant 48 : index
      %get3A_569 = tpu.vector_load %arg6[%get3A_565, %get3A_566, %get3A_567, %get3A_568] {strides = array<i32>} : memref<4x2x100x128xf32, #tpu.memory_space<vmem>>, vector<1x1x1x16xf32>,
      %get3A_570 = vector.shape_cast %get3A_569 : vector<1x1x1x16xf32> to vector<16xf32>
      %add3A_571 = arith.addf %get3A_570, %get3A_349 : vector<16xf32>
      %swap3A_572 = arith.constant 3 : i32
      %swap3A_573 = arith.constant 1 : i32
      %swap3A_574 = arith.index_cast %swap3A_572 : i32 to index
      %swap3A_575 = arith.index_cast %swap3A_573 : i32 to index
      %swap3A_576 = arith.index_cast %scan3A_334 : i32 to index
      %swap3A_577 = arith.constant 48 : index
      %swap3A_578 = tpu.vector_load %arg6[%swap3A_574, %swap3A_575, %swap3A_576, %swap3A_577] {strides = array<i32>} : memref<4x2x100x128xf32, #tpu.memory_space<vmem>>, vector<1x1x1x16xf32>,
      %swap3A_579 = vector.shape_cast %swap3A_578 : vector<1x1x1x16xf32> to vector<16xf32>
      %swap3A_580 = vector.shape_cast %add3A_571 : vector<16xf32> to vector<1x1x1x16xf32>
      tpu.vector_store %arg6[%swap3A_574, %swap3A_575, %swap3A_576, %swap3A_577], %swap3A_580 {strides = array<i32>} : memref<4x2x100x128xf32, #tpu.memory_space<vmem>>, vector<1x1x1x16xf32>,
      %get3A_581 = arith.constant 3 : i32
      %get3A_582 = arith.constant 1 : i32
      %get3A_583 = arith.index_cast %get3A_581 : i32 to index
      %get3A_584 = arith.index_cast %get3A_582 : i32 to index
      %get3A_585 = arith.index_cast %scan3A_334 : i32 to index
      %get3A_586 = arith.constant 64 : index
      %get3A_587 = tpu.vector_load %arg6[%get3A_583, %get3A_584, %get3A_585, %get3A_586] {strides = array<i32>} : memref<4x2x100x128xf32, #tpu.memory_space<vmem>>, vector<1x1x1x16xf32>,
      %get3A_588 = vector.shape_cast %get3A_587 : vector<1x1x1x16xf32> to vector<16xf32>
      %add3A_589 = arith.addf %get3A_588, %get3A_353 : vector<16xf32>
      %swap3A_590 = arith.constant 3 : i32
      %swap3A_591 = arith.constant 1 : i32
      %swap3A_592 = arith.index_cast %swap3A_590 : i32 to index
      %swap3A_593 = arith.index_cast %swap3A_591 : i32 to index
      %swap3A_594 = arith.index_cast %scan3A_334 : i32 to index
      %swap3A_595 = arith.constant 64 : index
      %swap3A_596 = tpu.vector_load %arg6[%swap3A_592, %swap3A_593, %swap3A_594, %swap3A_595] {strides = array<i32>} : memref<4x2x100x128xf32, #tpu.memory_space<vmem>>, vector<1x1x1x16xf32>,
      %swap3A_597 = vector.shape_cast %swap3A_596 : vector<1x1x1x16xf32> to vector<16xf32>
      %swap3A_598 = vector.shape_cast %add3A_589 : vector<16xf32> to vector<1x1x1x16xf32>
      tpu.vector_store %arg6[%swap3A_592, %swap3A_593, %swap3A_594, %swap3A_595], %swap3A_598 {strides = array<i32>} : memref<4x2x100x128xf32, #tpu.memory_space<vmem>>, vector<1x1x1x16xf32>,
      %get3A_599 = arith.constant 3 : i32
      %get3A_600 = arith.constant 1 : i32
      %get3A_601 = arith.index_cast %get3A_599 : i32 to index
      %get3A_602 = arith.index_cast %get3A_600 : i32 to index
      %get3A_603 = arith.index_cast %scan3A_334 : i32 to index
      %get3A_604 = arith.constant 80 : index
      %get3A_605 = tpu.vector_load %arg6[%get3A_601, %get3A_602, %get3A_603, %get3A_604] {strides = array<i32>} : memref<4x2x100x128xf32, #tpu.memory_space<vmem>>, vector<1x1x1x16xf32>,
      %get3A_606 = vector.shape_cast %get3A_605 : vector<1x1x1x16xf32> to vector<16xf32>
      %add3A_607 = arith.addf %get3A_606, %get3A_357 : vector<16xf32>
      %swap3A_608 = arith.constant 3 : i32
      %swap3A_609 = arith.constant 1 : i32
      %swap3A_610 = arith.index_cast %swap3A_608 : i32 to index
      %swap3A_611 = arith.index_cast %swap3A_609 : i32 to index
      %swap3A_612 = arith.index_cast %scan3A_334 : i32 to index
      %swap3A_613 = arith.constant 80 : index
      %swap3A_614 = tpu.vector_load %arg6[%swap3A_610, %swap3A_611, %swap3A_612, %swap3A_613] {strides = array<i32>} : memref<4x2x100x128xf32, #tpu.memory_space<vmem>>, vector<1x1x1x16xf32>,
      %swap3A_615 = vector.shape_cast %swap3A_614 : vector<1x1x1x16xf32> to vector<16xf32>
      %swap3A_616 = vector.shape_cast %add3A_607 : vector<16xf32> to vector<1x1x1x16xf32>
      tpu.vector_store %arg6[%swap3A_610, %swap3A_611, %swap3A_612, %swap3A_613], %swap3A_616 {strides = array<i32>} : memref<4x2x100x128xf32, #tpu.memory_space<vmem>>, vector<1x1x1x16xf32>,
      %get3A_617 = arith.constant 3 : i32
      %get3A_618 = arith.constant 1 : i32
      %get3A_619 = arith.index_cast %get3A_617 : i32 to index
      %get3A_620 = arith.index_cast %get3A_618 : i32 to index
      %get3A_621 = arith.index_cast %scan3A_334 : i32 to index
      %get3A_622 = arith.constant 96 : index
      %get3A_623 = tpu.vector_load %arg6[%get3A_619, %get3A_620, %get3A_621, %get3A_622] {strides = array<i32>} : memref<4x2x100x128xf32, #tpu.memory_space<vmem>>, vector<1x1x1x16xf32>,
      %get3A_624 = vector.shape_cast %get3A_623 : vector<1x1x1x16xf32> to vector<16xf32>
      %add3A_625 = arith.addf %get3A_624, %get3A_361 : vector<16xf32>
      %swap3A_626 = arith.constant 3 : i32
      %swap3A_627 = arith.constant 1 : i32
      %swap3A_628 = arith.index_cast %swap3A_626 : i32 to index
      %swap3A_629 = arith.index_cast %swap3A_627 : i32 to index
      %swap3A_630 = arith.index_cast %scan3A_334 : i32 to index
      %swap3A_631 = arith.constant 96 : index
      %swap3A_632 = tpu.vector_load %arg6[%swap3A_628, %swap3A_629, %swap3A_630, %swap3A_631] {strides = array<i32>} : memref<4x2x100x128xf32, #tpu.memory_space<vmem>>, vector<1x1x1x16xf32>,
      %swap3A_633 = vector.shape_cast %swap3A_632 : vector<1x1x1x16xf32> to vector<16xf32>
      %swap3A_634 = vector.shape_cast %add3A_625 : vector<16xf32> to vector<1x1x1x16xf32>
      tpu.vector_store %arg6[%swap3A_628, %swap3A_629, %swap3A_630, %swap3A_631], %swap3A_634 {strides = array<i32>} : memref<4x2x100x128xf32, #tpu.memory_space<vmem>>, vector<1x1x1x16xf32>,
      %get3A_635 = arith.constant 3 : i32
      %get3A_636 = arith.constant 1 : i32
      %get3A_637 = arith.index_cast %get3A_635 : i32 to index
      %get3A_638 = arith.index_cast %get3A_636 : i32 to index
      %get3A_639 = arith.index_cast %scan3A_334 : i32 to index
      %get3A_640 = arith.constant 112 : index
      %get3A_641 = tpu.vector_load %arg6[%get3A_637, %get3A_638, %get3A_639, %get3A_640] {strides = array<i32>} : memref<4x2x100x128xf32, #tpu.memory_space<vmem>>, vector<1x1x1x16xf32>,
      %get3A_642 = vector.shape_cast %get3A_641 : vector<1x1x1x16xf32> to vector<16xf32>
      %add3A_643 = arith.addf %get3A_642, %get3A_365 : vector<16xf32>
      %swap3A_644 = arith.constant 3 : i32
      %swap3A_645 = arith.constant 1 : i32
      %swap3A_646 = arith.index_cast %swap3A_644 : i32 to index
      %swap3A_647 = arith.index_cast %swap3A_645 : i32 to index
      %swap3A_648 = arith.index_cast %scan3A_334 : i32 to index
      %swap3A_649 = arith.constant 112 : index
      %swap3A_650 = tpu.vector_load %arg6[%swap3A_646, %swap3A_647, %swap3A_648, %swap3A_649] {strides = array<i32>} : memref<4x2x100x128xf32, #tpu.memory_space<vmem>>, vector<1x1x1x16xf32>,
      %swap3A_651 = vector.shape_cast %swap3A_650 : vector<1x1x1x16xf32> to vector<16xf32>
      %swap3A_652 = vector.shape_cast %add3A_643 : vector<16xf32> to vector<1x1x1x16xf32>
      tpu.vector_store %arg6[%swap3A_646, %swap3A_647, %swap3A_648, %swap3A_649], %swap3A_652 {strides = array<i32>} : memref<4x2x100x128xf32, #tpu.memory_space<vmem>>, vector<1x1x1x16xf32>,
    }
    %scan3A_295 = arith.constant 100 : i32
    %add3A_296 = arith.constant 30 : i32
    %add3A_297 = arith.addi %mul3A_2, %add3A_296 : i32
    %dma_start3A_298 = arith.constant 3 : i32
    %dma_start3A_299 = arith.constant 0 : i32
    %dma_start3A_300 = arith.constant 0 : i32
    %dma_start3A_301 = arith.constant 0 : i32
    %dma_start3A_302 = tpu.memref_slice %arg6[%dma_start3A_298, %dma_start3A_299, %dma_start3A_300, %dma_start3A_301] : memref<4x2x100x128xf32, #tpu.memory_space<vmem>> -> memref<1x2x100x128xf32, #tpu.memory_space<vmem>>
    %dma_start3A_303 = tpu.memref_squeeze %dma_start3A_302 : memref<1x2x100x128xf32, #tpu.memory_space<vmem>> -> memref<2x100x128xf32, #tpu.memory_space<vmem>>
    %dma_start3A_304 = arith.constant 0 : i32
    %dma_start3A_305 = arith.constant 0 : i32
    %dma_start3A_306 = tpu.memref_slice %arg4[%add3A_297, %dma_start3A_304, %dma_start3A_305] : memref<1024x100x128xf32, #tpu.memory_space<hbm>> -> memref<2x100x128xf32, #tpu.memory_space<hbm>>
    %dma_start3A_307 = arith.constant 0 : i32
    %dma_start3A_308 = arith.constant 0 : i32
    %dma_start3A_309 = tpu.memref_slice %arg4[%add3A_297, %dma_start3A_307, %dma_start3A_308] : memref<1024x100x128xf32, #tpu.memory_space<hbm>> -> memref<2x100x128xf32, #tpu.memory_space<hbm>>
    %dma_start3A_310 = arith.constant 0 : i32
    %dma_start3A_311 = arith.constant 0 : i32
    %dma_start3A_312 = arith.constant 0 : i32
    %dma_start3A_313 = tpu.memref_slice %arg6[%dma_start3A_298, %dma_start3A_310, %dma_start3A_311, %dma_start3A_312] : memref<4x2x100x128xf32, #tpu.memory_space<vmem>> -> memref<1x2x100x128xf32, #tpu.memory_space<vmem>>
    %dma_start3A_314 = tpu.memref_squeeze %dma_start3A_313 : memref<1x2x100x128xf32, #tpu.memory_space<vmem>> -> memref<2x100x128xf32, #tpu.memory_space<vmem>>
    tpu.enqueue_dma source(%dma_start3A_314 : memref<2x100x128xf32, #tpu.memory_space<vmem>>) target(%dma_start3A_309 : memref<2x100x128xf32, #tpu.memory_space<hbm>>) target_semaphore(%arg14 : memref<!tpu.dma_semaphore, #tpu.memory_space<semaphore_mem>>)
    %dma_wait3A_315 = arith.constant 3 : i32
    %dma_wait3A_316 = arith.constant 0 : i32
    %dma_wait3A_317 = arith.constant 0 : i32
    %dma_wait3A_318 = arith.constant 0 : i32
    %dma_wait3A_319 = tpu.memref_slice %arg6[%dma_wait3A_315, %dma_wait3A_316, %dma_wait3A_317, %dma_wait3A_318] : memref<4x2x100x128xf32, #tpu.memory_space<vmem>> -> memref<1x2x100x128xf32, #tpu.memory_space<vmem>>
    %dma_wait3A_320 = tpu.memref_squeeze %dma_wait3A_319 : memref<1x2x100x128xf32, #tpu.memory_space<vmem>> -> memref<2x100x128xf32, #tpu.memory_space<vmem>>
    %dma_wait3A_321 = arith.constant 0 : i32
    %dma_wait3A_322 = arith.constant 0 : i32
    %dma_wait3A_323 = arith.constant 0 : i32
    %dma_wait3A_324 = tpu.memref_slice %arg4[%dma_wait3A_321, %dma_wait3A_322, %dma_wait3A_323] : memref<1024x100x128xf32, #tpu.memory_space<hbm>> -> memref<2x100x128xf32, #tpu.memory_space<hbm>>
    %dma_wait3A_325 = arith.constant 0 : i32
    %dma_wait3A_326 = arith.constant 0 : i32
    %dma_wait3A_327 = arith.constant 0 : i32
    %dma_wait3A_328 = tpu.memref_slice %arg4[%dma_wait3A_325, %dma_wait3A_326, %dma_wait3A_327] : memref<1024x100x128xf32, #tpu.memory_space<hbm>> -> memref<2x100x128xf32, #tpu.memory_space<hbm>>
    %dma_wait3A_329 = arith.constant 0 : i32
    %dma_wait3A_330 = arith.constant 0 : i32
    %dma_wait3A_331 = arith.constant 0 : i32
    %dma_wait3A_332 = tpu.memref_slice %arg6[%dma_wait3A_315, %dma_wait3A_329, %dma_wait3A_330, %dma_wait3A_331] : memref<4x2x100x128xf32, #tpu.memory_space<vmem>> -> memref<1x2x100x128xf32, #tpu.memory_space<vmem>>
    %dma_wait3A_333 = tpu.memref_squeeze %dma_wait3A_332 : memref<1x2x100x128xf32, #tpu.memory_space<vmem>> -> memref<2x100x128xf32, #tpu.memory_space<vmem>>
    tpu.wait_dma2 semaphore(%arg14 : memref<!tpu.dma_semaphore, #tpu.memory_space<semaphore_mem>>) src(%dma_wait3A_333 : memref<2x100x128xf32, #tpu.memory_space<vmem>>) dst(%dma_wait3A_328 : memref<2x100x128xf32, #tpu.memory_space<hbm>>)
    return
  }
}

module attributes {stable_mosaic.version = 14 : i64} {
  func.func @_tc_blocked_body(%arg0: i32, %arg1: memref<64x100x128xf32, #tpu.memory_space<vmem>>, %arg2: memref<100x128xf32, #tpu.memory_space<vmem>>, %arg3: memref<64x100x128xf32, #tpu.memory_space<vmem>>) attributes {dimension_semantics = [#tpu.dimension_semantics<arbitrary>], iteration_bounds = array<i64: 48>, scalar_prefetch = 0 : i64, scratch_operands = 0 : i64, tpu.core_type = #tpu.core_type<tc>, window_params = [{transform_indices = @transform_0, window_bounds = array<i64: 64, 100, 128>}, {pipeline_mode = #tpu.pipeline_mode<synchronous>, transform_indices = @transform_1, window_bounds = array<i64: 100, 128>}, {transform_indices = @transform_2, window_bounds = array<i64: 64, 100, 128>}]} {
    %get3A = arith.constant 0 : index
    %get3A_0 = arith.constant 0 : index
    %get3A_1 = arith.constant 0 : index
    %get3A_2 = vector.load %arg1[%get3A, %get3A_0, %get3A_1] : memref<64x100x128xf32, #tpu.memory_space<vmem>>, vector<64x100x128xf32>
    %get3A_3 = arith.constant 0 : index
    %get3A_4 = arith.constant 0 : index
    %get3A_5 = vector.load %arg2[%get3A_3, %get3A_4] : memref<100x128xf32, #tpu.memory_space<vmem>>, vector<100x128xf32>
    %broadcast_in_dim3A = vector.shape_cast %get3A_5 : vector<100x128xf32> to vector<1x100x128xf32>
    %add3A = vector.broadcast %broadcast_in_dim3A : vector<1x100x128xf32> to vector<64x100x128xf32>
    %add3A_6 = arith.addf %get3A_2, %add3A : vector<64x100x128xf32>
    %swap3A = arith.constant 0 : index
    %swap3A_7 = arith.constant 0 : index
    %swap3A_8 = arith.constant 0 : index
    %swap3A_9 = vector.load %arg3[%swap3A, %swap3A_7, %swap3A_8] : memref<64x100x128xf32, #tpu.memory_space<vmem>>, vector<64x100x128xf32>
    tpu.vector_store %arg3[%swap3A, %swap3A_7, %swap3A_8], %add3A_6 {strides = array<i32>} : memref<64x100x128xf32, #tpu.memory_space<vmem>>, vector<64x100x128xf32>,
    return
  }
  func.func @transform_0(%arg0: i32) -> (i32, i32, i32) {
    %c0_i32 = arith.constant 0 : i32
    %c0_i32_0 = arith.constant 0 : i32
    %c0_i32_1 = arith.constant 0 : i32
    return %arg0, %c0_i32, %c0_i32_0 : i32, i32, i32
  }
  func.func @transform_1(%arg0: i32) -> (i32, i32) {
    %c0_i32 = arith.constant 0 : i32
    %c0_i32_0 = arith.constant 0 : i32
    %c0_i32_1 = arith.constant 0 : i32
    return %c0_i32, %c0_i32_0 : i32, i32
  }
  func.func @transform_2(%arg0: i32) -> (i32, i32, i32) {
    %c0_i32 = arith.constant 0 : i32
    %c0_i32_0 = arith.constant 0 : i32
    %c0_i32_1 = arith.constant 0 : i32
    return %arg0, %c0_i32, %c0_i32_0 : i32, i32, i32
  }
}

</mosaic_0001>

<sc_bundles>
// kernel: kernel.4.cloned.1.call-start
scs
__scs_entry_jumppad:
0x0: {  	(pc) =	sbr.rel $0x88, $3  }
0x1: {  	(tag) =	ssettag $0x0;
	lr =	simm.s32 $0x1  }
0x2: {  	[smem:$0x3F9F] =	sst lr;
	_ =	strace $0xD0000000  }
0x3: {  	_ = 	snop  }
0x4: {  	_ = 	snop  }
0x5: {  	_ = 	snop  }
0x6: {  	_ = 	snop  }
0x7: {  	_ = 	snop  }
__scs_overlays_trampoline_lowered:
0x8: {  	[smem:$0x3FAE] =	sst s0  }
0x9: {  	[smem:$0x3FAF] =	sst s1  }
0xa: {  	[smem:$0x3FB0] =	sst s2  }
0xb: {  	[smem:$0x3FB1] =	sst s3  }
0xc: {  	[smem:$0x3FB2] =	sst s4  }
0xd: {  	[smem:$0x3FB3] =	sst s5  }
0xe: {  	[smem:$0x3FB4] =	sst s6  }
0xf: {  	[smem:$0x3FB5] =	sst s7  }
0x10: {  	[smem:$0x3FB6] =	sst s8  }
0x11: {  	[smem:$0x3FB7] =	sst s9;
	s0 =	simm.s32 @!p0 $0x0  }
0x12: {  	s1 =	sld [smem:$0x3F9D];
	s0 =	simm.s32 @p0 $0x1  }
0x13: {  	[smem:$0x3FB8] =	sst s0;
	s0 =	simm.s32 @!p1 $0x0  }
0x14: {  	s2 =	sld [smem:$0x3F9C];
	s0 =	simm.s32 @p1 $0x1  }
0x15: {  	[smem:$0x3FB9] =	sst s0;
	s0 =	simm.s32 @!p2 $0x0  }
0x16: {  	s3 =	sld [smem:$0x3FDB];
	s0 =	simm.s32 @p2 $0x1  }
0x17: {  	s4 =	simm.s32 $0x1BF5;
	[smem:$0x3FBB] =	sst s0  }
0x18: {  	s0 =	sld [smem:$0x3F9E];
	_ =	swait.ge [sflag:s4], $0x0  }
0x19: {  	s7 =	sld [smem:$0x3F9F]  }
0x1a: {  	s8 =	sadd.s32 $0xFFFFE003, lr  }
0x1b: {  	s9 =	sadd.s32 $0xFFFFFEF7, lr;
	s5 =	simm.s32 $0xFFFFFFFF;
	p2 =	slt.u32 s8, $0xFFFFF086  }
0x1c: {  	p1 =	slt.u32 s9, $0xF7A;
	s5 =	simm.s32 @!p2 $0x0  }
0x1d: {  	s5 =	simm.s32 @p1 $0x1;
	p0 =	seq.s32 s7, s2  }
0x1e: {  	s7 =	smul.u32 @!p0 $0xF7A, s2;
	p2 =	seq.s32 @!p0 s5, $0x0  }
0x1f: {  	s9 =	smul.u32 $0xF7A, s1;
	s8 =	simm.s32 @!p0 $0x1BF5;
	p2 =	por !p2, p0  }
0x20: {  	[sflag:s8] =	ssyncset.s32 @!p0 $0xFFFFF086;
	s6 =	sadd.s32 @!p0 s3, s7;
	s7 =	simm.s32 @!p0 $0x108  }
0x21: {  	s3 =	sadd.s32 s3, s9;
	s6 =	sadd.s32 @!p0 $0x88, s6;
	s7 =	simm.s32 @p2 $0x1082  }
0x22: {  	[simem:s7], [sflag:s8] =	dma.local @!p0 [hbm:s6], $0xF7A  }
0x23: {  	s9 =	sor.u32 $0xD0000000, s2;
	s6 =	simm.s32 $0x108;
	_ =	swait.ge @!p0 [sflag:s8], $0x0  }
0x24: {  	s3 =	sadd.s32 $0x88, s3;
	s6 =	simm.s32 @!p1 $0x1082;
	[sflag:s4] =	ssyncset.s32 $0xFFFFF086  }
0x25: {  	[simem:s6], [sflag:s4] =	dma.local [hbm:s3], $0xF7A  }
0x26: {  	[smem:$0x3F9F] =	sst s1;
	(tag) =	ssettag s2;
	_ =	strace s9  }
0x27: {  	s1 =	sld [smem:$0x3FAF]  }
0x28: {  	s2 =	sld [smem:$0x3FB0]  }
0x29: {  	s4 =	sld [smem:$0x3FB2]  }
0x2a: {  	p0 =	seq.s32 s5, $0x0;
	s5 =	sld [smem:$0x3FB3]  }
0x2b: {  	s6 =	sld [smem:$0x3FB4]  }
0x2c: {  	s7 =	sld [smem:$0x3FB5]  }
0x2d: {  	s3 =	simm.s32 $0x108;
	s8 =	sld [smem:$0x3FB6]  }
0x2e: {  	s3 =	simm.s32 @!p0 $0x1082;
	s9 =	sld [smem:$0x3FB7]  }
0x2f: {  	lr =	sadd.s32 s0, s3;
	s0 =	sld [smem:$0x3FAE]  }
0x30: {  	s3 =	sld [smem:$0x3FB1]  }
0x31: {  	[smem:$0x3FBA] =	sst s10  }
0x32: {  	s10 =	sld [smem:$0x3FB8];
	_ =	sdelay $0x3  }
0x33: {  	p0 =	seq.s32 s10, $0x1;
	s10 =	sld [smem:$0x3FBA];
	_ =	sdelay $0x3  }
0x34: {  	[smem:$0x3FBA] =	sst s10  }
0x35: {  	s10 =	sld [smem:$0x3FB9];
	_ =	sdelay $0x3  }
0x36: {  	p1 =	seq.s32 s10, $0x1;
	s10 =	sld [smem:$0x3FBA];
	_ =	sdelay $0x3  }
0x37: {  	[smem:$0x3FBA] =	sst s10  }
0x38: {  	s10 =	sld [smem:$0x3FBB]  }
0x39: {  	_ = 	snop;
	(pc) =	sbr.ind lr, $3  }
0x3a: {  	_ = 	snop  }
0x3b: {  	_ = 	snop  }
0x3c: {  	p2 =	seq.s32 s10, $0x1;
	s10 =	sld [smem:$0x3FBA]  }
0x3d: {  	_ =	shalt  }
0x3e: {  	_ =	shalt  }
0x3f: {  	_ =	shalt  }
0x40: {  	_ =	shalt  }
0x41: {  	_ =	shalt  }
0x42: {  	_ =	shalt  }
0x43: {  	_ =	shalt  }
0x44: {  	_ =	shalt  }
0x45: {  	_ =	shalt  }
0x46: {  	_ =	shalt  }
0x47: {  	_ =	shalt  }
0x48: {  	_ =	shalt  }
0x49: {  	_ =	shalt  }
0x4a: {  	_ =	shalt  }
0x4b: {  	_ =	shalt  }
0x4c: {  	_ =	shalt  }
0x4d: {  	_ =	shalt  }
0x4e: {  	_ =	shalt  }
0x4f: {  	_ =	shalt  }
0x50: {  	_ =	shalt  }
0x51: {  	_ =	shalt  }
0x52: {  	_ =	shalt  }
0x53: {  	_ =	shalt  }
0x54: {  	_ =	shalt  }
0x55: {  	_ =	shalt  }
0x56: {  	_ =	shalt  }
0x57: {  	_ =	shalt  }
0x58: {  	_ =	shalt  }
0x59: {  	_ =	shalt  }
0x5a: {  	_ =	shalt  }
0x5b: {  	_ =	shalt  }
0x5c: {  	_ =	shalt  }
0x5d: {  	_ =	shalt  }
0x5e: {  	_ =	shalt  }
0x5f: {  	_ =	shalt  }
0x60: {  	_ =	shalt  }
0x61: {  	_ =	shalt  }
0x62: {  	_ =	shalt  }
0x63: {  	_ =	shalt  }
0x64: {  	_ =	shalt  }
0x65: {  	_ =	shalt  }
0x66: {  	_ =	shalt  }
0x67: {  	_ =	shalt  }
0x68: {  	_ =	shalt  }
0x69: {  	_ =	shalt  }
0x6a: {  	_ =	shalt  }
0x6b: {  	_ =	shalt  }
0x6c: {  	_ =	shalt  }
0x6d: {  	_ =	shalt  }
0x6e: {  	_ =	shalt  }
0x6f: {  	_ =	shalt  }
0x70: {  	_ =	shalt  }
0x71: {  	_ =	shalt  }
0x72: {  	_ =	shalt  }
0x73: {  	_ =	shalt  }
0x74: {  	_ =	shalt  }
0x75: {  	_ =	shalt  }
0x76: {  	_ =	shalt  }
0x77: {  	_ =	shalt  }
0x78: {  	_ =	shalt  }
0x79: {  	_ =	shalt  }
0x7a: {  	_ =	shalt  }
0x7b: {  	_ =	shalt  }
0x7c: {  	_ =	shalt  }
0x7d: {  	_ =	shalt  }
0x7e: {  	_ =	shalt  }
0x7f: {  	_ =	shalt  }
0x80: {  	_ =	shalt  }
0x81: {  	_ =	shalt  }
0x82: {  	_ =	shalt  }
0x83: {  	_ =	shalt  }
0x84: {  	_ =	shalt  }
0x85: {  	_ =	shalt  }
0x86: {  	_ =	shalt  }
0x87: {  	_ =	shalt  }
.Lfunc_end0:
.L_simem_size_0:
called_computation.1_lowered:
.L_overlay_start_0:
0x88: {  	s2 =	sld [smem:$0x3FD9]  }
0x89: {  	s3 =	sld [smem:$0x3FFE];
	_ =	sdelay $0x1  }
0x8a: {  	s1 =	srdreg.scid  }
0x8b: {  	s0 =	sand.u32 $0x1, s1  }
0x8c: {  	s17 =	sshll.u32 s0, $0xA;
	s2 =	sadd.s32 s3, s2  }
0x8d: {  	s2 =	sadd.s32 s2, s17  }
0x8e: {  	[smem:$0x3FC6] =	sst s2  }
0x8f: {  	_ = 	snop  }
0x90: {  	s2 =	sld [smem:$0x3FC8];
	(tm) =	ssettm $0x1  }
0x91: {  	s18 =	sld [smem:$0x3FFB];
	_ =	sdelay $0x3  }
0x92: {  	_ =	strace s18  }
0x93: {  	s3 =	sld [smem:$0x3FFC];
	_ =	sdelay $0x3  }
0x94: {  	_ =	strace s3  }
0x95: {  	s3 =	sld [smem:$0x3FFD];
	_ =	sdelay $0x3  }
0x96: {  	_ =	strace s3  }
0x97: {  	_ =	strace $0x8FFFFFFF  }
0x98: {  	s19 =	sld [smem:$0x3FDB];
	_ =	sdelay $0x1  }
0x99: {  	s4 =	simm.s32 $_scs_section_size  }
0x9a: {  	s5 =	simm.s32 $_size__tile_overlayer_lowered;
	s6 =	simm.s32 $_tile_overlayer_lowered  }
0x9b: {  	s22 =	simm.s32 $0x1BFF;
	s21 =	sshll.u32 s6, $0x1;
	s3 =	sadd.s32 s4, s19  }
0x9c: {  	s7 =	simm.s32 $0x0;
	s20 =	sshll.u32 s5, $0x1;
	s5 =	sadd.s32 s21, s3  }
0x9d: {  	[timem:s7], [sflag:s22] =	dma.local [hbm:s5], s20  }
0x9e: {  	_ =	swait.ge [sflag:s22], s20  }
0x9f: {  	s4 =	ssub.s32 $0x0, s20;
	[sflag:s22] =	ssyncset.done $0x0  }
0xa0: {  	[sflag:s22] =	ssyncadd.s32 s4;
	_ =	sdelay $0x1  }
0xa1: {  	s23 =	simm.s32 $0x1B8B  }
0xa2: {  	_ =	swait.ge [sflag:s23], $0x1  }
0xa3: {  	[sflag:s23] =	ssyncset.done $0x0  }
0xa4: {  	s25 =	simm.s32 $0x1B8E;
	s24 =	sld [smem:$0x3FFE];
	[sflag:s23] =	ssyncadd.s32 $0xFFFFFFFF  }
0xa5: {  	s26 =	simm.s32 $execute0_lowered;
	[smem:$0x3FD2] =	sst s25  }
0xa6: {  	s5 =	sshll.u32 s26, $0x1;
	_ =	strace $0x80000046;
	[dreg:$0x1] =	wrdreg $0xFFFFFFFF  }
0xa7: {  	s28 =	simm.s32 $_size_execute0_lowered;
	s3 =	sadd.s32 s3, s5;
	[dreg:$0x0] =	wrdreg $0x0  }
0xa8: {  	s5 =	sshll.u32 s28, $0x1;
	[dreg:$0x2] =	wrdreg s3  }
0xa9: {  	[dreg:$0x3] =	wrdreg s5  }
0xaa: {  	[dreg:$0x4] =	wrdreg $0xC0  }
0xab: {  	_ =	task [dreg:s7], $0x5FFFF  }
0xac: {  	[dreg:$0x1] =	wrdreg $0xFFFFFFFF  }
0xad: {  	[dreg:$0x0] =	wrdreg $0x60  }
0xae: {  	[dreg:$0x2] =	wrdreg s24  }
0xaf: {  	[dreg:$0x3] =	wrdreg s2  }
0xb0: {  	[dreg:$0x4] =	wrdreg $0x9  }
0xb1: {  	_ =	task.clear_ibuf [dreg:s7], $0x5FFFF;
	_ =	strace $0x90000046  }
0xb2: {  	s29 =	simm.s32 $0x9;
	_ =	strace $0x80000048  }
0xb3: {  	_ =	swait.ge [sflag:s29], $0x1  }
0xb4: {  	[sflag:s29] =	ssyncadd.s32 $0xFFFFFFFF  }
0xb5: {  	_ =	strace $0x90000048  }
0xb6: {  	_ =	sfence  }
0xb7: {  	s30 =	sld [smem:$0x0];
	_ =	sdelay $0x2  }
0xb8: {  	s31 =	sshll.u32 s1, $0xD;
	s1 =	sshrl.u32 s1, $0x2  }
0xb9: {  	s3 =	sand.u32 $0x4000, s31;
	s1 =	sadd.s32 s1, s30  }
0xba: {  	s0 =	sor.u32 s3, s0;
	s1 =	sshll.u32 s1, $0x11  }
0xbb: {  	s0 =	sor.u32 s1, s0  }
0xbc: {  	s0 =	sadd.s32 $0x8F2B, s0  }
0xbd: {  	[sflag:s0] =	ssyncadd.remote.s32 $0x1  }
0xbe: {  	_ =	sfence.sel $0xFFFF  }
0xbf: {  	[dreg:$0x0] =	wrdreg $0xFFFFFFFF;
	(pc) =	sbr.abs _section_cstart, $3  }
0xc0: {  	[dreg:$0x1] =	wrdreg $0xFFFFFFFF  }
0xc1: {  	_ =	task.clear_ibuf [dreg:s7], $0x2FFFF;
	_ =	strace $0x9FFFFFFF  }
0xc2: {  	(tm) =	ssettm $0x7FFFFFFF  }
0xc3: {  	_ =	shalt  }
tec
execute0_lowered:
.L_overlay_start_1:
0x0: {  	(tag) =	ssettag $0x1  }
0x1: {  	s0 =	srdreg.scid  }
0x2: {  	s1 =	rddreg [dreg:$0x0];
	s2 =	stileid.u32;
	s3 =	simm.s32 $0x0  }
0x3: {  	s28 =	simm.s32 $0x13800;
	s29 =	simm.s32 $0x16C00;
	s30 =	simm.s32 $0x1A000  }
0x4: {  	s31 =	simm.s32 $0x1;
	s0 =	sand.u32 $0x1, s0;
	s2 =	sshll.u32 s2, $0x6  }
0x5: {  	[smem:$0x7FF] =	sst s3;
	s5 =	sadd.s32 $0xA00, s1;
	s4 =	sshll.u32 s0, $0x5  }
0x6: {  	s6 =	sadd.s32 $0x1A0A00, s1;
	s0 =	ssub.s32 $0x2, s0;
	s4 =	sor.u32 s4, s2  }
0x7: {  	_ =	strace $0x80000047;
	s18 =	sshrl.u32 s0, $0x1;
	s2 =	smul.u32 $0x3400, s4  }
0x8: {  	s7 =	smul.u32 $0x680, s4;
	s0 =	ssub.s32 s0, s18;
	s11 =	sor.u32 $0x8, s4  }
0x9: {  	s12 =	sor.u32 $0xA, s4;
	s13 =	sor.u32 $0xC, s4;
	s0 =	smax.u32 s0, $0x1  }
0xa: {  	s14 =	sor.u32 $0xE, s4;
	s8 =	sadd.s32 s5, s7;
	[dreg:$0xb] =	wrdreg s0  }
0xb: {  	s17 =	sshrl.u32 s2, $0x3;
	s20 =	sadd.s32 $0xD00, s8;
	[dreg:$0x3] =	wrdreg s8  }
0xc: {  	s19 =	sadd.s32 s5, s17;
	s26 =	sadd.s32 $0x680, s8;
	[dreg:$0x4] =	wrdreg s20  }
0xd: {  	s0 =	simm.s32 $0x2;
	s21 =	sadd.s32 $0x1A00, s19;
	[dreg:$0xc] =	wrdreg s26  }
0xe: {  	s1 =	sadd.s32 s6, s17;
	s22 =	sadd.s32 $0x2700, s19;
	[dreg:$0x5] =	wrdreg s21  }
0xf: {  	s2 =	simm.s32 $0x6;
	s23 =	sadd.s32 $0x9C00, s1;
	[dreg:$0x6] =	wrdreg s22  }
0x10: {  	s7 =	simm.s32 $0x4;
	s24 =	sadd.s32 $0xA900, s1;
	[dreg:$0x7] =	wrdreg s23  }
0x11: {  	s8 =	simm.s32 $0x0;
	s25 =	sadd.s32 $0xB600, s1;
	[dreg:$0x8] =	wrdreg s24  }
0x12: {  	s1 =	sadd.s32 $0xC300, s1;
	s26 =	simm.s32 $0x10400;
	[dreg:$0x9] =	wrdreg s25  }
0x13: {  	s19 =	simm.s32 $0x3;
	s20 =	simm.s32 $0x8;
	[dreg:$0xa] =	wrdreg s1  }
0x14: {  	s21 =	simm.s32 $0x3400;
	s23 =	simm.s32 $0x6800;
	s24 =	simm.s32 $0x9C00  }
0x15: {  	s25 =	simm.s32 $0xD000;
	s1 =	simm.s32 $0x5;
	s22 =	simm.s32 $0x7  }
.LBB2_1:
0x16: {  	s9 =	rddreg [dreg:$0x1];
	s18 =	simm.s32 $0x9  }
0x17: {  	[tilespmem:s3], [sflag:$0x9] =	stream.linear.gather [hbm4b:s9+s3], $0x3200, $0x38;
	[tilespmem:$0x1D400] =	vst v63  }
0x18: {  	_ =	swait.ge [sflag:s18], $0x3200  }
0x19: {  	[sflag:s18] =	ssyncset.done $0x0  }
0x1a: {  	s10 =	rddreg [dreg:$0x3];
	[sflag:s18] =	ssyncadd.s32 $0xFFFFCE00  }
0x1b: {  	[tilespmem:s21], [sflag:$0x1] =	stream.linear.gather [hbm4b:s10+s3], $0x3200, $0x38;
	[tilespmem:$0x1D400] =	vst v63  }
0x1c: {  	s15 =	rddreg [dreg:$0xc]  }
0x1d: {  	[tilespmem:s23], [sflag:$0x1] =	stream.linear.gather [hbm4b:s15+s3], $0x3200, $0x38;
	[tilespmem:$0x1D400] =	vst v63  }
0x1e: {  	s16 =	rddreg [dreg:$0x4]  }
0x1f: {  	[tilespmem:s24], [sflag:$0x2] =	stream.linear.gather [hbm4b:s16+s3], $0x3200, $0x38;
	[tilespmem:$0x1D400] =	vst v63  }
0x20: {  	s9 =	sadd.s32 $0x680, s16  }
0x21: {  	[tilespmem:s25], [sflag:$0x2] =	stream.linear.gather [hbm4b:s9+s3], $0x3200, $0x38;
	[tilespmem:$0x1D400] =	vst v63  }
0x22: {  	s17 =	rddreg [dreg:$0x5]  }
0x23: {  	[tilespmem:s26], [sflag:$0x3] =	stream.linear.gather [hbm4b:s17+s3], $0x3200, $0x38;
	[tilespmem:$0x1D400] =	vst v63  }
0x24: {  	s9 =	sadd.s32 $0x680, s17  }
0x25: {  	[tilespmem:s28], [sflag:$0x3] =	stream.linear.gather [hbm4b:s9+s3], $0x3200, $0x38;
	[tilespmem:$0x1D400] =	vst v63  }
0x26: {  	s18 =	rddreg [dreg:$0x6]  }
0x27: {  	[tilespmem:s29], [sflag:$0x4] =	stream.linear.gather [hbm4b:s18+s3], $0x3200, $0x38;
	[tilespmem:$0x1D400] =	vst v63  }
0x28: {  	s9 =	sadd.s32 $0x680, s18  }
0x29: {  	[tilespmem:s30], [sflag:$0x4] =	stream.linear.gather [hbm4b:s9+s3], $0x3200, $0x38;
	[tilespmem:$0x1D400] =	vst v63  }
0x2a: {  	s9 =	simm.s32 $0x0  }
.LBB2_2:
0x2b: {  	_ =	swait.ge [sflag:s31], $0x6400  }
0x2c: {  	[sflag:s31] =	ssyncset.done $0x0  }
0x2d: {  	s15 =	simm.s32 $0x0;
	[sflag:s31] =	ssyncadd.s32 $0xFFFF9C00  }
0x2e: {  	v10 =	vld [tilespmem:s15+$0x0]  }
0x2f: {  	v11 =	vld [tilespmem:s15+$0x10]  }
0x30: {  	v5 =	vld [tilespmem:s15+$0x20]  }
0x31: {  	v4 =	vld [tilespmem:s15+$0x30]  }
0x32: {  	v3 =	vld [tilespmem:s15+$0x40]  }
0x33: {  	v2 =	vld [tilespmem:s15+$0x50]  }
0x34: {  	v1 =	vld [tilespmem:s15+$0x60]  }
0x35: {  	v0 =	vld [tilespmem:s15+$0x70]  }
0x36: {  	v6 =	vld [tilespmem:s15+$0x3400]  }
0x37: {  	v7 =	vld [tilespmem:s15+$0x3410]  }
0x38: {  	v8 =	vld [tilespmem:s15+$0x3420]  }
0x39: {  	v9 =	vld [tilespmem:s15+$0x3430]  }
0x3a: {  	v13 =	vld [tilespmem:s15+$0x3450]  }
0x3b: {  	v12 =	vld [tilespmem:s15+$0x3440];
	v6 =	vadd.f32 v6, v10  }
0x3c: {  	v14 =	vld [tilespmem:s15+$0x3460];
	v7 =	vadd.f32 v7, v11  }
0x3d: {  	v15 =	vld [tilespmem:s15+$0x3470];
	[tilespmem:s15+$0x3400] =	vst v6;
	v6 =	vadd.f32 v8, v5  }
0x3e: {  	[tilespmem:s15+$0x3410] =	vst v7;
	v7 =	vadd.f32 v9, v4  }
0x3f: {  	v16 =	vld [tilespmem:s15+$0x6800];
	v8 =	vadd.f32 v13, v2;
	[tilespmem:s15+$0x3420] =	vst v6  }
0x40: {  	v17 =	vld [tilespmem:s15+$0x6810];
	v6 =	vadd.f32 v12, v3;
	[tilespmem:s15+$0x3430] =	vst v7  }
0x41: {  	v9 =	vadd.f32 v14, v1;
	v7 =	vld [tilespmem:s15+$0x6820];
	[tilespmem:s15+$0x3450] =	vst v8  }
0x42: {  	v12 =	vadd.f32 v15, v0;
	[tilespmem:s15+$0x3440] =	vst v6;
	v6 =	vld [tilespmem:s15+$0x6830]  }
0x43: {  	v8 =	vld [tilespmem:s15+$0x6840];
	[tilespmem:s15+$0x3460] =	vst v9  }
0x44: {  	v9 =	vld [tilespmem:s15+$0x6850];
	[tilespmem:s15+$0x3470] =	vst v12;
	v12 =	vadd.f32 v16, v10  }
0x45: {  	s10 =	simm.s32 $0x200;
	v11 =	vadd.f32 v17, v11;
	v10 =	vld [tilespmem:s15+$0x6860]  }
.LBB2_3:
0x46: {  	s16 =	sshra.s32 s10, $0x2;
	p0 =	sne.s32 s10, $0xC600;
	[tilespmem:s15+$0x6800] =	vst v12;
	v5 =	vadd.f32 v7, v5;
	v7 =	vld [tilespmem:s15+$0x6870]  }
0x47: {  	v12 =	vld [tilespmem:s16+$0x0];
	[tilespmem:s15+$0x6810] =	vst v11;
	v4 =	vadd.f32 v6, v4  }
0x48: {  	v11 =	vld [tilespmem:s16+$0x10];
	[tilespmem:s15+$0x6820] =	vst v5;
	v3 =	vadd.f32 v8, v3  }
0x49: {  	v5 =	vld [tilespmem:s16+$0x20];
	[tilespmem:s15+$0x6830] =	vst v4;
	v2 =	vadd.f32 v9, v2  }
0x4a: {  	v4 =	vld [tilespmem:s16+$0x30];
	[tilespmem:s15+$0x6840] =	vst v3;
	v1 =	vadd.f32 v10, v1  }
0x4b: {  	v3 =	vld [tilespmem:s16+$0x40];
	[tilespmem:s15+$0x6850] =	vst v2;
	v0 =	vadd.f32 v7, v0  }
0x4c: {  	v2 =	vld [tilespmem:s16+$0x50];
	[tilespmem:s15+$0x6860] =	vst v1  }
0x4d: {  	v1 =	vld [tilespmem:s16+$0x60];
	[tilespmem:s15+$0x6870] =	vst v0;
	s15 =	smov.u32 s16  }
0x4e: {  	v0 =	vld [tilespmem:s15+$0x70]  }
0x4f: {  	v6 =	vld [tilespmem:s15+$0x3400]  }
0x50: {  	v7 =	vld [tilespmem:s15+$0x3410]  }
0x51: {  	v8 =	vld [tilespmem:s15+$0x3420]  }
0x52: {  	v9 =	vld [tilespmem:s15+$0x3430]  }
0x53: {  	v10 =	vld [tilespmem:s15+$0x3440]  }
0x54: {  	v6 =	vadd.f32 v6, v12;
	v13 =	vld [tilespmem:s15+$0x3450]  }
0x55: {  	v7 =	vadd.f32 v7, v11;
	v14 =	vld [tilespmem:s15+$0x3460]  }
0x56: {  	[tilespmem:s15+$0x3400] =	vst v6;
	v6 =	vadd.f32 v8, v5;
	v8 =	vld [tilespmem:s15+$0x3470]  }
0x57: {  	[tilespmem:s15+$0x3410] =	vst v7;
	v7 =	vadd.f32 v9, v4;
	v9 =	vld [tilespmem:s15+$0x6800]  }
0x58: {  	[tilespmem:s15+$0x3420] =	vst v6;
	v6 =	vadd.f32 v10, v3;
	v10 =	vld [tilespmem:s15+$0x6810]  }
.Ltmp0:
0x59: {  	[tilespmem:s15+$0x3430] =	vst v7;
	v13 =	vadd.f32 v13, v2;
	v7 =	vld [tilespmem:s15+$0x6820];
	(pc) =	sbr.rel @p0 .LBB2_3-.Ltmp0, $4  }
0x5a: {  	[tilespmem:s15+$0x3440] =	vst v6;
	v14 =	vadd.f32 v14, v1;
	v6 =	vld [tilespmem:s15+$0x6830]  }
0x5b: {  	[tilespmem:s15+$0x3450] =	vst v13;
	v13 =	vadd.f32 v8, v0;
	v8 =	vld [tilespmem:s15+$0x6840]  }
0x5c: {  	[tilespmem:s15+$0x3460] =	vst v14;
	v12 =	vadd.f32 v9, v12;
	v9 =	vld [tilespmem:s15+$0x6850]  }
0x5d: {  	s10 =	sadd.s32 $0x200, s10;
	[tilespmem:s15+$0x3470] =	vst v13;
	v11 =	vadd.f32 v10, v11;
	v10 =	vld [tilespmem:s15+$0x6860]  }
0x5e: {  	[tilespmem:s15+$0x6800] =	vst v12;
	v5 =	vadd.f32 v7, v5;
	v7 =	vld [tilespmem:s15+$0x6870]  }
0x5f: {  	[tilespmem:s15+$0x6810] =	vst v11;
	v4 =	vadd.f32 v6, v4  }
0x60: {  	[tilespmem:s15+$0x6820] =	vst v5;
	v3 =	vadd.f32 v8, v3  }
0x61: {  	s10 =	sshll.u32 s9, $0x3;
	[tilespmem:s15+$0x6830] =	vst v4;
	v2 =	vadd.f32 v9, v2  }
0x62: {  	s16 =	sadd.s32 s4, s10;
	[tilespmem:s15+$0x6840] =	vst v3;
	v1 =	vadd.f32 v10, v1  }
0x63: {  	s16 =	smul.u32 $0x680, s16;
	[tilespmem:s15+$0x6850] =	vst v2;
	v0 =	vadd.f32 v7, v0  }
0x64: {  	[tilespmem:s15+$0x6860] =	vst v1  }
0x65: {  	s17 =	simm.s32 $0x0;
	s16 =	sadd.s32 s6, s16;
	[tilespmem:s15+$0x6870] =	vst v0  }
0x66: {  	[hbm4b:s16+s17] =	stream.linear.scatter [tilespmem:s21], [sflag:$0x5], $0x3200, $0x38;
	[tilespmem:$0x1D400] =	vst v63  }
0x67: {  	s18 =	sadd.s32 s10, s11;
	s15 =	sadd.s32 $0x680, s16  }
0x68: {  	[hbm4b:s15+s17] =	stream.linear.scatter [tilespmem:s23], [sflag:$0x5], $0x3200, $0x38;
	[tilespmem:$0x1D400] =	vst v63  }
0x69: {  	s15 =	smul.u32 $0x680, s18;
	_ =	swait.ge [sflag:s1], $0x6400  }
0x6a: {  	[sflag:s1] =	ssyncset.done $0x0  }
0x6b: {  	s15 =	sadd.s32 s5, s15;
	[sflag:s1] =	ssyncadd.s32 $0xFFFF9C00  }
0x6c: {  	[tilespmem:s21], [sflag:$0x1] =	stream.linear.gather [hbm4b:s15+s17], $0x3200, $0x38;
	[tilespmem:$0x1D400] =	vst v63  }
0x6d: {  	s15 =	sadd.s32 $0x680, s15  }
0x6e: {  	[tilespmem:s23], [sflag:$0x1] =	stream.linear.gather [hbm4b:s15+s17], $0x3200, $0x38;
	[tilespmem:$0x1D400] =	vst v63  }
0x6f: {  	_ =	swait.ge [sflag:s0], $0x6400  }
0x70: {  	[sflag:s0] =	ssyncset.done $0x0  }
0x71: {  	s16 =	simm.s32 $0x0;
	[sflag:s0] =	ssyncadd.s32 $0xFFFF9C00  }
0x72: {  	v10 =	vld [tilespmem:s16+$0x0]  }
0x73: {  	v11 =	vld [tilespmem:s16+$0x10]  }
0x74: {  	v5 =	vld [tilespmem:s16+$0x20]  }
0x75: {  	v4 =	vld [tilespmem:s16+$0x30]  }
0x76: {  	v3 =	vld [tilespmem:s16+$0x40]  }
0x77: {  	v2 =	vld [tilespmem:s16+$0x50]  }
0x78: {  	v1 =	vld [tilespmem:s16+$0x60]  }
0x79: {  	v0 =	vld [tilespmem:s16+$0x70]  }
0x7a: {  	v6 =	vld [tilespmem:s16+$0x9C00]  }
0x7b: {  	v7 =	vld [tilespmem:s16+$0x9C10]  }
0x7c: {  	v8 =	vld [tilespmem:s16+$0x9C20]  }
0x7d: {  	v9 =	vld [tilespmem:s16+$0x9C30]  }
0x7e: {  	v13 =	vld [tilespmem:s16+$0x9C50]  }
0x7f: {  	v12 =	vld [tilespmem:s16+$0x9C40];
	v6 =	vadd.f32 v6, v10  }
0x80: {  	v14 =	vld [tilespmem:s16+$0x9C60];
	v7 =	vadd.f32 v7, v11  }
0x81: {  	v15 =	vld [tilespmem:s16+$0x9C70];
	[tilespmem:s16+$0x9C00] =	vst v6;
	v6 =	vadd.f32 v8, v5  }
0x82: {  	[tilespmem:s16+$0x9C10] =	vst v7;
	v7 =	vadd.f32 v9, v4  }
0x83: {  	v16 =	vld [tilespmem:s16+$0xD000];
	v8 =	vadd.f32 v13, v2;
	[tilespmem:s16+$0x9C20] =	vst v6  }
0x84: {  	v17 =	vld [tilespmem:s16+$0xD010];
	v6 =	vadd.f32 v12, v3;
	[tilespmem:s16+$0x9C30] =	vst v7  }
0x85: {  	v9 =	vadd.f32 v14, v1;
	v7 =	vld [tilespmem:s16+$0xD020];
	[tilespmem:s16+$0x9C50] =	vst v8  }
0x86: {  	v12 =	vadd.f32 v15, v0;
	[tilespmem:s16+$0x9C40] =	vst v6;
	v6 =	vld [tilespmem:s16+$0xD030]  }
0x87: {  	v8 =	vld [tilespmem:s16+$0xD040];
	[tilespmem:s16+$0x9C60] =	vst v9  }
0x88: {  	v9 =	vld [tilespmem:s16+$0xD050];
	[tilespmem:s16+$0x9C70] =	vst v12;
	v12 =	vadd.f32 v16, v10  }
0x89: {  	s15 =	simm.s32 $0x200;
	v11 =	vadd.f32 v17, v11;
	v10 =	vld [tilespmem:s16+$0xD060]  }
.LBB2_5:
0x8a: {  	s17 =	sshra.s32 s15, $0x2;
	p0 =	sne.s32 s15, $0xC600;
	[tilespmem:s16+$0xD000] =	vst v12;
	v5 =	vadd.f32 v7, v5;
	v7 =	vld [tilespmem:s16+$0xD070]  }
0x8b: {  	v12 =	vld [tilespmem:s17+$0x0];
	[tilespmem:s16+$0xD010] =	vst v11;
	v4 =	vadd.f32 v6, v4  }
0x8c: {  	v11 =	vld [tilespmem:s17+$0x10];
	[tilespmem:s16+$0xD020] =	vst v5;
	v3 =	vadd.f32 v8, v3  }
0x8d: {  	v5 =	vld [tilespmem:s17+$0x20];
	[tilespmem:s16+$0xD030] =	vst v4;
	v2 =	vadd.f32 v9, v2  }
0x8e: {  	v4 =	vld [tilespmem:s17+$0x30];
	[tilespmem:s16+$0xD040] =	vst v3;
	v1 =	vadd.f32 v10, v1  }
0x8f: {  	v3 =	vld [tilespmem:s17+$0x40];
	[tilespmem:s16+$0xD050] =	vst v2;
	v0 =	vadd.f32 v7, v0  }
0x90: {  	v2 =	vld [tilespmem:s17+$0x50];
	[tilespmem:s16+$0xD060] =	vst v1  }
0x91: {  	v1 =	vld [tilespmem:s17+$0x60];
	[tilespmem:s16+$0xD070] =	vst v0;
	s16 =	smov.u32 s17  }
0x92: {  	v0 =	vld [tilespmem:s16+$0x70]  }
0x93: {  	v6 =	vld [tilespmem:s16+$0x9C00]  }
0x94: {  	v7 =	vld [tilespmem:s16+$0x9C10]  }
0x95: {  	v8 =	vld [tilespmem:s16+$0x9C20]  }
0x96: {  	v9 =	vld [tilespmem:s16+$0x9C30]  }
0x97: {  	v10 =	vld [tilespmem:s16+$0x9C40]  }
0x98: {  	v6 =	vadd.f32 v6, v12;
	v13 =	vld [tilespmem:s16+$0x9C50]  }
0x99: {  	v7 =	vadd.f32 v7, v11;
	v14 =	vld [tilespmem:s16+$0x9C60]  }
0x9a: {  	[tilespmem:s16+$0x9C00] =	vst v6;
	v6 =	vadd.f32 v8, v5;
	v8 =	vld [tilespmem:s16+$0x9C70]  }
0x9b: {  	[tilespmem:s16+$0x9C10] =	vst v7;
	v7 =	vadd.f32 v9, v4;
	v9 =	vld [tilespmem:s16+$0xD000]  }
0x9c: {  	[tilespmem:s16+$0x9C20] =	vst v6;
	v6 =	vadd.f32 v10, v3;
	v10 =	vld [tilespmem:s16+$0xD010]  }
.Ltmp1:
0x9d: {  	[tilespmem:s16+$0x9C30] =	vst v7;
	v13 =	vadd.f32 v13, v2;
	v7 =	vld [tilespmem:s16+$0xD020];
	(pc) =	sbr.rel @p0 .LBB2_5-.Ltmp1, $4  }
0x9e: {  	[tilespmem:s16+$0x9C40] =	vst v6;
	v14 =	vadd.f32 v14, v1;
	v6 =	vld [tilespmem:s16+$0xD030]  }
0x9f: {  	[tilespmem:s16+$0x9C50] =	vst v13;
	v13 =	vadd.f32 v8, v0;
	v8 =	vld [tilespmem:s16+$0xD040]  }
0xa0: {  	[tilespmem:s16+$0x9C60] =	vst v14;
	v12 =	vadd.f32 v9, v12;
	v9 =	vld [tilespmem:s16+$0xD050]  }
0xa1: {  	s15 =	sadd.s32 $0x200, s15;
	[tilespmem:s16+$0x9C70] =	vst v13;
	v11 =	vadd.f32 v10, v11;
	v10 =	vld [tilespmem:s16+$0xD060]  }
0xa2: {  	[tilespmem:s16+$0xD000] =	vst v12;
	v5 =	vadd.f32 v7, v5;
	v7 =	vld [tilespmem:s16+$0xD070]  }
0xa3: {  	[tilespmem:s16+$0xD010] =	vst v11;
	v4 =	vadd.f32 v6, v4  }
0xa4: {  	[tilespmem:s16+$0xD020] =	vst v5;
	v3 =	vadd.f32 v8, v3  }
0xa5: {  	s15 =	sadd.s32 s10, s4;
	[tilespmem:s16+$0xD030] =	vst v4;
	v2 =	vadd.f32 v9, v2  }
0xa6: {  	s15 =	smul.u32 $0x680, s15;
	[tilespmem:s16+$0xD040] =	vst v3;
	v1 =	vadd.f32 v10, v1  }
0xa7: {  	[tilespmem:s16+$0xD050] =	vst v2;
	v0 =	vadd.f32 v7, v0  }
0xa8: {  	s15 =	sadd.s32 s6, s15;
	[tilespmem:s16+$0xD060] =	vst v1  }
0xa9: {  	s17 =	simm.s32 $0x0;
	s18 =	sadd.s32 $0xD00, s15;
	[tilespmem:s16+$0xD070] =	vst v0  }
0xaa: {  	[hbm4b:s18+s17] =	stream.linear.scatter [tilespmem:s24], [sflag:$0x6], $0x3200, $0x38;
	[tilespmem:$0x1D400] =	vst v63  }
0xab: {  	s18 =	sadd.s32 $0x1380, s15  }
0xac: {  	[hbm4b:s18+s17] =	stream.linear.scatter [tilespmem:s25], [sflag:$0x6], $0x3200, $0x38;
	[tilespmem:$0x1D400] =	vst v63  }
0xad: {  	s18 =	sadd.s32 s10, s12  }
0xae: {  	_ =	swait.ge [sflag:s2], $0x6400;
	s16 =	smul.u32 $0x680, s18  }
0xaf: {  	[sflag:s2] =	ssyncset.done $0x0  }
0xb0: {  	[sflag:s2] =	ssyncadd.s32 $0xFFFF9C00;
	s16 =	sadd.s32 s5, s16  }
0xb1: {  	[tilespmem:s24], [sflag:$0x2] =	stream.linear.gather [hbm4b:s16+s17], $0x3200, $0x38;
	[tilespmem:$0x1D400] =	vst v63  }
0xb2: {  	s16 =	sadd.s32 $0x680, s16  }
0xb3: {  	[tilespmem:s25], [sflag:$0x2] =	stream.linear.gather [hbm4b:s16+s17], $0x3200, $0x38;
	[tilespmem:$0x1D400] =	vst v63  }
0xb4: {  	_ =	swait.ge [sflag:s19], $0x6400  }
0xb5: {  	[sflag:s19] =	ssyncset.done $0x0  }
0xb6: {  	s16 =	simm.s32 $0x0;
	[sflag:s19] =	ssyncadd.s32 $0xFFFF9C00  }
0xb7: {  	v10 =	vld [tilespmem:s16+$0x0]  }
0xb8: {  	v11 =	vld [tilespmem:s16+$0x10]  }
0xb9: {  	v5 =	vld [tilespmem:s16+$0x20]  }
0xba: {  	v4 =	vld [tilespmem:s16+$0x30]  }
0xbb: {  	v3 =	vld [tilespmem:s16+$0x40]  }
0xbc: {  	v2 =	vld [tilespmem:s16+$0x50]  }
0xbd: {  	v1 =	vld [tilespmem:s16+$0x60]  }
0xbe: {  	v0 =	vld [tilespmem:s16+$0x70]  }
0xbf: {  	v6 =	vld [tilespmem:s16+$0x10400]  }
0xc0: {  	v7 =	vld [tilespmem:s16+$0x10410]  }
0xc1: {  	v8 =	vld [tilespmem:s16+$0x10420]  }
0xc2: {  	v9 =	vld [tilespmem:s16+$0x10430]  }
0xc3: {  	v13 =	vld [tilespmem:s16+$0x10450]  }
0xc4: {  	v12 =	vld [tilespmem:s16+$0x10440];
	v6 =	vadd.f32 v6, v10  }
0xc5: {  	v14 =	vld [tilespmem:s16+$0x10460];
	v7 =	vadd.f32 v7, v11  }
0xc6: {  	v15 =	vld [tilespmem:s16+$0x10470];
	[tilespmem:s16+$0x10400] =	vst v6;
	v6 =	vadd.f32 v8, v5  }
0xc7: {  	[tilespmem:s16+$0x10410] =	vst v7;
	v7 =	vadd.f32 v9, v4  }
0xc8: {  	v16 =	vld [tilespmem:s16+$0x13800];
	v8 =	vadd.f32 v13, v2;
	[tilespmem:s16+$0x10420] =	vst v6  }
0xc9: {  	v17 =	vld [tilespmem:s16+$0x13810];
	v6 =	vadd.f32 v12, v3;
	[tilespmem:s16+$0x10430] =	vst v7  }
0xca: {  	v9 =	vadd.f32 v14, v1;
	v7 =	vld [tilespmem:s16+$0x13820];
	[tilespmem:s16+$0x10450] =	vst v8  }
0xcb: {  	v12 =	vadd.f32 v15, v0;
	[tilespmem:s16+$0x10440] =	vst v6;
	v6 =	vld [tilespmem:s16+$0x13830]  }
0xcc: {  	v8 =	vld [tilespmem:s16+$0x13840];
	[tilespmem:s16+$0x10460] =	vst v9  }
0xcd: {  	v9 =	vld [tilespmem:s16+$0x13850];
	[tilespmem:s16+$0x10470] =	vst v12;
	v12 =	vadd.f32 v16, v10  }
0xce: {  	s17 =	simm.s32 $0x200;
	v11 =	vadd.f32 v17, v11;
	v10 =	vld [tilespmem:s16+$0x13860]  }
.LBB2_7:
0xcf: {  	s18 =	sshra.s32 s17, $0x2;
	p0 =	sne.s32 s17, $0xC600;
	[tilespmem:s16+$0x13800] =	vst v12;
	v5 =	vadd.f32 v7, v5;
	v7 =	vld [tilespmem:s16+$0x13870]  }
0xd0: {  	v12 =	vld [tilespmem:s18+$0x0];
	[tilespmem:s16+$0x13810] =	vst v11;
	v4 =	vadd.f32 v6, v4  }
0xd1: {  	v11 =	vld [tilespmem:s18+$0x10];
	[tilespmem:s16+$0x13820] =	vst v5;
	v3 =	vadd.f32 v8, v3  }
0xd2: {  	v5 =	vld [tilespmem:s18+$0x20];
	[tilespmem:s16+$0x13830] =	vst v4;
	v2 =	vadd.f32 v9, v2  }
0xd3: {  	v4 =	vld [tilespmem:s18+$0x30];
	[tilespmem:s16+$0x13840] =	vst v3;
	v1 =	vadd.f32 v10, v1  }
0xd4: {  	v3 =	vld [tilespmem:s18+$0x40];
	[tilespmem:s16+$0x13850] =	vst v2;
	v0 =	vadd.f32 v7, v0  }
0xd5: {  	v2 =	vld [tilespmem:s18+$0x50];
	[tilespmem:s16+$0x13860] =	vst v1  }
0xd6: {  	v1 =	vld [tilespmem:s18+$0x60];
	[tilespmem:s16+$0x13870] =	vst v0;
	s16 =	smov.u32 s18  }
0xd7: {  	v0 =	vld [tilespmem:s16+$0x70]  }
0xd8: {  	v6 =	vld [tilespmem:s16+$0x10400]  }
0xd9: {  	v7 =	vld [tilespmem:s16+$0x10410]  }
0xda: {  	v8 =	vld [tilespmem:s16+$0x10420]  }
0xdb: {  	v9 =	vld [tilespmem:s16+$0x10430]  }
0xdc: {  	v10 =	vld [tilespmem:s16+$0x10440]  }
0xdd: {  	v6 =	vadd.f32 v6, v12;
	v13 =	vld [tilespmem:s16+$0x10450]  }
0xde: {  	v7 =	vadd.f32 v7, v11;
	v14 =	vld [tilespmem:s16+$0x10460]  }
0xdf: {  	[tilespmem:s16+$0x10400] =	vst v6;
	v6 =	vadd.f32 v8, v5;
	v8 =	vld [tilespmem:s16+$0x10470]  }
0xe0: {  	[tilespmem:s16+$0x10410] =	vst v7;
	v7 =	vadd.f32 v9, v4;
	v9 =	vld [tilespmem:s16+$0x13800]  }
0xe1: {  	[tilespmem:s16+$0x10420] =	vst v6;
	v6 =	vadd.f32 v10, v3;
	v10 =	vld [tilespmem:s16+$0x13810]  }
.Ltmp2:
0xe2: {  	[tilespmem:s16+$0x10430] =	vst v7;
	v13 =	vadd.f32 v13, v2;
	v7 =	vld [tilespmem:s16+$0x13820];
	(pc) =	sbr.rel @p0 .LBB2_7-.Ltmp2, $4  }
0xe3: {  	[tilespmem:s16+$0x10440] =	vst v6;
	v14 =	vadd.f32 v14, v1;
	v6 =	vld [tilespmem:s16+$0x13830]  }
0xe4: {  	[tilespmem:s16+$0x10450] =	vst v13;
	v13 =	vadd.f32 v8, v0;
	v8 =	vld [tilespmem:s16+$0x13840]  }
0xe5: {  	[tilespmem:s16+$0x10460] =	vst v14;
	v12 =	vadd.f32 v9, v12;
	v9 =	vld [tilespmem:s16+$0x13850]  }
0xe6: {  	s17 =	sadd.s32 $0x200, s17;
	[tilespmem:s16+$0x10470] =	vst v13;
	v11 =	vadd.f32 v10, v11;
	v10 =	vld [tilespmem:s16+$0x13860]  }
0xe7: {  	[tilespmem:s16+$0x13800] =	vst v12;
	v5 =	vadd.f32 v7, v5;
	v7 =	vld [tilespmem:s16+$0x13870]  }
0xe8: {  	[tilespmem:s16+$0x13810] =	vst v11;
	v4 =	vadd.f32 v6, v4  }
0xe9: {  	[tilespmem:s16+$0x13820] =	vst v5;
	v3 =	vadd.f32 v8, v3  }
0xea: {  	[tilespmem:s16+$0x13830] =	vst v4;
	v2 =	vadd.f32 v9, v2  }
0xeb: {  	[tilespmem:s16+$0x13840] =	vst v3;
	v1 =	vadd.f32 v10, v1  }
0xec: {  	[tilespmem:s16+$0x13850] =	vst v2;
	v0 =	vadd.f32 v7, v0  }
0xed: {  	[tilespmem:s16+$0x13860] =	vst v1  }
0xee: {  	s18 =	sadd.s32 $0x1A00, s15;
	s17 =	simm.s32 $0x0;
	[tilespmem:s16+$0x13870] =	vst v0  }
0xef: {  	[hbm4b:s18+s17] =	stream.linear.scatter [tilespmem:s26], [sflag:$0x7], $0x3200, $0x38;
	[tilespmem:$0x1D400] =	vst v63  }
0xf0: {  	s18 =	sadd.s32 $0x2080, s15  }
0xf1: {  	[hbm4b:s18+s17] =	stream.linear.scatter [tilespmem:s28], [sflag:$0x7], $0x3200, $0x38;
	[tilespmem:$0x1D400] =	vst v63  }
0xf2: {  	s18 =	sadd.s32 s10, s13  }
0xf3: {  	_ =	swait.ge [sflag:s22], $0x6400;
	s16 =	smul.u32 $0x680, s18  }
0xf4: {  	[sflag:s22] =	ssyncset.done $0x0  }
0xf5: {  	[sflag:s22] =	ssyncadd.s32 $0xFFFF9C00;
	s16 =	sadd.s32 s5, s16  }
0xf6: {  	[tilespmem:s26], [sflag:$0x3] =	stream.linear.gather [hbm4b:s16+s17], $0x3200, $0x38;
	[tilespmem:$0x1D400] =	vst v63  }
0xf7: {  	s16 =	sadd.s32 $0x680, s16  }
0xf8: {  	[tilespmem:s28], [sflag:$0x3] =	stream.linear.gather [hbm4b:s16+s17], $0x3200, $0x38;
	[tilespmem:$0x1D400] =	vst v63  }
0xf9: {  	_ =	swait.ge [sflag:s7], $0x6400  }
0xfa: {  	[sflag:s7] =	ssyncset.done $0x0  }
0xfb: {  	s16 =	simm.s32 $0x0;
	[sflag:s7] =	ssyncadd.s32 $0xFFFF9C00  }
0xfc: {  	v10 =	vld [tilespmem:s16+$0x0]  }
0xfd: {  	v11 =	vld [tilespmem:s16+$0x10]  }
0xfe: {  	v5 =	vld [tilespmem:s16+$0x20]  }
0xff: {  	v4 =	vld [tilespmem:s16+$0x30]  }
0x100: {  	v3 =	vld [tilespmem:s16+$0x40]  }
0x101: {  	v2 =	vld [tilespmem:s16+$0x50]  }
0x102: {  	v1 =	vld [tilespmem:s16+$0x60]  }
0x103: {  	v0 =	vld [tilespmem:s16+$0x70]  }
0x104: {  	v6 =	vld [tilespmem:s16+$0x16C00]  }
0x105: {  	v7 =	vld [tilespmem:s16+$0x16C10]  }
0x106: {  	v8 =	vld [tilespmem:s16+$0x16C20]  }
0x107: {  	v9 =	vld [tilespmem:s16+$0x16C30]  }
0x108: {  	v13 =	vld [tilespmem:s16+$0x16C50]  }
0x109: {  	v12 =	vld [tilespmem:s16+$0x16C40];
	v6 =	vadd.f32 v6, v10  }
0x10a: {  	v14 =	vld [tilespmem:s16+$0x16C60];
	v7 =	vadd.f32 v7, v11  }
0x10b: {  	v15 =	vld [tilespmem:s16+$0x16C70];
	[tilespmem:s16+$0x16C00] =	vst v6;
	v6 =	vadd.f32 v8, v5  }
0x10c: {  	[tilespmem:s16+$0x16C10] =	vst v7;
	v7 =	vadd.f32 v9, v4  }
0x10d: {  	v16 =	vld [tilespmem:s16+$0x1A000];
	v8 =	vadd.f32 v13, v2;
	[tilespmem:s16+$0x16C20] =	vst v6  }
0x10e: {  	v17 =	vld [tilespmem:s16+$0x1A010];
	v6 =	vadd.f32 v12, v3;
	[tilespmem:s16+$0x16C30] =	vst v7  }
0x10f: {  	v9 =	vadd.f32 v14, v1;
	v7 =	vld [tilespmem:s16+$0x1A020];
	[tilespmem:s16+$0x16C50] =	vst v8  }
0x110: {  	v12 =	vadd.f32 v15, v0;
	[tilespmem:s16+$0x16C40] =	vst v6;
	v6 =	vld [tilespmem:s16+$0x1A030]  }
0x111: {  	v8 =	vld [tilespmem:s16+$0x1A040];
	[tilespmem:s16+$0x16C60] =	vst v9  }
0x112: {  	v9 =	vld [tilespmem:s16+$0x1A050];
	[tilespmem:s16+$0x16C70] =	vst v12;
	v12 =	vadd.f32 v16, v10  }
0x113: {  	s17 =	simm.s32 $0x200;
	v11 =	vadd.f32 v17, v11;
	v10 =	vld [tilespmem:s16+$0x1A060]  }
.LBB2_9:
0x114: {  	s18 =	sshra.s32 s17, $0x2;
	p0 =	sne.s32 s17, $0xC600;
	[tilespmem:s16+$0x1A000] =	vst v12;
	v5 =	vadd.f32 v7, v5;
	v7 =	vld [tilespmem:s16+$0x1A070]  }
0x115: {  	v12 =	vld [tilespmem:s18+$0x0];
	[tilespmem:s16+$0x1A010] =	vst v11;
	v4 =	vadd.f32 v6, v4  }
0x116: {  	v11 =	vld [tilespmem:s18+$0x10];
	[tilespmem:s16+$0x1A020] =	vst v5;
	v3 =	vadd.f32 v8, v3  }
0x117: {  	v5 =	vld [tilespmem:s18+$0x20];
	[tilespmem:s16+$0x1A030] =	vst v4;
	v2 =	vadd.f32 v9, v2  }
0x118: {  	v4 =	vld [tilespmem:s18+$0x30];
	[tilespmem:s16+$0x1A040] =	vst v3;
	v1 =	vadd.f32 v10, v1  }
0x119: {  	v3 =	vld [tilespmem:s18+$0x40];
	[tilespmem:s16+$0x1A050] =	vst v2;
	v0 =	vadd.f32 v7, v0  }
0x11a: {  	v2 =	vld [tilespmem:s18+$0x50];
	[tilespmem:s16+$0x1A060] =	vst v1  }
0x11b: {  	v1 =	vld [tilespmem:s18+$0x60];
	[tilespmem:s16+$0x1A070] =	vst v0;
	s16 =	smov.u32 s18  }
0x11c: {  	v0 =	vld [tilespmem:s16+$0x70]  }
0x11d: {  	v6 =	vld [tilespmem:s16+$0x16C00]  }
0x11e: {  	v7 =	vld [tilespmem:s16+$0x16C10]  }
0x11f: {  	v8 =	vld [tilespmem:s16+$0x16C20]  }
0x120: {  	v9 =	vld [tilespmem:s16+$0x16C30]  }
0x121: {  	v10 =	vld [tilespmem:s16+$0x16C40]  }
0x122: {  	v6 =	vadd.f32 v6, v12;
	v13 =	vld [tilespmem:s16+$0x16C50]  }
0x123: {  	v7 =	vadd.f32 v7, v11;
	v14 =	vld [tilespmem:s16+$0x16C60]  }
0x124: {  	[tilespmem:s16+$0x16C00] =	vst v6;
	v6 =	vadd.f32 v8, v5;
	v8 =	vld [tilespmem:s16+$0x16C70]  }
0x125: {  	[tilespmem:s16+$0x16C10] =	vst v7;
	v7 =	vadd.f32 v9, v4;
	v9 =	vld [tilespmem:s16+$0x1A000]  }
0x126: {  	[tilespmem:s16+$0x16C20] =	vst v6;
	v6 =	vadd.f32 v10, v3;
	v10 =	vld [tilespmem:s16+$0x1A010]  }
.Ltmp3:
0x127: {  	[tilespmem:s16+$0x16C30] =	vst v7;
	v13 =	vadd.f32 v13, v2;
	v7 =	vld [tilespmem:s16+$0x1A020];
	(pc) =	sbr.rel @p0 .LBB2_9-.Ltmp3, $4  }
0x128: {  	[tilespmem:s16+$0x16C40] =	vst v6;
	v14 =	vadd.f32 v14, v1;
	v6 =	vld [tilespmem:s16+$0x1A030]  }
0x129: {  	[tilespmem:s16+$0x16C50] =	vst v13;
	v13 =	vadd.f32 v8, v0;
	v8 =	vld [tilespmem:s16+$0x1A040]  }
0x12a: {  	[tilespmem:s16+$0x16C60] =	vst v14;
	v12 =	vadd.f32 v9, v12;
	v9 =	vld [tilespmem:s16+$0x1A050]  }
0x12b: {  	s17 =	sadd.s32 $0x200, s17;
	[tilespmem:s16+$0x16C70] =	vst v13;
	v11 =	vadd.f32 v10, v11;
	v10 =	vld [tilespmem:s16+$0x1A060]  }
0x12c: {  	[tilespmem:s16+$0x1A000] =	vst v12;
	v5 =	vadd.f32 v7, v5;
	v63 =	vld [tilespmem:s16+$0x1A070]  }
0x12d: {  	[tilespmem:s16+$0x1A010] =	vst v11;
	v4 =	vadd.f32 v6, v4  }
0x12e: {  	[tilespmem:s16+$0x1A020] =	vst v5;
	v3 =	vadd.f32 v8, v3  }
0x12f: {  	[tilespmem:s16+$0x1A030] =	vst v4;
	v2 =	vadd.f32 v9, v2  }
0x130: {  	[tilespmem:s16+$0x1A040] =	vst v3;
	v1 =	vadd.f32 v10, v1  }
0x131: {  	[tilespmem:s16+$0x1A050] =	vst v2;
	v0 =	vadd.f32 v63, v0  }
0x132: {  	[tilespmem:s16+$0x1A060] =	vst v1  }
0x133: {  	s17 =	sadd.s32 $0x2700, s15;
	[tilespmem:s16+$0x1A070] =	vst v0  }
0x134: {  	[hbm4b:s17+s3] =	stream.linear.scatter [tilespmem:s29], [sflag:$0x8], $0x3200, $0x38;
	[tilespmem:$0x1D400] =	vst v63  }
0x135: {  	s18 =	sadd.s32 $0x2D80, s15;
	s10 =	sadd.s32 s10, s14;
	s9 =	sadd.s32 $0x1, s9  }
0x136: {  	[hbm4b:s18+s3] =	stream.linear.scatter [tilespmem:s30], [sflag:$0x8], $0x3200, $0x38;
	[tilespmem:$0x1D400] =	vst v63  }
0x137: {  	s10 =	smul.u32 $0x680, s10;
	p0 =	sne.s32 s9, $0x3;
	_ =	swait.ge [sflag:s20], $0x6400  }
.Ltmp4:
0x138: {  	[sflag:s20] =	ssyncset.done $0x0;
	(pc) =	sbr.rel @p0 .LBB2_2-.Ltmp4, $4  }
0x139: {  	s10 =	sadd.s32 s5, s10;
	[sflag:s20] =	ssyncadd.s32 $0xFFFF9C00  }
0x13a: {  	[tilespmem:s29], [sflag:$0x4] =	stream.linear.gather [hbm4b:s10+s3], $0x3200, $0x38;
	[tilespmem:$0x1D400] =	vst v63  }
0x13b: {  	s10 =	sadd.s32 $0x680, s10  }
0x13c: {  	[tilespmem:s30], [sflag:$0x4] =	stream.linear.gather [hbm4b:s10+s3], $0x3200, $0x38;
	[tilespmem:$0x1D400] =	vst v63  }
0x13d: {  	_ =	swait.ge [sflag:s31], $0x6400  }
0x13e: {  	[sflag:s31] =	ssyncset.done $0x0  }
0x13f: {  	s9 =	simm.s32 $0x0;
	[sflag:s31] =	ssyncadd.s32 $0xFFFF9C00  }
0x140: {  	v10 =	vld [tilespmem:s9+$0x0]  }
0x141: {  	v11 =	vld [tilespmem:s9+$0x10]  }
0x142: {  	v5 =	vld [tilespmem:s9+$0x20]  }
0x143: {  	v4 =	vld [tilespmem:s9+$0x30]  }
0x144: {  	v3 =	vld [tilespmem:s9+$0x40]  }
0x145: {  	v2 =	vld [tilespmem:s9+$0x50]  }
0x146: {  	v1 =	vld [tilespmem:s9+$0x60]  }
0x147: {  	v0 =	vld [tilespmem:s9+$0x70]  }
0x148: {  	v6 =	vld [tilespmem:s9+$0x3400]  }
0x149: {  	v7 =	vld [tilespmem:s9+$0x3410]  }
0x14a: {  	v8 =	vld [tilespmem:s9+$0x3420]  }
0x14b: {  	v9 =	vld [tilespmem:s9+$0x3430]  }
0x14c: {  	v13 =	vld [tilespmem:s9+$0x3450]  }
0x14d: {  	v12 =	vld [tilespmem:s9+$0x3440];
	v6 =	vadd.f32 v6, v10  }
0x14e: {  	v14 =	vld [tilespmem:s9+$0x3460];
	v7 =	vadd.f32 v7, v11  }
0x14f: {  	v15 =	vld [tilespmem:s9+$0x3470];
	[tilespmem:s9+$0x3400] =	vst v6;
	v6 =	vadd.f32 v8, v5  }
0x150: {  	[tilespmem:s9+$0x3410] =	vst v7;
	v7 =	vadd.f32 v9, v4  }
0x151: {  	v16 =	vld [tilespmem:s9+$0x6800];
	v8 =	vadd.f32 v13, v2;
	[tilespmem:s9+$0x3420] =	vst v6  }
0x152: {  	v17 =	vld [tilespmem:s9+$0x6810];
	v6 =	vadd.f32 v12, v3;
	[tilespmem:s9+$0x3430] =	vst v7  }
0x153: {  	v9 =	vadd.f32 v14, v1;
	v7 =	vld [tilespmem:s9+$0x6820];
	[tilespmem:s9+$0x3450] =	vst v8  }
0x154: {  	v12 =	vadd.f32 v15, v0;
	[tilespmem:s9+$0x3440] =	vst v6;
	v6 =	vld [tilespmem:s9+$0x6830]  }
0x155: {  	v8 =	vld [tilespmem:s9+$0x6840];
	[tilespmem:s9+$0x3460] =	vst v9  }
0x156: {  	v9 =	vld [tilespmem:s9+$0x6850];
	[tilespmem:s9+$0x3470] =	vst v12;
	v12 =	vadd.f32 v16, v10  }
0x157: {  	s10 =	simm.s32 $0x200;
	v11 =	vadd.f32 v17, v11;
	v10 =	vld [tilespmem:s9+$0x6860]  }
.LBB2_12:
0x158: {  	s15 =	sshra.s32 s10, $0x2;
	p0 =	sne.s32 s10, $0xC600;
	[tilespmem:s9+$0x6800] =	vst v12;
	v5 =	vadd.f32 v7, v5;
	v7 =	vld [tilespmem:s9+$0x6870]  }
0x159: {  	v12 =	vld [tilespmem:s15+$0x0];
	[tilespmem:s9+$0x6810] =	vst v11;
	v4 =	vadd.f32 v6, v4  }
0x15a: {  	v11 =	vld [tilespmem:s15+$0x10];
	[tilespmem:s9+$0x6820] =	vst v5;
	v3 =	vadd.f32 v8, v3  }
0x15b: {  	v5 =	vld [tilespmem:s15+$0x20];
	[tilespmem:s9+$0x6830] =	vst v4;
	v2 =	vadd.f32 v9, v2  }
0x15c: {  	v4 =	vld [tilespmem:s15+$0x30];
	[tilespmem:s9+$0x6840] =	vst v3;
	v1 =	vadd.f32 v10, v1  }
0x15d: {  	v3 =	vld [tilespmem:s15+$0x40];
	[tilespmem:s9+$0x6850] =	vst v2;
	v0 =	vadd.f32 v7, v0  }
0x15e: {  	v2 =	vld [tilespmem:s15+$0x50];
	[tilespmem:s9+$0x6860] =	vst v1  }
0x15f: {  	v1 =	vld [tilespmem:s15+$0x60];
	[tilespmem:s9+$0x6870] =	vst v0;
	s9 =	smov.u32 s15  }
0x160: {  	v0 =	vld [tilespmem:s9+$0x70]  }
0x161: {  	v6 =	vld [tilespmem:s9+$0x3400]  }
0x162: {  	v7 =	vld [tilespmem:s9+$0x3410]  }
0x163: {  	v8 =	vld [tilespmem:s9+$0x3420]  }
0x164: {  	v9 =	vld [tilespmem:s9+$0x3430]  }
0x165: {  	v10 =	vld [tilespmem:s9+$0x3440]  }
0x166: {  	v6 =	vadd.f32 v6, v12;
	v13 =	vld [tilespmem:s9+$0x3450]  }
0x167: {  	v7 =	vadd.f32 v7, v11;
	v14 =	vld [tilespmem:s9+$0x3460]  }
0x168: {  	[tilespmem:s9+$0x3400] =	vst v6;
	v6 =	vadd.f32 v8, v5;
	v8 =	vld [tilespmem:s9+$0x3470]  }
0x169: {  	[tilespmem:s9+$0x3410] =	vst v7;
	v7 =	vadd.f32 v9, v4;
	v9 =	vld [tilespmem:s9+$0x6800]  }
0x16a: {  	[tilespmem:s9+$0x3420] =	vst v6;
	v6 =	vadd.f32 v10, v3;
	v10 =	vld [tilespmem:s9+$0x6810]  }
.Ltmp5:
0x16b: {  	[tilespmem:s9+$0x3430] =	vst v7;
	v13 =	vadd.f32 v13, v2;
	v7 =	vld [tilespmem:s9+$0x6820];
	(pc) =	sbr.rel @p0 .LBB2_12-.Ltmp5, $4  }
0x16c: {  	[tilespmem:s9+$0x3440] =	vst v6;
	v14 =	vadd.f32 v14, v1;
	v6 =	vld [tilespmem:s9+$0x6830]  }
0x16d: {  	[tilespmem:s9+$0x3450] =	vst v13;
	v13 =	vadd.f32 v8, v0;
	v8 =	vld [tilespmem:s9+$0x6840]  }
0x16e: {  	[tilespmem:s9+$0x3460] =	vst v14;
	v12 =	vadd.f32 v9, v12;
	v9 =	vld [tilespmem:s9+$0x6850]  }
0x16f: {  	s10 =	sadd.s32 $0x200, s10;
	[tilespmem:s9+$0x3470] =	vst v13;
	v11 =	vadd.f32 v10, v11;
	v10 =	vld [tilespmem:s9+$0x6860]  }
0x170: {  	[tilespmem:s9+$0x6800] =	vst v12;
	v5 =	vadd.f32 v7, v5;
	v7 =	vld [tilespmem:s9+$0x6870]  }
0x171: {  	[tilespmem:s9+$0x6810] =	vst v11;
	v4 =	vadd.f32 v6, v4  }
0x172: {  	[tilespmem:s9+$0x6820] =	vst v5;
	v3 =	vadd.f32 v8, v3  }
0x173: {  	[tilespmem:s9+$0x6830] =	vst v4;
	v2 =	vadd.f32 v9, v2  }
0x174: {  	[tilespmem:s9+$0x6840] =	vst v3;
	v1 =	vadd.f32 v10, v1  }
0x175: {  	[tilespmem:s9+$0x6850] =	vst v2;
	v0 =	vadd.f32 v7, v0  }
0x176: {  	[tilespmem:s9+$0x6860] =	vst v1  }
0x177: {  	s18 =	simm.s32 $0x0;
	s10 =	rddreg [dreg:$0x7];
	[tilespmem:s9+$0x6870] =	vst v0  }
0x178: {  	[hbm4b:s10+s18] =	stream.linear.scatter [tilespmem:s21], [sflag:$0x5], $0x3200, $0x38;
	[tilespmem:$0x1D400] =	vst v63  }
0x179: {  	s10 =	sadd.s32 $0x680, s10  }
0x17a: {  	[hbm4b:s10+s18] =	stream.linear.scatter [tilespmem:s23], [sflag:$0x5], $0x3200, $0x38;
	[tilespmem:$0x1D400] =	vst v63  }
0x17b: {  	_ =	swait.ge [sflag:s1], $0x6400  }
0x17c: {  	[sflag:s1] =	ssyncset.done $0x0  }
0x17d: {  	[sflag:s1] =	ssyncadd.s32 $0xFFFF9C00  }
0x17e: {  	_ =	swait.ge [sflag:s0], $0x6400  }
0x17f: {  	[sflag:s0] =	ssyncset.done $0x0  }
0x180: {  	s9 =	simm.s32 $0x0;
	[sflag:s0] =	ssyncadd.s32 $0xFFFF9C00  }
0x181: {  	v10 =	vld [tilespmem:s9+$0x0]  }
0x182: {  	v11 =	vld [tilespmem:s9+$0x10]  }
0x183: {  	v5 =	vld [tilespmem:s9+$0x20]  }
0x184: {  	v4 =	vld [tilespmem:s9+$0x30]  }
0x185: {  	v3 =	vld [tilespmem:s9+$0x40]  }
0x186: {  	v2 =	vld [tilespmem:s9+$0x50]  }
0x187: {  	v1 =	vld [tilespmem:s9+$0x60]  }
0x188: {  	v0 =	vld [tilespmem:s9+$0x70]  }
0x189: {  	v6 =	vld [tilespmem:s9+$0x9C00]  }
0x18a: {  	v7 =	vld [tilespmem:s9+$0x9C10]  }
0x18b: {  	v8 =	vld [tilespmem:s9+$0x9C20]  }
0x18c: {  	v9 =	vld [tilespmem:s9+$0x9C30]  }
0x18d: {  	v13 =	vld [tilespmem:s9+$0x9C50]  }
0x18e: {  	v12 =	vld [tilespmem:s9+$0x9C40];
	v6 =	vadd.f32 v6, v10  }
0x18f: {  	v14 =	vld [tilespmem:s9+$0x9C60];
	v7 =	vadd.f32 v7, v11  }
0x190: {  	v15 =	vld [tilespmem:s9+$0x9C70];
	[tilespmem:s9+$0x9C00] =	vst v6;
	v6 =	vadd.f32 v8, v5  }
0x191: {  	[tilespmem:s9+$0x9C10] =	vst v7;
	v7 =	vadd.f32 v9, v4  }
0x192: {  	v16 =	vld [tilespmem:s9+$0xD000];
	v8 =	vadd.f32 v13, v2;
	[tilespmem:s9+$0x9C20] =	vst v6  }
0x193: {  	v17 =	vld [tilespmem:s9+$0xD010];
	v6 =	vadd.f32 v12, v3;
	[tilespmem:s9+$0x9C30] =	vst v7  }
0x194: {  	v9 =	vadd.f32 v14, v1;
	v7 =	vld [tilespmem:s9+$0xD020];
	[tilespmem:s9+$0x9C50] =	vst v8  }
0x195: {  	v12 =	vadd.f32 v15, v0;
	[tilespmem:s9+$0x9C40] =	vst v6;
	v6 =	vld [tilespmem:s9+$0xD030]  }
0x196: {  	v8 =	vld [tilespmem:s9+$0xD040];
	[tilespmem:s9+$0x9C60] =	vst v9  }
0x197: {  	v9 =	vld [tilespmem:s9+$0xD050];
	[tilespmem:s9+$0x9C70] =	vst v12;
	v12 =	vadd.f32 v16, v10  }
0x198: {  	s10 =	simm.s32 $0x200;
	v11 =	vadd.f32 v17, v11;
	v10 =	vld [tilespmem:s9+$0xD060]  }
.LBB2_14:
0x199: {  	s15 =	sshra.s32 s10, $0x2;
	p0 =	sne.s32 s10, $0xC600;
	[tilespmem:s9+$0xD000] =	vst v12;
	v5 =	vadd.f32 v7, v5;
	v7 =	vld [tilespmem:s9+$0xD070]  }
0x19a: {  	v12 =	vld [tilespmem:s15+$0x0];
	[tilespmem:s9+$0xD010] =	vst v11;
	v4 =	vadd.f32 v6, v4  }
0x19b: {  	v11 =	vld [tilespmem:s15+$0x10];
	[tilespmem:s9+$0xD020] =	vst v5;
	v3 =	vadd.f32 v8, v3  }
0x19c: {  	v5 =	vld [tilespmem:s15+$0x20];
	[tilespmem:s9+$0xD030] =	vst v4;
	v2 =	vadd.f32 v9, v2  }
0x19d: {  	v4 =	vld [tilespmem:s15+$0x30];
	[tilespmem:s9+$0xD040] =	vst v3;
	v1 =	vadd.f32 v10, v1  }
0x19e: {  	v3 =	vld [tilespmem:s15+$0x40];
	[tilespmem:s9+$0xD050] =	vst v2;
	v0 =	vadd.f32 v7, v0  }
0x19f: {  	v2 =	vld [tilespmem:s15+$0x50];
	[tilespmem:s9+$0xD060] =	vst v1  }
0x1a0: {  	v1 =	vld [tilespmem:s15+$0x60];
	[tilespmem:s9+$0xD070] =	vst v0;
	s9 =	smov.u32 s15  }
0x1a1: {  	v0 =	vld [tilespmem:s9+$0x70]  }
0x1a2: {  	v6 =	vld [tilespmem:s9+$0x9C00]  }
0x1a3: {  	v7 =	vld [tilespmem:s9+$0x9C10]  }
0x1a4: {  	v8 =	vld [tilespmem:s9+$0x9C20]  }
0x1a5: {  	v9 =	vld [tilespmem:s9+$0x9C30]  }
0x1a6: {  	v10 =	vld [tilespmem:s9+$0x9C40]  }
0x1a7: {  	v6 =	vadd.f32 v6, v12;
	v13 =	vld [tilespmem:s9+$0x9C50]  }
0x1a8: {  	v7 =	vadd.f32 v7, v11;
	v14 =	vld [tilespmem:s9+$0x9C60]  }
0x1a9: {  	[tilespmem:s9+$0x9C00] =	vst v6;
	v6 =	vadd.f32 v8, v5;
	v8 =	vld [tilespmem:s9+$0x9C70]  }
0x1aa: {  	[tilespmem:s9+$0x9C10] =	vst v7;
	v7 =	vadd.f32 v9, v4;
	v9 =	vld [tilespmem:s9+$0xD000]  }
0x1ab: {  	[tilespmem:s9+$0x9C20] =	vst v6;
	v6 =	vadd.f32 v10, v3;
	v10 =	vld [tilespmem:s9+$0xD010]  }
.Ltmp6:
0x1ac: {  	[tilespmem:s9+$0x9C30] =	vst v7;
	v13 =	vadd.f32 v13, v2;
	v7 =	vld [tilespmem:s9+$0xD020];
	(pc) =	sbr.rel @p0 .LBB2_14-.Ltmp6, $4  }
0x1ad: {  	[tilespmem:s9+$0x9C40] =	vst v6;
	v14 =	vadd.f32 v14, v1;
	v6 =	vld [tilespmem:s9+$0xD030]  }
0x1ae: {  	[tilespmem:s9+$0x9C50] =	vst v13;
	v13 =	vadd.f32 v8, v0;
	v8 =	vld [tilespmem:s9+$0xD040]  }
0x1af: {  	[tilespmem:s9+$0x9C60] =	vst v14;
	v12 =	vadd.f32 v9, v12;
	v9 =	vld [tilespmem:s9+$0xD050]  }
0x1b0: {  	s10 =	sadd.s32 $0x200, s10;
	[tilespmem:s9+$0x9C70] =	vst v13;
	v11 =	vadd.f32 v10, v11;
	v10 =	vld [tilespmem:s9+$0xD060]  }
0x1b1: {  	[tilespmem:s9+$0xD000] =	vst v12;
	v5 =	vadd.f32 v7, v5;
	v7 =	vld [tilespmem:s9+$0xD070]  }
0x1b2: {  	[tilespmem:s9+$0xD010] =	vst v11;
	v4 =	vadd.f32 v6, v4  }
0x1b3: {  	[tilespmem:s9+$0xD020] =	vst v5;
	v3 =	vadd.f32 v8, v3  }
0x1b4: {  	[tilespmem:s9+$0xD030] =	vst v4;
	v2 =	vadd.f32 v9, v2  }
0x1b5: {  	[tilespmem:s9+$0xD040] =	vst v3;
	v1 =	vadd.f32 v10, v1  }
0x1b6: {  	[tilespmem:s9+$0xD050] =	vst v2;
	v0 =	vadd.f32 v7, v0  }
0x1b7: {  	[tilespmem:s9+$0xD060] =	vst v1  }
0x1b8: {  	s18 =	simm.s32 $0x0;
	s10 =	rddreg [dreg:$0x8];
	[tilespmem:s9+$0xD070] =	vst v0  }
0x1b9: {  	[hbm4b:s10+s18] =	stream.linear.scatter [tilespmem:s24], [sflag:$0x6], $0x3200, $0x38;
	[tilespmem:$0x1D400] =	vst v63  }
0x1ba: {  	s10 =	sadd.s32 $0x680, s10  }
0x1bb: {  	[hbm4b:s10+s18] =	stream.linear.scatter [tilespmem:s25], [sflag:$0x6], $0x3200, $0x38;
	[tilespmem:$0x1D400] =	vst v63  }
0x1bc: {  	_ =	swait.ge [sflag:s2], $0x6400  }
0x1bd: {  	[sflag:s2] =	ssyncset.done $0x0  }
0x1be: {  	[sflag:s2] =	ssyncadd.s32 $0xFFFF9C00  }
0x1bf: {  	_ =	swait.ge [sflag:s19], $0x6400  }
0x1c0: {  	[sflag:s19] =	ssyncset.done $0x0  }
0x1c1: {  	s9 =	simm.s32 $0x0;
	[sflag:s19] =	ssyncadd.s32 $0xFFFF9C00  }
0x1c2: {  	v10 =	vld [tilespmem:s9+$0x0]  }
0x1c3: {  	v11 =	vld [tilespmem:s9+$0x10]  }
0x1c4: {  	v5 =	vld [tilespmem:s9+$0x20]  }
0x1c5: {  	v4 =	vld [tilespmem:s9+$0x30]  }
0x1c6: {  	v3 =	vld [tilespmem:s9+$0x40]  }
0x1c7: {  	v2 =	vld [tilespmem:s9+$0x50]  }
0x1c8: {  	v1 =	vld [tilespmem:s9+$0x60]  }
0x1c9: {  	v0 =	vld [tilespmem:s9+$0x70]  }
0x1ca: {  	v6 =	vld [tilespmem:s9+$0x10400]  }
0x1cb: {  	v7 =	vld [tilespmem:s9+$0x10410]  }
0x1cc: {  	v8 =	vld [tilespmem:s9+$0x10420]  }
0x1cd: {  	v9 =	vld [tilespmem:s9+$0x10430]  }
0x1ce: {  	v13 =	vld [tilespmem:s9+$0x10450]  }
0x1cf: {  	v12 =	vld [tilespmem:s9+$0x10440];
	v6 =	vadd.f32 v6, v10  }
0x1d0: {  	v14 =	vld [tilespmem:s9+$0x10460];
	v7 =	vadd.f32 v7, v11  }
0x1d1: {  	v15 =	vld [tilespmem:s9+$0x10470];
	[tilespmem:s9+$0x10400] =	vst v6;
	v6 =	vadd.f32 v8, v5  }
0x1d2: {  	[tilespmem:s9+$0x10410] =	vst v7;
	v7 =	vadd.f32 v9, v4  }
0x1d3: {  	v16 =	vld [tilespmem:s9+$0x13800];
	v8 =	vadd.f32 v13, v2;
	[tilespmem:s9+$0x10420] =	vst v6  }
0x1d4: {  	v17 =	vld [tilespmem:s9+$0x13810];
	v6 =	vadd.f32 v12, v3;
	[tilespmem:s9+$0x10430] =	vst v7  }
0x1d5: {  	v9 =	vadd.f32 v14, v1;
	v7 =	vld [tilespmem:s9+$0x13820];
	[tilespmem:s9+$0x10450] =	vst v8  }
0x1d6: {  	v12 =	vadd.f32 v15, v0;
	[tilespmem:s9+$0x10440] =	vst v6;
	v6 =	vld [tilespmem:s9+$0x13830]  }
0x1d7: {  	v8 =	vld [tilespmem:s9+$0x13840];
	[tilespmem:s9+$0x10460] =	vst v9  }
0x1d8: {  	v9 =	vld [tilespmem:s9+$0x13850];
	[tilespmem:s9+$0x10470] =	vst v12;
	v12 =	vadd.f32 v16, v10  }
0x1d9: {  	s10 =	simm.s32 $0x200;
	v11 =	vadd.f32 v17, v11;
	v10 =	vld [tilespmem:s9+$0x13860]  }
.LBB2_16:
0x1da: {  	s15 =	sshra.s32 s10, $0x2;
	p0 =	sne.s32 s10, $0xC600;
	[tilespmem:s9+$0x13800] =	vst v12;
	v5 =	vadd.f32 v7, v5;
	v7 =	vld [tilespmem:s9+$0x13870]  }
0x1db: {  	v12 =	vld [tilespmem:s15+$0x0];
	[tilespmem:s9+$0x13810] =	vst v11;
	v4 =	vadd.f32 v6, v4  }
0x1dc: {  	v11 =	vld [tilespmem:s15+$0x10];
	[tilespmem:s9+$0x13820] =	vst v5;
	v3 =	vadd.f32 v8, v3  }
0x1dd: {  	v5 =	vld [tilespmem:s15+$0x20];
	[tilespmem:s9+$0x13830] =	vst v4;
	v2 =	vadd.f32 v9, v2  }
0x1de: {  	v4 =	vld [tilespmem:s15+$0x30];
	[tilespmem:s9+$0x13840] =	vst v3;
	v1 =	vadd.f32 v10, v1  }
0x1df: {  	v3 =	vld [tilespmem:s15+$0x40];
	[tilespmem:s9+$0x13850] =	vst v2;
	v0 =	vadd.f32 v7, v0  }
0x1e0: {  	v2 =	vld [tilespmem:s15+$0x50];
	[tilespmem:s9+$0x13860] =	vst v1  }
0x1e1: {  	v1 =	vld [tilespmem:s15+$0x60];
	[tilespmem:s9+$0x13870] =	vst v0;
	s9 =	smov.u32 s15  }
0x1e2: {  	v0 =	vld [tilespmem:s9+$0x70]  }
0x1e3: {  	v6 =	vld [tilespmem:s9+$0x10400]  }
0x1e4: {  	v7 =	vld [tilespmem:s9+$0x10410]  }
0x1e5: {  	v8 =	vld [tilespmem:s9+$0x10420]  }
0x1e6: {  	v9 =	vld [tilespmem:s9+$0x10430]  }
0x1e7: {  	v10 =	vld [tilespmem:s9+$0x10440]  }
0x1e8: {  	v6 =	vadd.f32 v6, v12;
	v13 =	vld [tilespmem:s9+$0x10450]  }
0x1e9: {  	v7 =	vadd.f32 v7, v11;
	v14 =	vld [tilespmem:s9+$0x10460]  }
0x1ea: {  	[tilespmem:s9+$0x10400] =	vst v6;
	v6 =	vadd.f32 v8, v5;
	v8 =	vld [tilespmem:s9+$0x10470]  }
0x1eb: {  	[tilespmem:s9+$0x10410] =	vst v7;
	v7 =	vadd.f32 v9, v4;
	v9 =	vld [tilespmem:s9+$0x13800]  }
0x1ec: {  	[tilespmem:s9+$0x10420] =	vst v6;
	v6 =	vadd.f32 v10, v3;
	v10 =	vld [tilespmem:s9+$0x13810]  }
.Ltmp7:
0x1ed: {  	[tilespmem:s9+$0x10430] =	vst v7;
	v13 =	vadd.f32 v13, v2;
	v7 =	vld [tilespmem:s9+$0x13820];
	(pc) =	sbr.rel @p0 .LBB2_16-.Ltmp7, $4  }
0x1ee: {  	[tilespmem:s9+$0x10440] =	vst v6;
	v14 =	vadd.f32 v14, v1;
	v6 =	vld [tilespmem:s9+$0x13830]  }
0x1ef: {  	[tilespmem:s9+$0x10450] =	vst v13;
	v13 =	vadd.f32 v8, v0;
	v8 =	vld [tilespmem:s9+$0x13840]  }
0x1f0: {  	[tilespmem:s9+$0x10460] =	vst v14;
	v12 =	vadd.f32 v9, v12;
	v9 =	vld [tilespmem:s9+$0x13850]  }
0x1f1: {  	s10 =	sadd.s32 $0x200, s10;
	[tilespmem:s9+$0x10470] =	vst v13;
	v11 =	vadd.f32 v10, v11;
	v10 =	vld [tilespmem:s9+$0x13860]  }
0x1f2: {  	[tilespmem:s9+$0x13800] =	vst v12;
	v5 =	vadd.f32 v7, v5;
	v7 =	vld [tilespmem:s9+$0x13870]  }
0x1f3: {  	[tilespmem:s9+$0x13810] =	vst v11;
	v4 =	vadd.f32 v6, v4  }
0x1f4: {  	[tilespmem:s9+$0x13820] =	vst v5;
	v3 =	vadd.f32 v8, v3  }
0x1f5: {  	[tilespmem:s9+$0x13830] =	vst v4;
	v2 =	vadd.f32 v9, v2  }
0x1f6: {  	[tilespmem:s9+$0x13840] =	vst v3;
	v1 =	vadd.f32 v10, v1  }
0x1f7: {  	[tilespmem:s9+$0x13850] =	vst v2;
	v0 =	vadd.f32 v7, v0  }
0x1f8: {  	[tilespmem:s9+$0x13860] =	vst v1  }
0x1f9: {  	s18 =	simm.s32 $0x0;
	s10 =	rddreg [dreg:$0x9];
	[tilespmem:s9+$0x13870] =	vst v0  }
0x1fa: {  	[hbm4b:s10+s18] =	stream.linear.scatter [tilespmem:s26], [sflag:$0x7], $0x3200, $0x38;
	[tilespmem:$0x1D400] =	vst v63  }
0x1fb: {  	s10 =	sadd.s32 $0x680, s10  }
0x1fc: {  	[hbm4b:s10+s18] =	stream.linear.scatter [tilespmem:s28], [sflag:$0x7], $0x3200, $0x38;
	[tilespmem:$0x1D400] =	vst v63  }
0x1fd: {  	_ =	swait.ge [sflag:s22], $0x6400  }
0x1fe: {  	[sflag:s22] =	ssyncset.done $0x0  }
0x1ff: {  	[sflag:s22] =	ssyncadd.s32 $0xFFFF9C00  }
0x200: {  	_ =	swait.ge [sflag:s7], $0x6400  }
0x201: {  	[sflag:s7] =	ssyncset.done $0x0  }
0x202: {  	s9 =	simm.s32 $0x0;
	[sflag:s7] =	ssyncadd.s32 $0xFFFF9C00  }
0x203: {  	v10 =	vld [tilespmem:s9+$0x0]  }
0x204: {  	v11 =	vld [tilespmem:s9+$0x10]  }
0x205: {  	v5 =	vld [tilespmem:s9+$0x20]  }
0x206: {  	v4 =	vld [tilespmem:s9+$0x30]  }
0x207: {  	v3 =	vld [tilespmem:s9+$0x40]  }
0x208: {  	v2 =	vld [tilespmem:s9+$0x50]  }
0x209: {  	v1 =	vld [tilespmem:s9+$0x60]  }
0x20a: {  	v0 =	vld [tilespmem:s9+$0x70]  }
0x20b: {  	v6 =	vld [tilespmem:s9+$0x16C00]  }
0x20c: {  	v7 =	vld [tilespmem:s9+$0x16C10]  }
0x20d: {  	v8 =	vld [tilespmem:s9+$0x16C20]  }
0x20e: {  	v9 =	vld [tilespmem:s9+$0x16C30]  }
0x20f: {  	v13 =	vld [tilespmem:s9+$0x16C50]  }
0x210: {  	v12 =	vld [tilespmem:s9+$0x16C40];
	v6 =	vadd.f32 v6, v10  }
0x211: {  	v14 =	vld [tilespmem:s9+$0x16C60];
	v7 =	vadd.f32 v7, v11  }
0x212: {  	v15 =	vld [tilespmem:s9+$0x16C70];
	[tilespmem:s9+$0x16C00] =	vst v6;
	v6 =	vadd.f32 v8, v5  }
0x213: {  	[tilespmem:s9+$0x16C10] =	vst v7;
	v7 =	vadd.f32 v9, v4  }
0x214: {  	v16 =	vld [tilespmem:s9+$0x1A000];
	v8 =	vadd.f32 v13, v2;
	[tilespmem:s9+$0x16C20] =	vst v6  }
0x215: {  	v17 =	vld [tilespmem:s9+$0x1A010];
	v6 =	vadd.f32 v12, v3;
	[tilespmem:s9+$0x16C30] =	vst v7  }
0x216: {  	v9 =	vadd.f32 v14, v1;
	v7 =	vld [tilespmem:s9+$0x1A020];
	[tilespmem:s9+$0x16C50] =	vst v8  }
0x217: {  	v12 =	vadd.f32 v15, v0;
	[tilespmem:s9+$0x16C40] =	vst v6;
	v6 =	vld [tilespmem:s9+$0x1A030]  }
0x218: {  	v8 =	vld [tilespmem:s9+$0x1A040];
	[tilespmem:s9+$0x16C60] =	vst v9  }
0x219: {  	v9 =	vld [tilespmem:s9+$0x1A050];
	[tilespmem:s9+$0x16C70] =	vst v12;
	v12 =	vadd.f32 v16, v10  }
0x21a: {  	s10 =	simm.s32 $0x200;
	v11 =	vadd.f32 v17, v11;
	v10 =	vld [tilespmem:s9+$0x1A060]  }
.LBB2_18:
0x21b: {  	s15 =	sshra.s32 s10, $0x2;
	p0 =	sne.s32 s10, $0xC600;
	[tilespmem:s9+$0x1A000] =	vst v12;
	v5 =	vadd.f32 v7, v5;
	v7 =	vld [tilespmem:s9+$0x1A070]  }
0x21c: {  	v12 =	vld [tilespmem:s15+$0x0];
	[tilespmem:s9+$0x1A010] =	vst v11;
	v4 =	vadd.f32 v6, v4  }
0x21d: {  	v11 =	vld [tilespmem:s15+$0x10];
	[tilespmem:s9+$0x1A020] =	vst v5;
	v3 =	vadd.f32 v8, v3  }
0x21e: {  	v5 =	vld [tilespmem:s15+$0x20];
	[tilespmem:s9+$0x1A030] =	vst v4;
	v2 =	vadd.f32 v9, v2  }
0x21f: {  	v4 =	vld [tilespmem:s15+$0x30];
	[tilespmem:s9+$0x1A040] =	vst v3;
	v1 =	vadd.f32 v10, v1  }
0x220: {  	v3 =	vld [tilespmem:s15+$0x40];
	[tilespmem:s9+$0x1A050] =	vst v2;
	v0 =	vadd.f32 v7, v0  }
0x221: {  	v2 =	vld [tilespmem:s15+$0x50];
	[tilespmem:s9+$0x1A060] =	vst v1  }
0x222: {  	v1 =	vld [tilespmem:s15+$0x60];
	[tilespmem:s9+$0x1A070] =	vst v0;
	s9 =	smov.u32 s15  }
0x223: {  	v0 =	vld [tilespmem:s9+$0x70]  }
0x224: {  	v6 =	vld [tilespmem:s9+$0x16C00]  }
0x225: {  	v7 =	vld [tilespmem:s9+$0x16C10]  }
0x226: {  	v8 =	vld [tilespmem:s9+$0x16C20]  }
0x227: {  	v9 =	vld [tilespmem:s9+$0x16C30]  }
0x228: {  	v10 =	vld [tilespmem:s9+$0x16C40]  }
0x229: {  	v6 =	vadd.f32 v6, v12;
	v13 =	vld [tilespmem:s9+$0x16C50]  }
0x22a: {  	v7 =	vadd.f32 v7, v11;
	v14 =	vld [tilespmem:s9+$0x16C60]  }
0x22b: {  	[tilespmem:s9+$0x16C00] =	vst v6;
	v6 =	vadd.f32 v8, v5;
	v8 =	vld [tilespmem:s9+$0x16C70]  }
0x22c: {  	[tilespmem:s9+$0x16C10] =	vst v7;
	v7 =	vadd.f32 v9, v4;
	v9 =	vld [tilespmem:s9+$0x1A000]  }
0x22d: {  	[tilespmem:s9+$0x16C20] =	vst v6;
	v6 =	vadd.f32 v10, v3;
	v10 =	vld [tilespmem:s9+$0x1A010]  }
.Ltmp8:
0x22e: {  	[tilespmem:s9+$0x16C30] =	vst v7;
	v13 =	vadd.f32 v13, v2;
	v7 =	vld [tilespmem:s9+$0x1A020];
	(pc) =	sbr.rel @p0 .LBB2_18-.Ltmp8, $4  }
0x22f: {  	[tilespmem:s9+$0x16C40] =	vst v6;
	v14 =	vadd.f32 v14, v1;
	v6 =	vld [tilespmem:s9+$0x1A030]  }
0x230: {  	[tilespmem:s9+$0x16C50] =	vst v13;
	v13 =	vadd.f32 v8, v0;
	v8 =	vld [tilespmem:s9+$0x1A040]  }
0x231: {  	[tilespmem:s9+$0x16C60] =	vst v14;
	v12 =	vadd.f32 v9, v12;
	v9 =	vld [tilespmem:s9+$0x1A050]  }
0x232: {  	s10 =	sadd.s32 $0x200, s10;
	[tilespmem:s9+$0x16C70] =	vst v13;
	v11 =	vadd.f32 v10, v11;
	v10 =	vld [tilespmem:s9+$0x1A060]  }
0x233: {  	[tilespmem:s9+$0x1A000] =	vst v12;
	v5 =	vadd.f32 v7, v5;
	v63 =	vld [tilespmem:s9+$0x1A070]  }
0x234: {  	[tilespmem:s9+$0x1A010] =	vst v11;
	v4 =	vadd.f32 v6, v4  }
0x235: {  	[tilespmem:s9+$0x1A020] =	vst v5;
	v3 =	vadd.f32 v8, v3  }
0x236: {  	[tilespmem:s9+$0x1A030] =	vst v4;
	v2 =	vadd.f32 v9, v2  }
0x237: {  	[tilespmem:s9+$0x1A040] =	vst v3;
	v1 =	vadd.f32 v10, v1  }
0x238: {  	[tilespmem:s9+$0x1A050] =	vst v2;
	v0 =	vadd.f32 v63, v0  }
0x239: {  	[tilespmem:s9+$0x1A060] =	vst v1  }
0x23a: {  	s17 =	rddreg [dreg:$0xa];
	[tilespmem:s9+$0x1A070] =	vst v0  }
0x23b: {  	[hbm4b:s17+s3] =	stream.linear.scatter [tilespmem:s29], [sflag:$0x8], $0x3200, $0x38;
	[tilespmem:$0x1D400] =	vst v63  }
0x23c: {  	s9 =	sadd.s32 $0x680, s17  }
0x23d: {  	[hbm4b:s9+s3] =	stream.linear.scatter [tilespmem:s30], [sflag:$0x8], $0x3200, $0x38;
	[tilespmem:$0x1D400] =	vst v63  }
0x23e: {  	_ =	swait.ge [sflag:s20], $0x6400  }
0x23f: {  	s8 =	sadd.s32 $0x1, s8;
	s18 =	rddreg [dreg:$0xb]  }
0x240: {  	p0 =	sne.s32 s8, s18  }
.Ltmp9:
0x241: {  	_ = 	snop;
	(pc) =	sbr.rel @p0 .LBB2_1-.Ltmp9, $3  }
0x242: {  	_ =	sdelay $0x1  }
0x243: {  	[sflag:s20] =	ssyncset.done $0x0  }
0x244: {  	[sflag:s20] =	ssyncadd.s32 $0xFFFF9C00  }
0x245: {  	_ =	sfence.sel $0x180000  }
0x246: {  	[bflag:$0x0] =	sbarrier.arrive $0xFFFF  }
0x247: {  	_ =	strace $0x90000047  }
0x248: {  	s0 =	stileid.u32;
	[bflag:$0x2] =	sbarrier.arrive $0xFFFF  }
0x249: {  	p0 =	sne.s32 s0, $0x0;
	s0 =	rddreg [dreg:$0x2]  }
0x24a: {  	s0 =	sadd.s32 @!p0 $0x100000, s0  }
0x24b: {  	[sflag:s0] =	ssyncadd.tile.s32 @!p0 $0x1;
	_ =	shalt  }
.Lfunc_end2:
_tile_overlayer_lowered:
.L_overlay_start_2:
0x24c: {  	(tag) =	ssettag $0x2  }
0x24d: {  	s0 =	rddreg [dreg:$0x0];
	s2 =	stileid.u32  }
0x24e: {  	s1 =	rddreg [dreg:$0x1];
	p0 =	sne.s32 s2, $0x0  }
0x24f: {  	s3 =	rddreg [dreg:$0x2];
	[bflag:$0x3] =	sbarrier.arrive $0xFFFF;
	s2 =	simm.s32 @!p0 $0x1C09  }
0x250: {  	[timem:s3], [sflag:s2] =	dma.local @!p0 [hbm:s0], s1  }
0x251: {  	s0 =	simm.s32 @!p0 $0x9  }
0x252: {  	_ =	swait.ge @!p0 [sflag:s0], s1  }
0x253: {  	s1 =	ssub.s32 @!p0 $0x0, s1;
	[sflag:s0] =	ssyncset.done @!p0 $0x0  }
0x254: {  	[sflag:s0] =	ssyncadd.s32 @!p0 s1  }
0x255: {  	[bflag:$0x3] =	sbarrier.arrive $0xFFFF  }
0x256: {  	_ =	shalt  }

// kernel: sparse-core-data-format-call.cloned.1.call-start
scs
called_computation_lowered:
.L_overlay_start_0:
0x0: {  	s2 =	sld [smem:$0x3FD9]  }
0x1: {  	s3 =	sld [smem:$0x3FFE];
	_ =	sdelay $0x1  }
0x2: {  	s1 =	srdreg.scid  }
0x3: {  	s0 =	sand.u32 $0x1, s1  }
0x4: {  	s18 =	sshll.u32 s0, $0xA;
	s2 =	sadd.s32 s3, s2  }
0x5: {  	s2 =	sadd.s32 s2, s18  }
0x6: {  	[smem:$0x3FC6] =	sst s2  }
0x7: {  	_ = 	snop  }
0x8: {  	s2 =	sld [smem:$0x3FD0];
	(tm) =	ssettm $0x1  }
0x9: {  	s19 =	sld [smem:$0x3FFB];
	_ =	sdelay $0x3  }
0xa: {  	_ =	strace s19  }
0xb: {  	s3 =	sld [smem:$0x3FFC];
	_ =	sdelay $0x3  }
0xc: {  	_ =	strace s3  }
0xd: {  	s3 =	sld [smem:$0x3FFD];
	_ =	sdelay $0x3  }
0xe: {  	_ =	strace s3  }
0xf: {  	_ =	strace $0x8FFFFFFF  }
0x10: {  	s20 =	sld [smem:$0x3FDB];
	_ =	sdelay $0x1  }
0x11: {  	s4 =	simm.s32 $_scs_section_size  }
0x12: {  	s5 =	simm.s32 $_size__tile_overlayer_lowered;
	s6 =	simm.s32 $_tile_overlayer_lowered  }
0x13: {  	s23 =	simm.s32 $0x1BFF;
	s22 =	sshll.u32 s6, $0x1;
	s3 =	sadd.s32 s4, s20  }
0x14: {  	s7 =	simm.s32 $0x0;
	s21 =	sshll.u32 s5, $0x1;
	s5 =	sadd.s32 s22, s3  }
0x15: {  	[timem:s7], [sflag:s23] =	dma.local [hbm:s5], s21  }
0x16: {  	_ =	swait.ge [sflag:s23], s21  }
0x17: {  	s4 =	ssub.s32 $0x0, s21;
	[sflag:s23] =	ssyncset.done $0x0  }
0x18: {  	[sflag:s23] =	ssyncadd.s32 s4;
	_ =	sdelay $0x1  }
0x19: {  	s24 =	simm.s32 $0x1B8B  }
0x1a: {  	_ =	swait.ge [sflag:s24], $0x1  }
0x1b: {  	[sflag:s24] =	ssyncset.done $0x0  }
0x1c: {  	s26 =	simm.s32 $0x1B8E;
	s25 =	sld [smem:$0x3FFE];
	[sflag:s24] =	ssyncadd.s32 $0xFFFFFFFF  }
0x1d: {  	s27 =	simm.s32 $execute0_lowered;
	[smem:$0x3FD2] =	sst s26  }
0x1e: {  	s5 =	sshll.u32 s27, $0x1;
	_ =	strace $0x80000049;
	[dreg:$0x1] =	wrdreg $0xFFFFFFFF  }
0x1f: {  	s28 =	simm.s32 $_size_execute0_lowered;
	s3 =	sadd.s32 s3, s5;
	[dreg:$0x0] =	wrdreg $0x0  }
0x20: {  	s5 =	sshll.u32 s28, $0x1;
	[dreg:$0x2] =	wrdreg s3  }
0x21: {  	[dreg:$0x3] =	wrdreg s5  }
0x22: {  	[dreg:$0x4] =	wrdreg $0xC0  }
0x23: {  	_ =	task [dreg:s7], $0x5FFFF  }
0x24: {  	[dreg:$0x1] =	wrdreg $0xFFFFFFFF  }
0x25: {  	[dreg:$0x0] =	wrdreg $0x60  }
0x26: {  	[dreg:$0x2] =	wrdreg s25  }
0x27: {  	[dreg:$0x3] =	wrdreg s2  }
0x28: {  	[dreg:$0x4] =	wrdreg $0x9  }
0x29: {  	_ =	task.clear_ibuf [dreg:s7], $0x5FFFF;
	_ =	strace $0x90000049  }
0x2a: {  	s29 =	simm.s32 $0x9;
	_ =	strace $0x8000004B  }
0x2b: {  	_ =	swait.ge [sflag:s29], $0x1  }
0x2c: {  	[sflag:s29] =	ssyncadd.s32 $0xFFFFFFFF  }
0x2d: {  	_ =	strace $0x9000004B  }
0x2e: {  	_ =	sfence  }
0x2f: {  	s30 =	sld [smem:$0x0];
	_ =	sdelay $0x2  }
0x30: {  	s31 =	sshll.u32 s1, $0xD;
	s1 =	sshrl.u32 s1, $0x2  }
0x31: {  	s3 =	sand.u32 $0x4000, s31;
	s1 =	sadd.s32 s1, s30  }
0x32: {  	s0 =	sor.u32 s3, s0;
	s1 =	sshll.u32 s1, $0x11  }
0x33: {  	s0 =	sor.u32 s1, s0  }
0x34: {  	s0 =	sadd.s32 $0x8F2B, s0  }
0x35: {  	[sflag:s0] =	ssyncadd.remote.s32 $0x1  }
0x36: {  	_ =	sfence.sel $0xFFFF  }
0x37: {  	[dreg:$0x0] =	wrdreg $0xFFFFFFFF;
	(pc) =	sbr.abs _section_cstart, $3  }
0x38: {  	[dreg:$0x1] =	wrdreg $0xFFFFFFFF  }
0x39: {  	_ =	task.clear_ibuf [dreg:s7], $0x2FFFF;
	_ =	strace $0x9FFFFFFF  }
0x3a: {  	(tm) =	ssettm $0x7FFFFFFF  }
0x3b: {  	_ =	shalt  }
tec
execute0_lowered:
.L_overlay_start_1:
0x0: {  	(tag) =	ssettag $0x1  }
0x1: {  	s0 =	srdreg.scid  }
0x2: {  	s1 =	sshll.u32 s0, $0x4  }
0x3: {  	s0 =	stileid.u32;
	s1 =	sand.u32 $0x10, s1  }
0x4: {  	s6 =	rddreg [dreg:$0x0];
	s1 =	sor.u32 s0, s1  }
0x5: {  	s4 =	simm.s32 $0x1;
	s7 =	simm.s32 $0x2;
	s2 =	sshll.u32 s1, $0x5  }
0x6: {  	s14 =	simm.s32 $0x0;
	s8 =	simm.s32 $0x1000;
	s1 =	ssub.s32 $0x1000, s2  }
0x7: {  	s9 =	simm.s32 $0x80000;
	s10 =	simm.s32 $0x0;
	s3 =	sand.u32 $0x3E0, s1  }
0x8: {  	s15 =	simm.s32 $0x0;
	s5 =	sshrl.u32 s1, $0xA;
	p0 =	sne.s32 s3, $0x0  }
.Ltmp0:
0x9: {  	s1 =	rddreg [dreg:$0x2];
	s4 =	simm.s32 @!p0 $0x0;
	(pc) =	sbr.rel .LBB1_1-.Ltmp0, $4  }
0xa: {  	s11 =	simm.s32 $0x0;
	s3 =	rddreg [dreg:$0x1];
	s5 =	sadd.s32 s4, s5  }
0xb: {  	_ =	strace $0x8000004A;
	s4 =	simm.s32 $0x1;
	s5 =	smul.u32 $0x19, s5  }
0xc: {  	s13 =	simm.s32 $0x0;
	s6 =	sadd.s32 $0x820A00, s6;
	[sflag:s4] =	ssyncpa.u1 $0x0  }
0xd: {  	s12 =	smov.u32 s2;
	[sflag:s7] =	ssyncpa.u1 $0x0;
	s7 =	sadd.s32 $0x1, s5  }
.LBB1_7:
0xe: {  	s16 =	sadd.s32 $0x4, s11  }
0xf: {  	s14 =	sadd.s32 $0x400, s12;
	s18 =	smov.u32 s12;
	p1 =	sgt.s32 s16, $0x63  }
0x10: {  	s18 =	smov.u32 @p1 s14  }
0x11: {  	s16 =	simm.s32 @p1 $0x0;
	p1 =	sgt.s32 s18, $0xFFF  }
0x12: {  	s18 =	smov.u32 @p1 s2;
	p1 =	sne.s32 s13, s7  }
.Ltmp1:
0x13: {  	p0 =	slt.u32 s13, $0x2;
	(pc) =	sbr.rel @!p1 .LBB1_8-.Ltmp1, $4  }
0x14: {  	s17 =	simm.s32 @!p0 $0x2  }
0x15: {  	s15 =	smov.u32 s12;
	s10 =	sadd.s32 $0x4000, s10;
	_ =	swait.ge @!p0 [sflag:s17], $0x4000  }
0x16: {  	s14 =	smov.u32 s11;
	[sflag:s17] =	ssyncset.done @!p0 $0x0;
	s11 =	smov.u32 s16  }
0x17: {  	s13 =	sadd.s32 $0x1, s13;
	[sflag:s17] =	ssyncadd.s32 @!p0 $0xFFFFC000;
	s12 =	smov.u32 s18  }
.LBB1_1:
0x18: {  	p0 =	sge.u32 s13, s5  }
0x19: {  	s16 =	sand.u32 @!p0 $0x1FFFFFF, s11  }
0x1a: {  	s17 =	smulhi.u32 @!p0 $0x2762763, s16;
	_ =	sdelay $0x1  }
0x1b: {  	s17 =	smul.u32 @!p0 $0x68, s17  }
0x1c: {  	s18 =	sxor.u32 @!p0 $0xFFFFFFFF, s13;
	s19 =	smul.u32 @!p0 $0x680, s12  }
0x1d: {  	s31 =	sadd.s32 $0xFFFFFFFF, s13;
	s18 =	sshll.u32 @!p0 s18, $0xE;
	s16 =	ssub.s32 @!p0 s16, s17  }
0x1e: {  	s17 =	sand.u32 @!p0 $0x4000, s18;
	s18 =	sadd.s32 @!p0 s6, s19;
	s16 =	sshll.u32 @!p0 s16, $0x4  }
0x1f: {  	s19 =	simm.s32 @!p0 $0x3400;
	s16 =	sadd.s32 @!p0 s16, s18;
	s18 =	simm.s32 @!p0 $0x200  }
0x20: {  	[tilespmem:s17], [sflag:$0x1] =	stream.strided.gather @!p0 [hbm4b:s16+s18], $0x4000, s19, s18, $0x38;
	[tilespmem:$0x10000] =	vst v63  }
0x21: {  	p0 =	sge.u32 s31, s5  }
.Ltmp2:
0x22: {  	_ = 	snop;
	(pc) =	sbr.rel @p0 .LBB1_7-.Ltmp2, $1  }
0x23: {  	_ =	sdelay $0x3  }
0x24: {  	s17 =	sand.u32 $0x4000, s10  }
0x25: {  	_ =	swait.ge [sflag:s4], $0x4000;
	s19 =	sshll.u32 s13, $0xE;
	s16 =	sor.u32 $0x8040, s17  }
0x26: {  	s18 =	sor.u32 $0x40, s17;
	[sflag:s4] =	ssyncset.done $0x0;
	s31 =	sand.u32 $0x4000, s19  }
0x27: {  	s19 =	simm.s32 $0x0;
	[sflag:s4] =	ssyncadd.s32 $0xFFFFC000;
	s17 =	sor.u32 $0x8000, s31  }
.LBB1_3:
0x28: {  	v0 =	vmov s18;
	_ =	sdelay $0x3  }
0x29: {  	s21 =	simm.s32 $0x0  }
0x2a: {  	v6 =	vld.idx.msk [tilespmem:v0+s21+$0x30 ss:$0x1], $0xffff  }
0x2b: {  	v7 =	vld.idx.msk [tilespmem:v0+s21+$0xFFFFFFC0 ss:$0x1], $0xffff  }
0x2c: {  	v5 =	vld.idx.msk [tilespmem:v0+s21+$0xFFFFFFD0 ss:$0x1], $0xffff  }
0x2d: {  	v4 =	vld.idx.msk [tilespmem:v0+s21+$0xFFFFFFE0 ss:$0x1], $0xffff  }
0x2e: {  	v3 =	vld.idx.msk [tilespmem:v0+s21+$0xFFFFFFF0 ss:$0x1], $0xffff  }
0x2f: {  	v1 =	vld.idx.msk [tilespmem:v0+s21+$0x0 ss:$0x1], $0xffff  }
0x30: {  	v2 =	vld.idx.msk [tilespmem:v0+s21+$0x10 ss:$0x1], $0xffff;
	[tilespmem:s16+$0x30] =	vst v6  }
0x31: {  	s20 =	simm.s32 $0x80;
	s22 =	simm.s32 $0x400;
	[tilespmem:s16+$0xFFFFFFC0] =	vst v7;
	v6 =	vld.idx.msk [tilespmem:v0+s21+$0x20 ss:$0x1], $0xffff;
	s21 =	smov.u32 s16  }
.LBB1_4:
0x32: {  	p0 =	sne.s32 s22, $0x600;
	v7 =	vld.idx.msk [tilespmem:v0+s20+$0x30 ss:$0x1], $0xffff;
	[tilespmem:s21+$0xFFFFFFD0] =	vst v5  }
0x33: {  	v8 =	vld.idx.msk [tilespmem:v0+s20+$0xFFFFFFC0 ss:$0x1], $0xffff;
	[tilespmem:s21+$0xFFFFFFE0] =	vst v4  }
0x34: {  	v5 =	vld.idx.msk [tilespmem:v0+s20+$0xFFFFFFD0 ss:$0x1], $0xffff;
	[tilespmem:s21+$0xFFFFFFF0] =	vst v3  }
.Ltmp3:
0x35: {  	v4 =	vld.idx.msk [tilespmem:v0+s20+$0xFFFFFFE0 ss:$0x1], $0xffff;
	[tilespmem:s21+$0x0] =	vst v1;
	(pc) =	sbr.rel @p0 .LBB1_4-.Ltmp3, $4  }
0x36: {  	v3 =	vld.idx.msk [tilespmem:v0+s20+$0xFFFFFFF0 ss:$0x1], $0xffff;
	[tilespmem:s21+$0x10] =	vst v2  }
0x37: {  	v1 =	vld.idx.msk [tilespmem:v0+s20+$0x0 ss:$0x1], $0xffff;
	[tilespmem:s21+$0x20] =	vst v6;
	s21 =	sadd.s32 $0x1000, s21  }
0x38: {  	v2 =	vld.idx.msk [tilespmem:v0+s20+$0x10 ss:$0x1], $0xffff;
	[tilespmem:s21+$0x30] =	vst v7  }
0x39: {  	[tilespmem:s21+$0xFFFFFFC0] =	vst v8;
	v6 =	vld.idx.msk [tilespmem:v0+s20+$0x20 ss:$0x1], $0xffff;
	s20 =	sshra.s32 s22, $0x2;
	s22 =	sadd.s32 $0x200, s22  }
0x3a: {  	_ =	sdelay $0x2  }
0x3b: {  	[tilespmem:s21+$0xFFFFFFD0] =	vst v5  }
0x3c: {  	v56 =	vld.idx.msk [tilespmem:v0+s20+$0x30 ss:$0x1], $0xffff;
	[tilespmem:s21+$0xFFFFFFE0] =	vst v4  }
0x3d: {  	v57 =	vld.idx.msk [tilespmem:v0+s20+$0xFFFFFFC0 ss:$0x1], $0xffff;
	[tilespmem:s21+$0xFFFFFFF0] =	vst v3  }
0x3e: {  	v58 =	vld.idx.msk [tilespmem:v0+s20+$0xFFFFFFD0 ss:$0x1], $0xffff;
	[tilespmem:s21+$0x0] =	vst v1  }
0x3f: {  	v59 =	vld.idx.msk [tilespmem:v0+s20+$0xFFFFFFE0 ss:$0x1], $0xffff;
	[tilespmem:s21+$0x10] =	vst v2  }
0x40: {  	v60 =	vld.idx.msk [tilespmem:v0+s20+$0xFFFFFFF0 ss:$0x1], $0xffff;
	s31 =	sadd.s32 $0x1000, s21;
	[tilespmem:s21+$0x20] =	vst v6  }
0x41: {  	v61 =	vld.idx.msk [tilespmem:v0+s20+$0x0 ss:$0x1], $0xffff;
	[tilespmem:s31+$0x30] =	vst v56  }
0x42: {  	v62 =	vld.idx.msk [tilespmem:v0+s20+$0x10 ss:$0x1], $0xffff;
	s19 =	sadd.s32 $0x1, s19;
	[tilespmem:s31+$0xFFFFFFC0] =	vst v57  }
0x43: {  	v63 =	vld.idx.msk [tilespmem:v0+s20+$0x20 ss:$0x1], $0xffff;
	p0 =	sne.s32 s19, $0x20;
	[tilespmem:s31+$0xFFFFFFD0] =	vst v58  }
.Ltmp4:
0x44: {  	[tilespmem:s31+$0xFFFFFFE0] =	vst v59;
	(pc) =	sbr.rel @p0 .LBB1_3-.Ltmp4, $4  }
0x45: {  	[tilespmem:s31+$0xFFFFFFF0] =	vst v60  }
0x46: {  	[tilespmem:s31+$0x0] =	vst v61  }
0x47: {  	[tilespmem:s31+$0x10] =	vst v62  }
0x48: {  	s16 =	sadd.s32 $0x80, s16;
	s18 =	sadd.s32 $0x200, s18;
	[tilespmem:s31+$0x20] =	vst v63  }
.Ltmp5:
0x49: {  	s15 =	sshll.u32 s15, $0x4;
	(pc) =	sbr.rel .LBB1_7-.Ltmp5, $4  }
0x4a: {  	s15 =	sand.u32 $0xFFF0, s15  }
0x4b: {  	s14 =	sshll.u32 s14, $0x10;
	s15 =	sadd.s32 s3, s15  }
0x4c: {  	s14 =	sadd.s32 s14, s15  }
0x4d: {  	[hbm4b:s14+s8] =	stream.strided.scatter [tilespmem:s17], [sflag:$0x2], $0x4000, s9, s8, $0x38;
	[tilespmem:$0x10000] =	vst v63  }
.LBB1_8:
0x4e: {  	_ =	sfence.sel $0x180000  }
0x4f: {  	s2 =	simm.s32 $0x1;
	[bflag:$0x0] =	sbarrier.arrive $0xFFFF  }
0x50: {  	s31 =	simm.s32 $0x2;
	[sflag:s2] =	ssyncpa.u1 $0x1  }
0x51: {  	[sflag:s31] =	ssyncpa.u1 $0x1  }
0x52: {  	p0 =	sne.s32 s0, $0x0;
	_ =	strace $0x9000004A  }
0x53: {  	s0 =	sadd.s32 @!p0 $0x100000, s1;
	[bflag:$0x2] =	sbarrier.arrive $0xFFFF  }
0x54: {  	[sflag:s0] =	ssyncadd.tile.s32 @!p0 $0x1;
	_ =	shalt  }
.Lfunc_end1:
_tile_overlayer_lowered:
.L_overlay_start_2:
0x55: {  	(tag) =	ssettag $0x2  }
0x56: {  	s0 =	rddreg [dreg:$0x0];
	s2 =	stileid.u32  }
0x57: {  	s1 =	rddreg [dreg:$0x1];
	p0 =	sne.s32 s2, $0x0  }
0x58: {  	s3 =	rddreg [dreg:$0x2];
	[bflag:$0x3] =	sbarrier.arrive $0xFFFF;
	s2 =	simm.s32 @!p0 $0x1C01  }
0x59: {  	[timem:s3], [sflag:s2] =	dma.local @!p0 [hbm:s0], s1  }
0x5a: {  	s0 =	simm.s32 @!p0 $0x1  }
0x5b: {  	_ =	swait.ge @!p0 [sflag:s0], s1  }
0x5c: {  	s1 =	ssub.s32 @!p0 $0x0, s1;
	[sflag:s0] =	ssyncset.done @!p0 $0x0  }
0x5d: {  	[sflag:s0] =	ssyncadd.s32 @!p0 s1  }
0x5e: {  	[bflag:$0x3] =	sbarrier.arrive $0xFFFF  }
0x5f: {  	_ =	shalt  }

</sc_bundles>
